<compile_context>
chip_gen: v7x
topology: tpu7x:2x2x1
jax: 0.10.2.dev20260603
libtpu: 0.0.44.dev20260713+nightly
codegen_flags: <defaults>
</compile_context>

<pallas_src>
import functools

import jax
import jax.numpy as jnp
from jax import lax
from jax.experimental import pallas as pl
from jax.experimental.pallas import tpu as pltpu
from jax.experimental.pallas import tpu_sc as plsc

N = 10000
E = 320000
F_IN, F_H, F_OUT = 128, 32, 40

NC, NS = 2, 16
NW = NC * NS
SUB = 128
CROWS = 8
EROWS = 2560
EP = EROWS * SUB
ROWS_PER_W = EROWS // NW
NCHUNK = ROWS_PER_W // CROWS
NPAD = 10016
RPT = NPAD // NS

_mesh = plsc.VectorSubcoreMesh(core_axis_name="c", subcore_axis_name="s",
                               num_cores=NC)


def _agg_body(g_hbm, e_hbm, zero_hbm, out_hbm,
              idx_v, rows_v, acc, gtab, gsem, isem, zsem, ssem0, ssem1):
    c = lax.axis_index("c")
    s = lax.axis_index("s")
    wid = s * NC + c
    zbase = s * RPT
    gbase = s * (N // NS)
    ssems = (ssem0, ssem1)
    zcp = pltpu.async_copy(zero_hbm.at[pl.ds(zbase, RPT)],
                           acc.at[pl.ds(zbase, RPT)], zsem)
    tcp = pltpu.async_copy(g_hbm.at[pl.ds(gbase, N // NS)],
                           gtab.at[pl.ds(gbase, N // NS)], zsem)

    def idx_load(t):
        return pltpu.async_copy(e_hbm.at[wid, t], idx_v.at[t % 3], isem)

    icps = {0: idx_load(0), 1: idx_load(1)}
    icps[0].wait()
    pf0 = pltpu.async_copy(g_hbm.at[idx_v.at[0, 0]], rows_v.at[0], gsem)
    icps[1].wait()
    pf1 = pltpu.async_copy(g_hbm.at[idx_v.at[1, 0]], rows_v.at[1], gsem)
    zcp.wait()
    tcp.wait()
    plsc.subcore_barrier()

    scats = {}
    for t in range(NCHUNK):
        rb = t % 2
        if t - 2 >= 0:
            scats.pop(t - 2).wait()
        if t == 0:
            gcp = pf0
        elif t == 1:
            gcp = pf1
        else:
            icps.pop(t).wait()
            gcp = pltpu.async_copy(gtab.at[idx_v.at[t % 3, 0]],
                                   rows_v.at[rb], gsem)
        if 2 <= t + 1 < NCHUNK:
            icps[t + 1] = idx_load(t + 1)
        gcp.wait()
        scats[t] = pltpu.async_copy(rows_v.at[rb],
                                    acc.at[idx_v.at[t % 3, 1]],
                                    ssems[rb], add=True)
    for t in sorted(scats):
        scats[t].wait()
    plsc.subcore_barrier()
    pltpu.sync_copy(acc.at[pl.ds(zbase, RPT)], out_hbm.at[c, pl.ds(zbase, RPT)])


_agg = functools.partial(
    pl.kernel,
    out_type=jax.ShapeDtypeStruct((NC, NPAD, F_H), jnp.float32),
    mesh=_mesh,
    compiler_params=pltpu.CompilerParams(use_tc_tiling_on_sc=False),
    scratch_types=[
        pltpu.VMEM((3, 2, CROWS * SUB), jnp.int32),
        pltpu.VMEM((2, CROWS * SUB, F_H), jnp.float32),
        pltpu.VMEM_SHARED((NPAD, F_H), jnp.float32),
        pltpu.VMEM_SHARED((N, F_H), jnp.float32),
        pltpu.SemaphoreType.DMA,
        pltpu.SemaphoreType.DMA,
        pltpu.SemaphoreType.DMA,
        pltpu.SemaphoreType.DMA,
        pltpu.SemaphoreType.DMA,
    ],
)(_agg_body)


def _deg_body(e_hbm, ones_hbm, zero_hbm, out_hbm,
              dst_v, ones_v, acc, isem, ssem0, ssem1):
    c = lax.axis_index("c")
    s = lax.axis_index("s")
    wid = s * NC + c
    zbase = s * RPT
    ssems = (ssem0, ssem1)
    zcp = pltpu.async_copy(zero_hbm.at[pl.ds(zbase, RPT)],
                           acc.at[pl.ds(zbase, RPT)], ssem0)
    pltpu.sync_copy(ones_hbm, ones_v)

    def idx_load(t):
        return pltpu.async_copy(e_hbm.at[wid, t, 1], dst_v.at[t % 3], isem)

    icp = idx_load(0)
    zcp.wait()
    plsc.subcore_barrier()

    scats = {}
    for t in range(NCHUNK):
        if t - 2 >= 0:
            scats.pop(t - 2).wait()
        icp.wait()
        if t + 1 < NCHUNK:
            icp2 = idx_load(t + 1)
        scats[t] = pltpu.async_copy(ones_v, acc.at[dst_v.at[t % 3]],
                                    ssems[t % 2], add=True)
        if t + 1 < NCHUNK:
            icp = icp2
    for t in sorted(scats):
        scats[t].wait()
    plsc.subcore_barrier()
    pltpu.sync_copy(acc.at[pl.ds(zbase, RPT)], out_hbm.at[c, pl.ds(zbase, RPT)])


_deg = functools.partial(
    pl.kernel,
    out_type=jax.ShapeDtypeStruct((NC, NPAD, 8), jnp.float32),
    mesh=_mesh,
    compiler_params=pltpu.CompilerParams(use_tc_tiling_on_sc=False),
    scratch_types=[
        pltpu.VMEM((3, CROWS * SUB), jnp.int32),
        pltpu.VMEM((CROWS * SUB, 8), jnp.float32),
        pltpu.VMEM_SHARED((NPAD, 8), jnp.float32),
        pltpu.SemaphoreType.DMA,
        pltpu.SemaphoreType.DMA,
        pltpu.SemaphoreType.DMA,
    ],
)(_deg_body)




def _tc1_body(x_ref, w1_ref, degp_ref, g1_ref, dinv_ref):
    h = jnp.dot(x_ref[...], w1_ref[...], preferred_element_type=jnp.float32)
    deg = jnp.sum(degp_ref[:, :, 0:1], axis=0) + 1.0
    dinv = lax.rsqrt(deg)
    g1_ref[...] = h * dinv
    dinv_ref[...] = dinv


def _tc2_body(p_ref, g1_ref, dinv_ref, b1_ref, g2_ref):
    ssum = jnp.sum(p_ref[...], axis=0) + g1_ref[...]
    h = jnp.maximum(dinv_ref[...] * ssum + b1_ref[...], 0.0)
    g2_ref[...] = h * dinv_ref[...]


def _tc3_body(p_ref, g2_ref, dinv_ref, w2_ref, b2_ref, o_ref):
    t = dinv_ref[...] * (jnp.sum(p_ref[...], axis=0) + g2_ref[...])
    logits = jnp.dot(t, w2_ref[...], preferred_element_type=jnp.float32)
    logits = logits + b2_ref[...]
    m = jnp.max(logits, axis=1, keepdims=True)
    ex = jnp.exp(logits - m)
    o_ref[...] = logits - m - jnp.log(jnp.sum(ex, axis=1, keepdims=True))


_tc1 = pl.pallas_call(
    _tc1_body,
    out_shape=[
        jax.ShapeDtypeStruct((N, F_H), jnp.float32),
        jax.ShapeDtypeStruct((N, 1), jnp.float32),
    ],
)

_tc2 = pl.pallas_call(
    _tc2_body,
    out_shape=jax.ShapeDtypeStruct((N, F_H), jnp.float32),
)

_tc3 = pl.pallas_call(
    _tc3_body,
    out_shape=jax.ShapeDtypeStruct((N, F_OUT), jnp.float32),
)


def kernel(x, edge_index, W1, b1, W2, b2):
    src = edge_index[0].astype(jnp.int32)
    dst = edge_index[1].astype(jnp.int32)
    pad = EP - E
    src_p = jnp.concatenate([src, jnp.zeros((pad,), jnp.int32)])
    dst_p = jnp.concatenate([dst, jnp.full((pad,), N, jnp.int32)])
    src_r = src_p.reshape(NW, NCHUNK, CROWS * SUB)
    dst_r = dst_p.reshape(NW, NCHUNK, CROWS * SUB)
    e_p = jnp.stack([src_r, dst_r], axis=2)
    z16 = jnp.zeros((NPAD, 8), jnp.float32)
    z32 = jnp.zeros((NPAD, F_H), jnp.float32)
    ones_rows = jnp.zeros((CROWS * SUB, 8), jnp.float32).at[:, 0].set(1.0)

    degp = _deg(e_p, ones_rows, z16)
    g1, dinv = _tc1(x, W1, degp[:, :N, :])
    a1 = _agg(g1, e_p, z32)
    g2 = _tc2(a1[:, :N, :], g1, dinv, b1.reshape(1, F_H))
    a2 = _agg(g2, e_p, z32)
    return _tc3(a2[:, :N, :], g2, dinv, W2, b2.reshape(1, F_OUT))

# --- scband reference (transcript-rebuilt; emitter-appended) ---
"""Pipeline reference for scband-gcn-13615046328734 (READ-ONLY COPY).

The authoritative reference and input builder live on the scoring server;
editing this copy changes nothing except your own understanding.
"""

import jax, jax.numpy as jnp
import numpy as np

N_NODES = 10000


def gcn_conv(x, edge_index, W, b):
    # x' = D^{-1/2} (A + I) D^{-1/2} (x W) + b   (GCNConv default: add self-loops, symmetric norm)
    n = x.shape[0]
    h = x @ W
    src = edge_index[0]
    dst = edge_index[1]
    loop = jnp.arange(n, dtype=src.dtype)
    src = jnp.concatenate([src, loop])
    dst = jnp.concatenate([dst, loop])
    deg = jnp.zeros((n,), dtype=h.dtype).at[dst].add(1.0)
    dinv = jnp.where(deg > 0, jax.lax.rsqrt(deg), 0.0)
    norm = dinv[src] * dinv[dst]
    msg = h[src] * norm[:, None]
    out = jax.ops.segment_sum(msg, dst, num_segments=n)
    return out + b


def setup_inputs(seed: int = 0) -> dict:
    key = jax.random.key(seed)
    k1, k2, k3, k4, k5, k6 = jax.random.split(key, 6)
    x = jax.random.normal(k1, (N_NODES, 128), dtype=jnp.float32)
    edge_index = jax.random.randint(k2, (2, 320000), 0, N_NODES)
    W1 = jax.random.normal(k3, (128, 32), dtype=jnp.float32) * (1.0 / np.sqrt(128))
    b1 = jnp.zeros((32,), dtype=jnp.float32)
    W2 = jax.random.normal(k4, (32, 40), dtype=jnp.float32) * (1.0 / np.sqrt(32))
    b2 = jnp.zeros((40,), dtype=jnp.float32)
    return {"x": x, "edge_index": edge_index, "W1": W1, "b1": b1, "W2": W2, "b2": b2}


def reference(x, edge_index, W1, b1, W2, b2):
    h = jax.nn.relu(gcn_conv(x, edge_index, W1, b1))
    # F.dropout(training=self.training): identity in eval mode
    out = gcn_conv(h, edge_index, W2, b2)
    return jax.nn.log_softmax(out, axis=1)

if __name__ == "__main__":
    import jax
    _d = setup_inputs()
    print(jax.jit(kernel)(*tuple(_d.values())))

</pallas_src>

<mosaic_0001>
#map = affine_map<(d0, d1) -> (0, 0, 0, 0)>
#map1 = affine_map<(d0, d1) -> (0, 0)>
#map2 = affine_map<(d0, d1) -> (0, 0, 0)>
module attributes {stable_mosaic.version = 14 : i64} {
  func.func @_deg_body(%arg0: i32, %arg1: i32, %arg2: memref<32x10x2x1024xi32, #tpu.memory_space<hbm>>, %arg3: memref<1024x8xf32, #tpu.memory_space<hbm>>, %arg4: memref<10016x8xf32, #tpu.memory_space<hbm>>, %arg5: memref<2x10016x8xf32, #tpu.memory_space<hbm>>, %arg6: memref<3x1024xi32, #tpu.memory_space<vmem>>, %arg7: memref<1024x8xf32, #tpu.memory_space<vmem>>, %arg8: memref<10016x8xf32, #tpu.memory_space<vmem_shared>>, %arg9: memref<!tpu.dma_semaphore, #tpu.memory_space<semaphore_mem>>, %arg10: memref<!tpu.dma_semaphore, #tpu.memory_space<semaphore_mem>>, %arg11: memref<!tpu.dma_semaphore, #tpu.memory_space<semaphore_mem>>) attributes {dimension_semantics = [#tpu.dimension_semantics<core_parallel>, #tpu.dimension_semantics<subcore_parallel>], iteration_bounds = array<i64: 2, 16>, scalar_prefetch = 0 : i64, scratch_operands = 6 : i64, tpu.core_type = #tpu.core_type<sc_vector_subcore>, window_params = [{transform_indices = #map}, {transform_indices = #map1}, {transform_indices = #map1}, {transform_indices = #map2}]} {
    %mul3A = arith.constant 2 : i32
    %mul3A_0 = arith.muli %arg1, %mul3A : i32
    %add3A = arith.addi %mul3A_0, %arg0 : i32
    %mul3A_1 = arith.constant 626 : i32
    %mul3A_2 = arith.muli %arg1, %mul3A_1 : i32
    %dma_start3A = arith.constant 0 : i32
    %dma_start3A_3 = tpu.memref_slice %arg8[%mul3A_2, %dma_start3A] : memref<10016x8xf32, #tpu.memory_space<vmem_shared>> -> memref<626x8xf32, #tpu.memory_space<vmem_shared>>
    %dma_start3A_4 = arith.constant 0 : i32
    %dma_start3A_5 = tpu.memref_slice %arg4[%mul3A_2, %dma_start3A_4] : memref<10016x8xf32, #tpu.memory_space<hbm>> -> memref<626x8xf32, #tpu.memory_space<hbm>>
    tpu.enqueue_dma source(%dma_start3A_5 : memref<626x8xf32, #tpu.memory_space<hbm>>) target(%dma_start3A_3 : memref<626x8xf32, #tpu.memory_space<vmem_shared>>) target_semaphore(%arg10 : memref<!tpu.dma_semaphore, #tpu.memory_space<semaphore_mem>>)
    "tpu.region"() ({
      %run_scoped3A = tpu.sem_alloc : memref<!tpu.dma_semaphore, #tpu.memory_space<semaphore_mem>>
      tpu.enqueue_dma source(%arg3 : memref<1024x8xf32, #tpu.memory_space<hbm>>) target(%arg7 : memref<1024x8xf32, #tpu.memory_space<vmem>>) target_semaphore(%run_scoped3A : memref<!tpu.dma_semaphore, #tpu.memory_space<semaphore_mem>>)
      tpu.wait_dma2 semaphore(%run_scoped3A : memref<!tpu.dma_semaphore, #tpu.memory_space<semaphore_mem>>) src(%arg3 : memref<1024x8xf32, #tpu.memory_space<hbm>>) dst(%arg7 : memref<1024x8xf32, #tpu.memory_space<vmem>>)
      tpu.yield
    }) : () -> ()
    %dma_start3A_6 = arith.constant 0 : i32
    %dma_start3A_7 = arith.constant 1 : i32
    %dma_start3A_8 = arith.constant 0 : i32
    %dma_start3A_9 = arith.constant 0 : i32
    %dma_start3A_10 = tpu.memref_slice %arg6[%dma_start3A_8, %dma_start3A_9] : memref<3x1024xi32, #tpu.memory_space<vmem>> -> memref<1x1024xi32, #tpu.memory_space<vmem>>
    %dma_start3A_11 = tpu.memref_squeeze %dma_start3A_10 : memref<1x1024xi32, #tpu.memory_space<vmem>> -> memref<1024xi32, #tpu.memory_space<vmem>>
    %dma_start3A_12 = arith.constant 0 : i32
    %dma_start3A_13 = tpu.memref_slice %arg2[%add3A, %dma_start3A_6, %dma_start3A_7, %dma_start3A_12] : memref<32x10x2x1024xi32, #tpu.memory_space<hbm>> -> memref<1x1x1x1024xi32, #tpu.memory_space<hbm>>
    %dma_start3A_14 = tpu.memref_squeeze %dma_start3A_13 : memref<1x1x1x1024xi32, #tpu.memory_space<hbm>> -> memref<1024xi32, #tpu.memory_space<hbm>>
    %dma_start3A_15 = arith.constant 0 : i32
    %dma_start3A_16 = tpu.memref_slice %arg6[%dma_start3A_8, %dma_start3A_15] : memref<3x1024xi32, #tpu.memory_space<vmem>> -> memref<1x1024xi32, #tpu.memory_space<vmem>>
    %dma_start3A_17 = tpu.memref_squeeze %dma_start3A_16 : memref<1x1024xi32, #tpu.memory_space<vmem>> -> memref<1024xi32, #tpu.memory_space<vmem>>
    %dma_start3A_18 = arith.constant 0 : i32
    %dma_start3A_19 = tpu.memref_slice %arg2[%add3A, %dma_start3A_6, %dma_start3A_7, %dma_start3A_18] : memref<32x10x2x1024xi32, #tpu.memory_space<hbm>> -> memref<1x1x1x1024xi32, #tpu.memory_space<hbm>>
    %dma_start3A_20 = tpu.memref_squeeze %dma_start3A_19 : memref<1x1x1x1024xi32, #tpu.memory_space<hbm>> -> memref<1024xi32, #tpu.memory_space<hbm>>
    tpu.enqueue_dma source(%dma_start3A_20 : memref<1024xi32, #tpu.memory_space<hbm>>) target(%dma_start3A_17 : memref<1024xi32, #tpu.memory_space<vmem>>) target_semaphore(%arg9 : memref<!tpu.dma_semaphore, #tpu.memory_space<semaphore_mem>>)
    %dma_wait3A = arith.constant 0 : i32
    %dma_wait3A_21 = tpu.memref_slice %arg8[%mul3A_2, %dma_wait3A] : memref<10016x8xf32, #tpu.memory_space<vmem_shared>> -> memref<626x8xf32, #tpu.memory_space<vmem_shared>>
    %dma_wait3A_22 = arith.constant 0 : i32
    %dma_wait3A_23 = tpu.memref_slice %arg4[%mul3A_2, %dma_wait3A_22] : memref<10016x8xf32, #tpu.memory_space<hbm>> -> memref<626x8xf32, #tpu.memory_space<hbm>>
    tpu.wait_dma2 semaphore(%arg10 : memref<!tpu.dma_semaphore, #tpu.memory_space<semaphore_mem>>) src(%dma_wait3A_23 : memref<626x8xf32, #tpu.memory_space<hbm>>) dst(%dma_wait3A_21 : memref<626x8xf32, #tpu.memory_space<vmem_shared>>)
    %barrier3A = arith.constant 0 : index
    tpu.barrier barrier_id(%barrier3A)
    %dma_wait3A_24 = arith.constant 0 : i32
    %dma_wait3A_25 = arith.constant 1 : i32
    %dma_wait3A_26 = arith.constant 0 : i32
    %dma_wait3A_27 = arith.constant 0 : i32
    %dma_wait3A_28 = tpu.memref_slice %arg6[%dma_wait3A_26, %dma_wait3A_27] : memref<3x1024xi32, #tpu.memory_space<vmem>> -> memref<1x1024xi32, #tpu.memory_space<vmem>>
    %dma_wait3A_29 = tpu.memref_squeeze %dma_wait3A_28 : memref<1x1024xi32, #tpu.memory_space<vmem>> -> memref<1024xi32, #tpu.memory_space<vmem>>
    %dma_wait3A_30 = arith.constant 0 : i32
    %dma_wait3A_31 = tpu.memref_slice %arg2[%add3A, %dma_wait3A_24, %dma_wait3A_25, %dma_wait3A_30] : memref<32x10x2x1024xi32, #tpu.memory_space<hbm>> -> memref<1x1x1x1024xi32, #tpu.memory_space<hbm>>
    %dma_wait3A_32 = tpu.memref_squeeze %dma_wait3A_31 : memref<1x1x1x1024xi32, #tpu.memory_space<hbm>> -> memref<1024xi32, #tpu.memory_space<hbm>>
    %dma_wait3A_33 = arith.constant 0 : i32
    %dma_wait3A_34 = tpu.memref_slice %arg6[%dma_wait3A_26, %dma_wait3A_33] : memref<3x1024xi32, #tpu.memory_space<vmem>> -> memref<1x1024xi32, #tpu.memory_space<vmem>>
    %dma_wait3A_35 = tpu.memref_squeeze %dma_wait3A_34 : memref<1x1024xi32, #tpu.memory_space<vmem>> -> memref<1024xi32, #tpu.memory_space<vmem>>
    %dma_wait3A_36 = arith.constant 0 : i32
    %dma_wait3A_37 = tpu.memref_slice %arg2[%add3A, %dma_wait3A_24, %dma_wait3A_25, %dma_wait3A_36] : memref<32x10x2x1024xi32, #tpu.memory_space<hbm>> -> memref<1x1x1x1024xi32, #tpu.memory_space<hbm>>
    %dma_wait3A_38 = tpu.memref_squeeze %dma_wait3A_37 : memref<1x1x1x1024xi32, #tpu.memory_space<hbm>> -> memref<1024xi32, #tpu.memory_space<hbm>>
    tpu.wait_dma2 semaphore(%arg9 : memref<!tpu.dma_semaphore, #tpu.memory_space<semaphore_mem>>) src(%dma_wait3A_38 : memref<1024xi32, #tpu.memory_space<hbm>>) dst(%dma_wait3A_35 : memref<1024xi32, #tpu.memory_space<vmem>>)
    %dma_start3A_39 = arith.constant 1 : i32
    %dma_start3A_40 = arith.constant 1 : i32
    %dma_start3A_41 = arith.constant 1 : i32
    %dma_start3A_42 = arith.constant 0 : i32
    %dma_start3A_43 = tpu.memref_slice %arg6[%dma_start3A_41, %dma_start3A_42] : memref<3x1024xi32, #tpu.memory_space<vmem>> -> memref<1x1024xi32, #tpu.memory_space<vmem>>
    %dma_start3A_44 = tpu.memref_squeeze %dma_start3A_43 : memref<1x1024xi32, #tpu.memory_space<vmem>> -> memref<1024xi32, #tpu.memory_space<vmem>>
    %dma_start3A_45 = arith.constant 0 : i32
    %dma_start3A_46 = tpu.memref_slice %arg2[%add3A, %dma_start3A_39, %dma_start3A_40, %dma_start3A_45] : memref<32x10x2x1024xi32, #tpu.memory_space<hbm>> -> memref<1x1x1x1024xi32, #tpu.memory_space<hbm>>
    %dma_start3A_47 = tpu.memref_squeeze %dma_start3A_46 : memref<1x1x1x1024xi32, #tpu.memory_space<hbm>> -> memref<1024xi32, #tpu.memory_space<hbm>>
    %dma_start3A_48 = arith.constant 0 : i32
    %dma_start3A_49 = tpu.memref_slice %arg6[%dma_start3A_41, %dma_start3A_48] : memref<3x1024xi32, #tpu.memory_space<vmem>> -> memref<1x1024xi32, #tpu.memory_space<vmem>>
    %dma_start3A_50 = tpu.memref_squeeze %dma_start3A_49 : memref<1x1024xi32, #tpu.memory_space<vmem>> -> memref<1024xi32, #tpu.memory_space<vmem>>
    %dma_start3A_51 = arith.constant 0 : i32
    %dma_start3A_52 = tpu.memref_slice %arg2[%add3A, %dma_start3A_39, %dma_start3A_40, %dma_start3A_51] : memref<32x10x2x1024xi32, #tpu.memory_space<hbm>> -> memref<1x1x1x1024xi32, #tpu.memory_space<hbm>>
    %dma_start3A_53 = tpu.memref_squeeze %dma_start3A_52 : memref<1x1x1x1024xi32, #tpu.memory_space<hbm>> -> memref<1024xi32, #tpu.memory_space<hbm>>
    tpu.enqueue_dma source(%dma_start3A_53 : memref<1024xi32, #tpu.memory_space<hbm>>) target(%dma_start3A_50 : memref<1024xi32, #tpu.memory_space<vmem>>) target_semaphore(%arg9 : memref<!tpu.dma_semaphore, #tpu.memory_space<semaphore_mem>>)
    %dma_start3A_54 = arith.constant 0 : i32
    %dma_start3A_55 = arith.constant 0 : i32
    %dma_start3A_56 = tpu.memref_slice %arg6[%dma_start3A_54, %dma_start3A_55] : memref<3x1024xi32, #tpu.memory_space<vmem>> -> memref<1x1024xi32, #tpu.memory_space<vmem>>
    %dma_start3A_57 = tpu.memref_squeeze %dma_start3A_56 : memref<1x1024xi32, #tpu.memory_space<vmem>> -> memref<1024xi32, #tpu.memory_space<vmem>>
    %dma_start3A_58 = arith.constant 0 : i32
    %dma_start3A_59 = arith.constant 0 : i32
    %dma_start3A_60 = tpu.memref_slice %arg8[%dma_start3A_58, %dma_start3A_59] : memref<10016x8xf32, #tpu.memory_space<vmem_shared>> -> memref<10016x8xf32, #tpu.memory_space<vmem_shared>>
    tpu.enqueue_indirect_dma source(%arg7 : memref<1024x8xf32, #tpu.memory_space<vmem>>) target(%dma_start3A_60 : memref<10016x8xf32, #tpu.memory_space<vmem_shared>>) offsets(%dma_start3A_57 : memref<1024xi32, #tpu.memory_space<vmem>>) semaphore(%arg10 : memref<!tpu.dma_semaphore, #tpu.memory_space<semaphore_mem>>) {add = true}
    %dma_wait3A_61 = arith.constant 1 : i32
    %dma_wait3A_62 = arith.constant 1 : i32
    %dma_wait3A_63 = arith.constant 1 : i32
    %dma_wait3A_64 = arith.constant 0 : i32
    %dma_wait3A_65 = tpu.memref_slice %arg6[%dma_wait3A_63, %dma_wait3A_64] : memref<3x1024xi32, #tpu.memory_space<vmem>> -> memref<1x1024xi32, #tpu.memory_space<vmem>>
    %dma_wait3A_66 = tpu.memref_squeeze %dma_wait3A_65 : memref<1x1024xi32, #tpu.memory_space<vmem>> -> memref<1024xi32, #tpu.memory_space<vmem>>
    %dma_wait3A_67 = arith.constant 0 : i32
    %dma_wait3A_68 = tpu.memref_slice %arg2[%add3A, %dma_wait3A_61, %dma_wait3A_62, %dma_wait3A_67] : memref<32x10x2x1024xi32, #tpu.memory_space<hbm>> -> memref<1x1x1x1024xi32, #tpu.memory_space<hbm>>
    %dma_wait3A_69 = tpu.memref_squeeze %dma_wait3A_68 : memref<1x1x1x1024xi32, #tpu.memory_space<hbm>> -> memref<1024xi32, #tpu.memory_space<hbm>>
    %dma_wait3A_70 = arith.constant 0 : i32
    %dma_wait3A_71 = tpu.memref_slice %arg6[%dma_wait3A_63, %dma_wait3A_70] : memref<3x1024xi32, #tpu.memory_space<vmem>> -> memref<1x1024xi32, #tpu.memory_space<vmem>>
    %dma_wait3A_72 = tpu.memref_squeeze %dma_wait3A_71 : memref<1x1024xi32, #tpu.memory_space<vmem>> -> memref<1024xi32, #tpu.memory_space<vmem>>
    %dma_wait3A_73 = arith.constant 0 : i32
    %dma_wait3A_74 = tpu.memref_slice %arg2[%add3A, %dma_wait3A_61, %dma_wait3A_62, %dma_wait3A_73] : memref<32x10x2x1024xi32, #tpu.memory_space<hbm>> -> memref<1x1x1x1024xi32, #tpu.memory_space<hbm>>
    %dma_wait3A_75 = tpu.memref_squeeze %dma_wait3A_74 : memref<1x1x1x1024xi32, #tpu.memory_space<hbm>> -> memref<1024xi32, #tpu.memory_space<hbm>>
    tpu.wait_dma2 semaphore(%arg9 : memref<!tpu.dma_semaphore, #tpu.memory_space<semaphore_mem>>) src(%dma_wait3A_75 : memref<1024xi32, #tpu.memory_space<hbm>>) dst(%dma_wait3A_72 : memref<1024xi32, #tpu.memory_space<vmem>>)
    %dma_start3A_76 = arith.constant 2 : i32
    %dma_start3A_77 = arith.constant 1 : i32
    %dma_start3A_78 = arith.constant 2 : i32
    %dma_start3A_79 = arith.constant 0 : i32
    %dma_start3A_80 = tpu.memref_slice %arg6[%dma_start3A_78, %dma_start3A_79] : memref<3x1024xi32, #tpu.memory_space<vmem>> -> memref<1x1024xi32, #tpu.memory_space<vmem>>
    %dma_start3A_81 = tpu.memref_squeeze %dma_start3A_80 : memref<1x1024xi32, #tpu.memory_space<vmem>> -> memref<1024xi32, #tpu.memory_space<vmem>>
    %dma_start3A_82 = arith.constant 0 : i32
    %dma_start3A_83 = tpu.memref_slice %arg2[%add3A, %dma_start3A_76, %dma_start3A_77, %dma_start3A_82] : memref<32x10x2x1024xi32, #tpu.memory_space<hbm>> -> memref<1x1x1x1024xi32, #tpu.memory_space<hbm>>
    %dma_start3A_84 = tpu.memref_squeeze %dma_start3A_83 : memref<1x1x1x1024xi32, #tpu.memory_space<hbm>> -> memref<1024xi32, #tpu.memory_space<hbm>>
    %dma_start3A_85 = arith.constant 0 : i32
    %dma_start3A_86 = tpu.memref_slice %arg6[%dma_start3A_78, %dma_start3A_85] : memref<3x1024xi32, #tpu.memory_space<vmem>> -> memref<1x1024xi32, #tpu.memory_space<vmem>>
    %dma_start3A_87 = tpu.memref_squeeze %dma_start3A_86 : memref<1x1024xi32, #tpu.memory_space<vmem>> -> memref<1024xi32, #tpu.memory_space<vmem>>
    %dma_start3A_88 = arith.constant 0 : i32
    %dma_start3A_89 = tpu.memref_slice %arg2[%add3A, %dma_start3A_76, %dma_start3A_77, %dma_start3A_88] : memref<32x10x2x1024xi32, #tpu.memory_space<hbm>> -> memref<1x1x1x1024xi32, #tpu.memory_space<hbm>>
    %dma_start3A_90 = tpu.memref_squeeze %dma_start3A_89 : memref<1x1x1x1024xi32, #tpu.memory_space<hbm>> -> memref<1024xi32, #tpu.memory_space<hbm>>
    tpu.enqueue_dma source(%dma_start3A_90 : memref<1024xi32, #tpu.memory_space<hbm>>) target(%dma_start3A_87 : memref<1024xi32, #tpu.memory_space<vmem>>) target_semaphore(%arg9 : memref<!tpu.dma_semaphore, #tpu.memory_space<semaphore_mem>>)
    %dma_start3A_91 = arith.constant 1 : i32
    %dma_start3A_92 = arith.constant 0 : i32
    %dma_start3A_93 = tpu.memref_slice %arg6[%dma_start3A_91, %dma_start3A_92] : memref<3x1024xi32, #tpu.memory_space<vmem>> -> memref<1x1024xi32, #tpu.memory_space<vmem>>
    %dma_start3A_94 = tpu.memref_squeeze %dma_start3A_93 : memref<1x1024xi32, #tpu.memory_space<vmem>> -> memref<1024xi32, #tpu.memory_space<vmem>>
    %dma_start3A_95 = arith.constant 0 : i32
    %dma_start3A_96 = arith.constant 0 : i32
    %dma_start3A_97 = tpu.memref_slice %arg8[%dma_start3A_95, %dma_start3A_96] : memref<10016x8xf32, #tpu.memory_space<vmem_shared>> -> memref<10016x8xf32, #tpu.memory_space<vmem_shared>>
    tpu.enqueue_indirect_dma source(%arg7 : memref<1024x8xf32, #tpu.memory_space<vmem>>) target(%dma_start3A_97 : memref<10016x8xf32, #tpu.memory_space<vmem_shared>>) offsets(%dma_start3A_94 : memref<1024xi32, #tpu.memory_space<vmem>>) semaphore(%arg11 : memref<!tpu.dma_semaphore, #tpu.memory_space<semaphore_mem>>) {add = true}
    %dma_wait3A_98 = arith.constant 0 : i32
    %dma_wait3A_99 = arith.constant 0 : i32
    %dma_wait3A_100 = tpu.memref_slice %arg6[%dma_wait3A_98, %dma_wait3A_99] : memref<3x1024xi32, #tpu.memory_space<vmem>> -> memref<1x1024xi32, #tpu.memory_space<vmem>>
    %dma_wait3A_101 = tpu.memref_squeeze %dma_wait3A_100 : memref<1x1024xi32, #tpu.memory_space<vmem>> -> memref<1024xi32, #tpu.memory_space<vmem>>
    %dma_wait3A_102 = arith.constant 0 : i32
    %dma_wait3A_103 = arith.constant 0 : i32
    %dma_wait3A_104 = tpu.memref_slice %arg8[%dma_wait3A_102, %dma_wait3A_103] : memref<10016x8xf32, #tpu.memory_space<vmem_shared>> -> memref<10016x8xf32, #tpu.memory_space<vmem_shared>>
    tpu.wait_indirect_dma semaphore(%arg10 : memref<!tpu.dma_semaphore, #tpu.memory_space<semaphore_mem>>) src(%arg7 : memref<1024x8xf32, #tpu.memory_space<vmem>>) dst(%dma_wait3A_104 : memref<10016x8xf32, #tpu.memory_space<vmem_shared>>)
    %dma_wait3A_105 = arith.constant 2 : i32
    %dma_wait3A_106 = arith.constant 1 : i32
    %dma_wait3A_107 = arith.constant 2 : i32
    %dma_wait3A_108 = arith.constant 0 : i32
    %dma_wait3A_109 = tpu.memref_slice %arg6[%dma_wait3A_107, %dma_wait3A_108] : memref<3x1024xi32, #tpu.memory_space<vmem>> -> memref<1x1024xi32, #tpu.memory_space<vmem>>
    %dma_wait3A_110 = tpu.memref_squeeze %dma_wait3A_109 : memref<1x1024xi32, #tpu.memory_space<vmem>> -> memref<1024xi32, #tpu.memory_space<vmem>>
    %dma_wait3A_111 = arith.constant 0 : i32
    %dma_wait3A_112 = tpu.memref_slice %arg2[%add3A, %dma_wait3A_105, %dma_wait3A_106, %dma_wait3A_111] : memref<32x10x2x1024xi32, #tpu.memory_space<hbm>> -> memref<1x1x1x1024xi32, #tpu.memory_space<hbm>>
    %dma_wait3A_113 = tpu.memref_squeeze %dma_wait3A_112 : memref<1x1x1x1024xi32, #tpu.memory_space<hbm>> -> memref<1024xi32, #tpu.memory_space<hbm>>
    %dma_wait3A_114 = arith.constant 0 : i32
    %dma_wait3A_115 = tpu.memref_slice %arg6[%dma_wait3A_107, %dma_wait3A_114] : memref<3x1024xi32, #tpu.memory_space<vmem>> -> memref<1x1024xi32, #tpu.memory_space<vmem>>
    %dma_wait3A_116 = tpu.memref_squeeze %dma_wait3A_115 : memref<1x1024xi32, #tpu.memory_space<vmem>> -> memref<1024xi32, #tpu.memory_space<vmem>>
    %dma_wait3A_117 = arith.constant 0 : i32
    %dma_wait3A_118 = tpu.memref_slice %arg2[%add3A, %dma_wait3A_105, %dma_wait3A_106, %dma_wait3A_117] : memref<32x10x2x1024xi32, #tpu.memory_space<hbm>> -> memref<1x1x1x1024xi32, #tpu.memory_space<hbm>>
    %dma_wait3A_119 = tpu.memref_squeeze %dma_wait3A_118 : memref<1x1x1x1024xi32, #tpu.memory_space<hbm>> -> memref<1024xi32, #tpu.memory_space<hbm>>
    tpu.wait_dma2 semaphore(%arg9 : memref<!tpu.dma_semaphore, #tpu.memory_space<semaphore_mem>>) src(%dma_wait3A_119 : memref<1024xi32, #tpu.memory_space<hbm>>) dst(%dma_wait3A_116 : memref<1024xi32, #tpu.memory_space<vmem>>)
    %dma_start3A_120 = arith.constant 3 : i32
    %dma_start3A_121 = arith.constant 1 : i32
    %dma_start3A_122 = arith.constant 0 : i32
    %dma_start3A_123 = arith.constant 0 : i32
    %dma_start3A_124 = tpu.memref_slice %arg6[%dma_start3A_122, %dma_start3A_123] : memref<3x1024xi32, #tpu.memory_space<vmem>> -> memref<1x1024xi32, #tpu.memory_space<vmem>>
    %dma_start3A_125 = tpu.memref_squeeze %dma_start3A_124 : memref<1x1024xi32, #tpu.memory_space<vmem>> -> memref<1024xi32, #tpu.memory_space<vmem>>
    %dma_start3A_126 = arith.constant 0 : i32
    %dma_start3A_127 = tpu.memref_slice %arg2[%add3A, %dma_start3A_120, %dma_start3A_121, %dma_start3A_126] : memref<32x10x2x1024xi32, #tpu.memory_space<hbm>> -> memref<1x1x1x1024xi32, #tpu.memory_space<hbm>>
    %dma_start3A_128 = tpu.memref_squeeze %dma_start3A_127 : memref<1x1x1x1024xi32, #tpu.memory_space<hbm>> -> memref<1024xi32, #tpu.memory_space<hbm>>
    %dma_start3A_129 = arith.constant 0 : i32
    %dma_start3A_130 = tpu.memref_slice %arg6[%dma_start3A_122, %dma_start3A_129] : memref<3x1024xi32, #tpu.memory_space<vmem>> -> memref<1x1024xi32, #tpu.memory_space<vmem>>
    %dma_start3A_131 = tpu.memref_squeeze %dma_start3A_130 : memref<1x1024xi32, #tpu.memory_space<vmem>> -> memref<1024xi32, #tpu.memory_space<vmem>>
    %dma_start3A_132 = arith.constant 0 : i32
    %dma_start3A_133 = tpu.memref_slice %arg2[%add3A, %dma_start3A_120, %dma_start3A_121, %dma_start3A_132] : memref<32x10x2x1024xi32, #tpu.memory_space<hbm>> -> memref<1x1x1x1024xi32, #tpu.memory_space<hbm>>
    %dma_start3A_134 = tpu.memref_squeeze %dma_start3A_133 : memref<1x1x1x1024xi32, #tpu.memory_space<hbm>> -> memref<1024xi32, #tpu.memory_space<hbm>>
    tpu.enqueue_dma source(%dma_start3A_134 : memref<1024xi32, #tpu.memory_space<hbm>>) target(%dma_start3A_131 : memref<1024xi32, #tpu.memory_space<vmem>>) target_semaphore(%arg9 : memref<!tpu.dma_semaphore, #tpu.memory_space<semaphore_mem>>)
    %dma_start3A_135 = arith.constant 2 : i32
    %dma_start3A_136 = arith.constant 0 : i32
    %dma_start3A_137 = tpu.memref_slice %arg6[%dma_start3A_135, %dma_start3A_136] : memref<3x1024xi32, #tpu.memory_space<vmem>> -> memref<1x1024xi32, #tpu.memory_space<vmem>>
    %dma_start3A_138 = tpu.memref_squeeze %dma_start3A_137 : memref<1x1024xi32, #tpu.memory_space<vmem>> -> memref<1024xi32, #tpu.memory_space<vmem>>
    %dma_start3A_139 = arith.constant 0 : i32
    %dma_start3A_140 = arith.constant 0 : i32
    %dma_start3A_141 = tpu.memref_slice %arg8[%dma_start3A_139, %dma_start3A_140] : memref<10016x8xf32, #tpu.memory_space<vmem_shared>> -> memref<10016x8xf32, #tpu.memory_space<vmem_shared>>
    tpu.enqueue_indirect_dma source(%arg7 : memref<1024x8xf32, #tpu.memory_space<vmem>>) target(%dma_start3A_141 : memref<10016x8xf32, #tpu.memory_space<vmem_shared>>) offsets(%dma_start3A_138 : memref<1024xi32, #tpu.memory_space<vmem>>) semaphore(%arg10 : memref<!tpu.dma_semaphore, #tpu.memory_space<semaphore_mem>>) {add = true}
    %dma_wait3A_142 = arith.constant 1 : i32
    %dma_wait3A_143 = arith.constant 0 : i32
    %dma_wait3A_144 = tpu.memref_slice %arg6[%dma_wait3A_142, %dma_wait3A_143] : memref<3x1024xi32, #tpu.memory_space<vmem>> -> memref<1x1024xi32, #tpu.memory_space<vmem>>
    %dma_wait3A_145 = tpu.memref_squeeze %dma_wait3A_144 : memref<1x1024xi32, #tpu.memory_space<vmem>> -> memref<1024xi32, #tpu.memory_space<vmem>>
    %dma_wait3A_146 = arith.constant 0 : i32
    %dma_wait3A_147 = arith.constant 0 : i32
    %dma_wait3A_148 = tpu.memref_slice %arg8[%dma_wait3A_146, %dma_wait3A_147] : memref<10016x8xf32, #tpu.memory_space<vmem_shared>> -> memref<10016x8xf32, #tpu.memory_space<vmem_shared>>
    tpu.wait_indirect_dma semaphore(%arg11 : memref<!tpu.dma_semaphore, #tpu.memory_space<semaphore_mem>>) src(%arg7 : memref<1024x8xf32, #tpu.memory_space<vmem>>) dst(%dma_wait3A_148 : memref<10016x8xf32, #tpu.memory_space<vmem_shared>>)
    %dma_wait3A_149 = arith.constant 3 : i32
    %dma_wait3A_150 = arith.constant 1 : i32
    %dma_wait3A_151 = arith.constant 0 : i32
    %dma_wait3A_152 = arith.constant 0 : i32
    %dma_wait3A_153 = tpu.memref_slice %arg6[%dma_wait3A_151, %dma_wait3A_152] : memref<3x1024xi32, #tpu.memory_space<vmem>> -> memref<1x1024xi32, #tpu.memory_space<vmem>>
    %dma_wait3A_154 = tpu.memref_squeeze %dma_wait3A_153 : memref<1x1024xi32, #tpu.memory_space<vmem>> -> memref<1024xi32, #tpu.memory_space<vmem>>
    %dma_wait3A_155 = arith.constant 0 : i32
    %dma_wait3A_156 = tpu.memref_slice %arg2[%add3A, %dma_wait3A_149, %dma_wait3A_150, %dma_wait3A_155] : memref<32x10x2x1024xi32, #tpu.memory_space<hbm>> -> memref<1x1x1x1024xi32, #tpu.memory_space<hbm>>
    %dma_wait3A_157 = tpu.memref_squeeze %dma_wait3A_156 : memref<1x1x1x1024xi32, #tpu.memory_space<hbm>> -> memref<1024xi32, #tpu.memory_space<hbm>>
    %dma_wait3A_158 = arith.constant 0 : i32
    %dma_wait3A_159 = tpu.memref_slice %arg6[%dma_wait3A_151, %dma_wait3A_158] : memref<3x1024xi32, #tpu.memory_space<vmem>> -> memref<1x1024xi32, #tpu.memory_space<vmem>>
    %dma_wait3A_160 = tpu.memref_squeeze %dma_wait3A_159 : memref<1x1024xi32, #tpu.memory_space<vmem>> -> memref<1024xi32, #tpu.memory_space<vmem>>
    %dma_wait3A_161 = arith.constant 0 : i32
    %dma_wait3A_162 = tpu.memref_slice %arg2[%add3A, %dma_wait3A_149, %dma_wait3A_150, %dma_wait3A_161] : memref<32x10x2x1024xi32, #tpu.memory_space<hbm>> -> memref<1x1x1x1024xi32, #tpu.memory_space<hbm>>
    %dma_wait3A_163 = tpu.memref_squeeze %dma_wait3A_162 : memref<1x1x1x1024xi32, #tpu.memory_space<hbm>> -> memref<1024xi32, #tpu.memory_space<hbm>>
    tpu.wait_dma2 semaphore(%arg9 : memref<!tpu.dma_semaphore, #tpu.memory_space<semaphore_mem>>) src(%dma_wait3A_163 : memref<1024xi32, #tpu.memory_space<hbm>>) dst(%dma_wait3A_160 : memref<1024xi32, #tpu.memory_space<vmem>>)
    %dma_start3A_164 = arith.constant 4 : i32
    %dma_start3A_165 = arith.constant 1 : i32
    %dma_start3A_166 = arith.constant 1 : i32
    %dma_start3A_167 = arith.constant 0 : i32
    %dma_start3A_168 = tpu.memref_slice %arg6[%dma_start3A_166, %dma_start3A_167] : memref<3x1024xi32, #tpu.memory_space<vmem>> -> memref<1x1024xi32, #tpu.memory_space<vmem>>
    %dma_start3A_169 = tpu.memref_squeeze %dma_start3A_168 : memref<1x1024xi32, #tpu.memory_space<vmem>> -> memref<1024xi32, #tpu.memory_space<vmem>>
    %dma_start3A_170 = arith.constant 0 : i32
    %dma_start3A_171 = tpu.memref_slice %arg2[%add3A, %dma_start3A_164, %dma_start3A_165, %dma_start3A_170] : memref<32x10x2x1024xi32, #tpu.memory_space<hbm>> -> memref<1x1x1x1024xi32, #tpu.memory_space<hbm>>
    %dma_start3A_172 = tpu.memref_squeeze %dma_start3A_171 : memref<1x1x1x1024xi32, #tpu.memory_space<hbm>> -> memref<1024xi32, #tpu.memory_space<hbm>>
    %dma_start3A_173 = arith.constant 0 : i32
    %dma_start3A_174 = tpu.memref_slice %arg6[%dma_start3A_166, %dma_start3A_173] : memref<3x1024xi32, #tpu.memory_space<vmem>> -> memref<1x1024xi32, #tpu.memory_space<vmem>>
    %dma_start3A_175 = tpu.memref_squeeze %dma_start3A_174 : memref<1x1024xi32, #tpu.memory_space<vmem>> -> memref<1024xi32, #tpu.memory_space<vmem>>
    %dma_start3A_176 = arith.constant 0 : i32
    %dma_start3A_177 = tpu.memref_slice %arg2[%add3A, %dma_start3A_164, %dma_start3A_165, %dma_start3A_176] : memref<32x10x2x1024xi32, #tpu.memory_space<hbm>> -> memref<1x1x1x1024xi32, #tpu.memory_space<hbm>>
    %dma_start3A_178 = tpu.memref_squeeze %dma_start3A_177 : memref<1x1x1x1024xi32, #tpu.memory_space<hbm>> -> memref<1024xi32, #tpu.memory_space<hbm>>
    tpu.enqueue_dma source(%dma_start3A_178 : memref<1024xi32, #tpu.memory_space<hbm>>) target(%dma_start3A_175 : memref<1024xi32, #tpu.memory_space<vmem>>) target_semaphore(%arg9 : memref<!tpu.dma_semaphore, #tpu.memory_space<semaphore_mem>>)
    %dma_start3A_179 = arith.constant 0 : i32
    %dma_start3A_180 = arith.constant 0 : i32
    %dma_start3A_181 = tpu.memref_slice %arg6[%dma_start3A_179, %dma_start3A_180] : memref<3x1024xi32, #tpu.memory_space<vmem>> -> memref<1x1024xi32, #tpu.memory_space<vmem>>
    %dma_start3A_182 = tpu.memref_squeeze %dma_start3A_181 : memref<1x1024xi32, #tpu.memory_space<vmem>> -> memref<1024xi32, #tpu.memory_space<vmem>>
    %dma_start3A_183 = arith.constant 0 : i32
    %dma_start3A_184 = arith.constant 0 : i32
    %dma_start3A_185 = tpu.memref_slice %arg8[%dma_start3A_183, %dma_start3A_184] : memref<10016x8xf32, #tpu.memory_space<vmem_shared>> -> memref<10016x8xf32, #tpu.memory_space<vmem_shared>>
    tpu.enqueue_indirect_dma source(%arg7 : memref<1024x8xf32, #tpu.memory_space<vmem>>) target(%dma_start3A_185 : memref<10016x8xf32, #tpu.memory_space<vmem_shared>>) offsets(%dma_start3A_182 : memref<1024xi32, #tpu.memory_space<vmem>>) semaphore(%arg11 : memref<!tpu.dma_semaphore, #tpu.memory_space<semaphore_mem>>) {add = true}
    %dma_wait3A_186 = arith.constant 2 : i32
    %dma_wait3A_187 = arith.constant 0 : i32
    %dma_wait3A_188 = tpu.memref_slice %arg6[%dma_wait3A_186, %dma_wait3A_187] : memref<3x1024xi32, #tpu.memory_space<vmem>> -> memref<1x1024xi32, #tpu.memory_space<vmem>>
    %dma_wait3A_189 = tpu.memref_squeeze %dma_wait3A_188 : memref<1x1024xi32, #tpu.memory_space<vmem>> -> memref<1024xi32, #tpu.memory_space<vmem>>
    %dma_wait3A_190 = arith.constant 0 : i32
    %dma_wait3A_191 = arith.constant 0 : i32
    %dma_wait3A_192 = tpu.memref_slice %arg8[%dma_wait3A_190, %dma_wait3A_191] : memref<10016x8xf32, #tpu.memory_space<vmem_shared>> -> memref<10016x8xf32, #tpu.memory_space<vmem_shared>>
    tpu.wait_indirect_dma semaphore(%arg10 : memref<!tpu.dma_semaphore, #tpu.memory_space<semaphore_mem>>) src(%arg7 : memref<1024x8xf32, #tpu.memory_space<vmem>>) dst(%dma_wait3A_192 : memref<10016x8xf32, #tpu.memory_space<vmem_shared>>)
    %dma_wait3A_193 = arith.constant 4 : i32
    %dma_wait3A_194 = arith.constant 1 : i32
    %dma_wait3A_195 = arith.constant 1 : i32
    %dma_wait3A_196 = arith.constant 0 : i32
    %dma_wait3A_197 = tpu.memref_slice %arg6[%dma_wait3A_195, %dma_wait3A_196] : memref<3x1024xi32, #tpu.memory_space<vmem>> -> memref<1x1024xi32, #tpu.memory_space<vmem>>
    %dma_wait3A_198 = tpu.memref_squeeze %dma_wait3A_197 : memref<1x1024xi32, #tpu.memory_space<vmem>> -> memref<1024xi32, #tpu.memory_space<vmem>>
    %dma_wait3A_199 = arith.constant 0 : i32
    %dma_wait3A_200 = tpu.memref_slice %arg2[%add3A, %dma_wait3A_193, %dma_wait3A_194, %dma_wait3A_199] : memref<32x10x2x1024xi32, #tpu.memory_space<hbm>> -> memref<1x1x1x1024xi32, #tpu.memory_space<hbm>>
    %dma_wait3A_201 = tpu.memref_squeeze %dma_wait3A_200 : memref<1x1x1x1024xi32, #tpu.memory_space<hbm>> -> memref<1024xi32, #tpu.memory_space<hbm>>
    %dma_wait3A_202 = arith.constant 0 : i32
    %dma_wait3A_203 = tpu.memref_slice %arg6[%dma_wait3A_195, %dma_wait3A_202] : memref<3x1024xi32, #tpu.memory_space<vmem>> -> memref<1x1024xi32, #tpu.memory_space<vmem>>
    %dma_wait3A_204 = tpu.memref_squeeze %dma_wait3A_203 : memref<1x1024xi32, #tpu.memory_space<vmem>> -> memref<1024xi32, #tpu.memory_space<vmem>>
    %dma_wait3A_205 = arith.constant 0 : i32
    %dma_wait3A_206 = tpu.memref_slice %arg2[%add3A, %dma_wait3A_193, %dma_wait3A_194, %dma_wait3A_205] : memref<32x10x2x1024xi32, #tpu.memory_space<hbm>> -> memref<1x1x1x1024xi32, #tpu.memory_space<hbm>>
    %dma_wait3A_207 = tpu.memref_squeeze %dma_wait3A_206 : memref<1x1x1x1024xi32, #tpu.memory_space<hbm>> -> memref<1024xi32, #tpu.memory_space<hbm>>
    tpu.wait_dma2 semaphore(%arg9 : memref<!tpu.dma_semaphore, #tpu.memory_space<semaphore_mem>>) src(%dma_wait3A_207 : memref<1024xi32, #tpu.memory_space<hbm>>) dst(%dma_wait3A_204 : memref<1024xi32, #tpu.memory_space<vmem>>)
    %dma_start3A_208 = arith.constant 5 : i32
    %dma_start3A_209 = arith.constant 1 : i32
    %dma_start3A_210 = arith.constant 2 : i32
    %dma_start3A_211 = arith.constant 0 : i32
    %dma_start3A_212 = tpu.memref_slice %arg6[%dma_start3A_210, %dma_start3A_211] : memref<3x1024xi32, #tpu.memory_space<vmem>> -> memref<1x1024xi32, #tpu.memory_space<vmem>>
    %dma_start3A_213 = tpu.memref_squeeze %dma_start3A_212 : memref<1x1024xi32, #tpu.memory_space<vmem>> -> memref<1024xi32, #tpu.memory_space<vmem>>
    %dma_start3A_214 = arith.constant 0 : i32
    %dma_start3A_215 = tpu.memref_slice %arg2[%add3A, %dma_start3A_208, %dma_start3A_209, %dma_start3A_214] : memref<32x10x2x1024xi32, #tpu.memory_space<hbm>> -> memref<1x1x1x1024xi32, #tpu.memory_space<hbm>>
    %dma_start3A_216 = tpu.memref_squeeze %dma_start3A_215 : memref<1x1x1x1024xi32, #tpu.memory_space<hbm>> -> memref<1024xi32, #tpu.memory_space<hbm>>
    %dma_start3A_217 = arith.constant 0 : i32
    %dma_start3A_218 = tpu.memref_slice %arg6[%dma_start3A_210, %dma_start3A_217] : memref<3x1024xi32, #tpu.memory_space<vmem>> -> memref<1x1024xi32, #tpu.memory_space<vmem>>
    %dma_start3A_219 = tpu.memref_squeeze %dma_start3A_218 : memref<1x1024xi32, #tpu.memory_space<vmem>> -> memref<1024xi32, #tpu.memory_space<vmem>>
    %dma_start3A_220 = arith.constant 0 : i32
    %dma_start3A_221 = tpu.memref_slice %arg2[%add3A, %dma_start3A_208, %dma_start3A_209, %dma_start3A_220] : memref<32x10x2x1024xi32, #tpu.memory_space<hbm>> -> memref<1x1x1x1024xi32, #tpu.memory_space<hbm>>
    %dma_start3A_222 = tpu.memref_squeeze %dma_start3A_221 : memref<1x1x1x1024xi32, #tpu.memory_space<hbm>> -> memref<1024xi32, #tpu.memory_space<hbm>>
    tpu.enqueue_dma source(%dma_start3A_222 : memref<1024xi32, #tpu.memory_space<hbm>>) target(%dma_start3A_219 : memref<1024xi32, #tpu.memory_space<vmem>>) target_semaphore(%arg9 : memref<!tpu.dma_semaphore, #tpu.memory_space<semaphore_mem>>)
    %dma_start3A_223 = arith.constant 1 : i32
    %dma_start3A_224 = arith.constant 0 : i32
    %dma_start3A_225 = tpu.memref_slice %arg6[%dma_start3A_223, %dma_start3A_224] : memref<3x1024xi32, #tpu.memory_space<vmem>> -> memref<1x1024xi32, #tpu.memory_space<vmem>>
    %dma_start3A_226 = tpu.memref_squeeze %dma_start3A_225 : memref<1x1024xi32, #tpu.memory_space<vmem>> -> memref<1024xi32, #tpu.memory_space<vmem>>
    %dma_start3A_227 = arith.constant 0 : i32
    %dma_start3A_228 = arith.constant 0 : i32
    %dma_start3A_229 = tpu.memref_slice %arg8[%dma_start3A_227, %dma_start3A_228] : memref<10016x8xf32, #tpu.memory_space<vmem_shared>> -> memref<10016x8xf32, #tpu.memory_space<vmem_shared>>
    tpu.enqueue_indirect_dma source(%arg7 : memref<1024x8xf32, #tpu.memory_space<vmem>>) target(%dma_start3A_229 : memref<10016x8xf32, #tpu.memory_space<vmem_shared>>) offsets(%dma_start3A_226 : memref<1024xi32, #tpu.memory_space<vmem>>) semaphore(%arg10 : memref<!tpu.dma_semaphore, #tpu.memory_space<semaphore_mem>>) {add = true}
    %dma_wait3A_230 = arith.constant 0 : i32
    %dma_wait3A_231 = arith.constant 0 : i32
    %dma_wait3A_232 = tpu.memref_slice %arg6[%dma_wait3A_230, %dma_wait3A_231] : memref<3x1024xi32, #tpu.memory_space<vmem>> -> memref<1x1024xi32, #tpu.memory_space<vmem>>
    %dma_wait3A_233 = tpu.memref_squeeze %dma_wait3A_232 : memref<1x1024xi32, #tpu.memory_space<vmem>> -> memref<1024xi32, #tpu.memory_space<vmem>>
    %dma_wait3A_234 = arith.constant 0 : i32
    %dma_wait3A_235 = arith.constant 0 : i32
    %dma_wait3A_236 = tpu.memref_slice %arg8[%dma_wait3A_234, %dma_wait3A_235] : memref<10016x8xf32, #tpu.memory_space<vmem_shared>> -> memref<10016x8xf32, #tpu.memory_space<vmem_shared>>
    tpu.wait_indirect_dma semaphore(%arg11 : memref<!tpu.dma_semaphore, #tpu.memory_space<semaphore_mem>>) src(%arg7 : memref<1024x8xf32, #tpu.memory_space<vmem>>) dst(%dma_wait3A_236 : memref<10016x8xf32, #tpu.memory_space<vmem_shared>>)
    %dma_wait3A_237 = arith.constant 5 : i32
    %dma_wait3A_238 = arith.constant 1 : i32
    %dma_wait3A_239 = arith.constant 2 : i32
    %dma_wait3A_240 = arith.constant 0 : i32
    %dma_wait3A_241 = tpu.memref_slice %arg6[%dma_wait3A_239, %dma_wait3A_240] : memref<3x1024xi32, #tpu.memory_space<vmem>> -> memref<1x1024xi32, #tpu.memory_space<vmem>>
    %dma_wait3A_242 = tpu.memref_squeeze %dma_wait3A_241 : memref<1x1024xi32, #tpu.memory_space<vmem>> -> memref<1024xi32, #tpu.memory_space<vmem>>
    %dma_wait3A_243 = arith.constant 0 : i32
    %dma_wait3A_244 = tpu.memref_slice %arg2[%add3A, %dma_wait3A_237, %dma_wait3A_238, %dma_wait3A_243] : memref<32x10x2x1024xi32, #tpu.memory_space<hbm>> -> memref<1x1x1x1024xi32, #tpu.memory_space<hbm>>
    %dma_wait3A_245 = tpu.memref_squeeze %dma_wait3A_244 : memref<1x1x1x1024xi32, #tpu.memory_space<hbm>> -> memref<1024xi32, #tpu.memory_space<hbm>>
    %dma_wait3A_246 = arith.constant 0 : i32
    %dma_wait3A_247 = tpu.memref_slice %arg6[%dma_wait3A_239, %dma_wait3A_246] : memref<3x1024xi32, #tpu.memory_space<vmem>> -> memref<1x1024xi32, #tpu.memory_space<vmem>>
    %dma_wait3A_248 = tpu.memref_squeeze %dma_wait3A_247 : memref<1x1024xi32, #tpu.memory_space<vmem>> -> memref<1024xi32, #tpu.memory_space<vmem>>
    %dma_wait3A_249 = arith.constant 0 : i32
    %dma_wait3A_250 = tpu.memref_slice %arg2[%add3A, %dma_wait3A_237, %dma_wait3A_238, %dma_wait3A_249] : memref<32x10x2x1024xi32, #tpu.memory_space<hbm>> -> memref<1x1x1x1024xi32, #tpu.memory_space<hbm>>
    %dma_wait3A_251 = tpu.memref_squeeze %dma_wait3A_250 : memref<1x1x1x1024xi32, #tpu.memory_space<hbm>> -> memref<1024xi32, #tpu.memory_space<hbm>>
    tpu.wait_dma2 semaphore(%arg9 : memref<!tpu.dma_semaphore, #tpu.memory_space<semaphore_mem>>) src(%dma_wait3A_251 : memref<1024xi32, #tpu.memory_space<hbm>>) dst(%dma_wait3A_248 : memref<1024xi32, #tpu.memory_space<vmem>>)
    %dma_start3A_252 = arith.constant 6 : i32
    %dma_start3A_253 = arith.constant 1 : i32
    %dma_start3A_254 = arith.constant 0 : i32
    %dma_start3A_255 = arith.constant 0 : i32
    %dma_start3A_256 = tpu.memref_slice %arg6[%dma_start3A_254, %dma_start3A_255] : memref<3x1024xi32, #tpu.memory_space<vmem>> -> memref<1x1024xi32, #tpu.memory_space<vmem>>
    %dma_start3A_257 = tpu.memref_squeeze %dma_start3A_256 : memref<1x1024xi32, #tpu.memory_space<vmem>> -> memref<1024xi32, #tpu.memory_space<vmem>>
    %dma_start3A_258 = arith.constant 0 : i32
    %dma_start3A_259 = tpu.memref_slice %arg2[%add3A, %dma_start3A_252, %dma_start3A_253, %dma_start3A_258] : memref<32x10x2x1024xi32, #tpu.memory_space<hbm>> -> memref<1x1x1x1024xi32, #tpu.memory_space<hbm>>
    %dma_start3A_260 = tpu.memref_squeeze %dma_start3A_259 : memref<1x1x1x1024xi32, #tpu.memory_space<hbm>> -> memref<1024xi32, #tpu.memory_space<hbm>>
    %dma_start3A_261 = arith.constant 0 : i32
    %dma_start3A_262 = tpu.memref_slice %arg6[%dma_start3A_254, %dma_start3A_261] : memref<3x1024xi32, #tpu.memory_space<vmem>> -> memref<1x1024xi32, #tpu.memory_space<vmem>>
    %dma_start3A_263 = tpu.memref_squeeze %dma_start3A_262 : memref<1x1024xi32, #tpu.memory_space<vmem>> -> memref<1024xi32, #tpu.memory_space<vmem>>
    %dma_start3A_264 = arith.constant 0 : i32
    %dma_start3A_265 = tpu.memref_slice %arg2[%add3A, %dma_start3A_252, %dma_start3A_253, %dma_start3A_264] : memref<32x10x2x1024xi32, #tpu.memory_space<hbm>> -> memref<1x1x1x1024xi32, #tpu.memory_space<hbm>>
    %dma_start3A_266 = tpu.memref_squeeze %dma_start3A_265 : memref<1x1x1x1024xi32, #tpu.memory_space<hbm>> -> memref<1024xi32, #tpu.memory_space<hbm>>
    tpu.enqueue_dma source(%dma_start3A_266 : memref<1024xi32, #tpu.memory_space<hbm>>) target(%dma_start3A_263 : memref<1024xi32, #tpu.memory_space<vmem>>) target_semaphore(%arg9 : memref<!tpu.dma_semaphore, #tpu.memory_space<semaphore_mem>>)
    %dma_start3A_267 = arith.constant 2 : i32
    %dma_start3A_268 = arith.constant 0 : i32
    %dma_start3A_269 = tpu.memref_slice %arg6[%dma_start3A_267, %dma_start3A_268] : memref<3x1024xi32, #tpu.memory_space<vmem>> -> memref<1x1024xi32, #tpu.memory_space<vmem>>
    %dma_start3A_270 = tpu.memref_squeeze %dma_start3A_269 : memref<1x1024xi32, #tpu.memory_space<vmem>> -> memref<1024xi32, #tpu.memory_space<vmem>>
    %dma_start3A_271 = arith.constant 0 : i32
    %dma_start3A_272 = arith.constant 0 : i32
    %dma_start3A_273 = tpu.memref_slice %arg8[%dma_start3A_271, %dma_start3A_272] : memref<10016x8xf32, #tpu.memory_space<vmem_shared>> -> memref<10016x8xf32, #tpu.memory_space<vmem_shared>>
    tpu.enqueue_indirect_dma source(%arg7 : memref<1024x8xf32, #tpu.memory_space<vmem>>) target(%dma_start3A_273 : memref<10016x8xf32, #tpu.memory_space<vmem_shared>>) offsets(%dma_start3A_270 : memref<1024xi32, #tpu.memory_space<vmem>>) semaphore(%arg11 : memref<!tpu.dma_semaphore, #tpu.memory_space<semaphore_mem>>) {add = true}
    %dma_wait3A_274 = arith.constant 1 : i32
    %dma_wait3A_275 = arith.constant 0 : i32
    %dma_wait3A_276 = tpu.memref_slice %arg6[%dma_wait3A_274, %dma_wait3A_275] : memref<3x1024xi32, #tpu.memory_space<vmem>> -> memref<1x1024xi32, #tpu.memory_space<vmem>>
    %dma_wait3A_277 = tpu.memref_squeeze %dma_wait3A_276 : memref<1x1024xi32, #tpu.memory_space<vmem>> -> memref<1024xi32, #tpu.memory_space<vmem>>
    %dma_wait3A_278 = arith.constant 0 : i32
    %dma_wait3A_279 = arith.constant 0 : i32
    %dma_wait3A_280 = tpu.memref_slice %arg8[%dma_wait3A_278, %dma_wait3A_279] : memref<10016x8xf32, #tpu.memory_space<vmem_shared>> -> memref<10016x8xf32, #tpu.memory_space<vmem_shared>>
    tpu.wait_indirect_dma semaphore(%arg10 : memref<!tpu.dma_semaphore, #tpu.memory_space<semaphore_mem>>) src(%arg7 : memref<1024x8xf32, #tpu.memory_space<vmem>>) dst(%dma_wait3A_280 : memref<10016x8xf32, #tpu.memory_space<vmem_shared>>)
    %dma_wait3A_281 = arith.constant 6 : i32
    %dma_wait3A_282 = arith.constant 1 : i32
    %dma_wait3A_283 = arith.constant 0 : i32
    %dma_wait3A_284 = arith.constant 0 : i32
    %dma_wait3A_285 = tpu.memref_slice %arg6[%dma_wait3A_283, %dma_wait3A_284] : memref<3x1024xi32, #tpu.memory_space<vmem>> -> memref<1x1024xi32, #tpu.memory_space<vmem>>
    %dma_wait3A_286 = tpu.memref_squeeze %dma_wait3A_285 : memref<1x1024xi32, #tpu.memory_space<vmem>> -> memref<1024xi32, #tpu.memory_space<vmem>>
    %dma_wait3A_287 = arith.constant 0 : i32
    %dma_wait3A_288 = tpu.memref_slice %arg2[%add3A, %dma_wait3A_281, %dma_wait3A_282, %dma_wait3A_287] : memref<32x10x2x1024xi32, #tpu.memory_space<hbm>> -> memref<1x1x1x1024xi32, #tpu.memory_space<hbm>>
    %dma_wait3A_289 = tpu.memref_squeeze %dma_wait3A_288 : memref<1x1x1x1024xi32, #tpu.memory_space<hbm>> -> memref<1024xi32, #tpu.memory_space<hbm>>
    %dma_wait3A_290 = arith.constant 0 : i32
    %dma_wait3A_291 = tpu.memref_slice %arg6[%dma_wait3A_283, %dma_wait3A_290] : memref<3x1024xi32, #tpu.memory_space<vmem>> -> memref<1x1024xi32, #tpu.memory_space<vmem>>
    %dma_wait3A_292 = tpu.memref_squeeze %dma_wait3A_291 : memref<1x1024xi32, #tpu.memory_space<vmem>> -> memref<1024xi32, #tpu.memory_space<vmem>>
    %dma_wait3A_293 = arith.constant 0 : i32
    %dma_wait3A_294 = tpu.memref_slice %arg2[%add3A, %dma_wait3A_281, %dma_wait3A_282, %dma_wait3A_293] : memref<32x10x2x1024xi32, #tpu.memory_space<hbm>> -> memref<1x1x1x1024xi32, #tpu.memory_space<hbm>>
    %dma_wait3A_295 = tpu.memref_squeeze %dma_wait3A_294 : memref<1x1x1x1024xi32, #tpu.memory_space<hbm>> -> memref<1024xi32, #tpu.memory_space<hbm>>
    tpu.wait_dma2 semaphore(%arg9 : memref<!tpu.dma_semaphore, #tpu.memory_space<semaphore_mem>>) src(%dma_wait3A_295 : memref<1024xi32, #tpu.memory_space<hbm>>) dst(%dma_wait3A_292 : memref<1024xi32, #tpu.memory_space<vmem>>)
    %dma_start3A_296 = arith.constant 7 : i32
    %dma_start3A_297 = arith.constant 1 : i32
    %dma_start3A_298 = arith.constant 1 : i32
    %dma_start3A_299 = arith.constant 0 : i32
    %dma_start3A_300 = tpu.memref_slice %arg6[%dma_start3A_298, %dma_start3A_299] : memref<3x1024xi32, #tpu.memory_space<vmem>> -> memref<1x1024xi32, #tpu.memory_space<vmem>>
    %dma_start3A_301 = tpu.memref_squeeze %dma_start3A_300 : memref<1x1024xi32, #tpu.memory_space<vmem>> -> memref<1024xi32, #tpu.memory_space<vmem>>
    %dma_start3A_302 = arith.constant 0 : i32
    %dma_start3A_303 = tpu.memref_slice %arg2[%add3A, %dma_start3A_296, %dma_start3A_297, %dma_start3A_302] : memref<32x10x2x1024xi32, #tpu.memory_space<hbm>> -> memref<1x1x1x1024xi32, #tpu.memory_space<hbm>>
    %dma_start3A_304 = tpu.memref_squeeze %dma_start3A_303 : memref<1x1x1x1024xi32, #tpu.memory_space<hbm>> -> memref<1024xi32, #tpu.memory_space<hbm>>
    %dma_start3A_305 = arith.constant 0 : i32
    %dma_start3A_306 = tpu.memref_slice %arg6[%dma_start3A_298, %dma_start3A_305] : memref<3x1024xi32, #tpu.memory_space<vmem>> -> memref<1x1024xi32, #tpu.memory_space<vmem>>
    %dma_start3A_307 = tpu.memref_squeeze %dma_start3A_306 : memref<1x1024xi32, #tpu.memory_space<vmem>> -> memref<1024xi32, #tpu.memory_space<vmem>>
    %dma_start3A_308 = arith.constant 0 : i32
    %dma_start3A_309 = tpu.memref_slice %arg2[%add3A, %dma_start3A_296, %dma_start3A_297, %dma_start3A_308] : memref<32x10x2x1024xi32, #tpu.memory_space<hbm>> -> memref<1x1x1x1024xi32, #tpu.memory_space<hbm>>
    %dma_start3A_310 = tpu.memref_squeeze %dma_start3A_309 : memref<1x1x1x1024xi32, #tpu.memory_space<hbm>> -> memref<1024xi32, #tpu.memory_space<hbm>>
    tpu.enqueue_dma source(%dma_start3A_310 : memref<1024xi32, #tpu.memory_space<hbm>>) target(%dma_start3A_307 : memref<1024xi32, #tpu.memory_space<vmem>>) target_semaphore(%arg9 : memref<!tpu.dma_semaphore, #tpu.memory_space<semaphore_mem>>)
    %dma_start3A_311 = arith.constant 0 : i32
    %dma_start3A_312 = arith.constant 0 : i32
    %dma_start3A_313 = tpu.memref_slice %arg6[%dma_start3A_311, %dma_start3A_312] : memref<3x1024xi32, #tpu.memory_space<vmem>> -> memref<1x1024xi32, #tpu.memory_space<vmem>>
    %dma_start3A_314 = tpu.memref_squeeze %dma_start3A_313 : memref<1x1024xi32, #tpu.memory_space<vmem>> -> memref<1024xi32, #tpu.memory_space<vmem>>
    %dma_start3A_315 = arith.constant 0 : i32
    %dma_start3A_316 = arith.constant 0 : i32
    %dma_start3A_317 = tpu.memref_slice %arg8[%dma_start3A_315, %dma_start3A_316] : memref<10016x8xf32, #tpu.memory_space<vmem_shared>> -> memref<10016x8xf32, #tpu.memory_space<vmem_shared>>
    tpu.enqueue_indirect_dma source(%arg7 : memref<1024x8xf32, #tpu.memory_space<vmem>>) target(%dma_start3A_317 : memref<10016x8xf32, #tpu.memory_space<vmem_shared>>) offsets(%dma_start3A_314 : memref<1024xi32, #tpu.memory_space<vmem>>) semaphore(%arg10 : memref<!tpu.dma_semaphore, #tpu.memory_space<semaphore_mem>>) {add = true}
    %dma_wait3A_318 = arith.constant 2 : i32
    %dma_wait3A_319 = arith.constant 0 : i32
    %dma_wait3A_320 = tpu.memref_slice %arg6[%dma_wait3A_318, %dma_wait3A_319] : memref<3x1024xi32, #tpu.memory_space<vmem>> -> memref<1x1024xi32, #tpu.memory_space<vmem>>
    %dma_wait3A_321 = tpu.memref_squeeze %dma_wait3A_320 : memref<1x1024xi32, #tpu.memory_space<vmem>> -> memref<1024xi32, #tpu.memory_space<vmem>>
    %dma_wait3A_322 = arith.constant 0 : i32
    %dma_wait3A_323 = arith.constant 0 : i32
    %dma_wait3A_324 = tpu.memref_slice %arg8[%dma_wait3A_322, %dma_wait3A_323] : memref<10016x8xf32, #tpu.memory_space<vmem_shared>> -> memref<10016x8xf32, #tpu.memory_space<vmem_shared>>
    tpu.wait_indirect_dma semaphore(%arg11 : memref<!tpu.dma_semaphore, #tpu.memory_space<semaphore_mem>>) src(%arg7 : memref<1024x8xf32, #tpu.memory_space<vmem>>) dst(%dma_wait3A_324 : memref<10016x8xf32, #tpu.memory_space<vmem_shared>>)
    %dma_wait3A_325 = arith.constant 7 : i32
    %dma_wait3A_326 = arith.constant 1 : i32
    %dma_wait3A_327 = arith.constant 1 : i32
    %dma_wait3A_328 = arith.constant 0 : i32
    %dma_wait3A_329 = tpu.memref_slice %arg6[%dma_wait3A_327, %dma_wait3A_328] : memref<3x1024xi32, #tpu.memory_space<vmem>> -> memref<1x1024xi32, #tpu.memory_space<vmem>>
    %dma_wait3A_330 = tpu.memref_squeeze %dma_wait3A_329 : memref<1x1024xi32, #tpu.memory_space<vmem>> -> memref<1024xi32, #tpu.memory_space<vmem>>
    %dma_wait3A_331 = arith.constant 0 : i32
    %dma_wait3A_332 = tpu.memref_slice %arg2[%add3A, %dma_wait3A_325, %dma_wait3A_326, %dma_wait3A_331] : memref<32x10x2x1024xi32, #tpu.memory_space<hbm>> -> memref<1x1x1x1024xi32, #tpu.memory_space<hbm>>
    %dma_wait3A_333 = tpu.memref_squeeze %dma_wait3A_332 : memref<1x1x1x1024xi32, #tpu.memory_space<hbm>> -> memref<1024xi32, #tpu.memory_space<hbm>>
    %dma_wait3A_334 = arith.constant 0 : i32
    %dma_wait3A_335 = tpu.memref_slice %arg6[%dma_wait3A_327, %dma_wait3A_334] : memref<3x1024xi32, #tpu.memory_space<vmem>> -> memref<1x1024xi32, #tpu.memory_space<vmem>>
    %dma_wait3A_336 = tpu.memref_squeeze %dma_wait3A_335 : memref<1x1024xi32, #tpu.memory_space<vmem>> -> memref<1024xi32, #tpu.memory_space<vmem>>
    %dma_wait3A_337 = arith.constant 0 : i32
    %dma_wait3A_338 = tpu.memref_slice %arg2[%add3A, %dma_wait3A_325, %dma_wait3A_326, %dma_wait3A_337] : memref<32x10x2x1024xi32, #tpu.memory_space<hbm>> -> memref<1x1x1x1024xi32, #tpu.memory_space<hbm>>
    %dma_wait3A_339 = tpu.memref_squeeze %dma_wait3A_338 : memref<1x1x1x1024xi32, #tpu.memory_space<hbm>> -> memref<1024xi32, #tpu.memory_space<hbm>>
    tpu.wait_dma2 semaphore(%arg9 : memref<!tpu.dma_semaphore, #tpu.memory_space<semaphore_mem>>) src(%dma_wait3A_339 : memref<1024xi32, #tpu.memory_space<hbm>>) dst(%dma_wait3A_336 : memref<1024xi32, #tpu.memory_space<vmem>>)
    %dma_start3A_340 = arith.constant 8 : i32
    %dma_start3A_341 = arith.constant 1 : i32
    %dma_start3A_342 = arith.constant 2 : i32
    %dma_start3A_343 = arith.constant 0 : i32
    %dma_start3A_344 = tpu.memref_slice %arg6[%dma_start3A_342, %dma_start3A_343] : memref<3x1024xi32, #tpu.memory_space<vmem>> -> memref<1x1024xi32, #tpu.memory_space<vmem>>
    %dma_start3A_345 = tpu.memref_squeeze %dma_start3A_344 : memref<1x1024xi32, #tpu.memory_space<vmem>> -> memref<1024xi32, #tpu.memory_space<vmem>>
    %dma_start3A_346 = arith.constant 0 : i32
    %dma_start3A_347 = tpu.memref_slice %arg2[%add3A, %dma_start3A_340, %dma_start3A_341, %dma_start3A_346] : memref<32x10x2x1024xi32, #tpu.memory_space<hbm>> -> memref<1x1x1x1024xi32, #tpu.memory_space<hbm>>
    %dma_start3A_348 = tpu.memref_squeeze %dma_start3A_347 : memref<1x1x1x1024xi32, #tpu.memory_space<hbm>> -> memref<1024xi32, #tpu.memory_space<hbm>>
    %dma_start3A_349 = arith.constant 0 : i32
    %dma_start3A_350 = tpu.memref_slice %arg6[%dma_start3A_342, %dma_start3A_349] : memref<3x1024xi32, #tpu.memory_space<vmem>> -> memref<1x1024xi32, #tpu.memory_space<vmem>>
    %dma_start3A_351 = tpu.memref_squeeze %dma_start3A_350 : memref<1x1024xi32, #tpu.memory_space<vmem>> -> memref<1024xi32, #tpu.memory_space<vmem>>
    %dma_start3A_352 = arith.constant 0 : i32
    %dma_start3A_353 = tpu.memref_slice %arg2[%add3A, %dma_start3A_340, %dma_start3A_341, %dma_start3A_352] : memref<32x10x2x1024xi32, #tpu.memory_space<hbm>> -> memref<1x1x1x1024xi32, #tpu.memory_space<hbm>>
    %dma_start3A_354 = tpu.memref_squeeze %dma_start3A_353 : memref<1x1x1x1024xi32, #tpu.memory_space<hbm>> -> memref<1024xi32, #tpu.memory_space<hbm>>
    tpu.enqueue_dma source(%dma_start3A_354 : memref<1024xi32, #tpu.memory_space<hbm>>) target(%dma_start3A_351 : memref<1024xi32, #tpu.memory_space<vmem>>) target_semaphore(%arg9 : memref<!tpu.dma_semaphore, #tpu.memory_space<semaphore_mem>>)
    %dma_start3A_355 = arith.constant 1 : i32
    %dma_start3A_356 = arith.constant 0 : i32
    %dma_start3A_357 = tpu.memref_slice %arg6[%dma_start3A_355, %dma_start3A_356] : memref<3x1024xi32, #tpu.memory_space<vmem>> -> memref<1x1024xi32, #tpu.memory_space<vmem>>
    %dma_start3A_358 = tpu.memref_squeeze %dma_start3A_357 : memref<1x1024xi32, #tpu.memory_space<vmem>> -> memref<1024xi32, #tpu.memory_space<vmem>>
    %dma_start3A_359 = arith.constant 0 : i32
    %dma_start3A_360 = arith.constant 0 : i32
    %dma_start3A_361 = tpu.memref_slice %arg8[%dma_start3A_359, %dma_start3A_360] : memref<10016x8xf32, #tpu.memory_space<vmem_shared>> -> memref<10016x8xf32, #tpu.memory_space<vmem_shared>>
    tpu.enqueue_indirect_dma source(%arg7 : memref<1024x8xf32, #tpu.memory_space<vmem>>) target(%dma_start3A_361 : memref<10016x8xf32, #tpu.memory_space<vmem_shared>>) offsets(%dma_start3A_358 : memref<1024xi32, #tpu.memory_space<vmem>>) semaphore(%arg11 : memref<!tpu.dma_semaphore, #tpu.memory_space<semaphore_mem>>) {add = true}
    %dma_wait3A_362 = arith.constant 0 : i32
    %dma_wait3A_363 = arith.constant 0 : i32
    %dma_wait3A_364 = tpu.memref_slice %arg6[%dma_wait3A_362, %dma_wait3A_363] : memref<3x1024xi32, #tpu.memory_space<vmem>> -> memref<1x1024xi32, #tpu.memory_space<vmem>>
    %dma_wait3A_365 = tpu.memref_squeeze %dma_wait3A_364 : memref<1x1024xi32, #tpu.memory_space<vmem>> -> memref<1024xi32, #tpu.memory_space<vmem>>
    %dma_wait3A_366 = arith.constant 0 : i32
    %dma_wait3A_367 = arith.constant 0 : i32
    %dma_wait3A_368 = tpu.memref_slice %arg8[%dma_wait3A_366, %dma_wait3A_367] : memref<10016x8xf32, #tpu.memory_space<vmem_shared>> -> memref<10016x8xf32, #tpu.memory_space<vmem_shared>>
    tpu.wait_indirect_dma semaphore(%arg10 : memref<!tpu.dma_semaphore, #tpu.memory_space<semaphore_mem>>) src(%arg7 : memref<1024x8xf32, #tpu.memory_space<vmem>>) dst(%dma_wait3A_368 : memref<10016x8xf32, #tpu.memory_space<vmem_shared>>)
    %dma_wait3A_369 = arith.constant 8 : i32
    %dma_wait3A_370 = arith.constant 1 : i32
    %dma_wait3A_371 = arith.constant 2 : i32
    %dma_wait3A_372 = arith.constant 0 : i32
    %dma_wait3A_373 = tpu.memref_slice %arg6[%dma_wait3A_371, %dma_wait3A_372] : memref<3x1024xi32, #tpu.memory_space<vmem>> -> memref<1x1024xi32, #tpu.memory_space<vmem>>
    %dma_wait3A_374 = tpu.memref_squeeze %dma_wait3A_373 : memref<1x1024xi32, #tpu.memory_space<vmem>> -> memref<1024xi32, #tpu.memory_space<vmem>>
    %dma_wait3A_375 = arith.constant 0 : i32
    %dma_wait3A_376 = tpu.memref_slice %arg2[%add3A, %dma_wait3A_369, %dma_wait3A_370, %dma_wait3A_375] : memref<32x10x2x1024xi32, #tpu.memory_space<hbm>> -> memref<1x1x1x1024xi32, #tpu.memory_space<hbm>>
    %dma_wait3A_377 = tpu.memref_squeeze %dma_wait3A_376 : memref<1x1x1x1024xi32, #tpu.memory_space<hbm>> -> memref<1024xi32, #tpu.memory_space<hbm>>
    %dma_wait3A_378 = arith.constant 0 : i32
    %dma_wait3A_379 = tpu.memref_slice %arg6[%dma_wait3A_371, %dma_wait3A_378] : memref<3x1024xi32, #tpu.memory_space<vmem>> -> memref<1x1024xi32, #tpu.memory_space<vmem>>
    %dma_wait3A_380 = tpu.memref_squeeze %dma_wait3A_379 : memref<1x1024xi32, #tpu.memory_space<vmem>> -> memref<1024xi32, #tpu.memory_space<vmem>>
    %dma_wait3A_381 = arith.constant 0 : i32
    %dma_wait3A_382 = tpu.memref_slice %arg2[%add3A, %dma_wait3A_369, %dma_wait3A_370, %dma_wait3A_381] : memref<32x10x2x1024xi32, #tpu.memory_space<hbm>> -> memref<1x1x1x1024xi32, #tpu.memory_space<hbm>>
    %dma_wait3A_383 = tpu.memref_squeeze %dma_wait3A_382 : memref<1x1x1x1024xi32, #tpu.memory_space<hbm>> -> memref<1024xi32, #tpu.memory_space<hbm>>
    tpu.wait_dma2 semaphore(%arg9 : memref<!tpu.dma_semaphore, #tpu.memory_space<semaphore_mem>>) src(%dma_wait3A_383 : memref<1024xi32, #tpu.memory_space<hbm>>) dst(%dma_wait3A_380 : memref<1024xi32, #tpu.memory_space<vmem>>)
    %dma_start3A_384 = arith.constant 9 : i32
    %dma_start3A_385 = arith.constant 1 : i32
    %dma_start3A_386 = arith.constant 0 : i32
    %dma_start3A_387 = arith.constant 0 : i32
    %dma_start3A_388 = tpu.memref_slice %arg6[%dma_start3A_386, %dma_start3A_387] : memref<3x1024xi32, #tpu.memory_space<vmem>> -> memref<1x1024xi32, #tpu.memory_space<vmem>>
    %dma_start3A_389 = tpu.memref_squeeze %dma_start3A_388 : memref<1x1024xi32, #tpu.memory_space<vmem>> -> memref<1024xi32, #tpu.memory_space<vmem>>
    %dma_start3A_390 = arith.constant 0 : i32
    %dma_start3A_391 = tpu.memref_slice %arg2[%add3A, %dma_start3A_384, %dma_start3A_385, %dma_start3A_390] : memref<32x10x2x1024xi32, #tpu.memory_space<hbm>> -> memref<1x1x1x1024xi32, #tpu.memory_space<hbm>>
    %dma_start3A_392 = tpu.memref_squeeze %dma_start3A_391 : memref<1x1x1x1024xi32, #tpu.memory_space<hbm>> -> memref<1024xi32, #tpu.memory_space<hbm>>
    %dma_start3A_393 = arith.constant 0 : i32
    %dma_start3A_394 = tpu.memref_slice %arg6[%dma_start3A_386, %dma_start3A_393] : memref<3x1024xi32, #tpu.memory_space<vmem>> -> memref<1x1024xi32, #tpu.memory_space<vmem>>
    %dma_start3A_395 = tpu.memref_squeeze %dma_start3A_394 : memref<1x1024xi32, #tpu.memory_space<vmem>> -> memref<1024xi32, #tpu.memory_space<vmem>>
    %dma_start3A_396 = arith.constant 0 : i32
    %dma_start3A_397 = tpu.memref_slice %arg2[%add3A, %dma_start3A_384, %dma_start3A_385, %dma_start3A_396] : memref<32x10x2x1024xi32, #tpu.memory_space<hbm>> -> memref<1x1x1x1024xi32, #tpu.memory_space<hbm>>
    %dma_start3A_398 = tpu.memref_squeeze %dma_start3A_397 : memref<1x1x1x1024xi32, #tpu.memory_space<hbm>> -> memref<1024xi32, #tpu.memory_space<hbm>>
    tpu.enqueue_dma source(%dma_start3A_398 : memref<1024xi32, #tpu.memory_space<hbm>>) target(%dma_start3A_395 : memref<1024xi32, #tpu.memory_space<vmem>>) target_semaphore(%arg9 : memref<!tpu.dma_semaphore, #tpu.memory_space<semaphore_mem>>)
    %dma_start3A_399 = arith.constant 2 : i32
    %dma_start3A_400 = arith.constant 0 : i32
    %dma_start3A_401 = tpu.memref_slice %arg6[%dma_start3A_399, %dma_start3A_400] : memref<3x1024xi32, #tpu.memory_space<vmem>> -> memref<1x1024xi32, #tpu.memory_space<vmem>>
    %dma_start3A_402 = tpu.memref_squeeze %dma_start3A_401 : memref<1x1024xi32, #tpu.memory_space<vmem>> -> memref<1024xi32, #tpu.memory_space<vmem>>
    %dma_start3A_403 = arith.constant 0 : i32
    %dma_start3A_404 = arith.constant 0 : i32
    %dma_start3A_405 = tpu.memref_slice %arg8[%dma_start3A_403, %dma_start3A_404] : memref<10016x8xf32, #tpu.memory_space<vmem_shared>> -> memref<10016x8xf32, #tpu.memory_space<vmem_shared>>
    tpu.enqueue_indirect_dma source(%arg7 : memref<1024x8xf32, #tpu.memory_space<vmem>>) target(%dma_start3A_405 : memref<10016x8xf32, #tpu.memory_space<vmem_shared>>) offsets(%dma_start3A_402 : memref<1024xi32, #tpu.memory_space<vmem>>) semaphore(%arg10 : memref<!tpu.dma_semaphore, #tpu.memory_space<semaphore_mem>>) {add = true}
    %dma_wait3A_406 = arith.constant 1 : i32
    %dma_wait3A_407 = arith.constant 0 : i32
    %dma_wait3A_408 = tpu.memref_slice %arg6[%dma_wait3A_406, %dma_wait3A_407] : memref<3x1024xi32, #tpu.memory_space<vmem>> -> memref<1x1024xi32, #tpu.memory_space<vmem>>
    %dma_wait3A_409 = tpu.memref_squeeze %dma_wait3A_408 : memref<1x1024xi32, #tpu.memory_space<vmem>> -> memref<1024xi32, #tpu.memory_space<vmem>>
    %dma_wait3A_410 = arith.constant 0 : i32
    %dma_wait3A_411 = arith.constant 0 : i32
    %dma_wait3A_412 = tpu.memref_slice %arg8[%dma_wait3A_410, %dma_wait3A_411] : memref<10016x8xf32, #tpu.memory_space<vmem_shared>> -> memref<10016x8xf32, #tpu.memory_space<vmem_shared>>
    tpu.wait_indirect_dma semaphore(%arg11 : memref<!tpu.dma_semaphore, #tpu.memory_space<semaphore_mem>>) src(%arg7 : memref<1024x8xf32, #tpu.memory_space<vmem>>) dst(%dma_wait3A_412 : memref<10016x8xf32, #tpu.memory_space<vmem_shared>>)
    %dma_wait3A_413 = arith.constant 9 : i32
    %dma_wait3A_414 = arith.constant 1 : i32
    %dma_wait3A_415 = arith.constant 0 : i32
    %dma_wait3A_416 = arith.constant 0 : i32
    %dma_wait3A_417 = tpu.memref_slice %arg6[%dma_wait3A_415, %dma_wait3A_416] : memref<3x1024xi32, #tpu.memory_space<vmem>> -> memref<1x1024xi32, #tpu.memory_space<vmem>>
    %dma_wait3A_418 = tpu.memref_squeeze %dma_wait3A_417 : memref<1x1024xi32, #tpu.memory_space<vmem>> -> memref<1024xi32, #tpu.memory_space<vmem>>
    %dma_wait3A_419 = arith.constant 0 : i32
    %dma_wait3A_420 = tpu.memref_slice %arg2[%add3A, %dma_wait3A_413, %dma_wait3A_414, %dma_wait3A_419] : memref<32x10x2x1024xi32, #tpu.memory_space<hbm>> -> memref<1x1x1x1024xi32, #tpu.memory_space<hbm>>
    %dma_wait3A_421 = tpu.memref_squeeze %dma_wait3A_420 : memref<1x1x1x1024xi32, #tpu.memory_space<hbm>> -> memref<1024xi32, #tpu.memory_space<hbm>>
    %dma_wait3A_422 = arith.constant 0 : i32
    %dma_wait3A_423 = tpu.memref_slice %arg6[%dma_wait3A_415, %dma_wait3A_422] : memref<3x1024xi32, #tpu.memory_space<vmem>> -> memref<1x1024xi32, #tpu.memory_space<vmem>>
    %dma_wait3A_424 = tpu.memref_squeeze %dma_wait3A_423 : memref<1x1024xi32, #tpu.memory_space<vmem>> -> memref<1024xi32, #tpu.memory_space<vmem>>
    %dma_wait3A_425 = arith.constant 0 : i32
    %dma_wait3A_426 = tpu.memref_slice %arg2[%add3A, %dma_wait3A_413, %dma_wait3A_414, %dma_wait3A_425] : memref<32x10x2x1024xi32, #tpu.memory_space<hbm>> -> memref<1x1x1x1024xi32, #tpu.memory_space<hbm>>
    %dma_wait3A_427 = tpu.memref_squeeze %dma_wait3A_426 : memref<1x1x1x1024xi32, #tpu.memory_space<hbm>> -> memref<1024xi32, #tpu.memory_space<hbm>>
    tpu.wait_dma2 semaphore(%arg9 : memref<!tpu.dma_semaphore, #tpu.memory_space<semaphore_mem>>) src(%dma_wait3A_427 : memref<1024xi32, #tpu.memory_space<hbm>>) dst(%dma_wait3A_424 : memref<1024xi32, #tpu.memory_space<vmem>>)
    %dma_start3A_428 = arith.constant 0 : i32
    %dma_start3A_429 = arith.constant 0 : i32
    %dma_start3A_430 = tpu.memref_slice %arg6[%dma_start3A_428, %dma_start3A_429] : memref<3x1024xi32, #tpu.memory_space<vmem>> -> memref<1x1024xi32, #tpu.memory_space<vmem>>
    %dma_start3A_431 = tpu.memref_squeeze %dma_start3A_430 : memref<1x1024xi32, #tpu.memory_space<vmem>> -> memref<1024xi32, #tpu.memory_space<vmem>>
    %dma_start3A_432 = arith.constant 0 : i32
    %dma_start3A_433 = arith.constant 0 : i32
    %dma_start3A_434 = tpu.memref_slice %arg8[%dma_start3A_432, %dma_start3A_433] : memref<10016x8xf32, #tpu.memory_space<vmem_shared>> -> memref<10016x8xf32, #tpu.memory_space<vmem_shared>>
    tpu.enqueue_indirect_dma source(%arg7 : memref<1024x8xf32, #tpu.memory_space<vmem>>) target(%dma_start3A_434 : memref<10016x8xf32, #tpu.memory_space<vmem_shared>>) offsets(%dma_start3A_431 : memref<1024xi32, #tpu.memory_space<vmem>>) semaphore(%arg11 : memref<!tpu.dma_semaphore, #tpu.memory_space<semaphore_mem>>) {add = true}
    %dma_wait3A_435 = arith.constant 2 : i32
    %dma_wait3A_436 = arith.constant 0 : i32
    %dma_wait3A_437 = tpu.memref_slice %arg6[%dma_wait3A_435, %dma_wait3A_436] : memref<3x1024xi32, #tpu.memory_space<vmem>> -> memref<1x1024xi32, #tpu.memory_space<vmem>>
    %dma_wait3A_438 = tpu.memref_squeeze %dma_wait3A_437 : memref<1x1024xi32, #tpu.memory_space<vmem>> -> memref<1024xi32, #tpu.memory_space<vmem>>
    %dma_wait3A_439 = arith.constant 0 : i32
    %dma_wait3A_440 = arith.constant 0 : i32
    %dma_wait3A_441 = tpu.memref_slice %arg8[%dma_wait3A_439, %dma_wait3A_440] : memref<10016x8xf32, #tpu.memory_space<vmem_shared>> -> memref<10016x8xf32, #tpu.memory_space<vmem_shared>>
    tpu.wait_indirect_dma semaphore(%arg10 : memref<!tpu.dma_semaphore, #tpu.memory_space<semaphore_mem>>) src(%arg7 : memref<1024x8xf32, #tpu.memory_space<vmem>>) dst(%dma_wait3A_441 : memref<10016x8xf32, #tpu.memory_space<vmem_shared>>)
    %dma_wait3A_442 = arith.constant 0 : i32
    %dma_wait3A_443 = arith.constant 0 : i32
    %dma_wait3A_444 = tpu.memref_slice %arg6[%dma_wait3A_442, %dma_wait3A_443] : memref<3x1024xi32, #tpu.memory_space<vmem>> -> memref<1x1024xi32, #tpu.memory_space<vmem>>
    %dma_wait3A_445 = tpu.memref_squeeze %dma_wait3A_444 : memref<1x1024xi32, #tpu.memory_space<vmem>> -> memref<1024xi32, #tpu.memory_space<vmem>>
    %dma_wait3A_446 = arith.constant 0 : i32
    %dma_wait3A_447 = arith.constant 0 : i32
    %dma_wait3A_448 = tpu.memref_slice %arg8[%dma_wait3A_446, %dma_wait3A_447] : memref<10016x8xf32, #tpu.memory_space<vmem_shared>> -> memref<10016x8xf32, #tpu.memory_space<vmem_shared>>
    tpu.wait_indirect_dma semaphore(%arg11 : memref<!tpu.dma_semaphore, #tpu.memory_space<semaphore_mem>>) src(%arg7 : memref<1024x8xf32, #tpu.memory_space<vmem>>) dst(%dma_wait3A_448 : memref<10016x8xf32, #tpu.memory_space<vmem_shared>>)
    %barrier3A_449 = arith.constant 0 : index
    tpu.barrier barrier_id(%barrier3A_449)
    "tpu.region"() ({
      %run_scoped3A = tpu.sem_alloc : memref<!tpu.dma_semaphore, #tpu.memory_space<semaphore_mem>>
      %dma_start3A_450 = arith.constant 0 : i32
      %dma_start3A_451 = tpu.memref_slice %arg5[%arg0, %mul3A_2, %dma_start3A_450] : memref<2x10016x8xf32, #tpu.memory_space<hbm>> -> memref<1x626x8xf32, #tpu.memory_space<hbm>>
      %dma_start3A_452 = tpu.memref_squeeze %dma_start3A_451 : memref<1x626x8xf32, #tpu.memory_space<hbm>> -> memref<626x8xf32, #tpu.memory_space<hbm>>
      %dma_start3A_453 = arith.constant 0 : i32
      %dma_start3A_454 = tpu.memref_slice %arg8[%mul3A_2, %dma_start3A_453] : memref<10016x8xf32, #tpu.memory_space<vmem_shared>> -> memref<626x8xf32, #tpu.memory_space<vmem_shared>>
      tpu.enqueue_dma source(%dma_start3A_454 : memref<626x8xf32, #tpu.memory_space<vmem_shared>>) target(%dma_start3A_452 : memref<626x8xf32, #tpu.memory_space<hbm>>) target_semaphore(%run_scoped3A : memref<!tpu.dma_semaphore, #tpu.memory_space<semaphore_mem>>)
      %dma_wait3A_455 = arith.constant 0 : i32
      %dma_wait3A_456 = tpu.memref_slice %arg5[%arg0, %mul3A_2, %dma_wait3A_455] : memref<2x10016x8xf32, #tpu.memory_space<hbm>> -> memref<1x626x8xf32, #tpu.memory_space<hbm>>
      %dma_wait3A_457 = tpu.memref_squeeze %dma_wait3A_456 : memref<1x626x8xf32, #tpu.memory_space<hbm>> -> memref<626x8xf32, #tpu.memory_space<hbm>>
      %dma_wait3A_458 = arith.constant 0 : i32
      %dma_wait3A_459 = tpu.memref_slice %arg8[%mul3A_2, %dma_wait3A_458] : memref<10016x8xf32, #tpu.memory_space<vmem_shared>> -> memref<626x8xf32, #tpu.memory_space<vmem_shared>>
      tpu.wait_dma2 semaphore(%run_scoped3A : memref<!tpu.dma_semaphore, #tpu.memory_space<semaphore_mem>>) src(%dma_wait3A_459 : memref<626x8xf32, #tpu.memory_space<vmem_shared>>) dst(%dma_wait3A_457 : memref<626x8xf32, #tpu.memory_space<hbm>>)
      tpu.yield
    }) : () -> ()
    return
  }
}

#map = affine_map<(d0, d1) -> (0, 0)>
#map1 = affine_map<(d0, d1) -> (0, 0, 0, 0)>
#map2 = affine_map<(d0, d1) -> (0, 0, 0)>
module attributes {stable_mosaic.version = 14 : i64} {
  func.func @_agg_body(%arg0: i32, %arg1: i32, %arg2: memref<10000x32xf32, #tpu.memory_space<hbm>>, %arg3: memref<32x10x2x1024xi32, #tpu.memory_space<hbm>>, %arg4: memref<10016x32xf32, #tpu.memory_space<hbm>>, %arg5: memref<2x10016x32xf32, #tpu.memory_space<hbm>>, %arg6: memref<3x2x1024xi32, #tpu.memory_space<vmem>>, %arg7: memref<2x1024x32xf32, #tpu.memory_space<vmem>>, %arg8: memref<10016x32xf32, #tpu.memory_space<vmem_shared>>, %arg9: memref<10000x32xf32, #tpu.memory_space<vmem_shared>>, %arg10: memref<!tpu.dma_semaphore, #tpu.memory_space<semaphore_mem>>, %arg11: memref<!tpu.dma_semaphore, #tpu.memory_space<semaphore_mem>>, %arg12: memref<!tpu.dma_semaphore, #tpu.memory_space<semaphore_mem>>, %arg13: memref<!tpu.dma_semaphore, #tpu.memory_space<semaphore_mem>>, %arg14: memref<!tpu.dma_semaphore, #tpu.memory_space<semaphore_mem>>) attributes {dimension_semantics = [#tpu.dimension_semantics<core_parallel>, #tpu.dimension_semantics<subcore_parallel>], iteration_bounds = array<i64: 2, 16>, scalar_prefetch = 0 : i64, scratch_operands = 9 : i64, tpu.core_type = #tpu.core_type<sc_vector_subcore>, window_params = [{transform_indices = #map}, {transform_indices = #map1}, {transform_indices = #map}, {transform_indices = #map2}]} {
    %mul3A = arith.constant 2 : i32
    %mul3A_0 = arith.muli %arg1, %mul3A : i32
    %add3A = arith.addi %mul3A_0, %arg0 : i32
    %mul3A_1 = arith.constant 626 : i32
    %mul3A_2 = arith.muli %arg1, %mul3A_1 : i32
    %mul3A_3 = arith.constant 625 : i32
    %mul3A_4 = arith.muli %arg1, %mul3A_3 : i32
    %dma_start3A = arith.constant 0 : i32
    %dma_start3A_5 = tpu.memref_slice %arg8[%mul3A_2, %dma_start3A] : memref<10016x32xf32, #tpu.memory_space<vmem_shared>> -> memref<626x32xf32, #tpu.memory_space<vmem_shared>>
    %dma_start3A_6 = arith.constant 0 : i32
    %dma_start3A_7 = tpu.memref_slice %arg4[%mul3A_2, %dma_start3A_6] : memref<10016x32xf32, #tpu.memory_space<hbm>> -> memref<626x32xf32, #tpu.memory_space<hbm>>
    tpu.enqueue_dma source(%dma_start3A_7 : memref<626x32xf32, #tpu.memory_space<hbm>>) target(%dma_start3A_5 : memref<626x32xf32, #tpu.memory_space<vmem_shared>>) target_semaphore(%arg12 : memref<!tpu.dma_semaphore, #tpu.memory_space<semaphore_mem>>)
    %dma_start3A_8 = arith.constant 0 : i32
    %dma_start3A_9 = tpu.memref_slice %arg9[%mul3A_4, %dma_start3A_8] : memref<10000x32xf32, #tpu.memory_space<vmem_shared>> -> memref<625x32xf32, #tpu.memory_space<vmem_shared>>
    %dma_start3A_10 = arith.constant 0 : i32
    %dma_start3A_11 = tpu.memref_slice %arg2[%mul3A_4, %dma_start3A_10] : memref<10000x32xf32, #tpu.memory_space<hbm>> -> memref<625x32xf32, #tpu.memory_space<hbm>>
    tpu.enqueue_dma source(%dma_start3A_11 : memref<625x32xf32, #tpu.memory_space<hbm>>) target(%dma_start3A_9 : memref<625x32xf32, #tpu.memory_space<vmem_shared>>) target_semaphore(%arg12 : memref<!tpu.dma_semaphore, #tpu.memory_space<semaphore_mem>>)
    %dma_start3A_12 = arith.constant 0 : i32
    %dma_start3A_13 = arith.constant 0 : i32
    %dma_start3A_14 = arith.constant 0 : i32
    %dma_start3A_15 = arith.constant 0 : i32
    %dma_start3A_16 = tpu.memref_slice %arg6[%dma_start3A_13, %dma_start3A_14, %dma_start3A_15] : memref<3x2x1024xi32, #tpu.memory_space<vmem>> -> memref<1x2x1024xi32, #tpu.memory_space<vmem>>
    %dma_start3A_17 = tpu.memref_squeeze %dma_start3A_16 : memref<1x2x1024xi32, #tpu.memory_space<vmem>> -> memref<2x1024xi32, #tpu.memory_space<vmem>>
    %dma_start3A_18 = arith.constant 0 : i32
    %dma_start3A_19 = arith.constant 0 : i32
    %dma_start3A_20 = tpu.memref_slice %arg3[%add3A, %dma_start3A_12, %dma_start3A_18, %dma_start3A_19] : memref<32x10x2x1024xi32, #tpu.memory_space<hbm>> -> memref<1x1x2x1024xi32, #tpu.memory_space<hbm>>
    %dma_start3A_21 = tpu.memref_squeeze %dma_start3A_20 : memref<1x1x2x1024xi32, #tpu.memory_space<hbm>> -> memref<2x1024xi32, #tpu.memory_space<hbm>>
    %dma_start3A_22 = arith.constant 0 : i32
    %dma_start3A_23 = arith.constant 0 : i32
    %dma_start3A_24 = tpu.memref_slice %arg6[%dma_start3A_13, %dma_start3A_22, %dma_start3A_23] : memref<3x2x1024xi32, #tpu.memory_space<vmem>> -> memref<1x2x1024xi32, #tpu.memory_space<vmem>>
    %dma_start3A_25 = tpu.memref_squeeze %dma_start3A_24 : memref<1x2x1024xi32, #tpu.memory_space<vmem>> -> memref<2x1024xi32, #tpu.memory_space<vmem>>
    %dma_start3A_26 = arith.constant 0 : i32
    %dma_start3A_27 = arith.constant 0 : i32
    %dma_start3A_28 = tpu.memref_slice %arg3[%add3A, %dma_start3A_12, %dma_start3A_26, %dma_start3A_27] : memref<32x10x2x1024xi32, #tpu.memory_space<hbm>> -> memref<1x1x2x1024xi32, #tpu.memory_space<hbm>>
    %dma_start3A_29 = tpu.memref_squeeze %dma_start3A_28 : memref<1x1x2x1024xi32, #tpu.memory_space<hbm>> -> memref<2x1024xi32, #tpu.memory_space<hbm>>
    tpu.enqueue_dma source(%dma_start3A_29 : memref<2x1024xi32, #tpu.memory_space<hbm>>) target(%dma_start3A_25 : memref<2x1024xi32, #tpu.memory_space<vmem>>) target_semaphore(%arg11 : memref<!tpu.dma_semaphore, #tpu.memory_space<semaphore_mem>>)
    %dma_start3A_30 = arith.constant 1 : i32
    %dma_start3A_31 = arith.constant 1 : i32
    %dma_start3A_32 = arith.constant 0 : i32
    %dma_start3A_33 = arith.constant 0 : i32
    %dma_start3A_34 = tpu.memref_slice %arg6[%dma_start3A_31, %dma_start3A_32, %dma_start3A_33] : memref<3x2x1024xi32, #tpu.memory_space<vmem>> -> memref<1x2x1024xi32, #tpu.memory_space<vmem>>
    %dma_start3A_35 = tpu.memref_squeeze %dma_start3A_34 : memref<1x2x1024xi32, #tpu.memory_space<vmem>> -> memref<2x1024xi32, #tpu.memory_space<vmem>>
    %dma_start3A_36 = arith.constant 0 : i32
    %dma_start3A_37 = arith.constant 0 : i32
    %dma_start3A_38 = tpu.memref_slice %arg3[%add3A, %dma_start3A_30, %dma_start3A_36, %dma_start3A_37] : memref<32x10x2x1024xi32, #tpu.memory_space<hbm>> -> memref<1x1x2x1024xi32, #tpu.memory_space<hbm>>
    %dma_start3A_39 = tpu.memref_squeeze %dma_start3A_38 : memref<1x1x2x1024xi32, #tpu.memory_space<hbm>> -> memref<2x1024xi32, #tpu.memory_space<hbm>>
    %dma_start3A_40 = arith.constant 0 : i32
    %dma_start3A_41 = arith.constant 0 : i32
    %dma_start3A_42 = tpu.memref_slice %arg6[%dma_start3A_31, %dma_start3A_40, %dma_start3A_41] : memref<3x2x1024xi32, #tpu.memory_space<vmem>> -> memref<1x2x1024xi32, #tpu.memory_space<vmem>>
    %dma_start3A_43 = tpu.memref_squeeze %dma_start3A_42 : memref<1x2x1024xi32, #tpu.memory_space<vmem>> -> memref<2x1024xi32, #tpu.memory_space<vmem>>
    %dma_start3A_44 = arith.constant 0 : i32
    %dma_start3A_45 = arith.constant 0 : i32
    %dma_start3A_46 = tpu.memref_slice %arg3[%add3A, %dma_start3A_30, %dma_start3A_44, %dma_start3A_45] : memref<32x10x2x1024xi32, #tpu.memory_space<hbm>> -> memref<1x1x2x1024xi32, #tpu.memory_space<hbm>>
    %dma_start3A_47 = tpu.memref_squeeze %dma_start3A_46 : memref<1x1x2x1024xi32, #tpu.memory_space<hbm>> -> memref<2x1024xi32, #tpu.memory_space<hbm>>
    tpu.enqueue_dma source(%dma_start3A_47 : memref<2x1024xi32, #tpu.memory_space<hbm>>) target(%dma_start3A_43 : memref<2x1024xi32, #tpu.memory_space<vmem>>) target_semaphore(%arg11 : memref<!tpu.dma_semaphore, #tpu.memory_space<semaphore_mem>>)
    %dma_wait3A = arith.constant 0 : i32
    %dma_wait3A_48 = arith.constant 0 : i32
    %dma_wait3A_49 = arith.constant 0 : i32
    %dma_wait3A_50 = arith.constant 0 : i32
    %dma_wait3A_51 = tpu.memref_slice %arg6[%dma_wait3A_48, %dma_wait3A_49, %dma_wait3A_50] : memref<3x2x1024xi32, #tpu.memory_space<vmem>> -> memref<1x2x1024xi32, #tpu.memory_space<vmem>>
    %dma_wait3A_52 = tpu.memref_squeeze %dma_wait3A_51 : memref<1x2x1024xi32, #tpu.memory_space<vmem>> -> memref<2x1024xi32, #tpu.memory_space<vmem>>
    %dma_wait3A_53 = arith.constant 0 : i32
    %dma_wait3A_54 = arith.constant 0 : i32
    %dma_wait3A_55 = tpu.memref_slice %arg3[%add3A, %dma_wait3A, %dma_wait3A_53, %dma_wait3A_54] : memref<32x10x2x1024xi32, #tpu.memory_space<hbm>> -> memref<1x1x2x1024xi32, #tpu.memory_space<hbm>>
    %dma_wait3A_56 = tpu.memref_squeeze %dma_wait3A_55 : memref<1x1x2x1024xi32, #tpu.memory_space<hbm>> -> memref<2x1024xi32, #tpu.memory_space<hbm>>
    %dma_wait3A_57 = arith.constant 0 : i32
    %dma_wait3A_58 = arith.constant 0 : i32
    %dma_wait3A_59 = tpu.memref_slice %arg6[%dma_wait3A_48, %dma_wait3A_57, %dma_wait3A_58] : memref<3x2x1024xi32, #tpu.memory_space<vmem>> -> memref<1x2x1024xi32, #tpu.memory_space<vmem>>
    %dma_wait3A_60 = tpu.memref_squeeze %dma_wait3A_59 : memref<1x2x1024xi32, #tpu.memory_space<vmem>> -> memref<2x1024xi32, #tpu.memory_space<vmem>>
    %dma_wait3A_61 = arith.constant 0 : i32
    %dma_wait3A_62 = arith.constant 0 : i32
    %dma_wait3A_63 = tpu.memref_slice %arg3[%add3A, %dma_wait3A, %dma_wait3A_61, %dma_wait3A_62] : memref<32x10x2x1024xi32, #tpu.memory_space<hbm>> -> memref<1x1x2x1024xi32, #tpu.memory_space<hbm>>
    %dma_wait3A_64 = tpu.memref_squeeze %dma_wait3A_63 : memref<1x1x2x1024xi32, #tpu.memory_space<hbm>> -> memref<2x1024xi32, #tpu.memory_space<hbm>>
    tpu.wait_dma2 semaphore(%arg11 : memref<!tpu.dma_semaphore, #tpu.memory_space<semaphore_mem>>) src(%dma_wait3A_64 : memref<2x1024xi32, #tpu.memory_space<hbm>>) dst(%dma_wait3A_60 : memref<2x1024xi32, #tpu.memory_space<vmem>>)
    %dma_start3A_65 = arith.constant 0 : i32
    %dma_start3A_66 = arith.constant 0 : i32
    %dma_start3A_67 = arith.constant 0 : i32
    %dma_start3A_68 = arith.constant 0 : i32
    %dma_start3A_69 = arith.constant 0 : i32
    %dma_start3A_70 = tpu.memref_slice %arg7[%dma_start3A_67, %dma_start3A_68, %dma_start3A_69] : memref<2x1024x32xf32, #tpu.memory_space<vmem>> -> memref<1x1024x32xf32, #tpu.memory_space<vmem>>
    %dma_start3A_71 = tpu.memref_squeeze %dma_start3A_70 : memref<1x1024x32xf32, #tpu.memory_space<vmem>> -> memref<1024x32xf32, #tpu.memory_space<vmem>>
    %dma_start3A_72 = arith.constant 0 : i32
    %dma_start3A_73 = tpu.memref_slice %arg6[%dma_start3A_65, %dma_start3A_66, %dma_start3A_72] : memref<3x2x1024xi32, #tpu.memory_space<vmem>> -> memref<1x1x1024xi32, #tpu.memory_space<vmem>>
    %dma_start3A_74 = tpu.memref_squeeze %dma_start3A_73 : memref<1x1x1024xi32, #tpu.memory_space<vmem>> -> memref<1024xi32, #tpu.memory_space<vmem>>
    %dma_start3A_75 = arith.constant 0 : i32
    %dma_start3A_76 = arith.constant 0 : i32
    %dma_start3A_77 = tpu.memref_slice %arg2[%dma_start3A_75, %dma_start3A_76] : memref<10000x32xf32, #tpu.memory_space<hbm>> -> memref<10000x32xf32, #tpu.memory_space<hbm>>
    tpu.enqueue_indirect_dma source(%dma_start3A_77 : memref<10000x32xf32, #tpu.memory_space<hbm>>) target(%dma_start3A_71 : memref<1024x32xf32, #tpu.memory_space<vmem>>) offsets(%dma_start3A_74 : memref<1024xi32, #tpu.memory_space<vmem>>) semaphore(%arg10 : memref<!tpu.dma_semaphore, #tpu.memory_space<semaphore_mem>>)
    %dma_wait3A_78 = arith.constant 1 : i32
    %dma_wait3A_79 = arith.constant 1 : i32
    %dma_wait3A_80 = arith.constant 0 : i32
    %dma_wait3A_81 = arith.constant 0 : i32
    %dma_wait3A_82 = tpu.memref_slice %arg6[%dma_wait3A_79, %dma_wait3A_80, %dma_wait3A_81] : memref<3x2x1024xi32, #tpu.memory_space<vmem>> -> memref<1x2x1024xi32, #tpu.memory_space<vmem>>
    %dma_wait3A_83 = tpu.memref_squeeze %dma_wait3A_82 : memref<1x2x1024xi32, #tpu.memory_space<vmem>> -> memref<2x1024xi32, #tpu.memory_space<vmem>>
    %dma_wait3A_84 = arith.constant 0 : i32
    %dma_wait3A_85 = arith.constant 0 : i32
    %dma_wait3A_86 = tpu.memref_slice %arg3[%add3A, %dma_wait3A_78, %dma_wait3A_84, %dma_wait3A_85] : memref<32x10x2x1024xi32, #tpu.memory_space<hbm>> -> memref<1x1x2x1024xi32, #tpu.memory_space<hbm>>
    %dma_wait3A_87 = tpu.memref_squeeze %dma_wait3A_86 : memref<1x1x2x1024xi32, #tpu.memory_space<hbm>> -> memref<2x1024xi32, #tpu.memory_space<hbm>>
    %dma_wait3A_88 = arith.constant 0 : i32
    %dma_wait3A_89 = arith.constant 0 : i32
    %dma_wait3A_90 = tpu.memref_slice %arg6[%dma_wait3A_79, %dma_wait3A_88, %dma_wait3A_89] : memref<3x2x1024xi32, #tpu.memory_space<vmem>> -> memref<1x2x1024xi32, #tpu.memory_space<vmem>>
    %dma_wait3A_91 = tpu.memref_squeeze %dma_wait3A_90 : memref<1x2x1024xi32, #tpu.memory_space<vmem>> -> memref<2x1024xi32, #tpu.memory_space<vmem>>
    %dma_wait3A_92 = arith.constant 0 : i32
    %dma_wait3A_93 = arith.constant 0 : i32
    %dma_wait3A_94 = tpu.memref_slice %arg3[%add3A, %dma_wait3A_78, %dma_wait3A_92, %dma_wait3A_93] : memref<32x10x2x1024xi32, #tpu.memory_space<hbm>> -> memref<1x1x2x1024xi32, #tpu.memory_space<hbm>>
    %dma_wait3A_95 = tpu.memref_squeeze %dma_wait3A_94 : memref<1x1x2x1024xi32, #tpu.memory_space<hbm>> -> memref<2x1024xi32, #tpu.memory_space<hbm>>
    tpu.wait_dma2 semaphore(%arg11 : memref<!tpu.dma_semaphore, #tpu.memory_space<semaphore_mem>>) src(%dma_wait3A_95 : memref<2x1024xi32, #tpu.memory_space<hbm>>) dst(%dma_wait3A_91 : memref<2x1024xi32, #tpu.memory_space<vmem>>)
    %dma_start3A_96 = arith.constant 1 : i32
    %dma_start3A_97 = arith.constant 0 : i32
    %dma_start3A_98 = arith.constant 1 : i32
    %dma_start3A_99 = arith.constant 0 : i32
    %dma_start3A_100 = arith.constant 0 : i32
    %dma_start3A_101 = tpu.memref_slice %arg7[%dma_start3A_98, %dma_start3A_99, %dma_start3A_100] : memref<2x1024x32xf32, #tpu.memory_space<vmem>> -> memref<1x1024x32xf32, #tpu.memory_space<vmem>>
    %dma_start3A_102 = tpu.memref_squeeze %dma_start3A_101 : memref<1x1024x32xf32, #tpu.memory_space<vmem>> -> memref<1024x32xf32, #tpu.memory_space<vmem>>
    %dma_start3A_103 = arith.constant 0 : i32
    %dma_start3A_104 = tpu.memref_slice %arg6[%dma_start3A_96, %dma_start3A_97, %dma_start3A_103] : memref<3x2x1024xi32, #tpu.memory_space<vmem>> -> memref<1x1x1024xi32, #tpu.memory_space<vmem>>
    %dma_start3A_105 = tpu.memref_squeeze %dma_start3A_104 : memref<1x1x1024xi32, #tpu.memory_space<vmem>> -> memref<1024xi32, #tpu.memory_space<vmem>>
    %dma_start3A_106 = arith.constant 0 : i32
    %dma_start3A_107 = arith.constant 0 : i32
    %dma_start3A_108 = tpu.memref_slice %arg2[%dma_start3A_106, %dma_start3A_107] : memref<10000x32xf32, #tpu.memory_space<hbm>> -> memref<10000x32xf32, #tpu.memory_space<hbm>>
    tpu.enqueue_indirect_dma source(%dma_start3A_108 : memref<10000x32xf32, #tpu.memory_space<hbm>>) target(%dma_start3A_102 : memref<1024x32xf32, #tpu.memory_space<vmem>>) offsets(%dma_start3A_105 : memref<1024xi32, #tpu.memory_space<vmem>>) semaphore(%arg10 : memref<!tpu.dma_semaphore, #tpu.memory_space<semaphore_mem>>)
    %dma_wait3A_109 = arith.constant 0 : i32
    %dma_wait3A_110 = tpu.memref_slice %arg8[%mul3A_2, %dma_wait3A_109] : memref<10016x32xf32, #tpu.memory_space<vmem_shared>> -> memref<626x32xf32, #tpu.memory_space<vmem_shared>>
    %dma_wait3A_111 = arith.constant 0 : i32
    %dma_wait3A_112 = tpu.memref_slice %arg4[%mul3A_2, %dma_wait3A_111] : memref<10016x32xf32, #tpu.memory_space<hbm>> -> memref<626x32xf32, #tpu.memory_space<hbm>>
    tpu.wait_dma2 semaphore(%arg12 : memref<!tpu.dma_semaphore, #tpu.memory_space<semaphore_mem>>) src(%dma_wait3A_112 : memref<626x32xf32, #tpu.memory_space<hbm>>) dst(%dma_wait3A_110 : memref<626x32xf32, #tpu.memory_space<vmem_shared>>)
    %dma_wait3A_113 = arith.constant 0 : i32
    %dma_wait3A_114 = tpu.memref_slice %arg9[%mul3A_4, %dma_wait3A_113] : memref<10000x32xf32, #tpu.memory_space<vmem_shared>> -> memref<625x32xf32, #tpu.memory_space<vmem_shared>>
    %dma_wait3A_115 = arith.constant 0 : i32
    %dma_wait3A_116 = tpu.memref_slice %arg2[%mul3A_4, %dma_wait3A_115] : memref<10000x32xf32, #tpu.memory_space<hbm>> -> memref<625x32xf32, #tpu.memory_space<hbm>>
    tpu.wait_dma2 semaphore(%arg12 : memref<!tpu.dma_semaphore, #tpu.memory_space<semaphore_mem>>) src(%dma_wait3A_116 : memref<625x32xf32, #tpu.memory_space<hbm>>) dst(%dma_wait3A_114 : memref<625x32xf32, #tpu.memory_space<vmem_shared>>)
    %barrier3A = arith.constant 0 : index
    tpu.barrier barrier_id(%barrier3A)
    %dma_wait3A_117 = arith.constant 0 : i32
    %dma_wait3A_118 = arith.constant 0 : i32
    %dma_wait3A_119 = arith.constant 0 : i32
    %dma_wait3A_120 = arith.constant 0 : i32
    %dma_wait3A_121 = arith.constant 0 : i32
    %dma_wait3A_122 = tpu.memref_slice %arg7[%dma_wait3A_119, %dma_wait3A_120, %dma_wait3A_121] : memref<2x1024x32xf32, #tpu.memory_space<vmem>> -> memref<1x1024x32xf32, #tpu.memory_space<vmem>>
    %dma_wait3A_123 = tpu.memref_squeeze %dma_wait3A_122 : memref<1x1024x32xf32, #tpu.memory_space<vmem>> -> memref<1024x32xf32, #tpu.memory_space<vmem>>
    %dma_wait3A_124 = arith.constant 0 : i32
    %dma_wait3A_125 = tpu.memref_slice %arg6[%dma_wait3A_117, %dma_wait3A_118, %dma_wait3A_124] : memref<3x2x1024xi32, #tpu.memory_space<vmem>> -> memref<1x1x1024xi32, #tpu.memory_space<vmem>>
    %dma_wait3A_126 = tpu.memref_squeeze %dma_wait3A_125 : memref<1x1x1024xi32, #tpu.memory_space<vmem>> -> memref<1024xi32, #tpu.memory_space<vmem>>
    %dma_wait3A_127 = arith.constant 0 : i32
    %dma_wait3A_128 = arith.constant 0 : i32
    %dma_wait3A_129 = tpu.memref_slice %arg2[%dma_wait3A_127, %dma_wait3A_128] : memref<10000x32xf32, #tpu.memory_space<hbm>> -> memref<10000x32xf32, #tpu.memory_space<hbm>>
    tpu.wait_indirect_dma semaphore(%arg10 : memref<!tpu.dma_semaphore, #tpu.memory_space<semaphore_mem>>) src(%dma_wait3A_129 : memref<10000x32xf32, #tpu.memory_space<hbm>>) dst(%dma_wait3A_123 : memref<1024x32xf32, #tpu.memory_space<vmem>>)
    %dma_start3A_130 = arith.constant 0 : i32
    %dma_start3A_131 = arith.constant 0 : i32
    %dma_start3A_132 = arith.constant 1 : i32
    %dma_start3A_133 = arith.constant 0 : i32
    %dma_start3A_134 = arith.constant 0 : i32
    %dma_start3A_135 = tpu.memref_slice %arg7[%dma_start3A_130, %dma_start3A_133, %dma_start3A_134] : memref<2x1024x32xf32, #tpu.memory_space<vmem>> -> memref<1x1024x32xf32, #tpu.memory_space<vmem>>
    %dma_start3A_136 = tpu.memref_squeeze %dma_start3A_135 : memref<1x1024x32xf32, #tpu.memory_space<vmem>> -> memref<1024x32xf32, #tpu.memory_space<vmem>>
    %dma_start3A_137 = arith.constant 0 : i32
    %dma_start3A_138 = tpu.memref_slice %arg6[%dma_start3A_131, %dma_start3A_132, %dma_start3A_137] : memref<3x2x1024xi32, #tpu.memory_space<vmem>> -> memref<1x1x1024xi32, #tpu.memory_space<vmem>>
    %dma_start3A_139 = tpu.memref_squeeze %dma_start3A_138 : memref<1x1x1024xi32, #tpu.memory_space<vmem>> -> memref<1024xi32, #tpu.memory_space<vmem>>
    %dma_start3A_140 = arith.constant 0 : i32
    %dma_start3A_141 = arith.constant 0 : i32
    %dma_start3A_142 = tpu.memref_slice %arg8[%dma_start3A_140, %dma_start3A_141] : memref<10016x32xf32, #tpu.memory_space<vmem_shared>> -> memref<10016x32xf32, #tpu.memory_space<vmem_shared>>
    tpu.enqueue_indirect_dma source(%dma_start3A_136 : memref<1024x32xf32, #tpu.memory_space<vmem>>) target(%dma_start3A_142 : memref<10016x32xf32, #tpu.memory_space<vmem_shared>>) offsets(%dma_start3A_139 : memref<1024xi32, #tpu.memory_space<vmem>>) semaphore(%arg13 : memref<!tpu.dma_semaphore, #tpu.memory_space<semaphore_mem>>) {add = true}
    %dma_start3A_143 = arith.constant 2 : i32
    %dma_start3A_144 = arith.constant 2 : i32
    %dma_start3A_145 = arith.constant 0 : i32
    %dma_start3A_146 = arith.constant 0 : i32
    %dma_start3A_147 = tpu.memref_slice %arg6[%dma_start3A_144, %dma_start3A_145, %dma_start3A_146] : memref<3x2x1024xi32, #tpu.memory_space<vmem>> -> memref<1x2x1024xi32, #tpu.memory_space<vmem>>
    %dma_start3A_148 = tpu.memref_squeeze %dma_start3A_147 : memref<1x2x1024xi32, #tpu.memory_space<vmem>> -> memref<2x1024xi32, #tpu.memory_space<vmem>>
    %dma_start3A_149 = arith.constant 0 : i32
    %dma_start3A_150 = arith.constant 0 : i32
    %dma_start3A_151 = tpu.memref_slice %arg3[%add3A, %dma_start3A_143, %dma_start3A_149, %dma_start3A_150] : memref<32x10x2x1024xi32, #tpu.memory_space<hbm>> -> memref<1x1x2x1024xi32, #tpu.memory_space<hbm>>
    %dma_start3A_152 = tpu.memref_squeeze %dma_start3A_151 : memref<1x1x2x1024xi32, #tpu.memory_space<hbm>> -> memref<2x1024xi32, #tpu.memory_space<hbm>>
    %dma_start3A_153 = arith.constant 0 : i32
    %dma_start3A_154 = arith.constant 0 : i32
    %dma_start3A_155 = tpu.memref_slice %arg6[%dma_start3A_144, %dma_start3A_153, %dma_start3A_154] : memref<3x2x1024xi32, #tpu.memory_space<vmem>> -> memref<1x2x1024xi32, #tpu.memory_space<vmem>>
    %dma_start3A_156 = tpu.memref_squeeze %dma_start3A_155 : memref<1x2x1024xi32, #tpu.memory_space<vmem>> -> memref<2x1024xi32, #tpu.memory_space<vmem>>
    %dma_start3A_157 = arith.constant 0 : i32
    %dma_start3A_158 = arith.constant 0 : i32
    %dma_start3A_159 = tpu.memref_slice %arg3[%add3A, %dma_start3A_143, %dma_start3A_157, %dma_start3A_158] : memref<32x10x2x1024xi32, #tpu.memory_space<hbm>> -> memref<1x1x2x1024xi32, #tpu.memory_space<hbm>>
    %dma_start3A_160 = tpu.memref_squeeze %dma_start3A_159 : memref<1x1x2x1024xi32, #tpu.memory_space<hbm>> -> memref<2x1024xi32, #tpu.memory_space<hbm>>
    tpu.enqueue_dma source(%dma_start3A_160 : memref<2x1024xi32, #tpu.memory_space<hbm>>) target(%dma_start3A_156 : memref<2x1024xi32, #tpu.memory_space<vmem>>) target_semaphore(%arg11 : memref<!tpu.dma_semaphore, #tpu.memory_space<semaphore_mem>>)
    %dma_wait3A_161 = arith.constant 1 : i32
    %dma_wait3A_162 = arith.constant 0 : i32
    %dma_wait3A_163 = arith.constant 1 : i32
    %dma_wait3A_164 = arith.constant 0 : i32
    %dma_wait3A_165 = arith.constant 0 : i32
    %dma_wait3A_166 = tpu.memref_slice %arg7[%dma_wait3A_163, %dma_wait3A_164, %dma_wait3A_165] : memref<2x1024x32xf32, #tpu.memory_space<vmem>> -> memref<1x1024x32xf32, #tpu.memory_space<vmem>>
    %dma_wait3A_167 = tpu.memref_squeeze %dma_wait3A_166 : memref<1x1024x32xf32, #tpu.memory_space<vmem>> -> memref<1024x32xf32, #tpu.memory_space<vmem>>
    %dma_wait3A_168 = arith.constant 0 : i32
    %dma_wait3A_169 = tpu.memref_slice %arg6[%dma_wait3A_161, %dma_wait3A_162, %dma_wait3A_168] : memref<3x2x1024xi32, #tpu.memory_space<vmem>> -> memref<1x1x1024xi32, #tpu.memory_space<vmem>>
    %dma_wait3A_170 = tpu.memref_squeeze %dma_wait3A_169 : memref<1x1x1024xi32, #tpu.memory_space<vmem>> -> memref<1024xi32, #tpu.memory_space<vmem>>
    %dma_wait3A_171 = arith.constant 0 : i32
    %dma_wait3A_172 = arith.constant 0 : i32
    %dma_wait3A_173 = tpu.memref_slice %arg2[%dma_wait3A_171, %dma_wait3A_172] : memref<10000x32xf32, #tpu.memory_space<hbm>> -> memref<10000x32xf32, #tpu.memory_space<hbm>>
    tpu.wait_indirect_dma semaphore(%arg10 : memref<!tpu.dma_semaphore, #tpu.memory_space<semaphore_mem>>) src(%dma_wait3A_173 : memref<10000x32xf32, #tpu.memory_space<hbm>>) dst(%dma_wait3A_167 : memref<1024x32xf32, #tpu.memory_space<vmem>>)
    %dma_start3A_174 = arith.constant 1 : i32
    %dma_start3A_175 = arith.constant 1 : i32
    %dma_start3A_176 = arith.constant 1 : i32
    %dma_start3A_177 = arith.constant 0 : i32
    %dma_start3A_178 = arith.constant 0 : i32
    %dma_start3A_179 = tpu.memref_slice %arg7[%dma_start3A_174, %dma_start3A_177, %dma_start3A_178] : memref<2x1024x32xf32, #tpu.memory_space<vmem>> -> memref<1x1024x32xf32, #tpu.memory_space<vmem>>
    %dma_start3A_180 = tpu.memref_squeeze %dma_start3A_179 : memref<1x1024x32xf32, #tpu.memory_space<vmem>> -> memref<1024x32xf32, #tpu.memory_space<vmem>>
    %dma_start3A_181 = arith.constant 0 : i32
    %dma_start3A_182 = tpu.memref_slice %arg6[%dma_start3A_175, %dma_start3A_176, %dma_start3A_181] : memref<3x2x1024xi32, #tpu.memory_space<vmem>> -> memref<1x1x1024xi32, #tpu.memory_space<vmem>>
    %dma_start3A_183 = tpu.memref_squeeze %dma_start3A_182 : memref<1x1x1024xi32, #tpu.memory_space<vmem>> -> memref<1024xi32, #tpu.memory_space<vmem>>
    %dma_start3A_184 = arith.constant 0 : i32
    %dma_start3A_185 = arith.constant 0 : i32
    %dma_start3A_186 = tpu.memref_slice %arg8[%dma_start3A_184, %dma_start3A_185] : memref<10016x32xf32, #tpu.memory_space<vmem_shared>> -> memref<10016x32xf32, #tpu.memory_space<vmem_shared>>
    tpu.enqueue_indirect_dma source(%dma_start3A_180 : memref<1024x32xf32, #tpu.memory_space<vmem>>) target(%dma_start3A_186 : memref<10016x32xf32, #tpu.memory_space<vmem_shared>>) offsets(%dma_start3A_183 : memref<1024xi32, #tpu.memory_space<vmem>>) semaphore(%arg14 : memref<!tpu.dma_semaphore, #tpu.memory_space<semaphore_mem>>) {add = true}
    %dma_wait3A_187 = arith.constant 0 : i32
    %dma_wait3A_188 = arith.constant 0 : i32
    %dma_wait3A_189 = arith.constant 1 : i32
    %dma_wait3A_190 = arith.constant 0 : i32
    %dma_wait3A_191 = arith.constant 0 : i32
    %dma_wait3A_192 = tpu.memref_slice %arg7[%dma_wait3A_187, %dma_wait3A_190, %dma_wait3A_191] : memref<2x1024x32xf32, #tpu.memory_space<vmem>> -> memref<1x1024x32xf32, #tpu.memory_space<vmem>>
    %dma_wait3A_193 = tpu.memref_squeeze %dma_wait3A_192 : memref<1x1024x32xf32, #tpu.memory_space<vmem>> -> memref<1024x32xf32, #tpu.memory_space<vmem>>
    %dma_wait3A_194 = arith.constant 0 : i32
    %dma_wait3A_195 = tpu.memref_slice %arg6[%dma_wait3A_188, %dma_wait3A_189, %dma_wait3A_194] : memref<3x2x1024xi32, #tpu.memory_space<vmem>> -> memref<1x1x1024xi32, #tpu.memory_space<vmem>>
    %dma_wait3A_196 = tpu.memref_squeeze %dma_wait3A_195 : memref<1x1x1024xi32, #tpu.memory_space<vmem>> -> memref<1024xi32, #tpu.memory_space<vmem>>
    %dma_wait3A_197 = arith.constant 0 : i32
    %dma_wait3A_198 = arith.constant 0 : i32
    %dma_wait3A_199 = tpu.memref_slice %arg8[%dma_wait3A_197, %dma_wait3A_198] : memref<10016x32xf32, #tpu.memory_space<vmem_shared>> -> memref<10016x32xf32, #tpu.memory_space<vmem_shared>>
    tpu.wait_indirect_dma semaphore(%arg13 : memref<!tpu.dma_semaphore, #tpu.memory_space<semaphore_mem>>) src(%dma_wait3A_193 : memref<1024x32xf32, #tpu.memory_space<vmem>>) dst(%dma_wait3A_199 : memref<10016x32xf32, #tpu.memory_space<vmem_shared>>)
    %dma_wait3A_200 = arith.constant 2 : i32
    %dma_wait3A_201 = arith.constant 2 : i32
    %dma_wait3A_202 = arith.constant 0 : i32
    %dma_wait3A_203 = arith.constant 0 : i32
    %dma_wait3A_204 = tpu.memref_slice %arg6[%dma_wait3A_201, %dma_wait3A_202, %dma_wait3A_203] : memref<3x2x1024xi32, #tpu.memory_space<vmem>> -> memref<1x2x1024xi32, #tpu.memory_space<vmem>>
    %dma_wait3A_205 = tpu.memref_squeeze %dma_wait3A_204 : memref<1x2x1024xi32, #tpu.memory_space<vmem>> -> memref<2x1024xi32, #tpu.memory_space<vmem>>
    %dma_wait3A_206 = arith.constant 0 : i32
    %dma_wait3A_207 = arith.constant 0 : i32
    %dma_wait3A_208 = tpu.memref_slice %arg3[%add3A, %dma_wait3A_200, %dma_wait3A_206, %dma_wait3A_207] : memref<32x10x2x1024xi32, #tpu.memory_space<hbm>> -> memref<1x1x2x1024xi32, #tpu.memory_space<hbm>>
    %dma_wait3A_209 = tpu.memref_squeeze %dma_wait3A_208 : memref<1x1x2x1024xi32, #tpu.memory_space<hbm>> -> memref<2x1024xi32, #tpu.memory_space<hbm>>
    %dma_wait3A_210 = arith.constant 0 : i32
    %dma_wait3A_211 = arith.constant 0 : i32
    %dma_wait3A_212 = tpu.memref_slice %arg6[%dma_wait3A_201, %dma_wait3A_210, %dma_wait3A_211] : memref<3x2x1024xi32, #tpu.memory_space<vmem>> -> memref<1x2x1024xi32, #tpu.memory_space<vmem>>
    %dma_wait3A_213 = tpu.memref_squeeze %dma_wait3A_212 : memref<1x2x1024xi32, #tpu.memory_space<vmem>> -> memref<2x1024xi32, #tpu.memory_space<vmem>>
    %dma_wait3A_214 = arith.constant 0 : i32
    %dma_wait3A_215 = arith.constant 0 : i32
    %dma_wait3A_216 = tpu.memref_slice %arg3[%add3A, %dma_wait3A_200, %dma_wait3A_214, %dma_wait3A_215] : memref<32x10x2x1024xi32, #tpu.memory_space<hbm>> -> memref<1x1x2x1024xi32, #tpu.memory_space<hbm>>
    %dma_wait3A_217 = tpu.memref_squeeze %dma_wait3A_216 : memref<1x1x2x1024xi32, #tpu.memory_space<hbm>> -> memref<2x1024xi32, #tpu.memory_space<hbm>>
    tpu.wait_dma2 semaphore(%arg11 : memref<!tpu.dma_semaphore, #tpu.memory_space<semaphore_mem>>) src(%dma_wait3A_217 : memref<2x1024xi32, #tpu.memory_space<hbm>>) dst(%dma_wait3A_213 : memref<2x1024xi32, #tpu.memory_space<vmem>>)
    %dma_start3A_218 = arith.constant 2 : i32
    %dma_start3A_219 = arith.constant 0 : i32
    %dma_start3A_220 = arith.constant 0 : i32
    %dma_start3A_221 = arith.constant 0 : i32
    %dma_start3A_222 = arith.constant 0 : i32
    %dma_start3A_223 = tpu.memref_slice %arg7[%dma_start3A_220, %dma_start3A_221, %dma_start3A_222] : memref<2x1024x32xf32, #tpu.memory_space<vmem>> -> memref<1x1024x32xf32, #tpu.memory_space<vmem>>
    %dma_start3A_224 = tpu.memref_squeeze %dma_start3A_223 : memref<1x1024x32xf32, #tpu.memory_space<vmem>> -> memref<1024x32xf32, #tpu.memory_space<vmem>>
    %dma_start3A_225 = arith.constant 0 : i32
    %dma_start3A_226 = tpu.memref_slice %arg6[%dma_start3A_218, %dma_start3A_219, %dma_start3A_225] : memref<3x2x1024xi32, #tpu.memory_space<vmem>> -> memref<1x1x1024xi32, #tpu.memory_space<vmem>>
    %dma_start3A_227 = tpu.memref_squeeze %dma_start3A_226 : memref<1x1x1024xi32, #tpu.memory_space<vmem>> -> memref<1024xi32, #tpu.memory_space<vmem>>
    %dma_start3A_228 = arith.constant 0 : i32
    %dma_start3A_229 = arith.constant 0 : i32
    %dma_start3A_230 = tpu.memref_slice %arg9[%dma_start3A_228, %dma_start3A_229] : memref<10000x32xf32, #tpu.memory_space<vmem_shared>> -> memref<10000x32xf32, #tpu.memory_space<vmem_shared>>
    tpu.enqueue_indirect_dma source(%dma_start3A_230 : memref<10000x32xf32, #tpu.memory_space<vmem_shared>>) target(%dma_start3A_224 : memref<1024x32xf32, #tpu.memory_space<vmem>>) offsets(%dma_start3A_227 : memref<1024xi32, #tpu.memory_space<vmem>>) semaphore(%arg10 : memref<!tpu.dma_semaphore, #tpu.memory_space<semaphore_mem>>)
    %dma_start3A_231 = arith.constant 3 : i32
    %dma_start3A_232 = arith.constant 0 : i32
    %dma_start3A_233 = arith.constant 0 : i32
    %dma_start3A_234 = arith.constant 0 : i32
    %dma_start3A_235 = tpu.memref_slice %arg6[%dma_start3A_232, %dma_start3A_233, %dma_start3A_234] : memref<3x2x1024xi32, #tpu.memory_space<vmem>> -> memref<1x2x1024xi32, #tpu.memory_space<vmem>>
    %dma_start3A_236 = tpu.memref_squeeze %dma_start3A_235 : memref<1x2x1024xi32, #tpu.memory_space<vmem>> -> memref<2x1024xi32, #tpu.memory_space<vmem>>
    %dma_start3A_237 = arith.constant 0 : i32
    %dma_start3A_238 = arith.constant 0 : i32
    %dma_start3A_239 = tpu.memref_slice %arg3[%add3A, %dma_start3A_231, %dma_start3A_237, %dma_start3A_238] : memref<32x10x2x1024xi32, #tpu.memory_space<hbm>> -> memref<1x1x2x1024xi32, #tpu.memory_space<hbm>>
    %dma_start3A_240 = tpu.memref_squeeze %dma_start3A_239 : memref<1x1x2x1024xi32, #tpu.memory_space<hbm>> -> memref<2x1024xi32, #tpu.memory_space<hbm>>
    %dma_start3A_241 = arith.constant 0 : i32
    %dma_start3A_242 = arith.constant 0 : i32
    %dma_start3A_243 = tpu.memref_slice %arg6[%dma_start3A_232, %dma_start3A_241, %dma_start3A_242] : memref<3x2x1024xi32, #tpu.memory_space<vmem>> -> memref<1x2x1024xi32, #tpu.memory_space<vmem>>
    %dma_start3A_244 = tpu.memref_squeeze %dma_start3A_243 : memref<1x2x1024xi32, #tpu.memory_space<vmem>> -> memref<2x1024xi32, #tpu.memory_space<vmem>>
    %dma_start3A_245 = arith.constant 0 : i32
    %dma_start3A_246 = arith.constant 0 : i32
    %dma_start3A_247 = tpu.memref_slice %arg3[%add3A, %dma_start3A_231, %dma_start3A_245, %dma_start3A_246] : memref<32x10x2x1024xi32, #tpu.memory_space<hbm>> -> memref<1x1x2x1024xi32, #tpu.memory_space<hbm>>
    %dma_start3A_248 = tpu.memref_squeeze %dma_start3A_247 : memref<1x1x2x1024xi32, #tpu.memory_space<hbm>> -> memref<2x1024xi32, #tpu.memory_space<hbm>>
    tpu.enqueue_dma source(%dma_start3A_248 : memref<2x1024xi32, #tpu.memory_space<hbm>>) target(%dma_start3A_244 : memref<2x1024xi32, #tpu.memory_space<vmem>>) target_semaphore(%arg11 : memref<!tpu.dma_semaphore, #tpu.memory_space<semaphore_mem>>)
    %dma_wait3A_249 = arith.constant 2 : i32
    %dma_wait3A_250 = arith.constant 0 : i32
    %dma_wait3A_251 = arith.constant 0 : i32
    %dma_wait3A_252 = arith.constant 0 : i32
    %dma_wait3A_253 = arith.constant 0 : i32
    %dma_wait3A_254 = tpu.memref_slice %arg7[%dma_wait3A_251, %dma_wait3A_252, %dma_wait3A_253] : memref<2x1024x32xf32, #tpu.memory_space<vmem>> -> memref<1x1024x32xf32, #tpu.memory_space<vmem>>
    %dma_wait3A_255 = tpu.memref_squeeze %dma_wait3A_254 : memref<1x1024x32xf32, #tpu.memory_space<vmem>> -> memref<1024x32xf32, #tpu.memory_space<vmem>>
    %dma_wait3A_256 = arith.constant 0 : i32
    %dma_wait3A_257 = tpu.memref_slice %arg6[%dma_wait3A_249, %dma_wait3A_250, %dma_wait3A_256] : memref<3x2x1024xi32, #tpu.memory_space<vmem>> -> memref<1x1x1024xi32, #tpu.memory_space<vmem>>
    %dma_wait3A_258 = tpu.memref_squeeze %dma_wait3A_257 : memref<1x1x1024xi32, #tpu.memory_space<vmem>> -> memref<1024xi32, #tpu.memory_space<vmem>>
    %dma_wait3A_259 = arith.constant 0 : i32
    %dma_wait3A_260 = arith.constant 0 : i32
    %dma_wait3A_261 = tpu.memref_slice %arg9[%dma_wait3A_259, %dma_wait3A_260] : memref<10000x32xf32, #tpu.memory_space<vmem_shared>> -> memref<10000x32xf32, #tpu.memory_space<vmem_shared>>
    tpu.wait_indirect_dma semaphore(%arg10 : memref<!tpu.dma_semaphore, #tpu.memory_space<semaphore_mem>>) src(%dma_wait3A_261 : memref<10000x32xf32, #tpu.memory_space<vmem_shared>>) dst(%dma_wait3A_255 : memref<1024x32xf32, #tpu.memory_space<vmem>>)
    %dma_start3A_262 = arith.constant 0 : i32
    %dma_start3A_263 = arith.constant 2 : i32
    %dma_start3A_264 = arith.constant 1 : i32
    %dma_start3A_265 = arith.constant 0 : i32
    %dma_start3A_266 = arith.constant 0 : i32
    %dma_start3A_267 = tpu.memref_slice %arg7[%dma_start3A_262, %dma_start3A_265, %dma_start3A_266] : memref<2x1024x32xf32, #tpu.memory_space<vmem>> -> memref<1x1024x32xf32, #tpu.memory_space<vmem>>
    %dma_start3A_268 = tpu.memref_squeeze %dma_start3A_267 : memref<1x1024x32xf32, #tpu.memory_space<vmem>> -> memref<1024x32xf32, #tpu.memory_space<vmem>>
    %dma_start3A_269 = arith.constant 0 : i32
    %dma_start3A_270 = tpu.memref_slice %arg6[%dma_start3A_263, %dma_start3A_264, %dma_start3A_269] : memref<3x2x1024xi32, #tpu.memory_space<vmem>> -> memref<1x1x1024xi32, #tpu.memory_space<vmem>>
    %dma_start3A_271 = tpu.memref_squeeze %dma_start3A_270 : memref<1x1x1024xi32, #tpu.memory_space<vmem>> -> memref<1024xi32, #tpu.memory_space<vmem>>
    %dma_start3A_272 = arith.constant 0 : i32
    %dma_start3A_273 = arith.constant 0 : i32
    %dma_start3A_274 = tpu.memref_slice %arg8[%dma_start3A_272, %dma_start3A_273] : memref<10016x32xf32, #tpu.memory_space<vmem_shared>> -> memref<10016x32xf32, #tpu.memory_space<vmem_shared>>
    tpu.enqueue_indirect_dma source(%dma_start3A_268 : memref<1024x32xf32, #tpu.memory_space<vmem>>) target(%dma_start3A_274 : memref<10016x32xf32, #tpu.memory_space<vmem_shared>>) offsets(%dma_start3A_271 : memref<1024xi32, #tpu.memory_space<vmem>>) semaphore(%arg13 : memref<!tpu.dma_semaphore, #tpu.memory_space<semaphore_mem>>) {add = true}
    %dma_wait3A_275 = arith.constant 1 : i32
    %dma_wait3A_276 = arith.constant 1 : i32
    %dma_wait3A_277 = arith.constant 1 : i32
    %dma_wait3A_278 = arith.constant 0 : i32
    %dma_wait3A_279 = arith.constant 0 : i32
    %dma_wait3A_280 = tpu.memref_slice %arg7[%dma_wait3A_275, %dma_wait3A_278, %dma_wait3A_279] : memref<2x1024x32xf32, #tpu.memory_space<vmem>> -> memref<1x1024x32xf32, #tpu.memory_space<vmem>>
    %dma_wait3A_281 = tpu.memref_squeeze %dma_wait3A_280 : memref<1x1024x32xf32, #tpu.memory_space<vmem>> -> memref<1024x32xf32, #tpu.memory_space<vmem>>
    %dma_wait3A_282 = arith.constant 0 : i32
    %dma_wait3A_283 = tpu.memref_slice %arg6[%dma_wait3A_276, %dma_wait3A_277, %dma_wait3A_282] : memref<3x2x1024xi32, #tpu.memory_space<vmem>> -> memref<1x1x1024xi32, #tpu.memory_space<vmem>>
    %dma_wait3A_284 = tpu.memref_squeeze %dma_wait3A_283 : memref<1x1x1024xi32, #tpu.memory_space<vmem>> -> memref<1024xi32, #tpu.memory_space<vmem>>
    %dma_wait3A_285 = arith.constant 0 : i32
    %dma_wait3A_286 = arith.constant 0 : i32
    %dma_wait3A_287 = tpu.memref_slice %arg8[%dma_wait3A_285, %dma_wait3A_286] : memref<10016x32xf32, #tpu.memory_space<vmem_shared>> -> memref<10016x32xf32, #tpu.memory_space<vmem_shared>>
    tpu.wait_indirect_dma semaphore(%arg14 : memref<!tpu.dma_semaphore, #tpu.memory_space<semaphore_mem>>) src(%dma_wait3A_281 : memref<1024x32xf32, #tpu.memory_space<vmem>>) dst(%dma_wait3A_287 : memref<10016x32xf32, #tpu.memory_space<vmem_shared>>)
    %dma_wait3A_288 = arith.constant 3 : i32
    %dma_wait3A_289 = arith.constant 0 : i32
    %dma_wait3A_290 = arith.constant 0 : i32
    %dma_wait3A_291 = arith.constant 0 : i32
    %dma_wait3A_292 = tpu.memref_slice %arg6[%dma_wait3A_289, %dma_wait3A_290, %dma_wait3A_291] : memref<3x2x1024xi32, #tpu.memory_space<vmem>> -> memref<1x2x1024xi32, #tpu.memory_space<vmem>>
    %dma_wait3A_293 = tpu.memref_squeeze %dma_wait3A_292 : memref<1x2x1024xi32, #tpu.memory_space<vmem>> -> memref<2x1024xi32, #tpu.memory_space<vmem>>
    %dma_wait3A_294 = arith.constant 0 : i32
    %dma_wait3A_295 = arith.constant 0 : i32
    %dma_wait3A_296 = tpu.memref_slice %arg3[%add3A, %dma_wait3A_288, %dma_wait3A_294, %dma_wait3A_295] : memref<32x10x2x1024xi32, #tpu.memory_space<hbm>> -> memref<1x1x2x1024xi32, #tpu.memory_space<hbm>>
    %dma_wait3A_297 = tpu.memref_squeeze %dma_wait3A_296 : memref<1x1x2x1024xi32, #tpu.memory_space<hbm>> -> memref<2x1024xi32, #tpu.memory_space<hbm>>
    %dma_wait3A_298 = arith.constant 0 : i32
    %dma_wait3A_299 = arith.constant 0 : i32
    %dma_wait3A_300 = tpu.memref_slice %arg6[%dma_wait3A_289, %dma_wait3A_298, %dma_wait3A_299] : memref<3x2x1024xi32, #tpu.memory_space<vmem>> -> memref<1x2x1024xi32, #tpu.memory_space<vmem>>
    %dma_wait3A_301 = tpu.memref_squeeze %dma_wait3A_300 : memref<1x2x1024xi32, #tpu.memory_space<vmem>> -> memref<2x1024xi32, #tpu.memory_space<vmem>>
    %dma_wait3A_302 = arith.constant 0 : i32
    %dma_wait3A_303 = arith.constant 0 : i32
    %dma_wait3A_304 = tpu.memref_slice %arg3[%add3A, %dma_wait3A_288, %dma_wait3A_302, %dma_wait3A_303] : memref<32x10x2x1024xi32, #tpu.memory_space<hbm>> -> memref<1x1x2x1024xi32, #tpu.memory_space<hbm>>
    %dma_wait3A_305 = tpu.memref_squeeze %dma_wait3A_304 : memref<1x1x2x1024xi32, #tpu.memory_space<hbm>> -> memref<2x1024xi32, #tpu.memory_space<hbm>>
    tpu.wait_dma2 semaphore(%arg11 : memref<!tpu.dma_semaphore, #tpu.memory_space<semaphore_mem>>) src(%dma_wait3A_305 : memref<2x1024xi32, #tpu.memory_space<hbm>>) dst(%dma_wait3A_301 : memref<2x1024xi32, #tpu.memory_space<vmem>>)
    %dma_start3A_306 = arith.constant 0 : i32
    %dma_start3A_307 = arith.constant 0 : i32
    %dma_start3A_308 = arith.constant 1 : i32
    %dma_start3A_309 = arith.constant 0 : i32
    %dma_start3A_310 = arith.constant 0 : i32
    %dma_start3A_311 = tpu.memref_slice %arg7[%dma_start3A_308, %dma_start3A_309, %dma_start3A_310] : memref<2x1024x32xf32, #tpu.memory_space<vmem>> -> memref<1x1024x32xf32, #tpu.memory_space<vmem>>
    %dma_start3A_312 = tpu.memref_squeeze %dma_start3A_311 : memref<1x1024x32xf32, #tpu.memory_space<vmem>> -> memref<1024x32xf32, #tpu.memory_space<vmem>>
    %dma_start3A_313 = arith.constant 0 : i32
    %dma_start3A_314 = tpu.memref_slice %arg6[%dma_start3A_306, %dma_start3A_307, %dma_start3A_313] : memref<3x2x1024xi32, #tpu.memory_space<vmem>> -> memref<1x1x1024xi32, #tpu.memory_space<vmem>>
    %dma_start3A_315 = tpu.memref_squeeze %dma_start3A_314 : memref<1x1x1024xi32, #tpu.memory_space<vmem>> -> memref<1024xi32, #tpu.memory_space<vmem>>
    %dma_start3A_316 = arith.constant 0 : i32
    %dma_start3A_317 = arith.constant 0 : i32
    %dma_start3A_318 = tpu.memref_slice %arg9[%dma_start3A_316, %dma_start3A_317] : memref<10000x32xf32, #tpu.memory_space<vmem_shared>> -> memref<10000x32xf32, #tpu.memory_space<vmem_shared>>
    tpu.enqueue_indirect_dma source(%dma_start3A_318 : memref<10000x32xf32, #tpu.memory_space<vmem_shared>>) target(%dma_start3A_312 : memref<1024x32xf32, #tpu.memory_space<vmem>>) offsets(%dma_start3A_315 : memref<1024xi32, #tpu.memory_space<vmem>>) semaphore(%arg10 : memref<!tpu.dma_semaphore, #tpu.memory_space<semaphore_mem>>)
    %dma_start3A_319 = arith.constant 4 : i32
    %dma_start3A_320 = arith.constant 1 : i32
    %dma_start3A_321 = arith.constant 0 : i32
    %dma_start3A_322 = arith.constant 0 : i32
    %dma_start3A_323 = tpu.memref_slice %arg6[%dma_start3A_320, %dma_start3A_321, %dma_start3A_322] : memref<3x2x1024xi32, #tpu.memory_space<vmem>> -> memref<1x2x1024xi32, #tpu.memory_space<vmem>>
    %dma_start3A_324 = tpu.memref_squeeze %dma_start3A_323 : memref<1x2x1024xi32, #tpu.memory_space<vmem>> -> memref<2x1024xi32, #tpu.memory_space<vmem>>
    %dma_start3A_325 = arith.constant 0 : i32
    %dma_start3A_326 = arith.constant 0 : i32
    %dma_start3A_327 = tpu.memref_slice %arg3[%add3A, %dma_start3A_319, %dma_start3A_325, %dma_start3A_326] : memref<32x10x2x1024xi32, #tpu.memory_space<hbm>> -> memref<1x1x2x1024xi32, #tpu.memory_space<hbm>>
    %dma_start3A_328 = tpu.memref_squeeze %dma_start3A_327 : memref<1x1x2x1024xi32, #tpu.memory_space<hbm>> -> memref<2x1024xi32, #tpu.memory_space<hbm>>
    %dma_start3A_329 = arith.constant 0 : i32
    %dma_start3A_330 = arith.constant 0 : i32
    %dma_start3A_331 = tpu.memref_slice %arg6[%dma_start3A_320, %dma_start3A_329, %dma_start3A_330] : memref<3x2x1024xi32, #tpu.memory_space<vmem>> -> memref<1x2x1024xi32, #tpu.memory_space<vmem>>
    %dma_start3A_332 = tpu.memref_squeeze %dma_start3A_331 : memref<1x2x1024xi32, #tpu.memory_space<vmem>> -> memref<2x1024xi32, #tpu.memory_space<vmem>>
    %dma_start3A_333 = arith.constant 0 : i32
    %dma_start3A_334 = arith.constant 0 : i32
    %dma_start3A_335 = tpu.memref_slice %arg3[%add3A, %dma_start3A_319, %dma_start3A_333, %dma_start3A_334] : memref<32x10x2x1024xi32, #tpu.memory_space<hbm>> -> memref<1x1x2x1024xi32, #tpu.memory_space<hbm>>
    %dma_start3A_336 = tpu.memref_squeeze %dma_start3A_335 : memref<1x1x2x1024xi32, #tpu.memory_space<hbm>> -> memref<2x1024xi32, #tpu.memory_space<hbm>>
    tpu.enqueue_dma source(%dma_start3A_336 : memref<2x1024xi32, #tpu.memory_space<hbm>>) target(%dma_start3A_332 : memref<2x1024xi32, #tpu.memory_space<vmem>>) target_semaphore(%arg11 : memref<!tpu.dma_semaphore, #tpu.memory_space<semaphore_mem>>)
    %dma_wait3A_337 = arith.constant 0 : i32
    %dma_wait3A_338 = arith.constant 0 : i32
    %dma_wait3A_339 = arith.constant 1 : i32
    %dma_wait3A_340 = arith.constant 0 : i32
    %dma_wait3A_341 = arith.constant 0 : i32
    %dma_wait3A_342 = tpu.memref_slice %arg7[%dma_wait3A_339, %dma_wait3A_340, %dma_wait3A_341] : memref<2x1024x32xf32, #tpu.memory_space<vmem>> -> memref<1x1024x32xf32, #tpu.memory_space<vmem>>
    %dma_wait3A_343 = tpu.memref_squeeze %dma_wait3A_342 : memref<1x1024x32xf32, #tpu.memory_space<vmem>> -> memref<1024x32xf32, #tpu.memory_space<vmem>>
    %dma_wait3A_344 = arith.constant 0 : i32
    %dma_wait3A_345 = tpu.memref_slice %arg6[%dma_wait3A_337, %dma_wait3A_338, %dma_wait3A_344] : memref<3x2x1024xi32, #tpu.memory_space<vmem>> -> memref<1x1x1024xi32, #tpu.memory_space<vmem>>
    %dma_wait3A_346 = tpu.memref_squeeze %dma_wait3A_345 : memref<1x1x1024xi32, #tpu.memory_space<vmem>> -> memref<1024xi32, #tpu.memory_space<vmem>>
    %dma_wait3A_347 = arith.constant 0 : i32
    %dma_wait3A_348 = arith.constant 0 : i32
    %dma_wait3A_349 = tpu.memref_slice %arg9[%dma_wait3A_347, %dma_wait3A_348] : memref<10000x32xf32, #tpu.memory_space<vmem_shared>> -> memref<10000x32xf32, #tpu.memory_space<vmem_shared>>
    tpu.wait_indirect_dma semaphore(%arg10 : memref<!tpu.dma_semaphore, #tpu.memory_space<semaphore_mem>>) src(%dma_wait3A_349 : memref<10000x32xf32, #tpu.memory_space<vmem_shared>>) dst(%dma_wait3A_343 : memref<1024x32xf32, #tpu.memory_space<vmem>>)
    %dma_start3A_350 = arith.constant 1 : i32
    %dma_start3A_351 = arith.constant 0 : i32
    %dma_start3A_352 = arith.constant 1 : i32
    %dma_start3A_353 = arith.constant 0 : i32
    %dma_start3A_354 = arith.constant 0 : i32
    %dma_start3A_355 = tpu.memref_slice %arg7[%dma_start3A_350, %dma_start3A_353, %dma_start3A_354] : memref<2x1024x32xf32, #tpu.memory_space<vmem>> -> memref<1x1024x32xf32, #tpu.memory_space<vmem>>
    %dma_start3A_356 = tpu.memref_squeeze %dma_start3A_355 : memref<1x1024x32xf32, #tpu.memory_space<vmem>> -> memref<1024x32xf32, #tpu.memory_space<vmem>>
    %dma_start3A_357 = arith.constant 0 : i32
    %dma_start3A_358 = tpu.memref_slice %arg6[%dma_start3A_351, %dma_start3A_352, %dma_start3A_357] : memref<3x2x1024xi32, #tpu.memory_space<vmem>> -> memref<1x1x1024xi32, #tpu.memory_space<vmem>>
    %dma_start3A_359 = tpu.memref_squeeze %dma_start3A_358 : memref<1x1x1024xi32, #tpu.memory_space<vmem>> -> memref<1024xi32, #tpu.memory_space<vmem>>
    %dma_start3A_360 = arith.constant 0 : i32
    %dma_start3A_361 = arith.constant 0 : i32
    %dma_start3A_362 = tpu.memref_slice %arg8[%dma_start3A_360, %dma_start3A_361] : memref<10016x32xf32, #tpu.memory_space<vmem_shared>> -> memref<10016x32xf32, #tpu.memory_space<vmem_shared>>
    tpu.enqueue_indirect_dma source(%dma_start3A_356 : memref<1024x32xf32, #tpu.memory_space<vmem>>) target(%dma_start3A_362 : memref<10016x32xf32, #tpu.memory_space<vmem_shared>>) offsets(%dma_start3A_359 : memref<1024xi32, #tpu.memory_space<vmem>>) semaphore(%arg14 : memref<!tpu.dma_semaphore, #tpu.memory_space<semaphore_mem>>) {add = true}
    %dma_wait3A_363 = arith.constant 0 : i32
    %dma_wait3A_364 = arith.constant 2 : i32
    %dma_wait3A_365 = arith.constant 1 : i32
    %dma_wait3A_366 = arith.constant 0 : i32
    %dma_wait3A_367 = arith.constant 0 : i32
    %dma_wait3A_368 = tpu.memref_slice %arg7[%dma_wait3A_363, %dma_wait3A_366, %dma_wait3A_367] : memref<2x1024x32xf32, #tpu.memory_space<vmem>> -> memref<1x1024x32xf32, #tpu.memory_space<vmem>>
    %dma_wait3A_369 = tpu.memref_squeeze %dma_wait3A_368 : memref<1x1024x32xf32, #tpu.memory_space<vmem>> -> memref<1024x32xf32, #tpu.memory_space<vmem>>
    %dma_wait3A_370 = arith.constant 0 : i32
    %dma_wait3A_371 = tpu.memref_slice %arg6[%dma_wait3A_364, %dma_wait3A_365, %dma_wait3A_370] : memref<3x2x1024xi32, #tpu.memory_space<vmem>> -> memref<1x1x1024xi32, #tpu.memory_space<vmem>>
    %dma_wait3A_372 = tpu.memref_squeeze %dma_wait3A_371 : memref<1x1x1024xi32, #tpu.memory_space<vmem>> -> memref<1024xi32, #tpu.memory_space<vmem>>
    %dma_wait3A_373 = arith.constant 0 : i32
    %dma_wait3A_374 = arith.constant 0 : i32
    %dma_wait3A_375 = tpu.memref_slice %arg8[%dma_wait3A_373, %dma_wait3A_374] : memref<10016x32xf32, #tpu.memory_space<vmem_shared>> -> memref<10016x32xf32, #tpu.memory_space<vmem_shared>>
    tpu.wait_indirect_dma semaphore(%arg13 : memref<!tpu.dma_semaphore, #tpu.memory_space<semaphore_mem>>) src(%dma_wait3A_369 : memref<1024x32xf32, #tpu.memory_space<vmem>>) dst(%dma_wait3A_375 : memref<10016x32xf32, #tpu.memory_space<vmem_shared>>)
    %dma_wait3A_376 = arith.constant 4 : i32
    %dma_wait3A_377 = arith.constant 1 : i32
    %dma_wait3A_378 = arith.constant 0 : i32
    %dma_wait3A_379 = arith.constant 0 : i32
    %dma_wait3A_380 = tpu.memref_slice %arg6[%dma_wait3A_377, %dma_wait3A_378, %dma_wait3A_379] : memref<3x2x1024xi32, #tpu.memory_space<vmem>> -> memref<1x2x1024xi32, #tpu.memory_space<vmem>>
    %dma_wait3A_381 = tpu.memref_squeeze %dma_wait3A_380 : memref<1x2x1024xi32, #tpu.memory_space<vmem>> -> memref<2x1024xi32, #tpu.memory_space<vmem>>
    %dma_wait3A_382 = arith.constant 0 : i32
    %dma_wait3A_383 = arith.constant 0 : i32
    %dma_wait3A_384 = tpu.memref_slice %arg3[%add3A, %dma_wait3A_376, %dma_wait3A_382, %dma_wait3A_383] : memref<32x10x2x1024xi32, #tpu.memory_space<hbm>> -> memref<1x1x2x1024xi32, #tpu.memory_space<hbm>>
    %dma_wait3A_385 = tpu.memref_squeeze %dma_wait3A_384 : memref<1x1x2x1024xi32, #tpu.memory_space<hbm>> -> memref<2x1024xi32, #tpu.memory_space<hbm>>
    %dma_wait3A_386 = arith.constant 0 : i32
    %dma_wait3A_387 = arith.constant 0 : i32
    %dma_wait3A_388 = tpu.memref_slice %arg6[%dma_wait3A_377, %dma_wait3A_386, %dma_wait3A_387] : memref<3x2x1024xi32, #tpu.memory_space<vmem>> -> memref<1x2x1024xi32, #tpu.memory_space<vmem>>
    %dma_wait3A_389 = tpu.memref_squeeze %dma_wait3A_388 : memref<1x2x1024xi32, #tpu.memory_space<vmem>> -> memref<2x1024xi32, #tpu.memory_space<vmem>>
    %dma_wait3A_390 = arith.constant 0 : i32
    %dma_wait3A_391 = arith.constant 0 : i32
    %dma_wait3A_392 = tpu.memref_slice %arg3[%add3A, %dma_wait3A_376, %dma_wait3A_390, %dma_wait3A_391] : memref<32x10x2x1024xi32, #tpu.memory_space<hbm>> -> memref<1x1x2x1024xi32, #tpu.memory_space<hbm>>
    %dma_wait3A_393 = tpu.memref_squeeze %dma_wait3A_392 : memref<1x1x2x1024xi32, #tpu.memory_space<hbm>> -> memref<2x1024xi32, #tpu.memory_space<hbm>>
    tpu.wait_dma2 semaphore(%arg11 : memref<!tpu.dma_semaphore, #tpu.memory_space<semaphore_mem>>) src(%dma_wait3A_393 : memref<2x1024xi32, #tpu.memory_space<hbm>>) dst(%dma_wait3A_389 : memref<2x1024xi32, #tpu.memory_space<vmem>>)
    %dma_start3A_394 = arith.constant 1 : i32
    %dma_start3A_395 = arith.constant 0 : i32
    %dma_start3A_396 = arith.constant 0 : i32
    %dma_start3A_397 = arith.constant 0 : i32
    %dma_start3A_398 = arith.constant 0 : i32
    %dma_start3A_399 = tpu.memref_slice %arg7[%dma_start3A_396, %dma_start3A_397, %dma_start3A_398] : memref<2x1024x32xf32, #tpu.memory_space<vmem>> -> memref<1x1024x32xf32, #tpu.memory_space<vmem>>
    %dma_start3A_400 = tpu.memref_squeeze %dma_start3A_399 : memref<1x1024x32xf32, #tpu.memory_space<vmem>> -> memref<1024x32xf32, #tpu.memory_space<vmem>>
    %dma_start3A_401 = arith.constant 0 : i32
    %dma_start3A_402 = tpu.memref_slice %arg6[%dma_start3A_394, %dma_start3A_395, %dma_start3A_401] : memref<3x2x1024xi32, #tpu.memory_space<vmem>> -> memref<1x1x1024xi32, #tpu.memory_space<vmem>>
    %dma_start3A_403 = tpu.memref_squeeze %dma_start3A_402 : memref<1x1x1024xi32, #tpu.memory_space<vmem>> -> memref<1024xi32, #tpu.memory_space<vmem>>
    %dma_start3A_404 = arith.constant 0 : i32
    %dma_start3A_405 = arith.constant 0 : i32
    %dma_start3A_406 = tpu.memref_slice %arg9[%dma_start3A_404, %dma_start3A_405] : memref<10000x32xf32, #tpu.memory_space<vmem_shared>> -> memref<10000x32xf32, #tpu.memory_space<vmem_shared>>
    tpu.enqueue_indirect_dma source(%dma_start3A_406 : memref<10000x32xf32, #tpu.memory_space<vmem_shared>>) target(%dma_start3A_400 : memref<1024x32xf32, #tpu.memory_space<vmem>>) offsets(%dma_start3A_403 : memref<1024xi32, #tpu.memory_space<vmem>>) semaphore(%arg10 : memref<!tpu.dma_semaphore, #tpu.memory_space<semaphore_mem>>)
    %dma_start3A_407 = arith.constant 5 : i32
    %dma_start3A_408 = arith.constant 2 : i32
    %dma_start3A_409 = arith.constant 0 : i32
    %dma_start3A_410 = arith.constant 0 : i32
    %dma_start3A_411 = tpu.memref_slice %arg6[%dma_start3A_408, %dma_start3A_409, %dma_start3A_410] : memref<3x2x1024xi32, #tpu.memory_space<vmem>> -> memref<1x2x1024xi32, #tpu.memory_space<vmem>>
    %dma_start3A_412 = tpu.memref_squeeze %dma_start3A_411 : memref<1x2x1024xi32, #tpu.memory_space<vmem>> -> memref<2x1024xi32, #tpu.memory_space<vmem>>
    %dma_start3A_413 = arith.constant 0 : i32
    %dma_start3A_414 = arith.constant 0 : i32
    %dma_start3A_415 = tpu.memref_slice %arg3[%add3A, %dma_start3A_407, %dma_start3A_413, %dma_start3A_414] : memref<32x10x2x1024xi32, #tpu.memory_space<hbm>> -> memref<1x1x2x1024xi32, #tpu.memory_space<hbm>>
    %dma_start3A_416 = tpu.memref_squeeze %dma_start3A_415 : memref<1x1x2x1024xi32, #tpu.memory_space<hbm>> -> memref<2x1024xi32, #tpu.memory_space<hbm>>
    %dma_start3A_417 = arith.constant 0 : i32
    %dma_start3A_418 = arith.constant 0 : i32
    %dma_start3A_419 = tpu.memref_slice %arg6[%dma_start3A_408, %dma_start3A_417, %dma_start3A_418] : memref<3x2x1024xi32, #tpu.memory_space<vmem>> -> memref<1x2x1024xi32, #tpu.memory_space<vmem>>
    %dma_start3A_420 = tpu.memref_squeeze %dma_start3A_419 : memref<1x2x1024xi32, #tpu.memory_space<vmem>> -> memref<2x1024xi32, #tpu.memory_space<vmem>>
    %dma_start3A_421 = arith.constant 0 : i32
    %dma_start3A_422 = arith.constant 0 : i32
    %dma_start3A_423 = tpu.memref_slice %arg3[%add3A, %dma_start3A_407, %dma_start3A_421, %dma_start3A_422] : memref<32x10x2x1024xi32, #tpu.memory_space<hbm>> -> memref<1x1x2x1024xi32, #tpu.memory_space<hbm>>
    %dma_start3A_424 = tpu.memref_squeeze %dma_start3A_423 : memref<1x1x2x1024xi32, #tpu.memory_space<hbm>> -> memref<2x1024xi32, #tpu.memory_space<hbm>>
    tpu.enqueue_dma source(%dma_start3A_424 : memref<2x1024xi32, #tpu.memory_space<hbm>>) target(%dma_start3A_420 : memref<2x1024xi32, #tpu.memory_space<vmem>>) target_semaphore(%arg11 : memref<!tpu.dma_semaphore, #tpu.memory_space<semaphore_mem>>)
    %dma_wait3A_425 = arith.constant 1 : i32
    %dma_wait3A_426 = arith.constant 0 : i32
    %dma_wait3A_427 = arith.constant 0 : i32
    %dma_wait3A_428 = arith.constant 0 : i32
    %dma_wait3A_429 = arith.constant 0 : i32
    %dma_wait3A_430 = tpu.memref_slice %arg7[%dma_wait3A_427, %dma_wait3A_428, %dma_wait3A_429] : memref<2x1024x32xf32, #tpu.memory_space<vmem>> -> memref<1x1024x32xf32, #tpu.memory_space<vmem>>
    %dma_wait3A_431 = tpu.memref_squeeze %dma_wait3A_430 : memref<1x1024x32xf32, #tpu.memory_space<vmem>> -> memref<1024x32xf32, #tpu.memory_space<vmem>>
    %dma_wait3A_432 = arith.constant 0 : i32
    %dma_wait3A_433 = tpu.memref_slice %arg6[%dma_wait3A_425, %dma_wait3A_426, %dma_wait3A_432] : memref<3x2x1024xi32, #tpu.memory_space<vmem>> -> memref<1x1x1024xi32, #tpu.memory_space<vmem>>
    %dma_wait3A_434 = tpu.memref_squeeze %dma_wait3A_433 : memref<1x1x1024xi32, #tpu.memory_space<vmem>> -> memref<1024xi32, #tpu.memory_space<vmem>>
    %dma_wait3A_435 = arith.constant 0 : i32
    %dma_wait3A_436 = arith.constant 0 : i32
    %dma_wait3A_437 = tpu.memref_slice %arg9[%dma_wait3A_435, %dma_wait3A_436] : memref<10000x32xf32, #tpu.memory_space<vmem_shared>> -> memref<10000x32xf32, #tpu.memory_space<vmem_shared>>
    tpu.wait_indirect_dma semaphore(%arg10 : memref<!tpu.dma_semaphore, #tpu.memory_space<semaphore_mem>>) src(%dma_wait3A_437 : memref<10000x32xf32, #tpu.memory_space<vmem_shared>>) dst(%dma_wait3A_431 : memref<1024x32xf32, #tpu.memory_space<vmem>>)
    %dma_start3A_438 = arith.constant 0 : i32
    %dma_start3A_439 = arith.constant 1 : i32
    %dma_start3A_440 = arith.constant 1 : i32
    %dma_start3A_441 = arith.constant 0 : i32
    %dma_start3A_442 = arith.constant 0 : i32
    %dma_start3A_443 = tpu.memref_slice %arg7[%dma_start3A_438, %dma_start3A_441, %dma_start3A_442] : memref<2x1024x32xf32, #tpu.memory_space<vmem>> -> memref<1x1024x32xf32, #tpu.memory_space<vmem>>
    %dma_start3A_444 = tpu.memref_squeeze %dma_start3A_443 : memref<1x1024x32xf32, #tpu.memory_space<vmem>> -> memref<1024x32xf32, #tpu.memory_space<vmem>>
    %dma_start3A_445 = arith.constant 0 : i32
    %dma_start3A_446 = tpu.memref_slice %arg6[%dma_start3A_439, %dma_start3A_440, %dma_start3A_445] : memref<3x2x1024xi32, #tpu.memory_space<vmem>> -> memref<1x1x1024xi32, #tpu.memory_space<vmem>>
    %dma_start3A_447 = tpu.memref_squeeze %dma_start3A_446 : memref<1x1x1024xi32, #tpu.memory_space<vmem>> -> memref<1024xi32, #tpu.memory_space<vmem>>
    %dma_start3A_448 = arith.constant 0 : i32
    %dma_start3A_449 = arith.constant 0 : i32
    %dma_start3A_450 = tpu.memref_slice %arg8[%dma_start3A_448, %dma_start3A_449] : memref<10016x32xf32, #tpu.memory_space<vmem_shared>> -> memref<10016x32xf32, #tpu.memory_space<vmem_shared>>
    tpu.enqueue_indirect_dma source(%dma_start3A_444 : memref<1024x32xf32, #tpu.memory_space<vmem>>) target(%dma_start3A_450 : memref<10016x32xf32, #tpu.memory_space<vmem_shared>>) offsets(%dma_start3A_447 : memref<1024xi32, #tpu.memory_space<vmem>>) semaphore(%arg13 : memref<!tpu.dma_semaphore, #tpu.memory_space<semaphore_mem>>) {add = true}
    %dma_wait3A_451 = arith.constant 1 : i32
    %dma_wait3A_452 = arith.constant 0 : i32
    %dma_wait3A_453 = arith.constant 1 : i32
    %dma_wait3A_454 = arith.constant 0 : i32
    %dma_wait3A_455 = arith.constant 0 : i32
    %dma_wait3A_456 = tpu.memref_slice %arg7[%dma_wait3A_451, %dma_wait3A_454, %dma_wait3A_455] : memref<2x1024x32xf32, #tpu.memory_space<vmem>> -> memref<1x1024x32xf32, #tpu.memory_space<vmem>>
    %dma_wait3A_457 = tpu.memref_squeeze %dma_wait3A_456 : memref<1x1024x32xf32, #tpu.memory_space<vmem>> -> memref<1024x32xf32, #tpu.memory_space<vmem>>
    %dma_wait3A_458 = arith.constant 0 : i32
    %dma_wait3A_459 = tpu.memref_slice %arg6[%dma_wait3A_452, %dma_wait3A_453, %dma_wait3A_458] : memref<3x2x1024xi32, #tpu.memory_space<vmem>> -> memref<1x1x1024xi32, #tpu.memory_space<vmem>>
    %dma_wait3A_460 = tpu.memref_squeeze %dma_wait3A_459 : memref<1x1x1024xi32, #tpu.memory_space<vmem>> -> memref<1024xi32, #tpu.memory_space<vmem>>
    %dma_wait3A_461 = arith.constant 0 : i32
    %dma_wait3A_462 = arith.constant 0 : i32
    %dma_wait3A_463 = tpu.memref_slice %arg8[%dma_wait3A_461, %dma_wait3A_462] : memref<10016x32xf32, #tpu.memory_space<vmem_shared>> -> memref<10016x32xf32, #tpu.memory_space<vmem_shared>>
    tpu.wait_indirect_dma semaphore(%arg14 : memref<!tpu.dma_semaphore, #tpu.memory_space<semaphore_mem>>) src(%dma_wait3A_457 : memref<1024x32xf32, #tpu.memory_space<vmem>>) dst(%dma_wait3A_463 : memref<10016x32xf32, #tpu.memory_space<vmem_shared>>)
    %dma_wait3A_464 = arith.constant 5 : i32
    %dma_wait3A_465 = arith.constant 2 : i32
    %dma_wait3A_466 = arith.constant 0 : i32
    %dma_wait3A_467 = arith.constant 0 : i32
    %dma_wait3A_468 = tpu.memref_slice %arg6[%dma_wait3A_465, %dma_wait3A_466, %dma_wait3A_467] : memref<3x2x1024xi32, #tpu.memory_space<vmem>> -> memref<1x2x1024xi32, #tpu.memory_space<vmem>>
    %dma_wait3A_469 = tpu.memref_squeeze %dma_wait3A_468 : memref<1x2x1024xi32, #tpu.memory_space<vmem>> -> memref<2x1024xi32, #tpu.memory_space<vmem>>
    %dma_wait3A_470 = arith.constant 0 : i32
    %dma_wait3A_471 = arith.constant 0 : i32
    %dma_wait3A_472 = tpu.memref_slice %arg3[%add3A, %dma_wait3A_464, %dma_wait3A_470, %dma_wait3A_471] : memref<32x10x2x1024xi32, #tpu.memory_space<hbm>> -> memref<1x1x2x1024xi32, #tpu.memory_space<hbm>>
    %dma_wait3A_473 = tpu.memref_squeeze %dma_wait3A_472 : memref<1x1x2x1024xi32, #tpu.memory_space<hbm>> -> memref<2x1024xi32, #tpu.memory_space<hbm>>
    %dma_wait3A_474 = arith.constant 0 : i32
    %dma_wait3A_475 = arith.constant 0 : i32
    %dma_wait3A_476 = tpu.memref_slice %arg6[%dma_wait3A_465, %dma_wait3A_474, %dma_wait3A_475] : memref<3x2x1024xi32, #tpu.memory_space<vmem>> -> memref<1x2x1024xi32, #tpu.memory_space<vmem>>
    %dma_wait3A_477 = tpu.memref_squeeze %dma_wait3A_476 : memref<1x2x1024xi32, #tpu.memory_space<vmem>> -> memref<2x1024xi32, #tpu.memory_space<vmem>>
    %dma_wait3A_478 = arith.constant 0 : i32
    %dma_wait3A_479 = arith.constant 0 : i32
    %dma_wait3A_480 = tpu.memref_slice %arg3[%add3A, %dma_wait3A_464, %dma_wait3A_478, %dma_wait3A_479] : memref<32x10x2x1024xi32, #tpu.memory_space<hbm>> -> memref<1x1x2x1024xi32, #tpu.memory_space<hbm>>
    %dma_wait3A_481 = tpu.memref_squeeze %dma_wait3A_480 : memref<1x1x2x1024xi32, #tpu.memory_space<hbm>> -> memref<2x1024xi32, #tpu.memory_space<hbm>>
    tpu.wait_dma2 semaphore(%arg11 : memref<!tpu.dma_semaphore, #tpu.memory_space<semaphore_mem>>) src(%dma_wait3A_481 : memref<2x1024xi32, #tpu.memory_space<hbm>>) dst(%dma_wait3A_477 : memref<2x1024xi32, #tpu.memory_space<vmem>>)
    %dma_start3A_482 = arith.constant 2 : i32
    %dma_start3A_483 = arith.constant 0 : i32
    %dma_start3A_484 = arith.constant 1 : i32
    %dma_start3A_485 = arith.constant 0 : i32
    %dma_start3A_486 = arith.constant 0 : i32
    %dma_start3A_487 = tpu.memref_slice %arg7[%dma_start3A_484, %dma_start3A_485, %dma_start3A_486] : memref<2x1024x32xf32, #tpu.memory_space<vmem>> -> memref<1x1024x32xf32, #tpu.memory_space<vmem>>
    %dma_start3A_488 = tpu.memref_squeeze %dma_start3A_487 : memref<1x1024x32xf32, #tpu.memory_space<vmem>> -> memref<1024x32xf32, #tpu.memory_space<vmem>>
    %dma_start3A_489 = arith.constant 0 : i32
    %dma_start3A_490 = tpu.memref_slice %arg6[%dma_start3A_482, %dma_start3A_483, %dma_start3A_489] : memref<3x2x1024xi32, #tpu.memory_space<vmem>> -> memref<1x1x1024xi32, #tpu.memory_space<vmem>>
    %dma_start3A_491 = tpu.memref_squeeze %dma_start3A_490 : memref<1x1x1024xi32, #tpu.memory_space<vmem>> -> memref<1024xi32, #tpu.memory_space<vmem>>
    %dma_start3A_492 = arith.constant 0 : i32
    %dma_start3A_493 = arith.constant 0 : i32
    %dma_start3A_494 = tpu.memref_slice %arg9[%dma_start3A_492, %dma_start3A_493] : memref<10000x32xf32, #tpu.memory_space<vmem_shared>> -> memref<10000x32xf32, #tpu.memory_space<vmem_shared>>
    tpu.enqueue_indirect_dma source(%dma_start3A_494 : memref<10000x32xf32, #tpu.memory_space<vmem_shared>>) target(%dma_start3A_488 : memref<1024x32xf32, #tpu.memory_space<vmem>>) offsets(%dma_start3A_491 : memref<1024xi32, #tpu.memory_space<vmem>>) semaphore(%arg10 : memref<!tpu.dma_semaphore, #tpu.memory_space<semaphore_mem>>)
    %dma_start3A_495 = arith.constant 6 : i32
    %dma_start3A_496 = arith.constant 0 : i32
    %dma_start3A_497 = arith.constant 0 : i32
    %dma_start3A_498 = arith.constant 0 : i32
    %dma_start3A_499 = tpu.memref_slice %arg6[%dma_start3A_496, %dma_start3A_497, %dma_start3A_498] : memref<3x2x1024xi32, #tpu.memory_space<vmem>> -> memref<1x2x1024xi32, #tpu.memory_space<vmem>>
    %dma_start3A_500 = tpu.memref_squeeze %dma_start3A_499 : memref<1x2x1024xi32, #tpu.memory_space<vmem>> -> memref<2x1024xi32, #tpu.memory_space<vmem>>
    %dma_start3A_501 = arith.constant 0 : i32
    %dma_start3A_502 = arith.constant 0 : i32
    %dma_start3A_503 = tpu.memref_slice %arg3[%add3A, %dma_start3A_495, %dma_start3A_501, %dma_start3A_502] : memref<32x10x2x1024xi32, #tpu.memory_space<hbm>> -> memref<1x1x2x1024xi32, #tpu.memory_space<hbm>>
    %dma_start3A_504 = tpu.memref_squeeze %dma_start3A_503 : memref<1x1x2x1024xi32, #tpu.memory_space<hbm>> -> memref<2x1024xi32, #tpu.memory_space<hbm>>
    %dma_start3A_505 = arith.constant 0 : i32
    %dma_start3A_506 = arith.constant 0 : i32
    %dma_start3A_507 = tpu.memref_slice %arg6[%dma_start3A_496, %dma_start3A_505, %dma_start3A_506] : memref<3x2x1024xi32, #tpu.memory_space<vmem>> -> memref<1x2x1024xi32, #tpu.memory_space<vmem>>
    %dma_start3A_508 = tpu.memref_squeeze %dma_start3A_507 : memref<1x2x1024xi32, #tpu.memory_space<vmem>> -> memref<2x1024xi32, #tpu.memory_space<vmem>>
    %dma_start3A_509 = arith.constant 0 : i32
    %dma_start3A_510 = arith.constant 0 : i32
    %dma_start3A_511 = tpu.memref_slice %arg3[%add3A, %dma_start3A_495, %dma_start3A_509, %dma_start3A_510] : memref<32x10x2x1024xi32, #tpu.memory_space<hbm>> -> memref<1x1x2x1024xi32, #tpu.memory_space<hbm>>
    %dma_start3A_512 = tpu.memref_squeeze %dma_start3A_511 : memref<1x1x2x1024xi32, #tpu.memory_space<hbm>> -> memref<2x1024xi32, #tpu.memory_space<hbm>>
    tpu.enqueue_dma source(%dma_start3A_512 : memref<2x1024xi32, #tpu.memory_space<hbm>>) target(%dma_start3A_508 : memref<2x1024xi32, #tpu.memory_space<vmem>>) target_semaphore(%arg11 : memref<!tpu.dma_semaphore, #tpu.memory_space<semaphore_mem>>)
    %dma_wait3A_513 = arith.constant 2 : i32
    %dma_wait3A_514 = arith.constant 0 : i32
    %dma_wait3A_515 = arith.constant 1 : i32
    %dma_wait3A_516 = arith.constant 0 : i32
    %dma_wait3A_517 = arith.constant 0 : i32
    %dma_wait3A_518 = tpu.memref_slice %arg7[%dma_wait3A_515, %dma_wait3A_516, %dma_wait3A_517] : memref<2x1024x32xf32, #tpu.memory_space<vmem>> -> memref<1x1024x32xf32, #tpu.memory_space<vmem>>
    %dma_wait3A_519 = tpu.memref_squeeze %dma_wait3A_518 : memref<1x1024x32xf32, #tpu.memory_space<vmem>> -> memref<1024x32xf32, #tpu.memory_space<vmem>>
    %dma_wait3A_520 = arith.constant 0 : i32
    %dma_wait3A_521 = tpu.memref_slice %arg6[%dma_wait3A_513, %dma_wait3A_514, %dma_wait3A_520] : memref<3x2x1024xi32, #tpu.memory_space<vmem>> -> memref<1x1x1024xi32, #tpu.memory_space<vmem>>
    %dma_wait3A_522 = tpu.memref_squeeze %dma_wait3A_521 : memref<1x1x1024xi32, #tpu.memory_space<vmem>> -> memref<1024xi32, #tpu.memory_space<vmem>>
    %dma_wait3A_523 = arith.constant 0 : i32
    %dma_wait3A_524 = arith.constant 0 : i32
    %dma_wait3A_525 = tpu.memref_slice %arg9[%dma_wait3A_523, %dma_wait3A_524] : memref<10000x32xf32, #tpu.memory_space<vmem_shared>> -> memref<10000x32xf32, #tpu.memory_space<vmem_shared>>
    tpu.wait_indirect_dma semaphore(%arg10 : memref<!tpu.dma_semaphore, #tpu.memory_space<semaphore_mem>>) src(%dma_wait3A_525 : memref<10000x32xf32, #tpu.memory_space<vmem_shared>>) dst(%dma_wait3A_519 : memref<1024x32xf32, #tpu.memory_space<vmem>>)
    %dma_start3A_526 = arith.constant 1 : i32
    %dma_start3A_527 = arith.constant 2 : i32
    %dma_start3A_528 = arith.constant 1 : i32
    %dma_start3A_529 = arith.constant 0 : i32
    %dma_start3A_530 = arith.constant 0 : i32
    %dma_start3A_531 = tpu.memref_slice %arg7[%dma_start3A_526, %dma_start3A_529, %dma_start3A_530] : memref<2x1024x32xf32, #tpu.memory_space<vmem>> -> memref<1x1024x32xf32, #tpu.memory_space<vmem>>
    %dma_start3A_532 = tpu.memref_squeeze %dma_start3A_531 : memref<1x1024x32xf32, #tpu.memory_space<vmem>> -> memref<1024x32xf32, #tpu.memory_space<vmem>>
    %dma_start3A_533 = arith.constant 0 : i32
    %dma_start3A_534 = tpu.memref_slice %arg6[%dma_start3A_527, %dma_start3A_528, %dma_start3A_533] : memref<3x2x1024xi32, #tpu.memory_space<vmem>> -> memref<1x1x1024xi32, #tpu.memory_space<vmem>>
    %dma_start3A_535 = tpu.memref_squeeze %dma_start3A_534 : memref<1x1x1024xi32, #tpu.memory_space<vmem>> -> memref<1024xi32, #tpu.memory_space<vmem>>
    %dma_start3A_536 = arith.constant 0 : i32
    %dma_start3A_537 = arith.constant 0 : i32
    %dma_start3A_538 = tpu.memref_slice %arg8[%dma_start3A_536, %dma_start3A_537] : memref<10016x32xf32, #tpu.memory_space<vmem_shared>> -> memref<10016x32xf32, #tpu.memory_space<vmem_shared>>
    tpu.enqueue_indirect_dma source(%dma_start3A_532 : memref<1024x32xf32, #tpu.memory_space<vmem>>) target(%dma_start3A_538 : memref<10016x32xf32, #tpu.memory_space<vmem_shared>>) offsets(%dma_start3A_535 : memref<1024xi32, #tpu.memory_space<vmem>>) semaphore(%arg14 : memref<!tpu.dma_semaphore, #tpu.memory_space<semaphore_mem>>) {add = true}
    %dma_wait3A_539 = arith.constant 0 : i32
    %dma_wait3A_540 = arith.constant 1 : i32
    %dma_wait3A_541 = arith.constant 1 : i32
    %dma_wait3A_542 = arith.constant 0 : i32
    %dma_wait3A_543 = arith.constant 0 : i32
    %dma_wait3A_544 = tpu.memref_slice %arg7[%dma_wait3A_539, %dma_wait3A_542, %dma_wait3A_543] : memref<2x1024x32xf32, #tpu.memory_space<vmem>> -> memref<1x1024x32xf32, #tpu.memory_space<vmem>>
    %dma_wait3A_545 = tpu.memref_squeeze %dma_wait3A_544 : memref<1x1024x32xf32, #tpu.memory_space<vmem>> -> memref<1024x32xf32, #tpu.memory_space<vmem>>
    %dma_wait3A_546 = arith.constant 0 : i32
    %dma_wait3A_547 = tpu.memref_slice %arg6[%dma_wait3A_540, %dma_wait3A_541, %dma_wait3A_546] : memref<3x2x1024xi32, #tpu.memory_space<vmem>> -> memref<1x1x1024xi32, #tpu.memory_space<vmem>>
    %dma_wait3A_548 = tpu.memref_squeeze %dma_wait3A_547 : memref<1x1x1024xi32, #tpu.memory_space<vmem>> -> memref<1024xi32, #tpu.memory_space<vmem>>
    %dma_wait3A_549 = arith.constant 0 : i32
    %dma_wait3A_550 = arith.constant 0 : i32
    %dma_wait3A_551 = tpu.memref_slice %arg8[%dma_wait3A_549, %dma_wait3A_550] : memref<10016x32xf32, #tpu.memory_space<vmem_shared>> -> memref<10016x32xf32, #tpu.memory_space<vmem_shared>>
    tpu.wait_indirect_dma semaphore(%arg13 : memref<!tpu.dma_semaphore, #tpu.memory_space<semaphore_mem>>) src(%dma_wait3A_545 : memref<1024x32xf32, #tpu.memory_space<vmem>>) dst(%dma_wait3A_551 : memref<10016x32xf32, #tpu.memory_space<vmem_shared>>)
    %dma_wait3A_552 = arith.constant 6 : i32
    %dma_wait3A_553 = arith.constant 0 : i32
    %dma_wait3A_554 = arith.constant 0 : i32
    %dma_wait3A_555 = arith.constant 0 : i32
    %dma_wait3A_556 = tpu.memref_slice %arg6[%dma_wait3A_553, %dma_wait3A_554, %dma_wait3A_555] : memref<3x2x1024xi32, #tpu.memory_space<vmem>> -> memref<1x2x1024xi32, #tpu.memory_space<vmem>>
    %dma_wait3A_557 = tpu.memref_squeeze %dma_wait3A_556 : memref<1x2x1024xi32, #tpu.memory_space<vmem>> -> memref<2x1024xi32, #tpu.memory_space<vmem>>
    %dma_wait3A_558 = arith.constant 0 : i32
    %dma_wait3A_559 = arith.constant 0 : i32
    %dma_wait3A_560 = tpu.memref_slice %arg3[%add3A, %dma_wait3A_552, %dma_wait3A_558, %dma_wait3A_559] : memref<32x10x2x1024xi32, #tpu.memory_space<hbm>> -> memref<1x1x2x1024xi32, #tpu.memory_space<hbm>>
    %dma_wait3A_561 = tpu.memref_squeeze %dma_wait3A_560 : memref<1x1x2x1024xi32, #tpu.memory_space<hbm>> -> memref<2x1024xi32, #tpu.memory_space<hbm>>
    %dma_wait3A_562 = arith.constant 0 : i32
    %dma_wait3A_563 = arith.constant 0 : i32
    %dma_wait3A_564 = tpu.memref_slice %arg6[%dma_wait3A_553, %dma_wait3A_562, %dma_wait3A_563] : memref<3x2x1024xi32, #tpu.memory_space<vmem>> -> memref<1x2x1024xi32, #tpu.memory_space<vmem>>
    %dma_wait3A_565 = tpu.memref_squeeze %dma_wait3A_564 : memref<1x2x1024xi32, #tpu.memory_space<vmem>> -> memref<2x1024xi32, #tpu.memory_space<vmem>>
    %dma_wait3A_566 = arith.constant 0 : i32
    %dma_wait3A_567 = arith.constant 0 : i32
    %dma_wait3A_568 = tpu.memref_slice %arg3[%add3A, %dma_wait3A_552, %dma_wait3A_566, %dma_wait3A_567] : memref<32x10x2x1024xi32, #tpu.memory_space<hbm>> -> memref<1x1x2x1024xi32, #tpu.memory_space<hbm>>
    %dma_wait3A_569 = tpu.memref_squeeze %dma_wait3A_568 : memref<1x1x2x1024xi32, #tpu.memory_space<hbm>> -> memref<2x1024xi32, #tpu.memory_space<hbm>>
    tpu.wait_dma2 semaphore(%arg11 : memref<!tpu.dma_semaphore, #tpu.memory_space<semaphore_mem>>) src(%dma_wait3A_569 : memref<2x1024xi32, #tpu.memory_space<hbm>>) dst(%dma_wait3A_565 : memref<2x1024xi32, #tpu.memory_space<vmem>>)
    %dma_start3A_570 = arith.constant 0 : i32
    %dma_start3A_571 = arith.constant 0 : i32
    %dma_start3A_572 = arith.constant 0 : i32
    %dma_start3A_573 = arith.constant 0 : i32
    %dma_start3A_574 = arith.constant 0 : i32
    %dma_start3A_575 = tpu.memref_slice %arg7[%dma_start3A_572, %dma_start3A_573, %dma_start3A_574] : memref<2x1024x32xf32, #tpu.memory_space<vmem>> -> memref<1x1024x32xf32, #tpu.memory_space<vmem>>
    %dma_start3A_576 = tpu.memref_squeeze %dma_start3A_575 : memref<1x1024x32xf32, #tpu.memory_space<vmem>> -> memref<1024x32xf32, #tpu.memory_space<vmem>>
    %dma_start3A_577 = arith.constant 0 : i32
    %dma_start3A_578 = tpu.memref_slice %arg6[%dma_start3A_570, %dma_start3A_571, %dma_start3A_577] : memref<3x2x1024xi32, #tpu.memory_space<vmem>> -> memref<1x1x1024xi32, #tpu.memory_space<vmem>>
    %dma_start3A_579 = tpu.memref_squeeze %dma_start3A_578 : memref<1x1x1024xi32, #tpu.memory_space<vmem>> -> memref<1024xi32, #tpu.memory_space<vmem>>
    %dma_start3A_580 = arith.constant 0 : i32
    %dma_start3A_581 = arith.constant 0 : i32
    %dma_start3A_582 = tpu.memref_slice %arg9[%dma_start3A_580, %dma_start3A_581] : memref<10000x32xf32, #tpu.memory_space<vmem_shared>> -> memref<10000x32xf32, #tpu.memory_space<vmem_shared>>
    tpu.enqueue_indirect_dma source(%dma_start3A_582 : memref<10000x32xf32, #tpu.memory_space<vmem_shared>>) target(%dma_start3A_576 : memref<1024x32xf32, #tpu.memory_space<vmem>>) offsets(%dma_start3A_579 : memref<1024xi32, #tpu.memory_space<vmem>>) semaphore(%arg10 : memref<!tpu.dma_semaphore, #tpu.memory_space<semaphore_mem>>)
    %dma_start3A_583 = arith.constant 7 : i32
    %dma_start3A_584 = arith.constant 1 : i32
    %dma_start3A_585 = arith.constant 0 : i32
    %dma_start3A_586 = arith.constant 0 : i32
    %dma_start3A_587 = tpu.memref_slice %arg6[%dma_start3A_584, %dma_start3A_585, %dma_start3A_586] : memref<3x2x1024xi32, #tpu.memory_space<vmem>> -> memref<1x2x1024xi32, #tpu.memory_space<vmem>>
    %dma_start3A_588 = tpu.memref_squeeze %dma_start3A_587 : memref<1x2x1024xi32, #tpu.memory_space<vmem>> -> memref<2x1024xi32, #tpu.memory_space<vmem>>
    %dma_start3A_589 = arith.constant 0 : i32
    %dma_start3A_590 = arith.constant 0 : i32
    %dma_start3A_591 = tpu.memref_slice %arg3[%add3A, %dma_start3A_583, %dma_start3A_589, %dma_start3A_590] : memref<32x10x2x1024xi32, #tpu.memory_space<hbm>> -> memref<1x1x2x1024xi32, #tpu.memory_space<hbm>>
    %dma_start3A_592 = tpu.memref_squeeze %dma_start3A_591 : memref<1x1x2x1024xi32, #tpu.memory_space<hbm>> -> memref<2x1024xi32, #tpu.memory_space<hbm>>
    %dma_start3A_593 = arith.constant 0 : i32
    %dma_start3A_594 = arith.constant 0 : i32
    %dma_start3A_595 = tpu.memref_slice %arg6[%dma_start3A_584, %dma_start3A_593, %dma_start3A_594] : memref<3x2x1024xi32, #tpu.memory_space<vmem>> -> memref<1x2x1024xi32, #tpu.memory_space<vmem>>
    %dma_start3A_596 = tpu.memref_squeeze %dma_start3A_595 : memref<1x2x1024xi32, #tpu.memory_space<vmem>> -> memref<2x1024xi32, #tpu.memory_space<vmem>>
    %dma_start3A_597 = arith.constant 0 : i32
    %dma_start3A_598 = arith.constant 0 : i32
    %dma_start3A_599 = tpu.memref_slice %arg3[%add3A, %dma_start3A_583, %dma_start3A_597, %dma_start3A_598] : memref<32x10x2x1024xi32, #tpu.memory_space<hbm>> -> memref<1x1x2x1024xi32, #tpu.memory_space<hbm>>
    %dma_start3A_600 = tpu.memref_squeeze %dma_start3A_599 : memref<1x1x2x1024xi32, #tpu.memory_space<hbm>> -> memref<2x1024xi32, #tpu.memory_space<hbm>>
    tpu.enqueue_dma source(%dma_start3A_600 : memref<2x1024xi32, #tpu.memory_space<hbm>>) target(%dma_start3A_596 : memref<2x1024xi32, #tpu.memory_space<vmem>>) target_semaphore(%arg11 : memref<!tpu.dma_semaphore, #tpu.memory_space<semaphore_mem>>)
    %dma_wait3A_601 = arith.constant 0 : i32
    %dma_wait3A_602 = arith.constant 0 : i32
    %dma_wait3A_603 = arith.constant 0 : i32
    %dma_wait3A_604 = arith.constant 0 : i32
    %dma_wait3A_605 = arith.constant 0 : i32
    %dma_wait3A_606 = tpu.memref_slice %arg7[%dma_wait3A_603, %dma_wait3A_604, %dma_wait3A_605] : memref<2x1024x32xf32, #tpu.memory_space<vmem>> -> memref<1x1024x32xf32, #tpu.memory_space<vmem>>
    %dma_wait3A_607 = tpu.memref_squeeze %dma_wait3A_606 : memref<1x1024x32xf32, #tpu.memory_space<vmem>> -> memref<1024x32xf32, #tpu.memory_space<vmem>>
    %dma_wait3A_608 = arith.constant 0 : i32
    %dma_wait3A_609 = tpu.memref_slice %arg6[%dma_wait3A_601, %dma_wait3A_602, %dma_wait3A_608] : memref<3x2x1024xi32, #tpu.memory_space<vmem>> -> memref<1x1x1024xi32, #tpu.memory_space<vmem>>
    %dma_wait3A_610 = tpu.memref_squeeze %dma_wait3A_609 : memref<1x1x1024xi32, #tpu.memory_space<vmem>> -> memref<1024xi32, #tpu.memory_space<vmem>>
    %dma_wait3A_611 = arith.constant 0 : i32
    %dma_wait3A_612 = arith.constant 0 : i32
    %dma_wait3A_613 = tpu.memref_slice %arg9[%dma_wait3A_611, %dma_wait3A_612] : memref<10000x32xf32, #tpu.memory_space<vmem_shared>> -> memref<10000x32xf32, #tpu.memory_space<vmem_shared>>
    tpu.wait_indirect_dma semaphore(%arg10 : memref<!tpu.dma_semaphore, #tpu.memory_space<semaphore_mem>>) src(%dma_wait3A_613 : memref<10000x32xf32, #tpu.memory_space<vmem_shared>>) dst(%dma_wait3A_607 : memref<1024x32xf32, #tpu.memory_space<vmem>>)
    %dma_start3A_614 = arith.constant 0 : i32
    %dma_start3A_615 = arith.constant 0 : i32
    %dma_start3A_616 = arith.constant 1 : i32
    %dma_start3A_617 = arith.constant 0 : i32
    %dma_start3A_618 = arith.constant 0 : i32
    %dma_start3A_619 = tpu.memref_slice %arg7[%dma_start3A_614, %dma_start3A_617, %dma_start3A_618] : memref<2x1024x32xf32, #tpu.memory_space<vmem>> -> memref<1x1024x32xf32, #tpu.memory_space<vmem>>
    %dma_start3A_620 = tpu.memref_squeeze %dma_start3A_619 : memref<1x1024x32xf32, #tpu.memory_space<vmem>> -> memref<1024x32xf32, #tpu.memory_space<vmem>>
    %dma_start3A_621 = arith.constant 0 : i32
    %dma_start3A_622 = tpu.memref_slice %arg6[%dma_start3A_615, %dma_start3A_616, %dma_start3A_621] : memref<3x2x1024xi32, #tpu.memory_space<vmem>> -> memref<1x1x1024xi32, #tpu.memory_space<vmem>>
    %dma_start3A_623 = tpu.memref_squeeze %dma_start3A_622 : memref<1x1x1024xi32, #tpu.memory_space<vmem>> -> memref<1024xi32, #tpu.memory_space<vmem>>
    %dma_start3A_624 = arith.constant 0 : i32
    %dma_start3A_625 = arith.constant 0 : i32
    %dma_start3A_626 = tpu.memref_slice %arg8[%dma_start3A_624, %dma_start3A_625] : memref<10016x32xf32, #tpu.memory_space<vmem_shared>> -> memref<10016x32xf32, #tpu.memory_space<vmem_shared>>
    tpu.enqueue_indirect_dma source(%dma_start3A_620 : memref<1024x32xf32, #tpu.memory_space<vmem>>) target(%dma_start3A_626 : memref<10016x32xf32, #tpu.memory_space<vmem_shared>>) offsets(%dma_start3A_623 : memref<1024xi32, #tpu.memory_space<vmem>>) semaphore(%arg13 : memref<!tpu.dma_semaphore, #tpu.memory_space<semaphore_mem>>) {add = true}
    %dma_wait3A_627 = arith.constant 1 : i32
    %dma_wait3A_628 = arith.constant 2 : i32
    %dma_wait3A_629 = arith.constant 1 : i32
    %dma_wait3A_630 = arith.constant 0 : i32
    %dma_wait3A_631 = arith.constant 0 : i32
    %dma_wait3A_632 = tpu.memref_slice %arg7[%dma_wait3A_627, %dma_wait3A_630, %dma_wait3A_631] : memref<2x1024x32xf32, #tpu.memory_space<vmem>> -> memref<1x1024x32xf32, #tpu.memory_space<vmem>>
    %dma_wait3A_633 = tpu.memref_squeeze %dma_wait3A_632 : memref<1x1024x32xf32, #tpu.memory_space<vmem>> -> memref<1024x32xf32, #tpu.memory_space<vmem>>
    %dma_wait3A_634 = arith.constant 0 : i32
    %dma_wait3A_635 = tpu.memref_slice %arg6[%dma_wait3A_628, %dma_wait3A_629, %dma_wait3A_634] : memref<3x2x1024xi32, #tpu.memory_space<vmem>> -> memref<1x1x1024xi32, #tpu.memory_space<vmem>>
    %dma_wait3A_636 = tpu.memref_squeeze %dma_wait3A_635 : memref<1x1x1024xi32, #tpu.memory_space<vmem>> -> memref<1024xi32, #tpu.memory_space<vmem>>
    %dma_wait3A_637 = arith.constant 0 : i32
    %dma_wait3A_638 = arith.constant 0 : i32
    %dma_wait3A_639 = tpu.memref_slice %arg8[%dma_wait3A_637, %dma_wait3A_638] : memref<10016x32xf32, #tpu.memory_space<vmem_shared>> -> memref<10016x32xf32, #tpu.memory_space<vmem_shared>>
    tpu.wait_indirect_dma semaphore(%arg14 : memref<!tpu.dma_semaphore, #tpu.memory_space<semaphore_mem>>) src(%dma_wait3A_633 : memref<1024x32xf32, #tpu.memory_space<vmem>>) dst(%dma_wait3A_639 : memref<10016x32xf32, #tpu.memory_space<vmem_shared>>)
    %dma_wait3A_640 = arith.constant 7 : i32
    %dma_wait3A_641 = arith.constant 1 : i32
    %dma_wait3A_642 = arith.constant 0 : i32
    %dma_wait3A_643 = arith.constant 0 : i32
    %dma_wait3A_644 = tpu.memref_slice %arg6[%dma_wait3A_641, %dma_wait3A_642, %dma_wait3A_643] : memref<3x2x1024xi32, #tpu.memory_space<vmem>> -> memref<1x2x1024xi32, #tpu.memory_space<vmem>>
    %dma_wait3A_645 = tpu.memref_squeeze %dma_wait3A_644 : memref<1x2x1024xi32, #tpu.memory_space<vmem>> -> memref<2x1024xi32, #tpu.memory_space<vmem>>
    %dma_wait3A_646 = arith.constant 0 : i32
    %dma_wait3A_647 = arith.constant 0 : i32
    %dma_wait3A_648 = tpu.memref_slice %arg3[%add3A, %dma_wait3A_640, %dma_wait3A_646, %dma_wait3A_647] : memref<32x10x2x1024xi32, #tpu.memory_space<hbm>> -> memref<1x1x2x1024xi32, #tpu.memory_space<hbm>>
    %dma_wait3A_649 = tpu.memref_squeeze %dma_wait3A_648 : memref<1x1x2x1024xi32, #tpu.memory_space<hbm>> -> memref<2x1024xi32, #tpu.memory_space<hbm>>
    %dma_wait3A_650 = arith.constant 0 : i32
    %dma_wait3A_651 = arith.constant 0 : i32
    %dma_wait3A_652 = tpu.memref_slice %arg6[%dma_wait3A_641, %dma_wait3A_650, %dma_wait3A_651] : memref<3x2x1024xi32, #tpu.memory_space<vmem>> -> memref<1x2x1024xi32, #tpu.memory_space<vmem>>
    %dma_wait3A_653 = tpu.memref_squeeze %dma_wait3A_652 : memref<1x2x1024xi32, #tpu.memory_space<vmem>> -> memref<2x1024xi32, #tpu.memory_space<vmem>>
    %dma_wait3A_654 = arith.constant 0 : i32
    %dma_wait3A_655 = arith.constant 0 : i32
    %dma_wait3A_656 = tpu.memref_slice %arg3[%add3A, %dma_wait3A_640, %dma_wait3A_654, %dma_wait3A_655] : memref<32x10x2x1024xi32, #tpu.memory_space<hbm>> -> memref<1x1x2x1024xi32, #tpu.memory_space<hbm>>
    %dma_wait3A_657 = tpu.memref_squeeze %dma_wait3A_656 : memref<1x1x2x1024xi32, #tpu.memory_space<hbm>> -> memref<2x1024xi32, #tpu.memory_space<hbm>>
    tpu.wait_dma2 semaphore(%arg11 : memref<!tpu.dma_semaphore, #tpu.memory_space<semaphore_mem>>) src(%dma_wait3A_657 : memref<2x1024xi32, #tpu.memory_space<hbm>>) dst(%dma_wait3A_653 : memref<2x1024xi32, #tpu.memory_space<vmem>>)
    %dma_start3A_658 = arith.constant 1 : i32
    %dma_start3A_659 = arith.constant 0 : i32
    %dma_start3A_660 = arith.constant 1 : i32
    %dma_start3A_661 = arith.constant 0 : i32
    %dma_start3A_662 = arith.constant 0 : i32
    %dma_start3A_663 = tpu.memref_slice %arg7[%dma_start3A_660, %dma_start3A_661, %dma_start3A_662] : memref<2x1024x32xf32, #tpu.memory_space<vmem>> -> memref<1x1024x32xf32, #tpu.memory_space<vmem>>
    %dma_start3A_664 = tpu.memref_squeeze %dma_start3A_663 : memref<1x1024x32xf32, #tpu.memory_space<vmem>> -> memref<1024x32xf32, #tpu.memory_space<vmem>>
    %dma_start3A_665 = arith.constant 0 : i32
    %dma_start3A_666 = tpu.memref_slice %arg6[%dma_start3A_658, %dma_start3A_659, %dma_start3A_665] : memref<3x2x1024xi32, #tpu.memory_space<vmem>> -> memref<1x1x1024xi32, #tpu.memory_space<vmem>>
    %dma_start3A_667 = tpu.memref_squeeze %dma_start3A_666 : memref<1x1x1024xi32, #tpu.memory_space<vmem>> -> memref<1024xi32, #tpu.memory_space<vmem>>
    %dma_start3A_668 = arith.constant 0 : i32
    %dma_start3A_669 = arith.constant 0 : i32
    %dma_start3A_670 = tpu.memref_slice %arg9[%dma_start3A_668, %dma_start3A_669] : memref<10000x32xf32, #tpu.memory_space<vmem_shared>> -> memref<10000x32xf32, #tpu.memory_space<vmem_shared>>
    tpu.enqueue_indirect_dma source(%dma_start3A_670 : memref<10000x32xf32, #tpu.memory_space<vmem_shared>>) target(%dma_start3A_664 : memref<1024x32xf32, #tpu.memory_space<vmem>>) offsets(%dma_start3A_667 : memref<1024xi32, #tpu.memory_space<vmem>>) semaphore(%arg10 : memref<!tpu.dma_semaphore, #tpu.memory_space<semaphore_mem>>)
    %dma_start3A_671 = arith.constant 8 : i32
    %dma_start3A_672 = arith.constant 2 : i32
    %dma_start3A_673 = arith.constant 0 : i32
    %dma_start3A_674 = arith.constant 0 : i32
    %dma_start3A_675 = tpu.memref_slice %arg6[%dma_start3A_672, %dma_start3A_673, %dma_start3A_674] : memref<3x2x1024xi32, #tpu.memory_space<vmem>> -> memref<1x2x1024xi32, #tpu.memory_space<vmem>>
    %dma_start3A_676 = tpu.memref_squeeze %dma_start3A_675 : memref<1x2x1024xi32, #tpu.memory_space<vmem>> -> memref<2x1024xi32, #tpu.memory_space<vmem>>
    %dma_start3A_677 = arith.constant 0 : i32
    %dma_start3A_678 = arith.constant 0 : i32
    %dma_start3A_679 = tpu.memref_slice %arg3[%add3A, %dma_start3A_671, %dma_start3A_677, %dma_start3A_678] : memref<32x10x2x1024xi32, #tpu.memory_space<hbm>> -> memref<1x1x2x1024xi32, #tpu.memory_space<hbm>>
    %dma_start3A_680 = tpu.memref_squeeze %dma_start3A_679 : memref<1x1x2x1024xi32, #tpu.memory_space<hbm>> -> memref<2x1024xi32, #tpu.memory_space<hbm>>
    %dma_start3A_681 = arith.constant 0 : i32
    %dma_start3A_682 = arith.constant 0 : i32
    %dma_start3A_683 = tpu.memref_slice %arg6[%dma_start3A_672, %dma_start3A_681, %dma_start3A_682] : memref<3x2x1024xi32, #tpu.memory_space<vmem>> -> memref<1x2x1024xi32, #tpu.memory_space<vmem>>
    %dma_start3A_684 = tpu.memref_squeeze %dma_start3A_683 : memref<1x2x1024xi32, #tpu.memory_space<vmem>> -> memref<2x1024xi32, #tpu.memory_space<vmem>>
    %dma_start3A_685 = arith.constant 0 : i32
    %dma_start3A_686 = arith.constant 0 : i32
    %dma_start3A_687 = tpu.memref_slice %arg3[%add3A, %dma_start3A_671, %dma_start3A_685, %dma_start3A_686] : memref<32x10x2x1024xi32, #tpu.memory_space<hbm>> -> memref<1x1x2x1024xi32, #tpu.memory_space<hbm>>
    %dma_start3A_688 = tpu.memref_squeeze %dma_start3A_687 : memref<1x1x2x1024xi32, #tpu.memory_space<hbm>> -> memref<2x1024xi32, #tpu.memory_space<hbm>>
    tpu.enqueue_dma source(%dma_start3A_688 : memref<2x1024xi32, #tpu.memory_space<hbm>>) target(%dma_start3A_684 : memref<2x1024xi32, #tpu.memory_space<vmem>>) target_semaphore(%arg11 : memref<!tpu.dma_semaphore, #tpu.memory_space<semaphore_mem>>)
    %dma_wait3A_689 = arith.constant 1 : i32
    %dma_wait3A_690 = arith.constant 0 : i32
    %dma_wait3A_691 = arith.constant 1 : i32
    %dma_wait3A_692 = arith.constant 0 : i32
    %dma_wait3A_693 = arith.constant 0 : i32
    %dma_wait3A_694 = tpu.memref_slice %arg7[%dma_wait3A_691, %dma_wait3A_692, %dma_wait3A_693] : memref<2x1024x32xf32, #tpu.memory_space<vmem>> -> memref<1x1024x32xf32, #tpu.memory_space<vmem>>
    %dma_wait3A_695 = tpu.memref_squeeze %dma_wait3A_694 : memref<1x1024x32xf32, #tpu.memory_space<vmem>> -> memref<1024x32xf32, #tpu.memory_space<vmem>>
    %dma_wait3A_696 = arith.constant 0 : i32
    %dma_wait3A_697 = tpu.memref_slice %arg6[%dma_wait3A_689, %dma_wait3A_690, %dma_wait3A_696] : memref<3x2x1024xi32, #tpu.memory_space<vmem>> -> memref<1x1x1024xi32, #tpu.memory_space<vmem>>
    %dma_wait3A_698 = tpu.memref_squeeze %dma_wait3A_697 : memref<1x1x1024xi32, #tpu.memory_space<vmem>> -> memref<1024xi32, #tpu.memory_space<vmem>>
    %dma_wait3A_699 = arith.constant 0 : i32
    %dma_wait3A_700 = arith.constant 0 : i32
    %dma_wait3A_701 = tpu.memref_slice %arg9[%dma_wait3A_699, %dma_wait3A_700] : memref<10000x32xf32, #tpu.memory_space<vmem_shared>> -> memref<10000x32xf32, #tpu.memory_space<vmem_shared>>
    tpu.wait_indirect_dma semaphore(%arg10 : memref<!tpu.dma_semaphore, #tpu.memory_space<semaphore_mem>>) src(%dma_wait3A_701 : memref<10000x32xf32, #tpu.memory_space<vmem_shared>>) dst(%dma_wait3A_695 : memref<1024x32xf32, #tpu.memory_space<vmem>>)
    %dma_start3A_702 = arith.constant 1 : i32
    %dma_start3A_703 = arith.constant 1 : i32
    %dma_start3A_704 = arith.constant 1 : i32
    %dma_start3A_705 = arith.constant 0 : i32
    %dma_start3A_706 = arith.constant 0 : i32
    %dma_start3A_707 = tpu.memref_slice %arg7[%dma_start3A_702, %dma_start3A_705, %dma_start3A_706] : memref<2x1024x32xf32, #tpu.memory_space<vmem>> -> memref<1x1024x32xf32, #tpu.memory_space<vmem>>
    %dma_start3A_708 = tpu.memref_squeeze %dma_start3A_707 : memref<1x1024x32xf32, #tpu.memory_space<vmem>> -> memref<1024x32xf32, #tpu.memory_space<vmem>>
    %dma_start3A_709 = arith.constant 0 : i32
    %dma_start3A_710 = tpu.memref_slice %arg6[%dma_start3A_703, %dma_start3A_704, %dma_start3A_709] : memref<3x2x1024xi32, #tpu.memory_space<vmem>> -> memref<1x1x1024xi32, #tpu.memory_space<vmem>>
    %dma_start3A_711 = tpu.memref_squeeze %dma_start3A_710 : memref<1x1x1024xi32, #tpu.memory_space<vmem>> -> memref<1024xi32, #tpu.memory_space<vmem>>
    %dma_start3A_712 = arith.constant 0 : i32
    %dma_start3A_713 = arith.constant 0 : i32
    %dma_start3A_714 = tpu.memref_slice %arg8[%dma_start3A_712, %dma_start3A_713] : memref<10016x32xf32, #tpu.memory_space<vmem_shared>> -> memref<10016x32xf32, #tpu.memory_space<vmem_shared>>
    tpu.enqueue_indirect_dma source(%dma_start3A_708 : memref<1024x32xf32, #tpu.memory_space<vmem>>) target(%dma_start3A_714 : memref<10016x32xf32, #tpu.memory_space<vmem_shared>>) offsets(%dma_start3A_711 : memref<1024xi32, #tpu.memory_space<vmem>>) semaphore(%arg14 : memref<!tpu.dma_semaphore, #tpu.memory_space<semaphore_mem>>) {add = true}
    %dma_wait3A_715 = arith.constant 0 : i32
    %dma_wait3A_716 = arith.constant 0 : i32
    %dma_wait3A_717 = arith.constant 1 : i32
    %dma_wait3A_718 = arith.constant 0 : i32
    %dma_wait3A_719 = arith.constant 0 : i32
    %dma_wait3A_720 = tpu.memref_slice %arg7[%dma_wait3A_715, %dma_wait3A_718, %dma_wait3A_719] : memref<2x1024x32xf32, #tpu.memory_space<vmem>> -> memref<1x1024x32xf32, #tpu.memory_space<vmem>>
    %dma_wait3A_721 = tpu.memref_squeeze %dma_wait3A_720 : memref<1x1024x32xf32, #tpu.memory_space<vmem>> -> memref<1024x32xf32, #tpu.memory_space<vmem>>
    %dma_wait3A_722 = arith.constant 0 : i32
    %dma_wait3A_723 = tpu.memref_slice %arg6[%dma_wait3A_716, %dma_wait3A_717, %dma_wait3A_722] : memref<3x2x1024xi32, #tpu.memory_space<vmem>> -> memref<1x1x1024xi32, #tpu.memory_space<vmem>>
    %dma_wait3A_724 = tpu.memref_squeeze %dma_wait3A_723 : memref<1x1x1024xi32, #tpu.memory_space<vmem>> -> memref<1024xi32, #tpu.memory_space<vmem>>
    %dma_wait3A_725 = arith.constant 0 : i32
    %dma_wait3A_726 = arith.constant 0 : i32
    %dma_wait3A_727 = tpu.memref_slice %arg8[%dma_wait3A_725, %dma_wait3A_726] : memref<10016x32xf32, #tpu.memory_space<vmem_shared>> -> memref<10016x32xf32, #tpu.memory_space<vmem_shared>>
    tpu.wait_indirect_dma semaphore(%arg13 : memref<!tpu.dma_semaphore, #tpu.memory_space<semaphore_mem>>) src(%dma_wait3A_721 : memref<1024x32xf32, #tpu.memory_space<vmem>>) dst(%dma_wait3A_727 : memref<10016x32xf32, #tpu.memory_space<vmem_shared>>)
    %dma_wait3A_728 = arith.constant 8 : i32
    %dma_wait3A_729 = arith.constant 2 : i32
    %dma_wait3A_730 = arith.constant 0 : i32
    %dma_wait3A_731 = arith.constant 0 : i32
    %dma_wait3A_732 = tpu.memref_slice %arg6[%dma_wait3A_729, %dma_wait3A_730, %dma_wait3A_731] : memref<3x2x1024xi32, #tpu.memory_space<vmem>> -> memref<1x2x1024xi32, #tpu.memory_space<vmem>>
    %dma_wait3A_733 = tpu.memref_squeeze %dma_wait3A_732 : memref<1x2x1024xi32, #tpu.memory_space<vmem>> -> memref<2x1024xi32, #tpu.memory_space<vmem>>
    %dma_wait3A_734 = arith.constant 0 : i32
    %dma_wait3A_735 = arith.constant 0 : i32
    %dma_wait3A_736 = tpu.memref_slice %arg3[%add3A, %dma_wait3A_728, %dma_wait3A_734, %dma_wait3A_735] : memref<32x10x2x1024xi32, #tpu.memory_space<hbm>> -> memref<1x1x2x1024xi32, #tpu.memory_space<hbm>>
    %dma_wait3A_737 = tpu.memref_squeeze %dma_wait3A_736 : memref<1x1x2x1024xi32, #tpu.memory_space<hbm>> -> memref<2x1024xi32, #tpu.memory_space<hbm>>
    %dma_wait3A_738 = arith.constant 0 : i32
    %dma_wait3A_739 = arith.constant 0 : i32
    %dma_wait3A_740 = tpu.memref_slice %arg6[%dma_wait3A_729, %dma_wait3A_738, %dma_wait3A_739] : memref<3x2x1024xi32, #tpu.memory_space<vmem>> -> memref<1x2x1024xi32, #tpu.memory_space<vmem>>
    %dma_wait3A_741 = tpu.memref_squeeze %dma_wait3A_740 : memref<1x2x1024xi32, #tpu.memory_space<vmem>> -> memref<2x1024xi32, #tpu.memory_space<vmem>>
    %dma_wait3A_742 = arith.constant 0 : i32
    %dma_wait3A_743 = arith.constant 0 : i32
    %dma_wait3A_744 = tpu.memref_slice %arg3[%add3A, %dma_wait3A_728, %dma_wait3A_742, %dma_wait3A_743] : memref<32x10x2x1024xi32, #tpu.memory_space<hbm>> -> memref<1x1x2x1024xi32, #tpu.memory_space<hbm>>
    %dma_wait3A_745 = tpu.memref_squeeze %dma_wait3A_744 : memref<1x1x2x1024xi32, #tpu.memory_space<hbm>> -> memref<2x1024xi32, #tpu.memory_space<hbm>>
    tpu.wait_dma2 semaphore(%arg11 : memref<!tpu.dma_semaphore, #tpu.memory_space<semaphore_mem>>) src(%dma_wait3A_745 : memref<2x1024xi32, #tpu.memory_space<hbm>>) dst(%dma_wait3A_741 : memref<2x1024xi32, #tpu.memory_space<vmem>>)
    %dma_start3A_746 = arith.constant 2 : i32
    %dma_start3A_747 = arith.constant 0 : i32
    %dma_start3A_748 = arith.constant 0 : i32
    %dma_start3A_749 = arith.constant 0 : i32
    %dma_start3A_750 = arith.constant 0 : i32
    %dma_start3A_751 = tpu.memref_slice %arg7[%dma_start3A_748, %dma_start3A_749, %dma_start3A_750] : memref<2x1024x32xf32, #tpu.memory_space<vmem>> -> memref<1x1024x32xf32, #tpu.memory_space<vmem>>
    %dma_start3A_752 = tpu.memref_squeeze %dma_start3A_751 : memref<1x1024x32xf32, #tpu.memory_space<vmem>> -> memref<1024x32xf32, #tpu.memory_space<vmem>>
    %dma_start3A_753 = arith.constant 0 : i32
    %dma_start3A_754 = tpu.memref_slice %arg6[%dma_start3A_746, %dma_start3A_747, %dma_start3A_753] : memref<3x2x1024xi32, #tpu.memory_space<vmem>> -> memref<1x1x1024xi32, #tpu.memory_space<vmem>>
    %dma_start3A_755 = tpu.memref_squeeze %dma_start3A_754 : memref<1x1x1024xi32, #tpu.memory_space<vmem>> -> memref<1024xi32, #tpu.memory_space<vmem>>
    %dma_start3A_756 = arith.constant 0 : i32
    %dma_start3A_757 = arith.constant 0 : i32
    %dma_start3A_758 = tpu.memref_slice %arg9[%dma_start3A_756, %dma_start3A_757] : memref<10000x32xf32, #tpu.memory_space<vmem_shared>> -> memref<10000x32xf32, #tpu.memory_space<vmem_shared>>
    tpu.enqueue_indirect_dma source(%dma_start3A_758 : memref<10000x32xf32, #tpu.memory_space<vmem_shared>>) target(%dma_start3A_752 : memref<1024x32xf32, #tpu.memory_space<vmem>>) offsets(%dma_start3A_755 : memref<1024xi32, #tpu.memory_space<vmem>>) semaphore(%arg10 : memref<!tpu.dma_semaphore, #tpu.memory_space<semaphore_mem>>)
    %dma_start3A_759 = arith.constant 9 : i32
    %dma_start3A_760 = arith.constant 0 : i32
    %dma_start3A_761 = arith.constant 0 : i32
    %dma_start3A_762 = arith.constant 0 : i32
    %dma_start3A_763 = tpu.memref_slice %arg6[%dma_start3A_760, %dma_start3A_761, %dma_start3A_762] : memref<3x2x1024xi32, #tpu.memory_space<vmem>> -> memref<1x2x1024xi32, #tpu.memory_space<vmem>>
    %dma_start3A_764 = tpu.memref_squeeze %dma_start3A_763 : memref<1x2x1024xi32, #tpu.memory_space<vmem>> -> memref<2x1024xi32, #tpu.memory_space<vmem>>
    %dma_start3A_765 = arith.constant 0 : i32
    %dma_start3A_766 = arith.constant 0 : i32
    %dma_start3A_767 = tpu.memref_slice %arg3[%add3A, %dma_start3A_759, %dma_start3A_765, %dma_start3A_766] : memref<32x10x2x1024xi32, #tpu.memory_space<hbm>> -> memref<1x1x2x1024xi32, #tpu.memory_space<hbm>>
    %dma_start3A_768 = tpu.memref_squeeze %dma_start3A_767 : memref<1x1x2x1024xi32, #tpu.memory_space<hbm>> -> memref<2x1024xi32, #tpu.memory_space<hbm>>
    %dma_start3A_769 = arith.constant 0 : i32
    %dma_start3A_770 = arith.constant 0 : i32
    %dma_start3A_771 = tpu.memref_slice %arg6[%dma_start3A_760, %dma_start3A_769, %dma_start3A_770] : memref<3x2x1024xi32, #tpu.memory_space<vmem>> -> memref<1x2x1024xi32, #tpu.memory_space<vmem>>
    %dma_start3A_772 = tpu.memref_squeeze %dma_start3A_771 : memref<1x2x1024xi32, #tpu.memory_space<vmem>> -> memref<2x1024xi32, #tpu.memory_space<vmem>>
    %dma_start3A_773 = arith.constant 0 : i32
    %dma_start3A_774 = arith.constant 0 : i32
    %dma_start3A_775 = tpu.memref_slice %arg3[%add3A, %dma_start3A_759, %dma_start3A_773, %dma_start3A_774] : memref<32x10x2x1024xi32, #tpu.memory_space<hbm>> -> memref<1x1x2x1024xi32, #tpu.memory_space<hbm>>
    %dma_start3A_776 = tpu.memref_squeeze %dma_start3A_775 : memref<1x1x2x1024xi32, #tpu.memory_space<hbm>> -> memref<2x1024xi32, #tpu.memory_space<hbm>>
    tpu.enqueue_dma source(%dma_start3A_776 : memref<2x1024xi32, #tpu.memory_space<hbm>>) target(%dma_start3A_772 : memref<2x1024xi32, #tpu.memory_space<vmem>>) target_semaphore(%arg11 : memref<!tpu.dma_semaphore, #tpu.memory_space<semaphore_mem>>)
    %dma_wait3A_777 = arith.constant 2 : i32
    %dma_wait3A_778 = arith.constant 0 : i32
    %dma_wait3A_779 = arith.constant 0 : i32
    %dma_wait3A_780 = arith.constant 0 : i32
    %dma_wait3A_781 = arith.constant 0 : i32
    %dma_wait3A_782 = tpu.memref_slice %arg7[%dma_wait3A_779, %dma_wait3A_780, %dma_wait3A_781] : memref<2x1024x32xf32, #tpu.memory_space<vmem>> -> memref<1x1024x32xf32, #tpu.memory_space<vmem>>
    %dma_wait3A_783 = tpu.memref_squeeze %dma_wait3A_782 : memref<1x1024x32xf32, #tpu.memory_space<vmem>> -> memref<1024x32xf32, #tpu.memory_space<vmem>>
    %dma_wait3A_784 = arith.constant 0 : i32
    %dma_wait3A_785 = tpu.memref_slice %arg6[%dma_wait3A_777, %dma_wait3A_778, %dma_wait3A_784] : memref<3x2x1024xi32, #tpu.memory_space<vmem>> -> memref<1x1x1024xi32, #tpu.memory_space<vmem>>
    %dma_wait3A_786 = tpu.memref_squeeze %dma_wait3A_785 : memref<1x1x1024xi32, #tpu.memory_space<vmem>> -> memref<1024xi32, #tpu.memory_space<vmem>>
    %dma_wait3A_787 = arith.constant 0 : i32
    %dma_wait3A_788 = arith.constant 0 : i32
    %dma_wait3A_789 = tpu.memref_slice %arg9[%dma_wait3A_787, %dma_wait3A_788] : memref<10000x32xf32, #tpu.memory_space<vmem_shared>> -> memref<10000x32xf32, #tpu.memory_space<vmem_shared>>
    tpu.wait_indirect_dma semaphore(%arg10 : memref<!tpu.dma_semaphore, #tpu.memory_space<semaphore_mem>>) src(%dma_wait3A_789 : memref<10000x32xf32, #tpu.memory_space<vmem_shared>>) dst(%dma_wait3A_783 : memref<1024x32xf32, #tpu.memory_space<vmem>>)
    %dma_start3A_790 = arith.constant 0 : i32
    %dma_start3A_791 = arith.constant 2 : i32
    %dma_start3A_792 = arith.constant 1 : i32
    %dma_start3A_793 = arith.constant 0 : i32
    %dma_start3A_794 = arith.constant 0 : i32
    %dma_start3A_795 = tpu.memref_slice %arg7[%dma_start3A_790, %dma_start3A_793, %dma_start3A_794] : memref<2x1024x32xf32, #tpu.memory_space<vmem>> -> memref<1x1024x32xf32, #tpu.memory_space<vmem>>
    %dma_start3A_796 = tpu.memref_squeeze %dma_start3A_795 : memref<1x1024x32xf32, #tpu.memory_space<vmem>> -> memref<1024x32xf32, #tpu.memory_space<vmem>>
    %dma_start3A_797 = arith.constant 0 : i32
    %dma_start3A_798 = tpu.memref_slice %arg6[%dma_start3A_791, %dma_start3A_792, %dma_start3A_797] : memref<3x2x1024xi32, #tpu.memory_space<vmem>> -> memref<1x1x1024xi32, #tpu.memory_space<vmem>>
    %dma_start3A_799 = tpu.memref_squeeze %dma_start3A_798 : memref<1x1x1024xi32, #tpu.memory_space<vmem>> -> memref<1024xi32, #tpu.memory_space<vmem>>
    %dma_start3A_800 = arith.constant 0 : i32
    %dma_start3A_801 = arith.constant 0 : i32
    %dma_start3A_802 = tpu.memref_slice %arg8[%dma_start3A_800, %dma_start3A_801] : memref<10016x32xf32, #tpu.memory_space<vmem_shared>> -> memref<10016x32xf32, #tpu.memory_space<vmem_shared>>
    tpu.enqueue_indirect_dma source(%dma_start3A_796 : memref<1024x32xf32, #tpu.memory_space<vmem>>) target(%dma_start3A_802 : memref<10016x32xf32, #tpu.memory_space<vmem_shared>>) offsets(%dma_start3A_799 : memref<1024xi32, #tpu.memory_space<vmem>>) semaphore(%arg13 : memref<!tpu.dma_semaphore, #tpu.memory_space<semaphore_mem>>) {add = true}
    %dma_wait3A_803 = arith.constant 1 : i32
    %dma_wait3A_804 = arith.constant 1 : i32
    %dma_wait3A_805 = arith.constant 1 : i32
    %dma_wait3A_806 = arith.constant 0 : i32
    %dma_wait3A_807 = arith.constant 0 : i32
    %dma_wait3A_808 = tpu.memref_slice %arg7[%dma_wait3A_803, %dma_wait3A_806, %dma_wait3A_807] : memref<2x1024x32xf32, #tpu.memory_space<vmem>> -> memref<1x1024x32xf32, #tpu.memory_space<vmem>>
    %dma_wait3A_809 = tpu.memref_squeeze %dma_wait3A_808 : memref<1x1024x32xf32, #tpu.memory_space<vmem>> -> memref<1024x32xf32, #tpu.memory_space<vmem>>
    %dma_wait3A_810 = arith.constant 0 : i32
    %dma_wait3A_811 = tpu.memref_slice %arg6[%dma_wait3A_804, %dma_wait3A_805, %dma_wait3A_810] : memref<3x2x1024xi32, #tpu.memory_space<vmem>> -> memref<1x1x1024xi32, #tpu.memory_space<vmem>>
    %dma_wait3A_812 = tpu.memref_squeeze %dma_wait3A_811 : memref<1x1x1024xi32, #tpu.memory_space<vmem>> -> memref<1024xi32, #tpu.memory_space<vmem>>
    %dma_wait3A_813 = arith.constant 0 : i32
    %dma_wait3A_814 = arith.constant 0 : i32
    %dma_wait3A_815 = tpu.memref_slice %arg8[%dma_wait3A_813, %dma_wait3A_814] : memref<10016x32xf32, #tpu.memory_space<vmem_shared>> -> memref<10016x32xf32, #tpu.memory_space<vmem_shared>>
    tpu.wait_indirect_dma semaphore(%arg14 : memref<!tpu.dma_semaphore, #tpu.memory_space<semaphore_mem>>) src(%dma_wait3A_809 : memref<1024x32xf32, #tpu.memory_space<vmem>>) dst(%dma_wait3A_815 : memref<10016x32xf32, #tpu.memory_space<vmem_shared>>)
    %dma_wait3A_816 = arith.constant 9 : i32
    %dma_wait3A_817 = arith.constant 0 : i32
    %dma_wait3A_818 = arith.constant 0 : i32
    %dma_wait3A_819 = arith.constant 0 : i32
    %dma_wait3A_820 = tpu.memref_slice %arg6[%dma_wait3A_817, %dma_wait3A_818, %dma_wait3A_819] : memref<3x2x1024xi32, #tpu.memory_space<vmem>> -> memref<1x2x1024xi32, #tpu.memory_space<vmem>>
    %dma_wait3A_821 = tpu.memref_squeeze %dma_wait3A_820 : memref<1x2x1024xi32, #tpu.memory_space<vmem>> -> memref<2x1024xi32, #tpu.memory_space<vmem>>
    %dma_wait3A_822 = arith.constant 0 : i32
    %dma_wait3A_823 = arith.constant 0 : i32
    %dma_wait3A_824 = tpu.memref_slice %arg3[%add3A, %dma_wait3A_816, %dma_wait3A_822, %dma_wait3A_823] : memref<32x10x2x1024xi32, #tpu.memory_space<hbm>> -> memref<1x1x2x1024xi32, #tpu.memory_space<hbm>>
    %dma_wait3A_825 = tpu.memref_squeeze %dma_wait3A_824 : memref<1x1x2x1024xi32, #tpu.memory_space<hbm>> -> memref<2x1024xi32, #tpu.memory_space<hbm>>
    %dma_wait3A_826 = arith.constant 0 : i32
    %dma_wait3A_827 = arith.constant 0 : i32
    %dma_wait3A_828 = tpu.memref_slice %arg6[%dma_wait3A_817, %dma_wait3A_826, %dma_wait3A_827] : memref<3x2x1024xi32, #tpu.memory_space<vmem>> -> memref<1x2x1024xi32, #tpu.memory_space<vmem>>
    %dma_wait3A_829 = tpu.memref_squeeze %dma_wait3A_828 : memref<1x2x1024xi32, #tpu.memory_space<vmem>> -> memref<2x1024xi32, #tpu.memory_space<vmem>>
    %dma_wait3A_830 = arith.constant 0 : i32
    %dma_wait3A_831 = arith.constant 0 : i32
    %dma_wait3A_832 = tpu.memref_slice %arg3[%add3A, %dma_wait3A_816, %dma_wait3A_830, %dma_wait3A_831] : memref<32x10x2x1024xi32, #tpu.memory_space<hbm>> -> memref<1x1x2x1024xi32, #tpu.memory_space<hbm>>
    %dma_wait3A_833 = tpu.memref_squeeze %dma_wait3A_832 : memref<1x1x2x1024xi32, #tpu.memory_space<hbm>> -> memref<2x1024xi32, #tpu.memory_space<hbm>>
    tpu.wait_dma2 semaphore(%arg11 : memref<!tpu.dma_semaphore, #tpu.memory_space<semaphore_mem>>) src(%dma_wait3A_833 : memref<2x1024xi32, #tpu.memory_space<hbm>>) dst(%dma_wait3A_829 : memref<2x1024xi32, #tpu.memory_space<vmem>>)
    %dma_start3A_834 = arith.constant 0 : i32
    %dma_start3A_835 = arith.constant 0 : i32
    %dma_start3A_836 = arith.constant 1 : i32
    %dma_start3A_837 = arith.constant 0 : i32
    %dma_start3A_838 = arith.constant 0 : i32
    %dma_start3A_839 = tpu.memref_slice %arg7[%dma_start3A_836, %dma_start3A_837, %dma_start3A_838] : memref<2x1024x32xf32, #tpu.memory_space<vmem>> -> memref<1x1024x32xf32, #tpu.memory_space<vmem>>
    %dma_start3A_840 = tpu.memref_squeeze %dma_start3A_839 : memref<1x1024x32xf32, #tpu.memory_space<vmem>> -> memref<1024x32xf32, #tpu.memory_space<vmem>>
    %dma_start3A_841 = arith.constant 0 : i32
    %dma_start3A_842 = tpu.memref_slice %arg6[%dma_start3A_834, %dma_start3A_835, %dma_start3A_841] : memref<3x2x1024xi32, #tpu.memory_space<vmem>> -> memref<1x1x1024xi32, #tpu.memory_space<vmem>>
    %dma_start3A_843 = tpu.memref_squeeze %dma_start3A_842 : memref<1x1x1024xi32, #tpu.memory_space<vmem>> -> memref<1024xi32, #tpu.memory_space<vmem>>
    %dma_start3A_844 = arith.constant 0 : i32
    %dma_start3A_845 = arith.constant 0 : i32
    %dma_start3A_846 = tpu.memref_slice %arg9[%dma_start3A_844, %dma_start3A_845] : memref<10000x32xf32, #tpu.memory_space<vmem_shared>> -> memref<10000x32xf32, #tpu.memory_space<vmem_shared>>
    tpu.enqueue_indirect_dma source(%dma_start3A_846 : memref<10000x32xf32, #tpu.memory_space<vmem_shared>>) target(%dma_start3A_840 : memref<1024x32xf32, #tpu.memory_space<vmem>>) offsets(%dma_start3A_843 : memref<1024xi32, #tpu.memory_space<vmem>>) semaphore(%arg10 : memref<!tpu.dma_semaphore, #tpu.memory_space<semaphore_mem>>)
    %dma_wait3A_847 = arith.constant 0 : i32
    %dma_wait3A_848 = arith.constant 0 : i32
    %dma_wait3A_849 = arith.constant 1 : i32
    %dma_wait3A_850 = arith.constant 0 : i32
    %dma_wait3A_851 = arith.constant 0 : i32
    %dma_wait3A_852 = tpu.memref_slice %arg7[%dma_wait3A_849, %dma_wait3A_850, %dma_wait3A_851] : memref<2x1024x32xf32, #tpu.memory_space<vmem>> -> memref<1x1024x32xf32, #tpu.memory_space<vmem>>
    %dma_wait3A_853 = tpu.memref_squeeze %dma_wait3A_852 : memref<1x1024x32xf32, #tpu.memory_space<vmem>> -> memref<1024x32xf32, #tpu.memory_space<vmem>>
    %dma_wait3A_854 = arith.constant 0 : i32
    %dma_wait3A_855 = tpu.memref_slice %arg6[%dma_wait3A_847, %dma_wait3A_848, %dma_wait3A_854] : memref<3x2x1024xi32, #tpu.memory_space<vmem>> -> memref<1x1x1024xi32, #tpu.memory_space<vmem>>
    %dma_wait3A_856 = tpu.memref_squeeze %dma_wait3A_855 : memref<1x1x1024xi32, #tpu.memory_space<vmem>> -> memref<1024xi32, #tpu.memory_space<vmem>>
    %dma_wait3A_857 = arith.constant 0 : i32
    %dma_wait3A_858 = arith.constant 0 : i32
    %dma_wait3A_859 = tpu.memref_slice %arg9[%dma_wait3A_857, %dma_wait3A_858] : memref<10000x32xf32, #tpu.memory_space<vmem_shared>> -> memref<10000x32xf32, #tpu.memory_space<vmem_shared>>
    tpu.wait_indirect_dma semaphore(%arg10 : memref<!tpu.dma_semaphore, #tpu.memory_space<semaphore_mem>>) src(%dma_wait3A_859 : memref<10000x32xf32, #tpu.memory_space<vmem_shared>>) dst(%dma_wait3A_853 : memref<1024x32xf32, #tpu.memory_space<vmem>>)
    %dma_start3A_860 = arith.constant 1 : i32
    %dma_start3A_861 = arith.constant 0 : i32
    %dma_start3A_862 = arith.constant 1 : i32
    %dma_start3A_863 = arith.constant 0 : i32
    %dma_start3A_864 = arith.constant 0 : i32
    %dma_start3A_865 = tpu.memref_slice %arg7[%dma_start3A_860, %dma_start3A_863, %dma_start3A_864] : memref<2x1024x32xf32, #tpu.memory_space<vmem>> -> memref<1x1024x32xf32, #tpu.memory_space<vmem>>
    %dma_start3A_866 = tpu.memref_squeeze %dma_start3A_865 : memref<1x1024x32xf32, #tpu.memory_space<vmem>> -> memref<1024x32xf32, #tpu.memory_space<vmem>>
    %dma_start3A_867 = arith.constant 0 : i32
    %dma_start3A_868 = tpu.memref_slice %arg6[%dma_start3A_861, %dma_start3A_862, %dma_start3A_867] : memref<3x2x1024xi32, #tpu.memory_space<vmem>> -> memref<1x1x1024xi32, #tpu.memory_space<vmem>>
    %dma_start3A_869 = tpu.memref_squeeze %dma_start3A_868 : memref<1x1x1024xi32, #tpu.memory_space<vmem>> -> memref<1024xi32, #tpu.memory_space<vmem>>
    %dma_start3A_870 = arith.constant 0 : i32
    %dma_start3A_871 = arith.constant 0 : i32
    %dma_start3A_872 = tpu.memref_slice %arg8[%dma_start3A_870, %dma_start3A_871] : memref<10016x32xf32, #tpu.memory_space<vmem_shared>> -> memref<10016x32xf32, #tpu.memory_space<vmem_shared>>
    tpu.enqueue_indirect_dma source(%dma_start3A_866 : memref<1024x32xf32, #tpu.memory_space<vmem>>) target(%dma_start3A_872 : memref<10016x32xf32, #tpu.memory_space<vmem_shared>>) offsets(%dma_start3A_869 : memref<1024xi32, #tpu.memory_space<vmem>>) semaphore(%arg14 : memref<!tpu.dma_semaphore, #tpu.memory_space<semaphore_mem>>) {add = true}
    %dma_wait3A_873 = arith.constant 0 : i32
    %dma_wait3A_874 = arith.constant 2 : i32
    %dma_wait3A_875 = arith.constant 1 : i32
    %dma_wait3A_876 = arith.constant 0 : i32
    %dma_wait3A_877 = arith.constant 0 : i32
    %dma_wait3A_878 = tpu.memref_slice %arg7[%dma_wait3A_873, %dma_wait3A_876, %dma_wait3A_877] : memref<2x1024x32xf32, #tpu.memory_space<vmem>> -> memref<1x1024x32xf32, #tpu.memory_space<vmem>>
    %dma_wait3A_879 = tpu.memref_squeeze %dma_wait3A_878 : memref<1x1024x32xf32, #tpu.memory_space<vmem>> -> memref<1024x32xf32, #tpu.memory_space<vmem>>
    %dma_wait3A_880 = arith.constant 0 : i32
    %dma_wait3A_881 = tpu.memref_slice %arg6[%dma_wait3A_874, %dma_wait3A_875, %dma_wait3A_880] : memref<3x2x1024xi32, #tpu.memory_space<vmem>> -> memref<1x1x1024xi32, #tpu.memory_space<vmem>>
    %dma_wait3A_882 = tpu.memref_squeeze %dma_wait3A_881 : memref<1x1x1024xi32, #tpu.memory_space<vmem>> -> memref<1024xi32, #tpu.memory_space<vmem>>
    %dma_wait3A_883 = arith.constant 0 : i32
    %dma_wait3A_884 = arith.constant 0 : i32
    %dma_wait3A_885 = tpu.memref_slice %arg8[%dma_wait3A_883, %dma_wait3A_884] : memref<10016x32xf32, #tpu.memory_space<vmem_shared>> -> memref<10016x32xf32, #tpu.memory_space<vmem_shared>>
    tpu.wait_indirect_dma semaphore(%arg13 : memref<!tpu.dma_semaphore, #tpu.memory_space<semaphore_mem>>) src(%dma_wait3A_879 : memref<1024x32xf32, #tpu.memory_space<vmem>>) dst(%dma_wait3A_885 : memref<10016x32xf32, #tpu.memory_space<vmem_shared>>)
    %dma_wait3A_886 = arith.constant 1 : i32
    %dma_wait3A_887 = arith.constant 0 : i32
    %dma_wait3A_888 = arith.constant 1 : i32
    %dma_wait3A_889 = arith.constant 0 : i32
    %dma_wait3A_890 = arith.constant 0 : i32
    %dma_wait3A_891 = tpu.memref_slice %arg7[%dma_wait3A_886, %dma_wait3A_889, %dma_wait3A_890] : memref<2x1024x32xf32, #tpu.memory_space<vmem>> -> memref<1x1024x32xf32, #tpu.memory_space<vmem>>
    %dma_wait3A_892 = tpu.memref_squeeze %dma_wait3A_891 : memref<1x1024x32xf32, #tpu.memory_space<vmem>> -> memref<1024x32xf32, #tpu.memory_space<vmem>>
    %dma_wait3A_893 = arith.constant 0 : i32
    %dma_wait3A_894 = tpu.memref_slice %arg6[%dma_wait3A_887, %dma_wait3A_888, %dma_wait3A_893] : memref<3x2x1024xi32, #tpu.memory_space<vmem>> -> memref<1x1x1024xi32, #tpu.memory_space<vmem>>
    %dma_wait3A_895 = tpu.memref_squeeze %dma_wait3A_894 : memref<1x1x1024xi32, #tpu.memory_space<vmem>> -> memref<1024xi32, #tpu.memory_space<vmem>>
    %dma_wait3A_896 = arith.constant 0 : i32
    %dma_wait3A_897 = arith.constant 0 : i32
    %dma_wait3A_898 = tpu.memref_slice %arg8[%dma_wait3A_896, %dma_wait3A_897] : memref<10016x32xf32, #tpu.memory_space<vmem_shared>> -> memref<10016x32xf32, #tpu.memory_space<vmem_shared>>
    tpu.wait_indirect_dma semaphore(%arg14 : memref<!tpu.dma_semaphore, #tpu.memory_space<semaphore_mem>>) src(%dma_wait3A_892 : memref<1024x32xf32, #tpu.memory_space<vmem>>) dst(%dma_wait3A_898 : memref<10016x32xf32, #tpu.memory_space<vmem_shared>>)
    %barrier3A_899 = arith.constant 0 : index
    tpu.barrier barrier_id(%barrier3A_899)
    "tpu.region"() ({
      %run_scoped3A = tpu.sem_alloc : memref<!tpu.dma_semaphore, #tpu.memory_space<semaphore_mem>>
      %dma_start3A_900 = arith.constant 0 : i32
      %dma_start3A_901 = tpu.memref_slice %arg5[%arg0, %mul3A_2, %dma_start3A_900] : memref<2x10016x32xf32, #tpu.memory_space<hbm>> -> memref<1x626x32xf32, #tpu.memory_space<hbm>>
      %dma_start3A_902 = tpu.memref_squeeze %dma_start3A_901 : memref<1x626x32xf32, #tpu.memory_space<hbm>> -> memref<626x32xf32, #tpu.memory_space<hbm>>
      %dma_start3A_903 = arith.constant 0 : i32
      %dma_start3A_904 = tpu.memref_slice %arg8[%mul3A_2, %dma_start3A_903] : memref<10016x32xf32, #tpu.memory_space<vmem_shared>> -> memref<626x32xf32, #tpu.memory_space<vmem_shared>>
      tpu.enqueue_dma source(%dma_start3A_904 : memref<626x32xf32, #tpu.memory_space<vmem_shared>>) target(%dma_start3A_902 : memref<626x32xf32, #tpu.memory_space<hbm>>) target_semaphore(%run_scoped3A : memref<!tpu.dma_semaphore, #tpu.memory_space<semaphore_mem>>)
      %dma_wait3A_905 = arith.constant 0 : i32
      %dma_wait3A_906 = tpu.memref_slice %arg5[%arg0, %mul3A_2, %dma_wait3A_905] : memref<2x10016x32xf32, #tpu.memory_space<hbm>> -> memref<1x626x32xf32, #tpu.memory_space<hbm>>
      %dma_wait3A_907 = tpu.memref_squeeze %dma_wait3A_906 : memref<1x626x32xf32, #tpu.memory_space<hbm>> -> memref<626x32xf32, #tpu.memory_space<hbm>>
      %dma_wait3A_908 = arith.constant 0 : i32
      %dma_wait3A_909 = tpu.memref_slice %arg8[%mul3A_2, %dma_wait3A_908] : memref<10016x32xf32, #tpu.memory_space<vmem_shared>> -> memref<626x32xf32, #tpu.memory_space<vmem_shared>>
      tpu.wait_dma2 semaphore(%run_scoped3A : memref<!tpu.dma_semaphore, #tpu.memory_space<semaphore_mem>>) src(%dma_wait3A_909 : memref<626x32xf32, #tpu.memory_space<vmem_shared>>) dst(%dma_wait3A_907 : memref<626x32xf32, #tpu.memory_space<hbm>>)
      tpu.yield
    }) : () -> ()
    return
  }
}

#map = affine_map<(d0, d1) -> (0, 0)>
#map1 = affine_map<(d0, d1) -> (0, 0, 0, 0)>
#map2 = affine_map<(d0, d1) -> (0, 0, 0)>
module attributes {stable_mosaic.version = 14 : i64} {
  func.func @_agg_body(%arg0: i32, %arg1: i32, %arg2: memref<10000x32xf32, #tpu.memory_space<hbm>>, %arg3: memref<32x10x2x1024xi32, #tpu.memory_space<hbm>>, %arg4: memref<10016x32xf32, #tpu.memory_space<hbm>>, %arg5: memref<2x10016x32xf32, #tpu.memory_space<hbm>>, %arg6: memref<3x2x1024xi32, #tpu.memory_space<vmem>>, %arg7: memref<2x1024x32xf32, #tpu.memory_space<vmem>>, %arg8: memref<10016x32xf32, #tpu.memory_space<vmem_shared>>, %arg9: memref<10000x32xf32, #tpu.memory_space<vmem_shared>>, %arg10: memref<!tpu.dma_semaphore, #tpu.memory_space<semaphore_mem>>, %arg11: memref<!tpu.dma_semaphore, #tpu.memory_space<semaphore_mem>>, %arg12: memref<!tpu.dma_semaphore, #tpu.memory_space<semaphore_mem>>, %arg13: memref<!tpu.dma_semaphore, #tpu.memory_space<semaphore_mem>>, %arg14: memref<!tpu.dma_semaphore, #tpu.memory_space<semaphore_mem>>) attributes {dimension_semantics = [#tpu.dimension_semantics<core_parallel>, #tpu.dimension_semantics<subcore_parallel>], iteration_bounds = array<i64: 2, 16>, scalar_prefetch = 0 : i64, scratch_operands = 9 : i64, tpu.core_type = #tpu.core_type<sc_vector_subcore>, window_params = [{transform_indices = #map}, {transform_indices = #map1}, {transform_indices = #map}, {transform_indices = #map2}]} {
    %mul3A = arith.constant 2 : i32
    %mul3A_0 = arith.muli %arg1, %mul3A : i32
    %add3A = arith.addi %mul3A_0, %arg0 : i32
    %mul3A_1 = arith.constant 626 : i32
    %mul3A_2 = arith.muli %arg1, %mul3A_1 : i32
    %mul3A_3 = arith.constant 625 : i32
    %mul3A_4 = arith.muli %arg1, %mul3A_3 : i32
    %dma_start3A = arith.constant 0 : i32
    %dma_start3A_5 = tpu.memref_slice %arg8[%mul3A_2, %dma_start3A] : memref<10016x32xf32, #tpu.memory_space<vmem_shared>> -> memref<626x32xf32, #tpu.memory_space<vmem_shared>>
    %dma_start3A_6 = arith.constant 0 : i32
    %dma_start3A_7 = tpu.memref_slice %arg4[%mul3A_2, %dma_start3A_6] : memref<10016x32xf32, #tpu.memory_space<hbm>> -> memref<626x32xf32, #tpu.memory_space<hbm>>
    tpu.enqueue_dma source(%dma_start3A_7 : memref<626x32xf32, #tpu.memory_space<hbm>>) target(%dma_start3A_5 : memref<626x32xf32, #tpu.memory_space<vmem_shared>>) target_semaphore(%arg12 : memref<!tpu.dma_semaphore, #tpu.memory_space<semaphore_mem>>)
    %dma_start3A_8 = arith.constant 0 : i32
    %dma_start3A_9 = tpu.memref_slice %arg9[%mul3A_4, %dma_start3A_8] : memref<10000x32xf32, #tpu.memory_space<vmem_shared>> -> memref<625x32xf32, #tpu.memory_space<vmem_shared>>
    %dma_start3A_10 = arith.constant 0 : i32
    %dma_start3A_11 = tpu.memref_slice %arg2[%mul3A_4, %dma_start3A_10] : memref<10000x32xf32, #tpu.memory_space<hbm>> -> memref<625x32xf32, #tpu.memory_space<hbm>>
    tpu.enqueue_dma source(%dma_start3A_11 : memref<625x32xf32, #tpu.memory_space<hbm>>) target(%dma_start3A_9 : memref<625x32xf32, #tpu.memory_space<vmem_shared>>) target_semaphore(%arg12 : memref<!tpu.dma_semaphore, #tpu.memory_space<semaphore_mem>>)
    %dma_start3A_12 = arith.constant 0 : i32
    %dma_start3A_13 = arith.constant 0 : i32
    %dma_start3A_14 = arith.constant 0 : i32
    %dma_start3A_15 = arith.constant 0 : i32
    %dma_start3A_16 = tpu.memref_slice %arg6[%dma_start3A_13, %dma_start3A_14, %dma_start3A_15] : memref<3x2x1024xi32, #tpu.memory_space<vmem>> -> memref<1x2x1024xi32, #tpu.memory_space<vmem>>
    %dma_start3A_17 = tpu.memref_squeeze %dma_start3A_16 : memref<1x2x1024xi32, #tpu.memory_space<vmem>> -> memref<2x1024xi32, #tpu.memory_space<vmem>>
    %dma_start3A_18 = arith.constant 0 : i32
    %dma_start3A_19 = arith.constant 0 : i32
    %dma_start3A_20 = tpu.memref_slice %arg3[%add3A, %dma_start3A_12, %dma_start3A_18, %dma_start3A_19] : memref<32x10x2x1024xi32, #tpu.memory_space<hbm>> -> memref<1x1x2x1024xi32, #tpu.memory_space<hbm>>
    %dma_start3A_21 = tpu.memref_squeeze %dma_start3A_20 : memref<1x1x2x1024xi32, #tpu.memory_space<hbm>> -> memref<2x1024xi32, #tpu.memory_space<hbm>>
    %dma_start3A_22 = arith.constant 0 : i32
    %dma_start3A_23 = arith.constant 0 : i32
    %dma_start3A_24 = tpu.memref_slice %arg6[%dma_start3A_13, %dma_start3A_22, %dma_start3A_23] : memref<3x2x1024xi32, #tpu.memory_space<vmem>> -> memref<1x2x1024xi32, #tpu.memory_space<vmem>>
    %dma_start3A_25 = tpu.memref_squeeze %dma_start3A_24 : memref<1x2x1024xi32, #tpu.memory_space<vmem>> -> memref<2x1024xi32, #tpu.memory_space<vmem>>
    %dma_start3A_26 = arith.constant 0 : i32
    %dma_start3A_27 = arith.constant 0 : i32
    %dma_start3A_28 = tpu.memref_slice %arg3[%add3A, %dma_start3A_12, %dma_start3A_26, %dma_start3A_27] : memref<32x10x2x1024xi32, #tpu.memory_space<hbm>> -> memref<1x1x2x1024xi32, #tpu.memory_space<hbm>>
    %dma_start3A_29 = tpu.memref_squeeze %dma_start3A_28 : memref<1x1x2x1024xi32, #tpu.memory_space<hbm>> -> memref<2x1024xi32, #tpu.memory_space<hbm>>
    tpu.enqueue_dma source(%dma_start3A_29 : memref<2x1024xi32, #tpu.memory_space<hbm>>) target(%dma_start3A_25 : memref<2x1024xi32, #tpu.memory_space<vmem>>) target_semaphore(%arg11 : memref<!tpu.dma_semaphore, #tpu.memory_space<semaphore_mem>>)
    %dma_start3A_30 = arith.constant 1 : i32
    %dma_start3A_31 = arith.constant 1 : i32
    %dma_start3A_32 = arith.constant 0 : i32
    %dma_start3A_33 = arith.constant 0 : i32
    %dma_start3A_34 = tpu.memref_slice %arg6[%dma_start3A_31, %dma_start3A_32, %dma_start3A_33] : memref<3x2x1024xi32, #tpu.memory_space<vmem>> -> memref<1x2x1024xi32, #tpu.memory_space<vmem>>
    %dma_start3A_35 = tpu.memref_squeeze %dma_start3A_34 : memref<1x2x1024xi32, #tpu.memory_space<vmem>> -> memref<2x1024xi32, #tpu.memory_space<vmem>>
    %dma_start3A_36 = arith.constant 0 : i32
    %dma_start3A_37 = arith.constant 0 : i32
    %dma_start3A_38 = tpu.memref_slice %arg3[%add3A, %dma_start3A_30, %dma_start3A_36, %dma_start3A_37] : memref<32x10x2x1024xi32, #tpu.memory_space<hbm>> -> memref<1x1x2x1024xi32, #tpu.memory_space<hbm>>
    %dma_start3A_39 = tpu.memref_squeeze %dma_start3A_38 : memref<1x1x2x1024xi32, #tpu.memory_space<hbm>> -> memref<2x1024xi32, #tpu.memory_space<hbm>>
    %dma_start3A_40 = arith.constant 0 : i32
    %dma_start3A_41 = arith.constant 0 : i32
    %dma_start3A_42 = tpu.memref_slice %arg6[%dma_start3A_31, %dma_start3A_40, %dma_start3A_41] : memref<3x2x1024xi32, #tpu.memory_space<vmem>> -> memref<1x2x1024xi32, #tpu.memory_space<vmem>>
    %dma_start3A_43 = tpu.memref_squeeze %dma_start3A_42 : memref<1x2x1024xi32, #tpu.memory_space<vmem>> -> memref<2x1024xi32, #tpu.memory_space<vmem>>
    %dma_start3A_44 = arith.constant 0 : i32
    %dma_start3A_45 = arith.constant 0 : i32
    %dma_start3A_46 = tpu.memref_slice %arg3[%add3A, %dma_start3A_30, %dma_start3A_44, %dma_start3A_45] : memref<32x10x2x1024xi32, #tpu.memory_space<hbm>> -> memref<1x1x2x1024xi32, #tpu.memory_space<hbm>>
    %dma_start3A_47 = tpu.memref_squeeze %dma_start3A_46 : memref<1x1x2x1024xi32, #tpu.memory_space<hbm>> -> memref<2x1024xi32, #tpu.memory_space<hbm>>
    tpu.enqueue_dma source(%dma_start3A_47 : memref<2x1024xi32, #tpu.memory_space<hbm>>) target(%dma_start3A_43 : memref<2x1024xi32, #tpu.memory_space<vmem>>) target_semaphore(%arg11 : memref<!tpu.dma_semaphore, #tpu.memory_space<semaphore_mem>>)
    %dma_wait3A = arith.constant 0 : i32
    %dma_wait3A_48 = arith.constant 0 : i32
    %dma_wait3A_49 = arith.constant 0 : i32
    %dma_wait3A_50 = arith.constant 0 : i32
    %dma_wait3A_51 = tpu.memref_slice %arg6[%dma_wait3A_48, %dma_wait3A_49, %dma_wait3A_50] : memref<3x2x1024xi32, #tpu.memory_space<vmem>> -> memref<1x2x1024xi32, #tpu.memory_space<vmem>>
    %dma_wait3A_52 = tpu.memref_squeeze %dma_wait3A_51 : memref<1x2x1024xi32, #tpu.memory_space<vmem>> -> memref<2x1024xi32, #tpu.memory_space<vmem>>
    %dma_wait3A_53 = arith.constant 0 : i32
    %dma_wait3A_54 = arith.constant 0 : i32
    %dma_wait3A_55 = tpu.memref_slice %arg3[%add3A, %dma_wait3A, %dma_wait3A_53, %dma_wait3A_54] : memref<32x10x2x1024xi32, #tpu.memory_space<hbm>> -> memref<1x1x2x1024xi32, #tpu.memory_space<hbm>>
    %dma_wait3A_56 = tpu.memref_squeeze %dma_wait3A_55 : memref<1x1x2x1024xi32, #tpu.memory_space<hbm>> -> memref<2x1024xi32, #tpu.memory_space<hbm>>
    %dma_wait3A_57 = arith.constant 0 : i32
    %dma_wait3A_58 = arith.constant 0 : i32
    %dma_wait3A_59 = tpu.memref_slice %arg6[%dma_wait3A_48, %dma_wait3A_57, %dma_wait3A_58] : memref<3x2x1024xi32, #tpu.memory_space<vmem>> -> memref<1x2x1024xi32, #tpu.memory_space<vmem>>
    %dma_wait3A_60 = tpu.memref_squeeze %dma_wait3A_59 : memref<1x2x1024xi32, #tpu.memory_space<vmem>> -> memref<2x1024xi32, #tpu.memory_space<vmem>>
    %dma_wait3A_61 = arith.constant 0 : i32
    %dma_wait3A_62 = arith.constant 0 : i32
    %dma_wait3A_63 = tpu.memref_slice %arg3[%add3A, %dma_wait3A, %dma_wait3A_61, %dma_wait3A_62] : memref<32x10x2x1024xi32, #tpu.memory_space<hbm>> -> memref<1x1x2x1024xi32, #tpu.memory_space<hbm>>
    %dma_wait3A_64 = tpu.memref_squeeze %dma_wait3A_63 : memref<1x1x2x1024xi32, #tpu.memory_space<hbm>> -> memref<2x1024xi32, #tpu.memory_space<hbm>>
    tpu.wait_dma2 semaphore(%arg11 : memref<!tpu.dma_semaphore, #tpu.memory_space<semaphore_mem>>) src(%dma_wait3A_64 : memref<2x1024xi32, #tpu.memory_space<hbm>>) dst(%dma_wait3A_60 : memref<2x1024xi32, #tpu.memory_space<vmem>>)
    %dma_start3A_65 = arith.constant 0 : i32
    %dma_start3A_66 = arith.constant 0 : i32
    %dma_start3A_67 = arith.constant 0 : i32
    %dma_start3A_68 = arith.constant 0 : i32
    %dma_start3A_69 = arith.constant 0 : i32
    %dma_start3A_70 = tpu.memref_slice %arg7[%dma_start3A_67, %dma_start3A_68, %dma_start3A_69] : memref<2x1024x32xf32, #tpu.memory_space<vmem>> -> memref<1x1024x32xf32, #tpu.memory_space<vmem>>
    %dma_start3A_71 = tpu.memref_squeeze %dma_start3A_70 : memref<1x1024x32xf32, #tpu.memory_space<vmem>> -> memref<1024x32xf32, #tpu.memory_space<vmem>>
    %dma_start3A_72 = arith.constant 0 : i32
    %dma_start3A_73 = tpu.memref_slice %arg6[%dma_start3A_65, %dma_start3A_66, %dma_start3A_72] : memref<3x2x1024xi32, #tpu.memory_space<vmem>> -> memref<1x1x1024xi32, #tpu.memory_space<vmem>>
    %dma_start3A_74 = tpu.memref_squeeze %dma_start3A_73 : memref<1x1x1024xi32, #tpu.memory_space<vmem>> -> memref<1024xi32, #tpu.memory_space<vmem>>
    %dma_start3A_75 = arith.constant 0 : i32
    %dma_start3A_76 = arith.constant 0 : i32
    %dma_start3A_77 = tpu.memref_slice %arg2[%dma_start3A_75, %dma_start3A_76] : memref<10000x32xf32, #tpu.memory_space<hbm>> -> memref<10000x32xf32, #tpu.memory_space<hbm>>
    tpu.enqueue_indirect_dma source(%dma_start3A_77 : memref<10000x32xf32, #tpu.memory_space<hbm>>) target(%dma_start3A_71 : memref<1024x32xf32, #tpu.memory_space<vmem>>) offsets(%dma_start3A_74 : memref<1024xi32, #tpu.memory_space<vmem>>) semaphore(%arg10 : memref<!tpu.dma_semaphore, #tpu.memory_space<semaphore_mem>>)
    %dma_wait3A_78 = arith.constant 1 : i32
    %dma_wait3A_79 = arith.constant 1 : i32
    %dma_wait3A_80 = arith.constant 0 : i32
    %dma_wait3A_81 = arith.constant 0 : i32
    %dma_wait3A_82 = tpu.memref_slice %arg6[%dma_wait3A_79, %dma_wait3A_80, %dma_wait3A_81] : memref<3x2x1024xi32, #tpu.memory_space<vmem>> -> memref<1x2x1024xi32, #tpu.memory_space<vmem>>
    %dma_wait3A_83 = tpu.memref_squeeze %dma_wait3A_82 : memref<1x2x1024xi32, #tpu.memory_space<vmem>> -> memref<2x1024xi32, #tpu.memory_space<vmem>>
    %dma_wait3A_84 = arith.constant 0 : i32
    %dma_wait3A_85 = arith.constant 0 : i32
    %dma_wait3A_86 = tpu.memref_slice %arg3[%add3A, %dma_wait3A_78, %dma_wait3A_84, %dma_wait3A_85] : memref<32x10x2x1024xi32, #tpu.memory_space<hbm>> -> memref<1x1x2x1024xi32, #tpu.memory_space<hbm>>
    %dma_wait3A_87 = tpu.memref_squeeze %dma_wait3A_86 : memref<1x1x2x1024xi32, #tpu.memory_space<hbm>> -> memref<2x1024xi32, #tpu.memory_space<hbm>>
    %dma_wait3A_88 = arith.constant 0 : i32
    %dma_wait3A_89 = arith.constant 0 : i32
    %dma_wait3A_90 = tpu.memref_slice %arg6[%dma_wait3A_79, %dma_wait3A_88, %dma_wait3A_89] : memref<3x2x1024xi32, #tpu.memory_space<vmem>> -> memref<1x2x1024xi32, #tpu.memory_space<vmem>>
    %dma_wait3A_91 = tpu.memref_squeeze %dma_wait3A_90 : memref<1x2x1024xi32, #tpu.memory_space<vmem>> -> memref<2x1024xi32, #tpu.memory_space<vmem>>
    %dma_wait3A_92 = arith.constant 0 : i32
    %dma_wait3A_93 = arith.constant 0 : i32
    %dma_wait3A_94 = tpu.memref_slice %arg3[%add3A, %dma_wait3A_78, %dma_wait3A_92, %dma_wait3A_93] : memref<32x10x2x1024xi32, #tpu.memory_space<hbm>> -> memref<1x1x2x1024xi32, #tpu.memory_space<hbm>>
    %dma_wait3A_95 = tpu.memref_squeeze %dma_wait3A_94 : memref<1x1x2x1024xi32, #tpu.memory_space<hbm>> -> memref<2x1024xi32, #tpu.memory_space<hbm>>
    tpu.wait_dma2 semaphore(%arg11 : memref<!tpu.dma_semaphore, #tpu.memory_space<semaphore_mem>>) src(%dma_wait3A_95 : memref<2x1024xi32, #tpu.memory_space<hbm>>) dst(%dma_wait3A_91 : memref<2x1024xi32, #tpu.memory_space<vmem>>)
    %dma_start3A_96 = arith.constant 1 : i32
    %dma_start3A_97 = arith.constant 0 : i32
    %dma_start3A_98 = arith.constant 1 : i32
    %dma_start3A_99 = arith.constant 0 : i32
    %dma_start3A_100 = arith.constant 0 : i32
    %dma_start3A_101 = tpu.memref_slice %arg7[%dma_start3A_98, %dma_start3A_99, %dma_start3A_100] : memref<2x1024x32xf32, #tpu.memory_space<vmem>> -> memref<1x1024x32xf32, #tpu.memory_space<vmem>>
    %dma_start3A_102 = tpu.memref_squeeze %dma_start3A_101 : memref<1x1024x32xf32, #tpu.memory_space<vmem>> -> memref<1024x32xf32, #tpu.memory_space<vmem>>
    %dma_start3A_103 = arith.constant 0 : i32
    %dma_start3A_104 = tpu.memref_slice %arg6[%dma_start3A_96, %dma_start3A_97, %dma_start3A_103] : memref<3x2x1024xi32, #tpu.memory_space<vmem>> -> memref<1x1x1024xi32, #tpu.memory_space<vmem>>
    %dma_start3A_105 = tpu.memref_squeeze %dma_start3A_104 : memref<1x1x1024xi32, #tpu.memory_space<vmem>> -> memref<1024xi32, #tpu.memory_space<vmem>>
    %dma_start3A_106 = arith.constant 0 : i32
    %dma_start3A_107 = arith.constant 0 : i32
    %dma_start3A_108 = tpu.memref_slice %arg2[%dma_start3A_106, %dma_start3A_107] : memref<10000x32xf32, #tpu.memory_space<hbm>> -> memref<10000x32xf32, #tpu.memory_space<hbm>>
    tpu.enqueue_indirect_dma source(%dma_start3A_108 : memref<10000x32xf32, #tpu.memory_space<hbm>>) target(%dma_start3A_102 : memref<1024x32xf32, #tpu.memory_space<vmem>>) offsets(%dma_start3A_105 : memref<1024xi32, #tpu.memory_space<vmem>>) semaphore(%arg10 : memref<!tpu.dma_semaphore, #tpu.memory_space<semaphore_mem>>)
    %dma_wait3A_109 = arith.constant 0 : i32
    %dma_wait3A_110 = tpu.memref_slice %arg8[%mul3A_2, %dma_wait3A_109] : memref<10016x32xf32, #tpu.memory_space<vmem_shared>> -> memref<626x32xf32, #tpu.memory_space<vmem_shared>>
    %dma_wait3A_111 = arith.constant 0 : i32
    %dma_wait3A_112 = tpu.memref_slice %arg4[%mul3A_2, %dma_wait3A_111] : memref<10016x32xf32, #tpu.memory_space<hbm>> -> memref<626x32xf32, #tpu.memory_space<hbm>>
    tpu.wait_dma2 semaphore(%arg12 : memref<!tpu.dma_semaphore, #tpu.memory_space<semaphore_mem>>) src(%dma_wait3A_112 : memref<626x32xf32, #tpu.memory_space<hbm>>) dst(%dma_wait3A_110 : memref<626x32xf32, #tpu.memory_space<vmem_shared>>)
    %dma_wait3A_113 = arith.constant 0 : i32
    %dma_wait3A_114 = tpu.memref_slice %arg9[%mul3A_4, %dma_wait3A_113] : memref<10000x32xf32, #tpu.memory_space<vmem_shared>> -> memref<625x32xf32, #tpu.memory_space<vmem_shared>>
    %dma_wait3A_115 = arith.constant 0 : i32
    %dma_wait3A_116 = tpu.memref_slice %arg2[%mul3A_4, %dma_wait3A_115] : memref<10000x32xf32, #tpu.memory_space<hbm>> -> memref<625x32xf32, #tpu.memory_space<hbm>>
    tpu.wait_dma2 semaphore(%arg12 : memref<!tpu.dma_semaphore, #tpu.memory_space<semaphore_mem>>) src(%dma_wait3A_116 : memref<625x32xf32, #tpu.memory_space<hbm>>) dst(%dma_wait3A_114 : memref<625x32xf32, #tpu.memory_space<vmem_shared>>)
    %barrier3A = arith.constant 0 : index
    tpu.barrier barrier_id(%barrier3A)
    %dma_wait3A_117 = arith.constant 0 : i32
    %dma_wait3A_118 = arith.constant 0 : i32
    %dma_wait3A_119 = arith.constant 0 : i32
    %dma_wait3A_120 = arith.constant 0 : i32
    %dma_wait3A_121 = arith.constant 0 : i32
    %dma_wait3A_122 = tpu.memref_slice %arg7[%dma_wait3A_119, %dma_wait3A_120, %dma_wait3A_121] : memref<2x1024x32xf32, #tpu.memory_space<vmem>> -> memref<1x1024x32xf32, #tpu.memory_space<vmem>>
    %dma_wait3A_123 = tpu.memref_squeeze %dma_wait3A_122 : memref<1x1024x32xf32, #tpu.memory_space<vmem>> -> memref<1024x32xf32, #tpu.memory_space<vmem>>
    %dma_wait3A_124 = arith.constant 0 : i32
    %dma_wait3A_125 = tpu.memref_slice %arg6[%dma_wait3A_117, %dma_wait3A_118, %dma_wait3A_124] : memref<3x2x1024xi32, #tpu.memory_space<vmem>> -> memref<1x1x1024xi32, #tpu.memory_space<vmem>>
    %dma_wait3A_126 = tpu.memref_squeeze %dma_wait3A_125 : memref<1x1x1024xi32, #tpu.memory_space<vmem>> -> memref<1024xi32, #tpu.memory_space<vmem>>
    %dma_wait3A_127 = arith.constant 0 : i32
    %dma_wait3A_128 = arith.constant 0 : i32
    %dma_wait3A_129 = tpu.memref_slice %arg2[%dma_wait3A_127, %dma_wait3A_128] : memref<10000x32xf32, #tpu.memory_space<hbm>> -> memref<10000x32xf32, #tpu.memory_space<hbm>>
    tpu.wait_indirect_dma semaphore(%arg10 : memref<!tpu.dma_semaphore, #tpu.memory_space<semaphore_mem>>) src(%dma_wait3A_129 : memref<10000x32xf32, #tpu.memory_space<hbm>>) dst(%dma_wait3A_123 : memref<1024x32xf32, #tpu.memory_space<vmem>>)
    %dma_start3A_130 = arith.constant 0 : i32
    %dma_start3A_131 = arith.constant 0 : i32
    %dma_start3A_132 = arith.constant 1 : i32
    %dma_start3A_133 = arith.constant 0 : i32
    %dma_start3A_134 = arith.constant 0 : i32
    %dma_start3A_135 = tpu.memref_slice %arg7[%dma_start3A_130, %dma_start3A_133, %dma_start3A_134] : memref<2x1024x32xf32, #tpu.memory_space<vmem>> -> memref<1x1024x32xf32, #tpu.memory_space<vmem>>
    %dma_start3A_136 = tpu.memref_squeeze %dma_start3A_135 : memref<1x1024x32xf32, #tpu.memory_space<vmem>> -> memref<1024x32xf32, #tpu.memory_space<vmem>>
    %dma_start3A_137 = arith.constant 0 : i32
    %dma_start3A_138 = tpu.memref_slice %arg6[%dma_start3A_131, %dma_start3A_132, %dma_start3A_137] : memref<3x2x1024xi32, #tpu.memory_space<vmem>> -> memref<1x1x1024xi32, #tpu.memory_space<vmem>>
    %dma_start3A_139 = tpu.memref_squeeze %dma_start3A_138 : memref<1x1x1024xi32, #tpu.memory_space<vmem>> -> memref<1024xi32, #tpu.memory_space<vmem>>
    %dma_start3A_140 = arith.constant 0 : i32
    %dma_start3A_141 = arith.constant 0 : i32
    %dma_start3A_142 = tpu.memref_slice %arg8[%dma_start3A_140, %dma_start3A_141] : memref<10016x32xf32, #tpu.memory_space<vmem_shared>> -> memref<10016x32xf32, #tpu.memory_space<vmem_shared>>
    tpu.enqueue_indirect_dma source(%dma_start3A_136 : memref<1024x32xf32, #tpu.memory_space<vmem>>) target(%dma_start3A_142 : memref<10016x32xf32, #tpu.memory_space<vmem_shared>>) offsets(%dma_start3A_139 : memref<1024xi32, #tpu.memory_space<vmem>>) semaphore(%arg13 : memref<!tpu.dma_semaphore, #tpu.memory_space<semaphore_mem>>) {add = true}
    %dma_start3A_143 = arith.constant 2 : i32
    %dma_start3A_144 = arith.constant 2 : i32
    %dma_start3A_145 = arith.constant 0 : i32
    %dma_start3A_146 = arith.constant 0 : i32
    %dma_start3A_147 = tpu.memref_slice %arg6[%dma_start3A_144, %dma_start3A_145, %dma_start3A_146] : memref<3x2x1024xi32, #tpu.memory_space<vmem>> -> memref<1x2x1024xi32, #tpu.memory_space<vmem>>
    %dma_start3A_148 = tpu.memref_squeeze %dma_start3A_147 : memref<1x2x1024xi32, #tpu.memory_space<vmem>> -> memref<2x1024xi32, #tpu.memory_space<vmem>>
    %dma_start3A_149 = arith.constant 0 : i32
    %dma_start3A_150 = arith.constant 0 : i32
    %dma_start3A_151 = tpu.memref_slice %arg3[%add3A, %dma_start3A_143, %dma_start3A_149, %dma_start3A_150] : memref<32x10x2x1024xi32, #tpu.memory_space<hbm>> -> memref<1x1x2x1024xi32, #tpu.memory_space<hbm>>
    %dma_start3A_152 = tpu.memref_squeeze %dma_start3A_151 : memref<1x1x2x1024xi32, #tpu.memory_space<hbm>> -> memref<2x1024xi32, #tpu.memory_space<hbm>>
    %dma_start3A_153 = arith.constant 0 : i32
    %dma_start3A_154 = arith.constant 0 : i32
    %dma_start3A_155 = tpu.memref_slice %arg6[%dma_start3A_144, %dma_start3A_153, %dma_start3A_154] : memref<3x2x1024xi32, #tpu.memory_space<vmem>> -> memref<1x2x1024xi32, #tpu.memory_space<vmem>>
    %dma_start3A_156 = tpu.memref_squeeze %dma_start3A_155 : memref<1x2x1024xi32, #tpu.memory_space<vmem>> -> memref<2x1024xi32, #tpu.memory_space<vmem>>
    %dma_start3A_157 = arith.constant 0 : i32
    %dma_start3A_158 = arith.constant 0 : i32
    %dma_start3A_159 = tpu.memref_slice %arg3[%add3A, %dma_start3A_143, %dma_start3A_157, %dma_start3A_158] : memref<32x10x2x1024xi32, #tpu.memory_space<hbm>> -> memref<1x1x2x1024xi32, #tpu.memory_space<hbm>>
    %dma_start3A_160 = tpu.memref_squeeze %dma_start3A_159 : memref<1x1x2x1024xi32, #tpu.memory_space<hbm>> -> memref<2x1024xi32, #tpu.memory_space<hbm>>
    tpu.enqueue_dma source(%dma_start3A_160 : memref<2x1024xi32, #tpu.memory_space<hbm>>) target(%dma_start3A_156 : memref<2x1024xi32, #tpu.memory_space<vmem>>) target_semaphore(%arg11 : memref<!tpu.dma_semaphore, #tpu.memory_space<semaphore_mem>>)
    %dma_wait3A_161 = arith.constant 1 : i32
    %dma_wait3A_162 = arith.constant 0 : i32
    %dma_wait3A_163 = arith.constant 1 : i32
    %dma_wait3A_164 = arith.constant 0 : i32
    %dma_wait3A_165 = arith.constant 0 : i32
    %dma_wait3A_166 = tpu.memref_slice %arg7[%dma_wait3A_163, %dma_wait3A_164, %dma_wait3A_165] : memref<2x1024x32xf32, #tpu.memory_space<vmem>> -> memref<1x1024x32xf32, #tpu.memory_space<vmem>>
    %dma_wait3A_167 = tpu.memref_squeeze %dma_wait3A_166 : memref<1x1024x32xf32, #tpu.memory_space<vmem>> -> memref<1024x32xf32, #tpu.memory_space<vmem>>
    %dma_wait3A_168 = arith.constant 0 : i32
    %dma_wait3A_169 = tpu.memref_slice %arg6[%dma_wait3A_161, %dma_wait3A_162, %dma_wait3A_168] : memref<3x2x1024xi32, #tpu.memory_space<vmem>> -> memref<1x1x1024xi32, #tpu.memory_space<vmem>>
    %dma_wait3A_170 = tpu.memref_squeeze %dma_wait3A_169 : memref<1x1x1024xi32, #tpu.memory_space<vmem>> -> memref<1024xi32, #tpu.memory_space<vmem>>
    %dma_wait3A_171 = arith.constant 0 : i32
    %dma_wait3A_172 = arith.constant 0 : i32
    %dma_wait3A_173 = tpu.memref_slice %arg2[%dma_wait3A_171, %dma_wait3A_172] : memref<10000x32xf32, #tpu.memory_space<hbm>> -> memref<10000x32xf32, #tpu.memory_space<hbm>>
    tpu.wait_indirect_dma semaphore(%arg10 : memref<!tpu.dma_semaphore, #tpu.memory_space<semaphore_mem>>) src(%dma_wait3A_173 : memref<10000x32xf32, #tpu.memory_space<hbm>>) dst(%dma_wait3A_167 : memref<1024x32xf32, #tpu.memory_space<vmem>>)
    %dma_start3A_174 = arith.constant 1 : i32
    %dma_start3A_175 = arith.constant 1 : i32
    %dma_start3A_176 = arith.constant 1 : i32
    %dma_start3A_177 = arith.constant 0 : i32
    %dma_start3A_178 = arith.constant 0 : i32
    %dma_start3A_179 = tpu.memref_slice %arg7[%dma_start3A_174, %dma_start3A_177, %dma_start3A_178] : memref<2x1024x32xf32, #tpu.memory_space<vmem>> -> memref<1x1024x32xf32, #tpu.memory_space<vmem>>
    %dma_start3A_180 = tpu.memref_squeeze %dma_start3A_179 : memref<1x1024x32xf32, #tpu.memory_space<vmem>> -> memref<1024x32xf32, #tpu.memory_space<vmem>>
    %dma_start3A_181 = arith.constant 0 : i32
    %dma_start3A_182 = tpu.memref_slice %arg6[%dma_start3A_175, %dma_start3A_176, %dma_start3A_181] : memref<3x2x1024xi32, #tpu.memory_space<vmem>> -> memref<1x1x1024xi32, #tpu.memory_space<vmem>>
    %dma_start3A_183 = tpu.memref_squeeze %dma_start3A_182 : memref<1x1x1024xi32, #tpu.memory_space<vmem>> -> memref<1024xi32, #tpu.memory_space<vmem>>
    %dma_start3A_184 = arith.constant 0 : i32
    %dma_start3A_185 = arith.constant 0 : i32
    %dma_start3A_186 = tpu.memref_slice %arg8[%dma_start3A_184, %dma_start3A_185] : memref<10016x32xf32, #tpu.memory_space<vmem_shared>> -> memref<10016x32xf32, #tpu.memory_space<vmem_shared>>
    tpu.enqueue_indirect_dma source(%dma_start3A_180 : memref<1024x32xf32, #tpu.memory_space<vmem>>) target(%dma_start3A_186 : memref<10016x32xf32, #tpu.memory_space<vmem_shared>>) offsets(%dma_start3A_183 : memref<1024xi32, #tpu.memory_space<vmem>>) semaphore(%arg14 : memref<!tpu.dma_semaphore, #tpu.memory_space<semaphore_mem>>) {add = true}
    %dma_wait3A_187 = arith.constant 0 : i32
    %dma_wait3A_188 = arith.constant 0 : i32
    %dma_wait3A_189 = arith.constant 1 : i32
    %dma_wait3A_190 = arith.constant 0 : i32
    %dma_wait3A_191 = arith.constant 0 : i32
    %dma_wait3A_192 = tpu.memref_slice %arg7[%dma_wait3A_187, %dma_wait3A_190, %dma_wait3A_191] : memref<2x1024x32xf32, #tpu.memory_space<vmem>> -> memref<1x1024x32xf32, #tpu.memory_space<vmem>>
    %dma_wait3A_193 = tpu.memref_squeeze %dma_wait3A_192 : memref<1x1024x32xf32, #tpu.memory_space<vmem>> -> memref<1024x32xf32, #tpu.memory_space<vmem>>
    %dma_wait3A_194 = arith.constant 0 : i32
    %dma_wait3A_195 = tpu.memref_slice %arg6[%dma_wait3A_188, %dma_wait3A_189, %dma_wait3A_194] : memref<3x2x1024xi32, #tpu.memory_space<vmem>> -> memref<1x1x1024xi32, #tpu.memory_space<vmem>>
    %dma_wait3A_196 = tpu.memref_squeeze %dma_wait3A_195 : memref<1x1x1024xi32, #tpu.memory_space<vmem>> -> memref<1024xi32, #tpu.memory_space<vmem>>
    %dma_wait3A_197 = arith.constant 0 : i32
    %dma_wait3A_198 = arith.constant 0 : i32
    %dma_wait3A_199 = tpu.memref_slice %arg8[%dma_wait3A_197, %dma_wait3A_198] : memref<10016x32xf32, #tpu.memory_space<vmem_shared>> -> memref<10016x32xf32, #tpu.memory_space<vmem_shared>>
    tpu.wait_indirect_dma semaphore(%arg13 : memref<!tpu.dma_semaphore, #tpu.memory_space<semaphore_mem>>) src(%dma_wait3A_193 : memref<1024x32xf32, #tpu.memory_space<vmem>>) dst(%dma_wait3A_199 : memref<10016x32xf32, #tpu.memory_space<vmem_shared>>)
    %dma_wait3A_200 = arith.constant 2 : i32
    %dma_wait3A_201 = arith.constant 2 : i32
    %dma_wait3A_202 = arith.constant 0 : i32
    %dma_wait3A_203 = arith.constant 0 : i32
    %dma_wait3A_204 = tpu.memref_slice %arg6[%dma_wait3A_201, %dma_wait3A_202, %dma_wait3A_203] : memref<3x2x1024xi32, #tpu.memory_space<vmem>> -> memref<1x2x1024xi32, #tpu.memory_space<vmem>>
    %dma_wait3A_205 = tpu.memref_squeeze %dma_wait3A_204 : memref<1x2x1024xi32, #tpu.memory_space<vmem>> -> memref<2x1024xi32, #tpu.memory_space<vmem>>
    %dma_wait3A_206 = arith.constant 0 : i32
    %dma_wait3A_207 = arith.constant 0 : i32
    %dma_wait3A_208 = tpu.memref_slice %arg3[%add3A, %dma_wait3A_200, %dma_wait3A_206, %dma_wait3A_207] : memref<32x10x2x1024xi32, #tpu.memory_space<hbm>> -> memref<1x1x2x1024xi32, #tpu.memory_space<hbm>>
    %dma_wait3A_209 = tpu.memref_squeeze %dma_wait3A_208 : memref<1x1x2x1024xi32, #tpu.memory_space<hbm>> -> memref<2x1024xi32, #tpu.memory_space<hbm>>
    %dma_wait3A_210 = arith.constant 0 : i32
    %dma_wait3A_211 = arith.constant 0 : i32
    %dma_wait3A_212 = tpu.memref_slice %arg6[%dma_wait3A_201, %dma_wait3A_210, %dma_wait3A_211] : memref<3x2x1024xi32, #tpu.memory_space<vmem>> -> memref<1x2x1024xi32, #tpu.memory_space<vmem>>
    %dma_wait3A_213 = tpu.memref_squeeze %dma_wait3A_212 : memref<1x2x1024xi32, #tpu.memory_space<vmem>> -> memref<2x1024xi32, #tpu.memory_space<vmem>>
    %dma_wait3A_214 = arith.constant 0 : i32
    %dma_wait3A_215 = arith.constant 0 : i32
    %dma_wait3A_216 = tpu.memref_slice %arg3[%add3A, %dma_wait3A_200, %dma_wait3A_214, %dma_wait3A_215] : memref<32x10x2x1024xi32, #tpu.memory_space<hbm>> -> memref<1x1x2x1024xi32, #tpu.memory_space<hbm>>
    %dma_wait3A_217 = tpu.memref_squeeze %dma_wait3A_216 : memref<1x1x2x1024xi32, #tpu.memory_space<hbm>> -> memref<2x1024xi32, #tpu.memory_space<hbm>>
    tpu.wait_dma2 semaphore(%arg11 : memref<!tpu.dma_semaphore, #tpu.memory_space<semaphore_mem>>) src(%dma_wait3A_217 : memref<2x1024xi32, #tpu.memory_space<hbm>>) dst(%dma_wait3A_213 : memref<2x1024xi32, #tpu.memory_space<vmem>>)
    %dma_start3A_218 = arith.constant 2 : i32
    %dma_start3A_219 = arith.constant 0 : i32
    %dma_start3A_220 = arith.constant 0 : i32
    %dma_start3A_221 = arith.constant 0 : i32
    %dma_start3A_222 = arith.constant 0 : i32
    %dma_start3A_223 = tpu.memref_slice %arg7[%dma_start3A_220, %dma_start3A_221, %dma_start3A_222] : memref<2x1024x32xf32, #tpu.memory_space<vmem>> -> memref<1x1024x32xf32, #tpu.memory_space<vmem>>
    %dma_start3A_224 = tpu.memref_squeeze %dma_start3A_223 : memref<1x1024x32xf32, #tpu.memory_space<vmem>> -> memref<1024x32xf32, #tpu.memory_space<vmem>>
    %dma_start3A_225 = arith.constant 0 : i32
    %dma_start3A_226 = tpu.memref_slice %arg6[%dma_start3A_218, %dma_start3A_219, %dma_start3A_225] : memref<3x2x1024xi32, #tpu.memory_space<vmem>> -> memref<1x1x1024xi32, #tpu.memory_space<vmem>>
    %dma_start3A_227 = tpu.memref_squeeze %dma_start3A_226 : memref<1x1x1024xi32, #tpu.memory_space<vmem>> -> memref<1024xi32, #tpu.memory_space<vmem>>
    %dma_start3A_228 = arith.constant 0 : i32
    %dma_start3A_229 = arith.constant 0 : i32
    %dma_start3A_230 = tpu.memref_slice %arg9[%dma_start3A_228, %dma_start3A_229] : memref<10000x32xf32, #tpu.memory_space<vmem_shared>> -> memref<10000x32xf32, #tpu.memory_space<vmem_shared>>
    tpu.enqueue_indirect_dma source(%dma_start3A_230 : memref<10000x32xf32, #tpu.memory_space<vmem_shared>>) target(%dma_start3A_224 : memref<1024x32xf32, #tpu.memory_space<vmem>>) offsets(%dma_start3A_227 : memref<1024xi32, #tpu.memory_space<vmem>>) semaphore(%arg10 : memref<!tpu.dma_semaphore, #tpu.memory_space<semaphore_mem>>)
    %dma_start3A_231 = arith.constant 3 : i32
    %dma_start3A_232 = arith.constant 0 : i32
    %dma_start3A_233 = arith.constant 0 : i32
    %dma_start3A_234 = arith.constant 0 : i32
    %dma_start3A_235 = tpu.memref_slice %arg6[%dma_start3A_232, %dma_start3A_233, %dma_start3A_234] : memref<3x2x1024xi32, #tpu.memory_space<vmem>> -> memref<1x2x1024xi32, #tpu.memory_space<vmem>>
    %dma_start3A_236 = tpu.memref_squeeze %dma_start3A_235 : memref<1x2x1024xi32, #tpu.memory_space<vmem>> -> memref<2x1024xi32, #tpu.memory_space<vmem>>
    %dma_start3A_237 = arith.constant 0 : i32
    %dma_start3A_238 = arith.constant 0 : i32
    %dma_start3A_239 = tpu.memref_slice %arg3[%add3A, %dma_start3A_231, %dma_start3A_237, %dma_start3A_238] : memref<32x10x2x1024xi32, #tpu.memory_space<hbm>> -> memref<1x1x2x1024xi32, #tpu.memory_space<hbm>>
    %dma_start3A_240 = tpu.memref_squeeze %dma_start3A_239 : memref<1x1x2x1024xi32, #tpu.memory_space<hbm>> -> memref<2x1024xi32, #tpu.memory_space<hbm>>
    %dma_start3A_241 = arith.constant 0 : i32
    %dma_start3A_242 = arith.constant 0 : i32
    %dma_start3A_243 = tpu.memref_slice %arg6[%dma_start3A_232, %dma_start3A_241, %dma_start3A_242] : memref<3x2x1024xi32, #tpu.memory_space<vmem>> -> memref<1x2x1024xi32, #tpu.memory_space<vmem>>
    %dma_start3A_244 = tpu.memref_squeeze %dma_start3A_243 : memref<1x2x1024xi32, #tpu.memory_space<vmem>> -> memref<2x1024xi32, #tpu.memory_space<vmem>>
    %dma_start3A_245 = arith.constant 0 : i32
    %dma_start3A_246 = arith.constant 0 : i32
    %dma_start3A_247 = tpu.memref_slice %arg3[%add3A, %dma_start3A_231, %dma_start3A_245, %dma_start3A_246] : memref<32x10x2x1024xi32, #tpu.memory_space<hbm>> -> memref<1x1x2x1024xi32, #tpu.memory_space<hbm>>
    %dma_start3A_248 = tpu.memref_squeeze %dma_start3A_247 : memref<1x1x2x1024xi32, #tpu.memory_space<hbm>> -> memref<2x1024xi32, #tpu.memory_space<hbm>>
    tpu.enqueue_dma source(%dma_start3A_248 : memref<2x1024xi32, #tpu.memory_space<hbm>>) target(%dma_start3A_244 : memref<2x1024xi32, #tpu.memory_space<vmem>>) target_semaphore(%arg11 : memref<!tpu.dma_semaphore, #tpu.memory_space<semaphore_mem>>)
    %dma_wait3A_249 = arith.constant 2 : i32
    %dma_wait3A_250 = arith.constant 0 : i32
    %dma_wait3A_251 = arith.constant 0 : i32
    %dma_wait3A_252 = arith.constant 0 : i32
    %dma_wait3A_253 = arith.constant 0 : i32
    %dma_wait3A_254 = tpu.memref_slice %arg7[%dma_wait3A_251, %dma_wait3A_252, %dma_wait3A_253] : memref<2x1024x32xf32, #tpu.memory_space<vmem>> -> memref<1x1024x32xf32, #tpu.memory_space<vmem>>
    %dma_wait3A_255 = tpu.memref_squeeze %dma_wait3A_254 : memref<1x1024x32xf32, #tpu.memory_space<vmem>> -> memref<1024x32xf32, #tpu.memory_space<vmem>>
    %dma_wait3A_256 = arith.constant 0 : i32
    %dma_wait3A_257 = tpu.memref_slice %arg6[%dma_wait3A_249, %dma_wait3A_250, %dma_wait3A_256] : memref<3x2x1024xi32, #tpu.memory_space<vmem>> -> memref<1x1x1024xi32, #tpu.memory_space<vmem>>
    %dma_wait3A_258 = tpu.memref_squeeze %dma_wait3A_257 : memref<1x1x1024xi32, #tpu.memory_space<vmem>> -> memref<1024xi32, #tpu.memory_space<vmem>>
    %dma_wait3A_259 = arith.constant 0 : i32
    %dma_wait3A_260 = arith.constant 0 : i32
    %dma_wait3A_261 = tpu.memref_slice %arg9[%dma_wait3A_259, %dma_wait3A_260] : memref<10000x32xf32, #tpu.memory_space<vmem_shared>> -> memref<10000x32xf32, #tpu.memory_space<vmem_shared>>
    tpu.wait_indirect_dma semaphore(%arg10 : memref<!tpu.dma_semaphore, #tpu.memory_space<semaphore_mem>>) src(%dma_wait3A_261 : memref<10000x32xf32, #tpu.memory_space<vmem_shared>>) dst(%dma_wait3A_255 : memref<1024x32xf32, #tpu.memory_space<vmem>>)
    %dma_start3A_262 = arith.constant 0 : i32
    %dma_start3A_263 = arith.constant 2 : i32
    %dma_start3A_264 = arith.constant 1 : i32
    %dma_start3A_265 = arith.constant 0 : i32
    %dma_start3A_266 = arith.constant 0 : i32
    %dma_start3A_267 = tpu.memref_slice %arg7[%dma_start3A_262, %dma_start3A_265, %dma_start3A_266] : memref<2x1024x32xf32, #tpu.memory_space<vmem>> -> memref<1x1024x32xf32, #tpu.memory_space<vmem>>
    %dma_start3A_268 = tpu.memref_squeeze %dma_start3A_267 : memref<1x1024x32xf32, #tpu.memory_space<vmem>> -> memref<1024x32xf32, #tpu.memory_space<vmem>>
    %dma_start3A_269 = arith.constant 0 : i32
    %dma_start3A_270 = tpu.memref_slice %arg6[%dma_start3A_263, %dma_start3A_264, %dma_start3A_269] : memref<3x2x1024xi32, #tpu.memory_space<vmem>> -> memref<1x1x1024xi32, #tpu.memory_space<vmem>>
    %dma_start3A_271 = tpu.memref_squeeze %dma_start3A_270 : memref<1x1x1024xi32, #tpu.memory_space<vmem>> -> memref<1024xi32, #tpu.memory_space<vmem>>
    %dma_start3A_272 = arith.constant 0 : i32
    %dma_start3A_273 = arith.constant 0 : i32
    %dma_start3A_274 = tpu.memref_slice %arg8[%dma_start3A_272, %dma_start3A_273] : memref<10016x32xf32, #tpu.memory_space<vmem_shared>> -> memref<10016x32xf32, #tpu.memory_space<vmem_shared>>
    tpu.enqueue_indirect_dma source(%dma_start3A_268 : memref<1024x32xf32, #tpu.memory_space<vmem>>) target(%dma_start3A_274 : memref<10016x32xf32, #tpu.memory_space<vmem_shared>>) offsets(%dma_start3A_271 : memref<1024xi32, #tpu.memory_space<vmem>>) semaphore(%arg13 : memref<!tpu.dma_semaphore, #tpu.memory_space<semaphore_mem>>) {add = true}
    %dma_wait3A_275 = arith.constant 1 : i32
    %dma_wait3A_276 = arith.constant 1 : i32
    %dma_wait3A_277 = arith.constant 1 : i32
    %dma_wait3A_278 = arith.constant 0 : i32
    %dma_wait3A_279 = arith.constant 0 : i32
    %dma_wait3A_280 = tpu.memref_slice %arg7[%dma_wait3A_275, %dma_wait3A_278, %dma_wait3A_279] : memref<2x1024x32xf32, #tpu.memory_space<vmem>> -> memref<1x1024x32xf32, #tpu.memory_space<vmem>>
    %dma_wait3A_281 = tpu.memref_squeeze %dma_wait3A_280 : memref<1x1024x32xf32, #tpu.memory_space<vmem>> -> memref<1024x32xf32, #tpu.memory_space<vmem>>
    %dma_wait3A_282 = arith.constant 0 : i32
    %dma_wait3A_283 = tpu.memref_slice %arg6[%dma_wait3A_276, %dma_wait3A_277, %dma_wait3A_282] : memref<3x2x1024xi32, #tpu.memory_space<vmem>> -> memref<1x1x1024xi32, #tpu.memory_space<vmem>>
    %dma_wait3A_284 = tpu.memref_squeeze %dma_wait3A_283 : memref<1x1x1024xi32, #tpu.memory_space<vmem>> -> memref<1024xi32, #tpu.memory_space<vmem>>
    %dma_wait3A_285 = arith.constant 0 : i32
    %dma_wait3A_286 = arith.constant 0 : i32
    %dma_wait3A_287 = tpu.memref_slice %arg8[%dma_wait3A_285, %dma_wait3A_286] : memref<10016x32xf32, #tpu.memory_space<vmem_shared>> -> memref<10016x32xf32, #tpu.memory_space<vmem_shared>>
    tpu.wait_indirect_dma semaphore(%arg14 : memref<!tpu.dma_semaphore, #tpu.memory_space<semaphore_mem>>) src(%dma_wait3A_281 : memref<1024x32xf32, #tpu.memory_space<vmem>>) dst(%dma_wait3A_287 : memref<10016x32xf32, #tpu.memory_space<vmem_shared>>)
    %dma_wait3A_288 = arith.constant 3 : i32
    %dma_wait3A_289 = arith.constant 0 : i32
    %dma_wait3A_290 = arith.constant 0 : i32
    %dma_wait3A_291 = arith.constant 0 : i32
    %dma_wait3A_292 = tpu.memref_slice %arg6[%dma_wait3A_289, %dma_wait3A_290, %dma_wait3A_291] : memref<3x2x1024xi32, #tpu.memory_space<vmem>> -> memref<1x2x1024xi32, #tpu.memory_space<vmem>>
    %dma_wait3A_293 = tpu.memref_squeeze %dma_wait3A_292 : memref<1x2x1024xi32, #tpu.memory_space<vmem>> -> memref<2x1024xi32, #tpu.memory_space<vmem>>
    %dma_wait3A_294 = arith.constant 0 : i32
    %dma_wait3A_295 = arith.constant 0 : i32
    %dma_wait3A_296 = tpu.memref_slice %arg3[%add3A, %dma_wait3A_288, %dma_wait3A_294, %dma_wait3A_295] : memref<32x10x2x1024xi32, #tpu.memory_space<hbm>> -> memref<1x1x2x1024xi32, #tpu.memory_space<hbm>>
    %dma_wait3A_297 = tpu.memref_squeeze %dma_wait3A_296 : memref<1x1x2x1024xi32, #tpu.memory_space<hbm>> -> memref<2x1024xi32, #tpu.memory_space<hbm>>
    %dma_wait3A_298 = arith.constant 0 : i32
    %dma_wait3A_299 = arith.constant 0 : i32
    %dma_wait3A_300 = tpu.memref_slice %arg6[%dma_wait3A_289, %dma_wait3A_298, %dma_wait3A_299] : memref<3x2x1024xi32, #tpu.memory_space<vmem>> -> memref<1x2x1024xi32, #tpu.memory_space<vmem>>
    %dma_wait3A_301 = tpu.memref_squeeze %dma_wait3A_300 : memref<1x2x1024xi32, #tpu.memory_space<vmem>> -> memref<2x1024xi32, #tpu.memory_space<vmem>>
    %dma_wait3A_302 = arith.constant 0 : i32
    %dma_wait3A_303 = arith.constant 0 : i32
    %dma_wait3A_304 = tpu.memref_slice %arg3[%add3A, %dma_wait3A_288, %dma_wait3A_302, %dma_wait3A_303] : memref<32x10x2x1024xi32, #tpu.memory_space<hbm>> -> memref<1x1x2x1024xi32, #tpu.memory_space<hbm>>
    %dma_wait3A_305 = tpu.memref_squeeze %dma_wait3A_304 : memref<1x1x2x1024xi32, #tpu.memory_space<hbm>> -> memref<2x1024xi32, #tpu.memory_space<hbm>>
    tpu.wait_dma2 semaphore(%arg11 : memref<!tpu.dma_semaphore, #tpu.memory_space<semaphore_mem>>) src(%dma_wait3A_305 : memref<2x1024xi32, #tpu.memory_space<hbm>>) dst(%dma_wait3A_301 : memref<2x1024xi32, #tpu.memory_space<vmem>>)
    %dma_start3A_306 = arith.constant 0 : i32
    %dma_start3A_307 = arith.constant 0 : i32
    %dma_start3A_308 = arith.constant 1 : i32
    %dma_start3A_309 = arith.constant 0 : i32
    %dma_start3A_310 = arith.constant 0 : i32
    %dma_start3A_311 = tpu.memref_slice %arg7[%dma_start3A_308, %dma_start3A_309, %dma_start3A_310] : memref<2x1024x32xf32, #tpu.memory_space<vmem>> -> memref<1x1024x32xf32, #tpu.memory_space<vmem>>
    %dma_start3A_312 = tpu.memref_squeeze %dma_start3A_311 : memref<1x1024x32xf32, #tpu.memory_space<vmem>> -> memref<1024x32xf32, #tpu.memory_space<vmem>>
    %dma_start3A_313 = arith.constant 0 : i32
    %dma_start3A_314 = tpu.memref_slice %arg6[%dma_start3A_306, %dma_start3A_307, %dma_start3A_313] : memref<3x2x1024xi32, #tpu.memory_space<vmem>> -> memref<1x1x1024xi32, #tpu.memory_space<vmem>>
    %dma_start3A_315 = tpu.memref_squeeze %dma_start3A_314 : memref<1x1x1024xi32, #tpu.memory_space<vmem>> -> memref<1024xi32, #tpu.memory_space<vmem>>
    %dma_start3A_316 = arith.constant 0 : i32
    %dma_start3A_317 = arith.constant 0 : i32
    %dma_start3A_318 = tpu.memref_slice %arg9[%dma_start3A_316, %dma_start3A_317] : memref<10000x32xf32, #tpu.memory_space<vmem_shared>> -> memref<10000x32xf32, #tpu.memory_space<vmem_shared>>
    tpu.enqueue_indirect_dma source(%dma_start3A_318 : memref<10000x32xf32, #tpu.memory_space<vmem_shared>>) target(%dma_start3A_312 : memref<1024x32xf32, #tpu.memory_space<vmem>>) offsets(%dma_start3A_315 : memref<1024xi32, #tpu.memory_space<vmem>>) semaphore(%arg10 : memref<!tpu.dma_semaphore, #tpu.memory_space<semaphore_mem>>)
    %dma_start3A_319 = arith.constant 4 : i32
    %dma_start3A_320 = arith.constant 1 : i32
    %dma_start3A_321 = arith.constant 0 : i32
    %dma_start3A_322 = arith.constant 0 : i32
    %dma_start3A_323 = tpu.memref_slice %arg6[%dma_start3A_320, %dma_start3A_321, %dma_start3A_322] : memref<3x2x1024xi32, #tpu.memory_space<vmem>> -> memref<1x2x1024xi32, #tpu.memory_space<vmem>>
    %dma_start3A_324 = tpu.memref_squeeze %dma_start3A_323 : memref<1x2x1024xi32, #tpu.memory_space<vmem>> -> memref<2x1024xi32, #tpu.memory_space<vmem>>
    %dma_start3A_325 = arith.constant 0 : i32
    %dma_start3A_326 = arith.constant 0 : i32
    %dma_start3A_327 = tpu.memref_slice %arg3[%add3A, %dma_start3A_319, %dma_start3A_325, %dma_start3A_326] : memref<32x10x2x1024xi32, #tpu.memory_space<hbm>> -> memref<1x1x2x1024xi32, #tpu.memory_space<hbm>>
    %dma_start3A_328 = tpu.memref_squeeze %dma_start3A_327 : memref<1x1x2x1024xi32, #tpu.memory_space<hbm>> -> memref<2x1024xi32, #tpu.memory_space<hbm>>
    %dma_start3A_329 = arith.constant 0 : i32
    %dma_start3A_330 = arith.constant 0 : i32
    %dma_start3A_331 = tpu.memref_slice %arg6[%dma_start3A_320, %dma_start3A_329, %dma_start3A_330] : memref<3x2x1024xi32, #tpu.memory_space<vmem>> -> memref<1x2x1024xi32, #tpu.memory_space<vmem>>
    %dma_start3A_332 = tpu.memref_squeeze %dma_start3A_331 : memref<1x2x1024xi32, #tpu.memory_space<vmem>> -> memref<2x1024xi32, #tpu.memory_space<vmem>>
    %dma_start3A_333 = arith.constant 0 : i32
    %dma_start3A_334 = arith.constant 0 : i32
    %dma_start3A_335 = tpu.memref_slice %arg3[%add3A, %dma_start3A_319, %dma_start3A_333, %dma_start3A_334] : memref<32x10x2x1024xi32, #tpu.memory_space<hbm>> -> memref<1x1x2x1024xi32, #tpu.memory_space<hbm>>
    %dma_start3A_336 = tpu.memref_squeeze %dma_start3A_335 : memref<1x1x2x1024xi32, #tpu.memory_space<hbm>> -> memref<2x1024xi32, #tpu.memory_space<hbm>>
    tpu.enqueue_dma source(%dma_start3A_336 : memref<2x1024xi32, #tpu.memory_space<hbm>>) target(%dma_start3A_332 : memref<2x1024xi32, #tpu.memory_space<vmem>>) target_semaphore(%arg11 : memref<!tpu.dma_semaphore, #tpu.memory_space<semaphore_mem>>)
    %dma_wait3A_337 = arith.constant 0 : i32
    %dma_wait3A_338 = arith.constant 0 : i32
    %dma_wait3A_339 = arith.constant 1 : i32
    %dma_wait3A_340 = arith.constant 0 : i32
    %dma_wait3A_341 = arith.constant 0 : i32
    %dma_wait3A_342 = tpu.memref_slice %arg7[%dma_wait3A_339, %dma_wait3A_340, %dma_wait3A_341] : memref<2x1024x32xf32, #tpu.memory_space<vmem>> -> memref<1x1024x32xf32, #tpu.memory_space<vmem>>
    %dma_wait3A_343 = tpu.memref_squeeze %dma_wait3A_342 : memref<1x1024x32xf32, #tpu.memory_space<vmem>> -> memref<1024x32xf32, #tpu.memory_space<vmem>>
    %dma_wait3A_344 = arith.constant 0 : i32
    %dma_wait3A_345 = tpu.memref_slice %arg6[%dma_wait3A_337, %dma_wait3A_338, %dma_wait3A_344] : memref<3x2x1024xi32, #tpu.memory_space<vmem>> -> memref<1x1x1024xi32, #tpu.memory_space<vmem>>
    %dma_wait3A_346 = tpu.memref_squeeze %dma_wait3A_345 : memref<1x1x1024xi32, #tpu.memory_space<vmem>> -> memref<1024xi32, #tpu.memory_space<vmem>>
    %dma_wait3A_347 = arith.constant 0 : i32
    %dma_wait3A_348 = arith.constant 0 : i32
    %dma_wait3A_349 = tpu.memref_slice %arg9[%dma_wait3A_347, %dma_wait3A_348] : memref<10000x32xf32, #tpu.memory_space<vmem_shared>> -> memref<10000x32xf32, #tpu.memory_space<vmem_shared>>
    tpu.wait_indirect_dma semaphore(%arg10 : memref<!tpu.dma_semaphore, #tpu.memory_space<semaphore_mem>>) src(%dma_wait3A_349 : memref<10000x32xf32, #tpu.memory_space<vmem_shared>>) dst(%dma_wait3A_343 : memref<1024x32xf32, #tpu.memory_space<vmem>>)
    %dma_start3A_350 = arith.constant 1 : i32
    %dma_start3A_351 = arith.constant 0 : i32
    %dma_start3A_352 = arith.constant 1 : i32
    %dma_start3A_353 = arith.constant 0 : i32
    %dma_start3A_354 = arith.constant 0 : i32
    %dma_start3A_355 = tpu.memref_slice %arg7[%dma_start3A_350, %dma_start3A_353, %dma_start3A_354] : memref<2x1024x32xf32, #tpu.memory_space<vmem>> -> memref<1x1024x32xf32, #tpu.memory_space<vmem>>
    %dma_start3A_356 = tpu.memref_squeeze %dma_start3A_355 : memref<1x1024x32xf32, #tpu.memory_space<vmem>> -> memref<1024x32xf32, #tpu.memory_space<vmem>>
    %dma_start3A_357 = arith.constant 0 : i32
    %dma_start3A_358 = tpu.memref_slice %arg6[%dma_start3A_351, %dma_start3A_352, %dma_start3A_357] : memref<3x2x1024xi32, #tpu.memory_space<vmem>> -> memref<1x1x1024xi32, #tpu.memory_space<vmem>>
    %dma_start3A_359 = tpu.memref_squeeze %dma_start3A_358 : memref<1x1x1024xi32, #tpu.memory_space<vmem>> -> memref<1024xi32, #tpu.memory_space<vmem>>
    %dma_start3A_360 = arith.constant 0 : i32
    %dma_start3A_361 = arith.constant 0 : i32
    %dma_start3A_362 = tpu.memref_slice %arg8[%dma_start3A_360, %dma_start3A_361] : memref<10016x32xf32, #tpu.memory_space<vmem_shared>> -> memref<10016x32xf32, #tpu.memory_space<vmem_shared>>
    tpu.enqueue_indirect_dma source(%dma_start3A_356 : memref<1024x32xf32, #tpu.memory_space<vmem>>) target(%dma_start3A_362 : memref<10016x32xf32, #tpu.memory_space<vmem_shared>>) offsets(%dma_start3A_359 : memref<1024xi32, #tpu.memory_space<vmem>>) semaphore(%arg14 : memref<!tpu.dma_semaphore, #tpu.memory_space<semaphore_mem>>) {add = true}
    %dma_wait3A_363 = arith.constant 0 : i32
    %dma_wait3A_364 = arith.constant 2 : i32
    %dma_wait3A_365 = arith.constant 1 : i32
    %dma_wait3A_366 = arith.constant 0 : i32
    %dma_wait3A_367 = arith.constant 0 : i32
    %dma_wait3A_368 = tpu.memref_slice %arg7[%dma_wait3A_363, %dma_wait3A_366, %dma_wait3A_367] : memref<2x1024x32xf32, #tpu.memory_space<vmem>> -> memref<1x1024x32xf32, #tpu.memory_space<vmem>>
    %dma_wait3A_369 = tpu.memref_squeeze %dma_wait3A_368 : memref<1x1024x32xf32, #tpu.memory_space<vmem>> -> memref<1024x32xf32, #tpu.memory_space<vmem>>
    %dma_wait3A_370 = arith.constant 0 : i32
    %dma_wait3A_371 = tpu.memref_slice %arg6[%dma_wait3A_364, %dma_wait3A_365, %dma_wait3A_370] : memref<3x2x1024xi32, #tpu.memory_space<vmem>> -> memref<1x1x1024xi32, #tpu.memory_space<vmem>>
    %dma_wait3A_372 = tpu.memref_squeeze %dma_wait3A_371 : memref<1x1x1024xi32, #tpu.memory_space<vmem>> -> memref<1024xi32, #tpu.memory_space<vmem>>
    %dma_wait3A_373 = arith.constant 0 : i32
    %dma_wait3A_374 = arith.constant 0 : i32
    %dma_wait3A_375 = tpu.memref_slice %arg8[%dma_wait3A_373, %dma_wait3A_374] : memref<10016x32xf32, #tpu.memory_space<vmem_shared>> -> memref<10016x32xf32, #tpu.memory_space<vmem_shared>>
    tpu.wait_indirect_dma semaphore(%arg13 : memref<!tpu.dma_semaphore, #tpu.memory_space<semaphore_mem>>) src(%dma_wait3A_369 : memref<1024x32xf32, #tpu.memory_space<vmem>>) dst(%dma_wait3A_375 : memref<10016x32xf32, #tpu.memory_space<vmem_shared>>)
    %dma_wait3A_376 = arith.constant 4 : i32
    %dma_wait3A_377 = arith.constant 1 : i32
    %dma_wait3A_378 = arith.constant 0 : i32
    %dma_wait3A_379 = arith.constant 0 : i32
    %dma_wait3A_380 = tpu.memref_slice %arg6[%dma_wait3A_377, %dma_wait3A_378, %dma_wait3A_379] : memref<3x2x1024xi32, #tpu.memory_space<vmem>> -> memref<1x2x1024xi32, #tpu.memory_space<vmem>>
    %dma_wait3A_381 = tpu.memref_squeeze %dma_wait3A_380 : memref<1x2x1024xi32, #tpu.memory_space<vmem>> -> memref<2x1024xi32, #tpu.memory_space<vmem>>
    %dma_wait3A_382 = arith.constant 0 : i32
    %dma_wait3A_383 = arith.constant 0 : i32
    %dma_wait3A_384 = tpu.memref_slice %arg3[%add3A, %dma_wait3A_376, %dma_wait3A_382, %dma_wait3A_383] : memref<32x10x2x1024xi32, #tpu.memory_space<hbm>> -> memref<1x1x2x1024xi32, #tpu.memory_space<hbm>>
    %dma_wait3A_385 = tpu.memref_squeeze %dma_wait3A_384 : memref<1x1x2x1024xi32, #tpu.memory_space<hbm>> -> memref<2x1024xi32, #tpu.memory_space<hbm>>
    %dma_wait3A_386 = arith.constant 0 : i32
    %dma_wait3A_387 = arith.constant 0 : i32
    %dma_wait3A_388 = tpu.memref_slice %arg6[%dma_wait3A_377, %dma_wait3A_386, %dma_wait3A_387] : memref<3x2x1024xi32, #tpu.memory_space<vmem>> -> memref<1x2x1024xi32, #tpu.memory_space<vmem>>
    %dma_wait3A_389 = tpu.memref_squeeze %dma_wait3A_388 : memref<1x2x1024xi32, #tpu.memory_space<vmem>> -> memref<2x1024xi32, #tpu.memory_space<vmem>>
    %dma_wait3A_390 = arith.constant 0 : i32
    %dma_wait3A_391 = arith.constant 0 : i32
    %dma_wait3A_392 = tpu.memref_slice %arg3[%add3A, %dma_wait3A_376, %dma_wait3A_390, %dma_wait3A_391] : memref<32x10x2x1024xi32, #tpu.memory_space<hbm>> -> memref<1x1x2x1024xi32, #tpu.memory_space<hbm>>
    %dma_wait3A_393 = tpu.memref_squeeze %dma_wait3A_392 : memref<1x1x2x1024xi32, #tpu.memory_space<hbm>> -> memref<2x1024xi32, #tpu.memory_space<hbm>>
    tpu.wait_dma2 semaphore(%arg11 : memref<!tpu.dma_semaphore, #tpu.memory_space<semaphore_mem>>) src(%dma_wait3A_393 : memref<2x1024xi32, #tpu.memory_space<hbm>>) dst(%dma_wait3A_389 : memref<2x1024xi32, #tpu.memory_space<vmem>>)
    %dma_start3A_394 = arith.constant 1 : i32
    %dma_start3A_395 = arith.constant 0 : i32
    %dma_start3A_396 = arith.constant 0 : i32
    %dma_start3A_397 = arith.constant 0 : i32
    %dma_start3A_398 = arith.constant 0 : i32
    %dma_start3A_399 = tpu.memref_slice %arg7[%dma_start3A_396, %dma_start3A_397, %dma_start3A_398] : memref<2x1024x32xf32, #tpu.memory_space<vmem>> -> memref<1x1024x32xf32, #tpu.memory_space<vmem>>
    %dma_start3A_400 = tpu.memref_squeeze %dma_start3A_399 : memref<1x1024x32xf32, #tpu.memory_space<vmem>> -> memref<1024x32xf32, #tpu.memory_space<vmem>>
    %dma_start3A_401 = arith.constant 0 : i32
    %dma_start3A_402 = tpu.memref_slice %arg6[%dma_start3A_394, %dma_start3A_395, %dma_start3A_401] : memref<3x2x1024xi32, #tpu.memory_space<vmem>> -> memref<1x1x1024xi32, #tpu.memory_space<vmem>>
    %dma_start3A_403 = tpu.memref_squeeze %dma_start3A_402 : memref<1x1x1024xi32, #tpu.memory_space<vmem>> -> memref<1024xi32, #tpu.memory_space<vmem>>
    %dma_start3A_404 = arith.constant 0 : i32
    %dma_start3A_405 = arith.constant 0 : i32
    %dma_start3A_406 = tpu.memref_slice %arg9[%dma_start3A_404, %dma_start3A_405] : memref<10000x32xf32, #tpu.memory_space<vmem_shared>> -> memref<10000x32xf32, #tpu.memory_space<vmem_shared>>
    tpu.enqueue_indirect_dma source(%dma_start3A_406 : memref<10000x32xf32, #tpu.memory_space<vmem_shared>>) target(%dma_start3A_400 : memref<1024x32xf32, #tpu.memory_space<vmem>>) offsets(%dma_start3A_403 : memref<1024xi32, #tpu.memory_space<vmem>>) semaphore(%arg10 : memref<!tpu.dma_semaphore, #tpu.memory_space<semaphore_mem>>)
    %dma_start3A_407 = arith.constant 5 : i32
    %dma_start3A_408 = arith.constant 2 : i32
    %dma_start3A_409 = arith.constant 0 : i32
    %dma_start3A_410 = arith.constant 0 : i32
    %dma_start3A_411 = tpu.memref_slice %arg6[%dma_start3A_408, %dma_start3A_409, %dma_start3A_410] : memref<3x2x1024xi32, #tpu.memory_space<vmem>> -> memref<1x2x1024xi32, #tpu.memory_space<vmem>>
    %dma_start3A_412 = tpu.memref_squeeze %dma_start3A_411 : memref<1x2x1024xi32, #tpu.memory_space<vmem>> -> memref<2x1024xi32, #tpu.memory_space<vmem>>
    %dma_start3A_413 = arith.constant 0 : i32
    %dma_start3A_414 = arith.constant 0 : i32
    %dma_start3A_415 = tpu.memref_slice %arg3[%add3A, %dma_start3A_407, %dma_start3A_413, %dma_start3A_414] : memref<32x10x2x1024xi32, #tpu.memory_space<hbm>> -> memref<1x1x2x1024xi32, #tpu.memory_space<hbm>>
    %dma_start3A_416 = tpu.memref_squeeze %dma_start3A_415 : memref<1x1x2x1024xi32, #tpu.memory_space<hbm>> -> memref<2x1024xi32, #tpu.memory_space<hbm>>
    %dma_start3A_417 = arith.constant 0 : i32
    %dma_start3A_418 = arith.constant 0 : i32
    %dma_start3A_419 = tpu.memref_slice %arg6[%dma_start3A_408, %dma_start3A_417, %dma_start3A_418] : memref<3x2x1024xi32, #tpu.memory_space<vmem>> -> memref<1x2x1024xi32, #tpu.memory_space<vmem>>
    %dma_start3A_420 = tpu.memref_squeeze %dma_start3A_419 : memref<1x2x1024xi32, #tpu.memory_space<vmem>> -> memref<2x1024xi32, #tpu.memory_space<vmem>>
    %dma_start3A_421 = arith.constant 0 : i32
    %dma_start3A_422 = arith.constant 0 : i32
    %dma_start3A_423 = tpu.memref_slice %arg3[%add3A, %dma_start3A_407, %dma_start3A_421, %dma_start3A_422] : memref<32x10x2x1024xi32, #tpu.memory_space<hbm>> -> memref<1x1x2x1024xi32, #tpu.memory_space<hbm>>
    %dma_start3A_424 = tpu.memref_squeeze %dma_start3A_423 : memref<1x1x2x1024xi32, #tpu.memory_space<hbm>> -> memref<2x1024xi32, #tpu.memory_space<hbm>>
    tpu.enqueue_dma source(%dma_start3A_424 : memref<2x1024xi32, #tpu.memory_space<hbm>>) target(%dma_start3A_420 : memref<2x1024xi32, #tpu.memory_space<vmem>>) target_semaphore(%arg11 : memref<!tpu.dma_semaphore, #tpu.memory_space<semaphore_mem>>)
    %dma_wait3A_425 = arith.constant 1 : i32
    %dma_wait3A_426 = arith.constant 0 : i32
    %dma_wait3A_427 = arith.constant 0 : i32
    %dma_wait3A_428 = arith.constant 0 : i32
    %dma_wait3A_429 = arith.constant 0 : i32
    %dma_wait3A_430 = tpu.memref_slice %arg7[%dma_wait3A_427, %dma_wait3A_428, %dma_wait3A_429] : memref<2x1024x32xf32, #tpu.memory_space<vmem>> -> memref<1x1024x32xf32, #tpu.memory_space<vmem>>
    %dma_wait3A_431 = tpu.memref_squeeze %dma_wait3A_430 : memref<1x1024x32xf32, #tpu.memory_space<vmem>> -> memref<1024x32xf32, #tpu.memory_space<vmem>>
    %dma_wait3A_432 = arith.constant 0 : i32
    %dma_wait3A_433 = tpu.memref_slice %arg6[%dma_wait3A_425, %dma_wait3A_426, %dma_wait3A_432] : memref<3x2x1024xi32, #tpu.memory_space<vmem>> -> memref<1x1x1024xi32, #tpu.memory_space<vmem>>
    %dma_wait3A_434 = tpu.memref_squeeze %dma_wait3A_433 : memref<1x1x1024xi32, #tpu.memory_space<vmem>> -> memref<1024xi32, #tpu.memory_space<vmem>>
    %dma_wait3A_435 = arith.constant 0 : i32
    %dma_wait3A_436 = arith.constant 0 : i32
    %dma_wait3A_437 = tpu.memref_slice %arg9[%dma_wait3A_435, %dma_wait3A_436] : memref<10000x32xf32, #tpu.memory_space<vmem_shared>> -> memref<10000x32xf32, #tpu.memory_space<vmem_shared>>
    tpu.wait_indirect_dma semaphore(%arg10 : memref<!tpu.dma_semaphore, #tpu.memory_space<semaphore_mem>>) src(%dma_wait3A_437 : memref<10000x32xf32, #tpu.memory_space<vmem_shared>>) dst(%dma_wait3A_431 : memref<1024x32xf32, #tpu.memory_space<vmem>>)
    %dma_start3A_438 = arith.constant 0 : i32
    %dma_start3A_439 = arith.constant 1 : i32
    %dma_start3A_440 = arith.constant 1 : i32
    %dma_start3A_441 = arith.constant 0 : i32
    %dma_start3A_442 = arith.constant 0 : i32
    %dma_start3A_443 = tpu.memref_slice %arg7[%dma_start3A_438, %dma_start3A_441, %dma_start3A_442] : memref<2x1024x32xf32, #tpu.memory_space<vmem>> -> memref<1x1024x32xf32, #tpu.memory_space<vmem>>
    %dma_start3A_444 = tpu.memref_squeeze %dma_start3A_443 : memref<1x1024x32xf32, #tpu.memory_space<vmem>> -> memref<1024x32xf32, #tpu.memory_space<vmem>>
    %dma_start3A_445 = arith.constant 0 : i32
    %dma_start3A_446 = tpu.memref_slice %arg6[%dma_start3A_439, %dma_start3A_440, %dma_start3A_445] : memref<3x2x1024xi32, #tpu.memory_space<vmem>> -> memref<1x1x1024xi32, #tpu.memory_space<vmem>>
    %dma_start3A_447 = tpu.memref_squeeze %dma_start3A_446 : memref<1x1x1024xi32, #tpu.memory_space<vmem>> -> memref<1024xi32, #tpu.memory_space<vmem>>
    %dma_start3A_448 = arith.constant 0 : i32
    %dma_start3A_449 = arith.constant 0 : i32
    %dma_start3A_450 = tpu.memref_slice %arg8[%dma_start3A_448, %dma_start3A_449] : memref<10016x32xf32, #tpu.memory_space<vmem_shared>> -> memref<10016x32xf32, #tpu.memory_space<vmem_shared>>
    tpu.enqueue_indirect_dma source(%dma_start3A_444 : memref<1024x32xf32, #tpu.memory_space<vmem>>) target(%dma_start3A_450 : memref<10016x32xf32, #tpu.memory_space<vmem_shared>>) offsets(%dma_start3A_447 : memref<1024xi32, #tpu.memory_space<vmem>>) semaphore(%arg13 : memref<!tpu.dma_semaphore, #tpu.memory_space<semaphore_mem>>) {add = true}
    %dma_wait3A_451 = arith.constant 1 : i32
    %dma_wait3A_452 = arith.constant 0 : i32
    %dma_wait3A_453 = arith.constant 1 : i32
    %dma_wait3A_454 = arith.constant 0 : i32
    %dma_wait3A_455 = arith.constant 0 : i32
    %dma_wait3A_456 = tpu.memref_slice %arg7[%dma_wait3A_451, %dma_wait3A_454, %dma_wait3A_455] : memref<2x1024x32xf32, #tpu.memory_space<vmem>> -> memref<1x1024x32xf32, #tpu.memory_space<vmem>>
    %dma_wait3A_457 = tpu.memref_squeeze %dma_wait3A_456 : memref<1x1024x32xf32, #tpu.memory_space<vmem>> -> memref<1024x32xf32, #tpu.memory_space<vmem>>
    %dma_wait3A_458 = arith.constant 0 : i32
    %dma_wait3A_459 = tpu.memref_slice %arg6[%dma_wait3A_452, %dma_wait3A_453, %dma_wait3A_458] : memref<3x2x1024xi32, #tpu.memory_space<vmem>> -> memref<1x1x1024xi32, #tpu.memory_space<vmem>>
    %dma_wait3A_460 = tpu.memref_squeeze %dma_wait3A_459 : memref<1x1x1024xi32, #tpu.memory_space<vmem>> -> memref<1024xi32, #tpu.memory_space<vmem>>
    %dma_wait3A_461 = arith.constant 0 : i32
    %dma_wait3A_462 = arith.constant 0 : i32
    %dma_wait3A_463 = tpu.memref_slice %arg8[%dma_wait3A_461, %dma_wait3A_462] : memref<10016x32xf32, #tpu.memory_space<vmem_shared>> -> memref<10016x32xf32, #tpu.memory_space<vmem_shared>>
    tpu.wait_indirect_dma semaphore(%arg14 : memref<!tpu.dma_semaphore, #tpu.memory_space<semaphore_mem>>) src(%dma_wait3A_457 : memref<1024x32xf32, #tpu.memory_space<vmem>>) dst(%dma_wait3A_463 : memref<10016x32xf32, #tpu.memory_space<vmem_shared>>)
    %dma_wait3A_464 = arith.constant 5 : i32
    %dma_wait3A_465 = arith.constant 2 : i32
    %dma_wait3A_466 = arith.constant 0 : i32
    %dma_wait3A_467 = arith.constant 0 : i32
    %dma_wait3A_468 = tpu.memref_slice %arg6[%dma_wait3A_465, %dma_wait3A_466, %dma_wait3A_467] : memref<3x2x1024xi32, #tpu.memory_space<vmem>> -> memref<1x2x1024xi32, #tpu.memory_space<vmem>>
    %dma_wait3A_469 = tpu.memref_squeeze %dma_wait3A_468 : memref<1x2x1024xi32, #tpu.memory_space<vmem>> -> memref<2x1024xi32, #tpu.memory_space<vmem>>
    %dma_wait3A_470 = arith.constant 0 : i32
    %dma_wait3A_471 = arith.constant 0 : i32
    %dma_wait3A_472 = tpu.memref_slice %arg3[%add3A, %dma_wait3A_464, %dma_wait3A_470, %dma_wait3A_471] : memref<32x10x2x1024xi32, #tpu.memory_space<hbm>> -> memref<1x1x2x1024xi32, #tpu.memory_space<hbm>>
    %dma_wait3A_473 = tpu.memref_squeeze %dma_wait3A_472 : memref<1x1x2x1024xi32, #tpu.memory_space<hbm>> -> memref<2x1024xi32, #tpu.memory_space<hbm>>
    %dma_wait3A_474 = arith.constant 0 : i32
    %dma_wait3A_475 = arith.constant 0 : i32
    %dma_wait3A_476 = tpu.memref_slice %arg6[%dma_wait3A_465, %dma_wait3A_474, %dma_wait3A_475] : memref<3x2x1024xi32, #tpu.memory_space<vmem>> -> memref<1x2x1024xi32, #tpu.memory_space<vmem>>
    %dma_wait3A_477 = tpu.memref_squeeze %dma_wait3A_476 : memref<1x2x1024xi32, #tpu.memory_space<vmem>> -> memref<2x1024xi32, #tpu.memory_space<vmem>>
    %dma_wait3A_478 = arith.constant 0 : i32
    %dma_wait3A_479 = arith.constant 0 : i32
    %dma_wait3A_480 = tpu.memref_slice %arg3[%add3A, %dma_wait3A_464, %dma_wait3A_478, %dma_wait3A_479] : memref<32x10x2x1024xi32, #tpu.memory_space<hbm>> -> memref<1x1x2x1024xi32, #tpu.memory_space<hbm>>
    %dma_wait3A_481 = tpu.memref_squeeze %dma_wait3A_480 : memref<1x1x2x1024xi32, #tpu.memory_space<hbm>> -> memref<2x1024xi32, #tpu.memory_space<hbm>>
    tpu.wait_dma2 semaphore(%arg11 : memref<!tpu.dma_semaphore, #tpu.memory_space<semaphore_mem>>) src(%dma_wait3A_481 : memref<2x1024xi32, #tpu.memory_space<hbm>>) dst(%dma_wait3A_477 : memref<2x1024xi32, #tpu.memory_space<vmem>>)
    %dma_start3A_482 = arith.constant 2 : i32
    %dma_start3A_483 = arith.constant 0 : i32
    %dma_start3A_484 = arith.constant 1 : i32
    %dma_start3A_485 = arith.constant 0 : i32
    %dma_start3A_486 = arith.constant 0 : i32
    %dma_start3A_487 = tpu.memref_slice %arg7[%dma_start3A_484, %dma_start3A_485, %dma_start3A_486] : memref<2x1024x32xf32, #tpu.memory_space<vmem>> -> memref<1x1024x32xf32, #tpu.memory_space<vmem>>
    %dma_start3A_488 = tpu.memref_squeeze %dma_start3A_487 : memref<1x1024x32xf32, #tpu.memory_space<vmem>> -> memref<1024x32xf32, #tpu.memory_space<vmem>>
    %dma_start3A_489 = arith.constant 0 : i32
    %dma_start3A_490 = tpu.memref_slice %arg6[%dma_start3A_482, %dma_start3A_483, %dma_start3A_489] : memref<3x2x1024xi32, #tpu.memory_space<vmem>> -> memref<1x1x1024xi32, #tpu.memory_space<vmem>>
    %dma_start3A_491 = tpu.memref_squeeze %dma_start3A_490 : memref<1x1x1024xi32, #tpu.memory_space<vmem>> -> memref<1024xi32, #tpu.memory_space<vmem>>
    %dma_start3A_492 = arith.constant 0 : i32
    %dma_start3A_493 = arith.constant 0 : i32
    %dma_start3A_494 = tpu.memref_slice %arg9[%dma_start3A_492, %dma_start3A_493] : memref<10000x32xf32, #tpu.memory_space<vmem_shared>> -> memref<10000x32xf32, #tpu.memory_space<vmem_shared>>
    tpu.enqueue_indirect_dma source(%dma_start3A_494 : memref<10000x32xf32, #tpu.memory_space<vmem_shared>>) target(%dma_start3A_488 : memref<1024x32xf32, #tpu.memory_space<vmem>>) offsets(%dma_start3A_491 : memref<1024xi32, #tpu.memory_space<vmem>>) semaphore(%arg10 : memref<!tpu.dma_semaphore, #tpu.memory_space<semaphore_mem>>)
    %dma_start3A_495 = arith.constant 6 : i32
    %dma_start3A_496 = arith.constant 0 : i32
    %dma_start3A_497 = arith.constant 0 : i32
    %dma_start3A_498 = arith.constant 0 : i32
    %dma_start3A_499 = tpu.memref_slice %arg6[%dma_start3A_496, %dma_start3A_497, %dma_start3A_498] : memref<3x2x1024xi32, #tpu.memory_space<vmem>> -> memref<1x2x1024xi32, #tpu.memory_space<vmem>>
    %dma_start3A_500 = tpu.memref_squeeze %dma_start3A_499 : memref<1x2x1024xi32, #tpu.memory_space<vmem>> -> memref<2x1024xi32, #tpu.memory_space<vmem>>
    %dma_start3A_501 = arith.constant 0 : i32
    %dma_start3A_502 = arith.constant 0 : i32
    %dma_start3A_503 = tpu.memref_slice %arg3[%add3A, %dma_start3A_495, %dma_start3A_501, %dma_start3A_502] : memref<32x10x2x1024xi32, #tpu.memory_space<hbm>> -> memref<1x1x2x1024xi32, #tpu.memory_space<hbm>>
    %dma_start3A_504 = tpu.memref_squeeze %dma_start3A_503 : memref<1x1x2x1024xi32, #tpu.memory_space<hbm>> -> memref<2x1024xi32, #tpu.memory_space<hbm>>
    %dma_start3A_505 = arith.constant 0 : i32
    %dma_start3A_506 = arith.constant 0 : i32
    %dma_start3A_507 = tpu.memref_slice %arg6[%dma_start3A_496, %dma_start3A_505, %dma_start3A_506] : memref<3x2x1024xi32, #tpu.memory_space<vmem>> -> memref<1x2x1024xi32, #tpu.memory_space<vmem>>
    %dma_start3A_508 = tpu.memref_squeeze %dma_start3A_507 : memref<1x2x1024xi32, #tpu.memory_space<vmem>> -> memref<2x1024xi32, #tpu.memory_space<vmem>>
    %dma_start3A_509 = arith.constant 0 : i32
    %dma_start3A_510 = arith.constant 0 : i32
    %dma_start3A_511 = tpu.memref_slice %arg3[%add3A, %dma_start3A_495, %dma_start3A_509, %dma_start3A_510] : memref<32x10x2x1024xi32, #tpu.memory_space<hbm>> -> memref<1x1x2x1024xi32, #tpu.memory_space<hbm>>
    %dma_start3A_512 = tpu.memref_squeeze %dma_start3A_511 : memref<1x1x2x1024xi32, #tpu.memory_space<hbm>> -> memref<2x1024xi32, #tpu.memory_space<hbm>>
    tpu.enqueue_dma source(%dma_start3A_512 : memref<2x1024xi32, #tpu.memory_space<hbm>>) target(%dma_start3A_508 : memref<2x1024xi32, #tpu.memory_space<vmem>>) target_semaphore(%arg11 : memref<!tpu.dma_semaphore, #tpu.memory_space<semaphore_mem>>)
    %dma_wait3A_513 = arith.constant 2 : i32
    %dma_wait3A_514 = arith.constant 0 : i32
    %dma_wait3A_515 = arith.constant 1 : i32
    %dma_wait3A_516 = arith.constant 0 : i32
    %dma_wait3A_517 = arith.constant 0 : i32
    %dma_wait3A_518 = tpu.memref_slice %arg7[%dma_wait3A_515, %dma_wait3A_516, %dma_wait3A_517] : memref<2x1024x32xf32, #tpu.memory_space<vmem>> -> memref<1x1024x32xf32, #tpu.memory_space<vmem>>
    %dma_wait3A_519 = tpu.memref_squeeze %dma_wait3A_518 : memref<1x1024x32xf32, #tpu.memory_space<vmem>> -> memref<1024x32xf32, #tpu.memory_space<vmem>>
    %dma_wait3A_520 = arith.constant 0 : i32
    %dma_wait3A_521 = tpu.memref_slice %arg6[%dma_wait3A_513, %dma_wait3A_514, %dma_wait3A_520] : memref<3x2x1024xi32, #tpu.memory_space<vmem>> -> memref<1x1x1024xi32, #tpu.memory_space<vmem>>
    %dma_wait3A_522 = tpu.memref_squeeze %dma_wait3A_521 : memref<1x1x1024xi32, #tpu.memory_space<vmem>> -> memref<1024xi32, #tpu.memory_space<vmem>>
    %dma_wait3A_523 = arith.constant 0 : i32
    %dma_wait3A_524 = arith.constant 0 : i32
    %dma_wait3A_525 = tpu.memref_slice %arg9[%dma_wait3A_523, %dma_wait3A_524] : memref<10000x32xf32, #tpu.memory_space<vmem_shared>> -> memref<10000x32xf32, #tpu.memory_space<vmem_shared>>
    tpu.wait_indirect_dma semaphore(%arg10 : memref<!tpu.dma_semaphore, #tpu.memory_space<semaphore_mem>>) src(%dma_wait3A_525 : memref<10000x32xf32, #tpu.memory_space<vmem_shared>>) dst(%dma_wait3A_519 : memref<1024x32xf32, #tpu.memory_space<vmem>>)
    %dma_start3A_526 = arith.constant 1 : i32
    %dma_start3A_527 = arith.constant 2 : i32
    %dma_start3A_528 = arith.constant 1 : i32
    %dma_start3A_529 = arith.constant 0 : i32
    %dma_start3A_530 = arith.constant 0 : i32
    %dma_start3A_531 = tpu.memref_slice %arg7[%dma_start3A_526, %dma_start3A_529, %dma_start3A_530] : memref<2x1024x32xf32, #tpu.memory_space<vmem>> -> memref<1x1024x32xf32, #tpu.memory_space<vmem>>
    %dma_start3A_532 = tpu.memref_squeeze %dma_start3A_531 : memref<1x1024x32xf32, #tpu.memory_space<vmem>> -> memref<1024x32xf32, #tpu.memory_space<vmem>>
    %dma_start3A_533 = arith.constant 0 : i32
    %dma_start3A_534 = tpu.memref_slice %arg6[%dma_start3A_527, %dma_start3A_528, %dma_start3A_533] : memref<3x2x1024xi32, #tpu.memory_space<vmem>> -> memref<1x1x1024xi32, #tpu.memory_space<vmem>>
    %dma_start3A_535 = tpu.memref_squeeze %dma_start3A_534 : memref<1x1x1024xi32, #tpu.memory_space<vmem>> -> memref<1024xi32, #tpu.memory_space<vmem>>
    %dma_start3A_536 = arith.constant 0 : i32
    %dma_start3A_537 = arith.constant 0 : i32
    %dma_start3A_538 = tpu.memref_slice %arg8[%dma_start3A_536, %dma_start3A_537] : memref<10016x32xf32, #tpu.memory_space<vmem_shared>> -> memref<10016x32xf32, #tpu.memory_space<vmem_shared>>
    tpu.enqueue_indirect_dma source(%dma_start3A_532 : memref<1024x32xf32, #tpu.memory_space<vmem>>) target(%dma_start3A_538 : memref<10016x32xf32, #tpu.memory_space<vmem_shared>>) offsets(%dma_start3A_535 : memref<1024xi32, #tpu.memory_space<vmem>>) semaphore(%arg14 : memref<!tpu.dma_semaphore, #tpu.memory_space<semaphore_mem>>) {add = true}
    %dma_wait3A_539 = arith.constant 0 : i32
    %dma_wait3A_540 = arith.constant 1 : i32
    %dma_wait3A_541 = arith.constant 1 : i32
    %dma_wait3A_542 = arith.constant 0 : i32
    %dma_wait3A_543 = arith.constant 0 : i32
    %dma_wait3A_544 = tpu.memref_slice %arg7[%dma_wait3A_539, %dma_wait3A_542, %dma_wait3A_543] : memref<2x1024x32xf32, #tpu.memory_space<vmem>> -> memref<1x1024x32xf32, #tpu.memory_space<vmem>>
    %dma_wait3A_545 = tpu.memref_squeeze %dma_wait3A_544 : memref<1x1024x32xf32, #tpu.memory_space<vmem>> -> memref<1024x32xf32, #tpu.memory_space<vmem>>
    %dma_wait3A_546 = arith.constant 0 : i32
    %dma_wait3A_547 = tpu.memref_slice %arg6[%dma_wait3A_540, %dma_wait3A_541, %dma_wait3A_546] : memref<3x2x1024xi32, #tpu.memory_space<vmem>> -> memref<1x1x1024xi32, #tpu.memory_space<vmem>>
    %dma_wait3A_548 = tpu.memref_squeeze %dma_wait3A_547 : memref<1x1x1024xi32, #tpu.memory_space<vmem>> -> memref<1024xi32, #tpu.memory_space<vmem>>
    %dma_wait3A_549 = arith.constant 0 : i32
    %dma_wait3A_550 = arith.constant 0 : i32
    %dma_wait3A_551 = tpu.memref_slice %arg8[%dma_wait3A_549, %dma_wait3A_550] : memref<10016x32xf32, #tpu.memory_space<vmem_shared>> -> memref<10016x32xf32, #tpu.memory_space<vmem_shared>>
    tpu.wait_indirect_dma semaphore(%arg13 : memref<!tpu.dma_semaphore, #tpu.memory_space<semaphore_mem>>) src(%dma_wait3A_545 : memref<1024x32xf32, #tpu.memory_space<vmem>>) dst(%dma_wait3A_551 : memref<10016x32xf32, #tpu.memory_space<vmem_shared>>)
    %dma_wait3A_552 = arith.constant 6 : i32
    %dma_wait3A_553 = arith.constant 0 : i32
    %dma_wait3A_554 = arith.constant 0 : i32
    %dma_wait3A_555 = arith.constant 0 : i32
    %dma_wait3A_556 = tpu.memref_slice %arg6[%dma_wait3A_553, %dma_wait3A_554, %dma_wait3A_555] : memref<3x2x1024xi32, #tpu.memory_space<vmem>> -> memref<1x2x1024xi32, #tpu.memory_space<vmem>>
    %dma_wait3A_557 = tpu.memref_squeeze %dma_wait3A_556 : memref<1x2x1024xi32, #tpu.memory_space<vmem>> -> memref<2x1024xi32, #tpu.memory_space<vmem>>
    %dma_wait3A_558 = arith.constant 0 : i32
    %dma_wait3A_559 = arith.constant 0 : i32
    %dma_wait3A_560 = tpu.memref_slice %arg3[%add3A, %dma_wait3A_552, %dma_wait3A_558, %dma_wait3A_559] : memref<32x10x2x1024xi32, #tpu.memory_space<hbm>> -> memref<1x1x2x1024xi32, #tpu.memory_space<hbm>>
    %dma_wait3A_561 = tpu.memref_squeeze %dma_wait3A_560 : memref<1x1x2x1024xi32, #tpu.memory_space<hbm>> -> memref<2x1024xi32, #tpu.memory_space<hbm>>
    %dma_wait3A_562 = arith.constant 0 : i32
    %dma_wait3A_563 = arith.constant 0 : i32
    %dma_wait3A_564 = tpu.memref_slice %arg6[%dma_wait3A_553, %dma_wait3A_562, %dma_wait3A_563] : memref<3x2x1024xi32, #tpu.memory_space<vmem>> -> memref<1x2x1024xi32, #tpu.memory_space<vmem>>
    %dma_wait3A_565 = tpu.memref_squeeze %dma_wait3A_564 : memref<1x2x1024xi32, #tpu.memory_space<vmem>> -> memref<2x1024xi32, #tpu.memory_space<vmem>>
    %dma_wait3A_566 = arith.constant 0 : i32
    %dma_wait3A_567 = arith.constant 0 : i32
    %dma_wait3A_568 = tpu.memref_slice %arg3[%add3A, %dma_wait3A_552, %dma_wait3A_566, %dma_wait3A_567] : memref<32x10x2x1024xi32, #tpu.memory_space<hbm>> -> memref<1x1x2x1024xi32, #tpu.memory_space<hbm>>
    %dma_wait3A_569 = tpu.memref_squeeze %dma_wait3A_568 : memref<1x1x2x1024xi32, #tpu.memory_space<hbm>> -> memref<2x1024xi32, #tpu.memory_space<hbm>>
    tpu.wait_dma2 semaphore(%arg11 : memref<!tpu.dma_semaphore, #tpu.memory_space<semaphore_mem>>) src(%dma_wait3A_569 : memref<2x1024xi32, #tpu.memory_space<hbm>>) dst(%dma_wait3A_565 : memref<2x1024xi32, #tpu.memory_space<vmem>>)
    %dma_start3A_570 = arith.constant 0 : i32
    %dma_start3A_571 = arith.constant 0 : i32
    %dma_start3A_572 = arith.constant 0 : i32
    %dma_start3A_573 = arith.constant 0 : i32
    %dma_start3A_574 = arith.constant 0 : i32
    %dma_start3A_575 = tpu.memref_slice %arg7[%dma_start3A_572, %dma_start3A_573, %dma_start3A_574] : memref<2x1024x32xf32, #tpu.memory_space<vmem>> -> memref<1x1024x32xf32, #tpu.memory_space<vmem>>
    %dma_start3A_576 = tpu.memref_squeeze %dma_start3A_575 : memref<1x1024x32xf32, #tpu.memory_space<vmem>> -> memref<1024x32xf32, #tpu.memory_space<vmem>>
    %dma_start3A_577 = arith.constant 0 : i32
    %dma_start3A_578 = tpu.memref_slice %arg6[%dma_start3A_570, %dma_start3A_571, %dma_start3A_577] : memref<3x2x1024xi32, #tpu.memory_space<vmem>> -> memref<1x1x1024xi32, #tpu.memory_space<vmem>>
    %dma_start3A_579 = tpu.memref_squeeze %dma_start3A_578 : memref<1x1x1024xi32, #tpu.memory_space<vmem>> -> memref<1024xi32, #tpu.memory_space<vmem>>
    %dma_start3A_580 = arith.constant 0 : i32
    %dma_start3A_581 = arith.constant 0 : i32
    %dma_start3A_582 = tpu.memref_slice %arg9[%dma_start3A_580, %dma_start3A_581] : memref<10000x32xf32, #tpu.memory_space<vmem_shared>> -> memref<10000x32xf32, #tpu.memory_space<vmem_shared>>
    tpu.enqueue_indirect_dma source(%dma_start3A_582 : memref<10000x32xf32, #tpu.memory_space<vmem_shared>>) target(%dma_start3A_576 : memref<1024x32xf32, #tpu.memory_space<vmem>>) offsets(%dma_start3A_579 : memref<1024xi32, #tpu.memory_space<vmem>>) semaphore(%arg10 : memref<!tpu.dma_semaphore, #tpu.memory_space<semaphore_mem>>)
    %dma_start3A_583 = arith.constant 7 : i32
    %dma_start3A_584 = arith.constant 1 : i32
    %dma_start3A_585 = arith.constant 0 : i32
    %dma_start3A_586 = arith.constant 0 : i32
    %dma_start3A_587 = tpu.memref_slice %arg6[%dma_start3A_584, %dma_start3A_585, %dma_start3A_586] : memref<3x2x1024xi32, #tpu.memory_space<vmem>> -> memref<1x2x1024xi32, #tpu.memory_space<vmem>>
    %dma_start3A_588 = tpu.memref_squeeze %dma_start3A_587 : memref<1x2x1024xi32, #tpu.memory_space<vmem>> -> memref<2x1024xi32, #tpu.memory_space<vmem>>
    %dma_start3A_589 = arith.constant 0 : i32
    %dma_start3A_590 = arith.constant 0 : i32
    %dma_start3A_591 = tpu.memref_slice %arg3[%add3A, %dma_start3A_583, %dma_start3A_589, %dma_start3A_590] : memref<32x10x2x1024xi32, #tpu.memory_space<hbm>> -> memref<1x1x2x1024xi32, #tpu.memory_space<hbm>>
    %dma_start3A_592 = tpu.memref_squeeze %dma_start3A_591 : memref<1x1x2x1024xi32, #tpu.memory_space<hbm>> -> memref<2x1024xi32, #tpu.memory_space<hbm>>
    %dma_start3A_593 = arith.constant 0 : i32
    %dma_start3A_594 = arith.constant 0 : i32
    %dma_start3A_595 = tpu.memref_slice %arg6[%dma_start3A_584, %dma_start3A_593, %dma_start3A_594] : memref<3x2x1024xi32, #tpu.memory_space<vmem>> -> memref<1x2x1024xi32, #tpu.memory_space<vmem>>
    %dma_start3A_596 = tpu.memref_squeeze %dma_start3A_595 : memref<1x2x1024xi32, #tpu.memory_space<vmem>> -> memref<2x1024xi32, #tpu.memory_space<vmem>>
    %dma_start3A_597 = arith.constant 0 : i32
    %dma_start3A_598 = arith.constant 0 : i32
    %dma_start3A_599 = tpu.memref_slice %arg3[%add3A, %dma_start3A_583, %dma_start3A_597, %dma_start3A_598] : memref<32x10x2x1024xi32, #tpu.memory_space<hbm>> -> memref<1x1x2x1024xi32, #tpu.memory_space<hbm>>
    %dma_start3A_600 = tpu.memref_squeeze %dma_start3A_599 : memref<1x1x2x1024xi32, #tpu.memory_space<hbm>> -> memref<2x1024xi32, #tpu.memory_space<hbm>>
    tpu.enqueue_dma source(%dma_start3A_600 : memref<2x1024xi32, #tpu.memory_space<hbm>>) target(%dma_start3A_596 : memref<2x1024xi32, #tpu.memory_space<vmem>>) target_semaphore(%arg11 : memref<!tpu.dma_semaphore, #tpu.memory_space<semaphore_mem>>)
    %dma_wait3A_601 = arith.constant 0 : i32
    %dma_wait3A_602 = arith.constant 0 : i32
    %dma_wait3A_603 = arith.constant 0 : i32
    %dma_wait3A_604 = arith.constant 0 : i32
    %dma_wait3A_605 = arith.constant 0 : i32
    %dma_wait3A_606 = tpu.memref_slice %arg7[%dma_wait3A_603, %dma_wait3A_604, %dma_wait3A_605] : memref<2x1024x32xf32, #tpu.memory_space<vmem>> -> memref<1x1024x32xf32, #tpu.memory_space<vmem>>
    %dma_wait3A_607 = tpu.memref_squeeze %dma_wait3A_606 : memref<1x1024x32xf32, #tpu.memory_space<vmem>> -> memref<1024x32xf32, #tpu.memory_space<vmem>>
    %dma_wait3A_608 = arith.constant 0 : i32
    %dma_wait3A_609 = tpu.memref_slice %arg6[%dma_wait3A_601, %dma_wait3A_602, %dma_wait3A_608] : memref<3x2x1024xi32, #tpu.memory_space<vmem>> -> memref<1x1x1024xi32, #tpu.memory_space<vmem>>
    %dma_wait3A_610 = tpu.memref_squeeze %dma_wait3A_609 : memref<1x1x1024xi32, #tpu.memory_space<vmem>> -> memref<1024xi32, #tpu.memory_space<vmem>>
    %dma_wait3A_611 = arith.constant 0 : i32
    %dma_wait3A_612 = arith.constant 0 : i32
    %dma_wait3A_613 = tpu.memref_slice %arg9[%dma_wait3A_611, %dma_wait3A_612] : memref<10000x32xf32, #tpu.memory_space<vmem_shared>> -> memref<10000x32xf32, #tpu.memory_space<vmem_shared>>
    tpu.wait_indirect_dma semaphore(%arg10 : memref<!tpu.dma_semaphore, #tpu.memory_space<semaphore_mem>>) src(%dma_wait3A_613 : memref<10000x32xf32, #tpu.memory_space<vmem_shared>>) dst(%dma_wait3A_607 : memref<1024x32xf32, #tpu.memory_space<vmem>>)
    %dma_start3A_614 = arith.constant 0 : i32
    %dma_start3A_615 = arith.constant 0 : i32
    %dma_start3A_616 = arith.constant 1 : i32
    %dma_start3A_617 = arith.constant 0 : i32
    %dma_start3A_618 = arith.constant 0 : i32
    %dma_start3A_619 = tpu.memref_slice %arg7[%dma_start3A_614, %dma_start3A_617, %dma_start3A_618] : memref<2x1024x32xf32, #tpu.memory_space<vmem>> -> memref<1x1024x32xf32, #tpu.memory_space<vmem>>
    %dma_start3A_620 = tpu.memref_squeeze %dma_start3A_619 : memref<1x1024x32xf32, #tpu.memory_space<vmem>> -> memref<1024x32xf32, #tpu.memory_space<vmem>>
    %dma_start3A_621 = arith.constant 0 : i32
    %dma_start3A_622 = tpu.memref_slice %arg6[%dma_start3A_615, %dma_start3A_616, %dma_start3A_621] : memref<3x2x1024xi32, #tpu.memory_space<vmem>> -> memref<1x1x1024xi32, #tpu.memory_space<vmem>>
    %dma_start3A_623 = tpu.memref_squeeze %dma_start3A_622 : memref<1x1x1024xi32, #tpu.memory_space<vmem>> -> memref<1024xi32, #tpu.memory_space<vmem>>
    %dma_start3A_624 = arith.constant 0 : i32
    %dma_start3A_625 = arith.constant 0 : i32
    %dma_start3A_626 = tpu.memref_slice %arg8[%dma_start3A_624, %dma_start3A_625] : memref<10016x32xf32, #tpu.memory_space<vmem_shared>> -> memref<10016x32xf32, #tpu.memory_space<vmem_shared>>
    tpu.enqueue_indirect_dma source(%dma_start3A_620 : memref<1024x32xf32, #tpu.memory_space<vmem>>) target(%dma_start3A_626 : memref<10016x32xf32, #tpu.memory_space<vmem_shared>>) offsets(%dma_start3A_623 : memref<1024xi32, #tpu.memory_space<vmem>>) semaphore(%arg13 : memref<!tpu.dma_semaphore, #tpu.memory_space<semaphore_mem>>) {add = true}
    %dma_wait3A_627 = arith.constant 1 : i32
    %dma_wait3A_628 = arith.constant 2 : i32
    %dma_wait3A_629 = arith.constant 1 : i32
    %dma_wait3A_630 = arith.constant 0 : i32
    %dma_wait3A_631 = arith.constant 0 : i32
    %dma_wait3A_632 = tpu.memref_slice %arg7[%dma_wait3A_627, %dma_wait3A_630, %dma_wait3A_631] : memref<2x1024x32xf32, #tpu.memory_space<vmem>> -> memref<1x1024x32xf32, #tpu.memory_space<vmem>>
    %dma_wait3A_633 = tpu.memref_squeeze %dma_wait3A_632 : memref<1x1024x32xf32, #tpu.memory_space<vmem>> -> memref<1024x32xf32, #tpu.memory_space<vmem>>
    %dma_wait3A_634 = arith.constant 0 : i32
    %dma_wait3A_635 = tpu.memref_slice %arg6[%dma_wait3A_628, %dma_wait3A_629, %dma_wait3A_634] : memref<3x2x1024xi32, #tpu.memory_space<vmem>> -> memref<1x1x1024xi32, #tpu.memory_space<vmem>>
    %dma_wait3A_636 = tpu.memref_squeeze %dma_wait3A_635 : memref<1x1x1024xi32, #tpu.memory_space<vmem>> -> memref<1024xi32, #tpu.memory_space<vmem>>
    %dma_wait3A_637 = arith.constant 0 : i32
    %dma_wait3A_638 = arith.constant 0 : i32
    %dma_wait3A_639 = tpu.memref_slice %arg8[%dma_wait3A_637, %dma_wait3A_638] : memref<10016x32xf32, #tpu.memory_space<vmem_shared>> -> memref<10016x32xf32, #tpu.memory_space<vmem_shared>>
    tpu.wait_indirect_dma semaphore(%arg14 : memref<!tpu.dma_semaphore, #tpu.memory_space<semaphore_mem>>) src(%dma_wait3A_633 : memref<1024x32xf32, #tpu.memory_space<vmem>>) dst(%dma_wait3A_639 : memref<10016x32xf32, #tpu.memory_space<vmem_shared>>)
    %dma_wait3A_640 = arith.constant 7 : i32
    %dma_wait3A_641 = arith.constant 1 : i32
    %dma_wait3A_642 = arith.constant 0 : i32
    %dma_wait3A_643 = arith.constant 0 : i32
    %dma_wait3A_644 = tpu.memref_slice %arg6[%dma_wait3A_641, %dma_wait3A_642, %dma_wait3A_643] : memref<3x2x1024xi32, #tpu.memory_space<vmem>> -> memref<1x2x1024xi32, #tpu.memory_space<vmem>>
    %dma_wait3A_645 = tpu.memref_squeeze %dma_wait3A_644 : memref<1x2x1024xi32, #tpu.memory_space<vmem>> -> memref<2x1024xi32, #tpu.memory_space<vmem>>
    %dma_wait3A_646 = arith.constant 0 : i32
    %dma_wait3A_647 = arith.constant 0 : i32
    %dma_wait3A_648 = tpu.memref_slice %arg3[%add3A, %dma_wait3A_640, %dma_wait3A_646, %dma_wait3A_647] : memref<32x10x2x1024xi32, #tpu.memory_space<hbm>> -> memref<1x1x2x1024xi32, #tpu.memory_space<hbm>>
    %dma_wait3A_649 = tpu.memref_squeeze %dma_wait3A_648 : memref<1x1x2x1024xi32, #tpu.memory_space<hbm>> -> memref<2x1024xi32, #tpu.memory_space<hbm>>
    %dma_wait3A_650 = arith.constant 0 : i32
    %dma_wait3A_651 = arith.constant 0 : i32
    %dma_wait3A_652 = tpu.memref_slice %arg6[%dma_wait3A_641, %dma_wait3A_650, %dma_wait3A_651] : memref<3x2x1024xi32, #tpu.memory_space<vmem>> -> memref<1x2x1024xi32, #tpu.memory_space<vmem>>
    %dma_wait3A_653 = tpu.memref_squeeze %dma_wait3A_652 : memref<1x2x1024xi32, #tpu.memory_space<vmem>> -> memref<2x1024xi32, #tpu.memory_space<vmem>>
    %dma_wait3A_654 = arith.constant 0 : i32
    %dma_wait3A_655 = arith.constant 0 : i32
    %dma_wait3A_656 = tpu.memref_slice %arg3[%add3A, %dma_wait3A_640, %dma_wait3A_654, %dma_wait3A_655] : memref<32x10x2x1024xi32, #tpu.memory_space<hbm>> -> memref<1x1x2x1024xi32, #tpu.memory_space<hbm>>
    %dma_wait3A_657 = tpu.memref_squeeze %dma_wait3A_656 : memref<1x1x2x1024xi32, #tpu.memory_space<hbm>> -> memref<2x1024xi32, #tpu.memory_space<hbm>>
    tpu.wait_dma2 semaphore(%arg11 : memref<!tpu.dma_semaphore, #tpu.memory_space<semaphore_mem>>) src(%dma_wait3A_657 : memref<2x1024xi32, #tpu.memory_space<hbm>>) dst(%dma_wait3A_653 : memref<2x1024xi32, #tpu.memory_space<vmem>>)
    %dma_start3A_658 = arith.constant 1 : i32
    %dma_start3A_659 = arith.constant 0 : i32
    %dma_start3A_660 = arith.constant 1 : i32
    %dma_start3A_661 = arith.constant 0 : i32
    %dma_start3A_662 = arith.constant 0 : i32
    %dma_start3A_663 = tpu.memref_slice %arg7[%dma_start3A_660, %dma_start3A_661, %dma_start3A_662] : memref<2x1024x32xf32, #tpu.memory_space<vmem>> -> memref<1x1024x32xf32, #tpu.memory_space<vmem>>
    %dma_start3A_664 = tpu.memref_squeeze %dma_start3A_663 : memref<1x1024x32xf32, #tpu.memory_space<vmem>> -> memref<1024x32xf32, #tpu.memory_space<vmem>>
    %dma_start3A_665 = arith.constant 0 : i32
    %dma_start3A_666 = tpu.memref_slice %arg6[%dma_start3A_658, %dma_start3A_659, %dma_start3A_665] : memref<3x2x1024xi32, #tpu.memory_space<vmem>> -> memref<1x1x1024xi32, #tpu.memory_space<vmem>>
    %dma_start3A_667 = tpu.memref_squeeze %dma_start3A_666 : memref<1x1x1024xi32, #tpu.memory_space<vmem>> -> memref<1024xi32, #tpu.memory_space<vmem>>
    %dma_start3A_668 = arith.constant 0 : i32
    %dma_start3A_669 = arith.constant 0 : i32
    %dma_start3A_670 = tpu.memref_slice %arg9[%dma_start3A_668, %dma_start3A_669] : memref<10000x32xf32, #tpu.memory_space<vmem_shared>> -> memref<10000x32xf32, #tpu.memory_space<vmem_shared>>
    tpu.enqueue_indirect_dma source(%dma_start3A_670 : memref<10000x32xf32, #tpu.memory_space<vmem_shared>>) target(%dma_start3A_664 : memref<1024x32xf32, #tpu.memory_space<vmem>>) offsets(%dma_start3A_667 : memref<1024xi32, #tpu.memory_space<vmem>>) semaphore(%arg10 : memref<!tpu.dma_semaphore, #tpu.memory_space<semaphore_mem>>)
    %dma_start3A_671 = arith.constant 8 : i32
    %dma_start3A_672 = arith.constant 2 : i32
    %dma_start3A_673 = arith.constant 0 : i32
    %dma_start3A_674 = arith.constant 0 : i32
    %dma_start3A_675 = tpu.memref_slice %arg6[%dma_start3A_672, %dma_start3A_673, %dma_start3A_674] : memref<3x2x1024xi32, #tpu.memory_space<vmem>> -> memref<1x2x1024xi32, #tpu.memory_space<vmem>>
    %dma_start3A_676 = tpu.memref_squeeze %dma_start3A_675 : memref<1x2x1024xi32, #tpu.memory_space<vmem>> -> memref<2x1024xi32, #tpu.memory_space<vmem>>
    %dma_start3A_677 = arith.constant 0 : i32
    %dma_start3A_678 = arith.constant 0 : i32
    %dma_start3A_679 = tpu.memref_slice %arg3[%add3A, %dma_start3A_671, %dma_start3A_677, %dma_start3A_678] : memref<32x10x2x1024xi32, #tpu.memory_space<hbm>> -> memref<1x1x2x1024xi32, #tpu.memory_space<hbm>>
    %dma_start3A_680 = tpu.memref_squeeze %dma_start3A_679 : memref<1x1x2x1024xi32, #tpu.memory_space<hbm>> -> memref<2x1024xi32, #tpu.memory_space<hbm>>
    %dma_start3A_681 = arith.constant 0 : i32
    %dma_start3A_682 = arith.constant 0 : i32
    %dma_start3A_683 = tpu.memref_slice %arg6[%dma_start3A_672, %dma_start3A_681, %dma_start3A_682] : memref<3x2x1024xi32, #tpu.memory_space<vmem>> -> memref<1x2x1024xi32, #tpu.memory_space<vmem>>
    %dma_start3A_684 = tpu.memref_squeeze %dma_start3A_683 : memref<1x2x1024xi32, #tpu.memory_space<vmem>> -> memref<2x1024xi32, #tpu.memory_space<vmem>>
    %dma_start3A_685 = arith.constant 0 : i32
    %dma_start3A_686 = arith.constant 0 : i32
    %dma_start3A_687 = tpu.memref_slice %arg3[%add3A, %dma_start3A_671, %dma_start3A_685, %dma_start3A_686] : memref<32x10x2x1024xi32, #tpu.memory_space<hbm>> -> memref<1x1x2x1024xi32, #tpu.memory_space<hbm>>
    %dma_start3A_688 = tpu.memref_squeeze %dma_start3A_687 : memref<1x1x2x1024xi32, #tpu.memory_space<hbm>> -> memref<2x1024xi32, #tpu.memory_space<hbm>>
    tpu.enqueue_dma source(%dma_start3A_688 : memref<2x1024xi32, #tpu.memory_space<hbm>>) target(%dma_start3A_684 : memref<2x1024xi32, #tpu.memory_space<vmem>>) target_semaphore(%arg11 : memref<!tpu.dma_semaphore, #tpu.memory_space<semaphore_mem>>)
    %dma_wait3A_689 = arith.constant 1 : i32
    %dma_wait3A_690 = arith.constant 0 : i32
    %dma_wait3A_691 = arith.constant 1 : i32
    %dma_wait3A_692 = arith.constant 0 : i32
    %dma_wait3A_693 = arith.constant 0 : i32
    %dma_wait3A_694 = tpu.memref_slice %arg7[%dma_wait3A_691, %dma_wait3A_692, %dma_wait3A_693] : memref<2x1024x32xf32, #tpu.memory_space<vmem>> -> memref<1x1024x32xf32, #tpu.memory_space<vmem>>
    %dma_wait3A_695 = tpu.memref_squeeze %dma_wait3A_694 : memref<1x1024x32xf32, #tpu.memory_space<vmem>> -> memref<1024x32xf32, #tpu.memory_space<vmem>>
    %dma_wait3A_696 = arith.constant 0 : i32
    %dma_wait3A_697 = tpu.memref_slice %arg6[%dma_wait3A_689, %dma_wait3A_690, %dma_wait3A_696] : memref<3x2x1024xi32, #tpu.memory_space<vmem>> -> memref<1x1x1024xi32, #tpu.memory_space<vmem>>
    %dma_wait3A_698 = tpu.memref_squeeze %dma_wait3A_697 : memref<1x1x1024xi32, #tpu.memory_space<vmem>> -> memref<1024xi32, #tpu.memory_space<vmem>>
    %dma_wait3A_699 = arith.constant 0 : i32
    %dma_wait3A_700 = arith.constant 0 : i32
    %dma_wait3A_701 = tpu.memref_slice %arg9[%dma_wait3A_699, %dma_wait3A_700] : memref<10000x32xf32, #tpu.memory_space<vmem_shared>> -> memref<10000x32xf32, #tpu.memory_space<vmem_shared>>
    tpu.wait_indirect_dma semaphore(%arg10 : memref<!tpu.dma_semaphore, #tpu.memory_space<semaphore_mem>>) src(%dma_wait3A_701 : memref<10000x32xf32, #tpu.memory_space<vmem_shared>>) dst(%dma_wait3A_695 : memref<1024x32xf32, #tpu.memory_space<vmem>>)
    %dma_start3A_702 = arith.constant 1 : i32
    %dma_start3A_703 = arith.constant 1 : i32
    %dma_start3A_704 = arith.constant 1 : i32
    %dma_start3A_705 = arith.constant 0 : i32
    %dma_start3A_706 = arith.constant 0 : i32
    %dma_start3A_707 = tpu.memref_slice %arg7[%dma_start3A_702, %dma_start3A_705, %dma_start3A_706] : memref<2x1024x32xf32, #tpu.memory_space<vmem>> -> memref<1x1024x32xf32, #tpu.memory_space<vmem>>
    %dma_start3A_708 = tpu.memref_squeeze %dma_start3A_707 : memref<1x1024x32xf32, #tpu.memory_space<vmem>> -> memref<1024x32xf32, #tpu.memory_space<vmem>>
    %dma_start3A_709 = arith.constant 0 : i32
    %dma_start3A_710 = tpu.memref_slice %arg6[%dma_start3A_703, %dma_start3A_704, %dma_start3A_709] : memref<3x2x1024xi32, #tpu.memory_space<vmem>> -> memref<1x1x1024xi32, #tpu.memory_space<vmem>>
    %dma_start3A_711 = tpu.memref_squeeze %dma_start3A_710 : memref<1x1x1024xi32, #tpu.memory_space<vmem>> -> memref<1024xi32, #tpu.memory_space<vmem>>
    %dma_start3A_712 = arith.constant 0 : i32
    %dma_start3A_713 = arith.constant 0 : i32
    %dma_start3A_714 = tpu.memref_slice %arg8[%dma_start3A_712, %dma_start3A_713] : memref<10016x32xf32, #tpu.memory_space<vmem_shared>> -> memref<10016x32xf32, #tpu.memory_space<vmem_shared>>
    tpu.enqueue_indirect_dma source(%dma_start3A_708 : memref<1024x32xf32, #tpu.memory_space<vmem>>) target(%dma_start3A_714 : memref<10016x32xf32, #tpu.memory_space<vmem_shared>>) offsets(%dma_start3A_711 : memref<1024xi32, #tpu.memory_space<vmem>>) semaphore(%arg14 : memref<!tpu.dma_semaphore, #tpu.memory_space<semaphore_mem>>) {add = true}
    %dma_wait3A_715 = arith.constant 0 : i32
    %dma_wait3A_716 = arith.constant 0 : i32
    %dma_wait3A_717 = arith.constant 1 : i32
    %dma_wait3A_718 = arith.constant 0 : i32
    %dma_wait3A_719 = arith.constant 0 : i32
    %dma_wait3A_720 = tpu.memref_slice %arg7[%dma_wait3A_715, %dma_wait3A_718, %dma_wait3A_719] : memref<2x1024x32xf32, #tpu.memory_space<vmem>> -> memref<1x1024x32xf32, #tpu.memory_space<vmem>>
    %dma_wait3A_721 = tpu.memref_squeeze %dma_wait3A_720 : memref<1x1024x32xf32, #tpu.memory_space<vmem>> -> memref<1024x32xf32, #tpu.memory_space<vmem>>
    %dma_wait3A_722 = arith.constant 0 : i32
    %dma_wait3A_723 = tpu.memref_slice %arg6[%dma_wait3A_716, %dma_wait3A_717, %dma_wait3A_722] : memref<3x2x1024xi32, #tpu.memory_space<vmem>> -> memref<1x1x1024xi32, #tpu.memory_space<vmem>>
    %dma_wait3A_724 = tpu.memref_squeeze %dma_wait3A_723 : memref<1x1x1024xi32, #tpu.memory_space<vmem>> -> memref<1024xi32, #tpu.memory_space<vmem>>
    %dma_wait3A_725 = arith.constant 0 : i32
    %dma_wait3A_726 = arith.constant 0 : i32
    %dma_wait3A_727 = tpu.memref_slice %arg8[%dma_wait3A_725, %dma_wait3A_726] : memref<10016x32xf32, #tpu.memory_space<vmem_shared>> -> memref<10016x32xf32, #tpu.memory_space<vmem_shared>>
    tpu.wait_indirect_dma semaphore(%arg13 : memref<!tpu.dma_semaphore, #tpu.memory_space<semaphore_mem>>) src(%dma_wait3A_721 : memref<1024x32xf32, #tpu.memory_space<vmem>>) dst(%dma_wait3A_727 : memref<10016x32xf32, #tpu.memory_space<vmem_shared>>)
    %dma_wait3A_728 = arith.constant 8 : i32
    %dma_wait3A_729 = arith.constant 2 : i32
    %dma_wait3A_730 = arith.constant 0 : i32
    %dma_wait3A_731 = arith.constant 0 : i32
    %dma_wait3A_732 = tpu.memref_slice %arg6[%dma_wait3A_729, %dma_wait3A_730, %dma_wait3A_731] : memref<3x2x1024xi32, #tpu.memory_space<vmem>> -> memref<1x2x1024xi32, #tpu.memory_space<vmem>>
    %dma_wait3A_733 = tpu.memref_squeeze %dma_wait3A_732 : memref<1x2x1024xi32, #tpu.memory_space<vmem>> -> memref<2x1024xi32, #tpu.memory_space<vmem>>
    %dma_wait3A_734 = arith.constant 0 : i32
    %dma_wait3A_735 = arith.constant 0 : i32
    %dma_wait3A_736 = tpu.memref_slice %arg3[%add3A, %dma_wait3A_728, %dma_wait3A_734, %dma_wait3A_735] : memref<32x10x2x1024xi32, #tpu.memory_space<hbm>> -> memref<1x1x2x1024xi32, #tpu.memory_space<hbm>>
    %dma_wait3A_737 = tpu.memref_squeeze %dma_wait3A_736 : memref<1x1x2x1024xi32, #tpu.memory_space<hbm>> -> memref<2x1024xi32, #tpu.memory_space<hbm>>
    %dma_wait3A_738 = arith.constant 0 : i32
    %dma_wait3A_739 = arith.constant 0 : i32
    %dma_wait3A_740 = tpu.memref_slice %arg6[%dma_wait3A_729, %dma_wait3A_738, %dma_wait3A_739] : memref<3x2x1024xi32, #tpu.memory_space<vmem>> -> memref<1x2x1024xi32, #tpu.memory_space<vmem>>
    %dma_wait3A_741 = tpu.memref_squeeze %dma_wait3A_740 : memref<1x2x1024xi32, #tpu.memory_space<vmem>> -> memref<2x1024xi32, #tpu.memory_space<vmem>>
    %dma_wait3A_742 = arith.constant 0 : i32
    %dma_wait3A_743 = arith.constant 0 : i32
    %dma_wait3A_744 = tpu.memref_slice %arg3[%add3A, %dma_wait3A_728, %dma_wait3A_742, %dma_wait3A_743] : memref<32x10x2x1024xi32, #tpu.memory_space<hbm>> -> memref<1x1x2x1024xi32, #tpu.memory_space<hbm>>
    %dma_wait3A_745 = tpu.memref_squeeze %dma_wait3A_744 : memref<1x1x2x1024xi32, #tpu.memory_space<hbm>> -> memref<2x1024xi32, #tpu.memory_space<hbm>>
    tpu.wait_dma2 semaphore(%arg11 : memref<!tpu.dma_semaphore, #tpu.memory_space<semaphore_mem>>) src(%dma_wait3A_745 : memref<2x1024xi32, #tpu.memory_space<hbm>>) dst(%dma_wait3A_741 : memref<2x1024xi32, #tpu.memory_space<vmem>>)
    %dma_start3A_746 = arith.constant 2 : i32
    %dma_start3A_747 = arith.constant 0 : i32
    %dma_start3A_748 = arith.constant 0 : i32
    %dma_start3A_749 = arith.constant 0 : i32
    %dma_start3A_750 = arith.constant 0 : i32
    %dma_start3A_751 = tpu.memref_slice %arg7[%dma_start3A_748, %dma_start3A_749, %dma_start3A_750] : memref<2x1024x32xf32, #tpu.memory_space<vmem>> -> memref<1x1024x32xf32, #tpu.memory_space<vmem>>
    %dma_start3A_752 = tpu.memref_squeeze %dma_start3A_751 : memref<1x1024x32xf32, #tpu.memory_space<vmem>> -> memref<1024x32xf32, #tpu.memory_space<vmem>>
    %dma_start3A_753 = arith.constant 0 : i32
    %dma_start3A_754 = tpu.memref_slice %arg6[%dma_start3A_746, %dma_start3A_747, %dma_start3A_753] : memref<3x2x1024xi32, #tpu.memory_space<vmem>> -> memref<1x1x1024xi32, #tpu.memory_space<vmem>>
    %dma_start3A_755 = tpu.memref_squeeze %dma_start3A_754 : memref<1x1x1024xi32, #tpu.memory_space<vmem>> -> memref<1024xi32, #tpu.memory_space<vmem>>
    %dma_start3A_756 = arith.constant 0 : i32
    %dma_start3A_757 = arith.constant 0 : i32
    %dma_start3A_758 = tpu.memref_slice %arg9[%dma_start3A_756, %dma_start3A_757] : memref<10000x32xf32, #tpu.memory_space<vmem_shared>> -> memref<10000x32xf32, #tpu.memory_space<vmem_shared>>
    tpu.enqueue_indirect_dma source(%dma_start3A_758 : memref<10000x32xf32, #tpu.memory_space<vmem_shared>>) target(%dma_start3A_752 : memref<1024x32xf32, #tpu.memory_space<vmem>>) offsets(%dma_start3A_755 : memref<1024xi32, #tpu.memory_space<vmem>>) semaphore(%arg10 : memref<!tpu.dma_semaphore, #tpu.memory_space<semaphore_mem>>)
    %dma_start3A_759 = arith.constant 9 : i32
    %dma_start3A_760 = arith.constant 0 : i32
    %dma_start3A_761 = arith.constant 0 : i32
    %dma_start3A_762 = arith.constant 0 : i32
    %dma_start3A_763 = tpu.memref_slice %arg6[%dma_start3A_760, %dma_start3A_761, %dma_start3A_762] : memref<3x2x1024xi32, #tpu.memory_space<vmem>> -> memref<1x2x1024xi32, #tpu.memory_space<vmem>>
    %dma_start3A_764 = tpu.memref_squeeze %dma_start3A_763 : memref<1x2x1024xi32, #tpu.memory_space<vmem>> -> memref<2x1024xi32, #tpu.memory_space<vmem>>
    %dma_start3A_765 = arith.constant 0 : i32
    %dma_start3A_766 = arith.constant 0 : i32
    %dma_start3A_767 = tpu.memref_slice %arg3[%add3A, %dma_start3A_759, %dma_start3A_765, %dma_start3A_766] : memref<32x10x2x1024xi32, #tpu.memory_space<hbm>> -> memref<1x1x2x1024xi32, #tpu.memory_space<hbm>>
    %dma_start3A_768 = tpu.memref_squeeze %dma_start3A_767 : memref<1x1x2x1024xi32, #tpu.memory_space<hbm>> -> memref<2x1024xi32, #tpu.memory_space<hbm>>
    %dma_start3A_769 = arith.constant 0 : i32
    %dma_start3A_770 = arith.constant 0 : i32
    %dma_start3A_771 = tpu.memref_slice %arg6[%dma_start3A_760, %dma_start3A_769, %dma_start3A_770] : memref<3x2x1024xi32, #tpu.memory_space<vmem>> -> memref<1x2x1024xi32, #tpu.memory_space<vmem>>
    %dma_start3A_772 = tpu.memref_squeeze %dma_start3A_771 : memref<1x2x1024xi32, #tpu.memory_space<vmem>> -> memref<2x1024xi32, #tpu.memory_space<vmem>>
    %dma_start3A_773 = arith.constant 0 : i32
    %dma_start3A_774 = arith.constant 0 : i32
    %dma_start3A_775 = tpu.memref_slice %arg3[%add3A, %dma_start3A_759, %dma_start3A_773, %dma_start3A_774] : memref<32x10x2x1024xi32, #tpu.memory_space<hbm>> -> memref<1x1x2x1024xi32, #tpu.memory_space<hbm>>
    %dma_start3A_776 = tpu.memref_squeeze %dma_start3A_775 : memref<1x1x2x1024xi32, #tpu.memory_space<hbm>> -> memref<2x1024xi32, #tpu.memory_space<hbm>>
    tpu.enqueue_dma source(%dma_start3A_776 : memref<2x1024xi32, #tpu.memory_space<hbm>>) target(%dma_start3A_772 : memref<2x1024xi32, #tpu.memory_space<vmem>>) target_semaphore(%arg11 : memref<!tpu.dma_semaphore, #tpu.memory_space<semaphore_mem>>)
    %dma_wait3A_777 = arith.constant 2 : i32
    %dma_wait3A_778 = arith.constant 0 : i32
    %dma_wait3A_779 = arith.constant 0 : i32
    %dma_wait3A_780 = arith.constant 0 : i32
    %dma_wait3A_781 = arith.constant 0 : i32
    %dma_wait3A_782 = tpu.memref_slice %arg7[%dma_wait3A_779, %dma_wait3A_780, %dma_wait3A_781] : memref<2x1024x32xf32, #tpu.memory_space<vmem>> -> memref<1x1024x32xf32, #tpu.memory_space<vmem>>
    %dma_wait3A_783 = tpu.memref_squeeze %dma_wait3A_782 : memref<1x1024x32xf32, #tpu.memory_space<vmem>> -> memref<1024x32xf32, #tpu.memory_space<vmem>>
    %dma_wait3A_784 = arith.constant 0 : i32
    %dma_wait3A_785 = tpu.memref_slice %arg6[%dma_wait3A_777, %dma_wait3A_778, %dma_wait3A_784] : memref<3x2x1024xi32, #tpu.memory_space<vmem>> -> memref<1x1x1024xi32, #tpu.memory_space<vmem>>
    %dma_wait3A_786 = tpu.memref_squeeze %dma_wait3A_785 : memref<1x1x1024xi32, #tpu.memory_space<vmem>> -> memref<1024xi32, #tpu.memory_space<vmem>>
    %dma_wait3A_787 = arith.constant 0 : i32
    %dma_wait3A_788 = arith.constant 0 : i32
    %dma_wait3A_789 = tpu.memref_slice %arg9[%dma_wait3A_787, %dma_wait3A_788] : memref<10000x32xf32, #tpu.memory_space<vmem_shared>> -> memref<10000x32xf32, #tpu.memory_space<vmem_shared>>
    tpu.wait_indirect_dma semaphore(%arg10 : memref<!tpu.dma_semaphore, #tpu.memory_space<semaphore_mem>>) src(%dma_wait3A_789 : memref<10000x32xf32, #tpu.memory_space<vmem_shared>>) dst(%dma_wait3A_783 : memref<1024x32xf32, #tpu.memory_space<vmem>>)
    %dma_start3A_790 = arith.constant 0 : i32
    %dma_start3A_791 = arith.constant 2 : i32
    %dma_start3A_792 = arith.constant 1 : i32
    %dma_start3A_793 = arith.constant 0 : i32
    %dma_start3A_794 = arith.constant 0 : i32
    %dma_start3A_795 = tpu.memref_slice %arg7[%dma_start3A_790, %dma_start3A_793, %dma_start3A_794] : memref<2x1024x32xf32, #tpu.memory_space<vmem>> -> memref<1x1024x32xf32, #tpu.memory_space<vmem>>
    %dma_start3A_796 = tpu.memref_squeeze %dma_start3A_795 : memref<1x1024x32xf32, #tpu.memory_space<vmem>> -> memref<1024x32xf32, #tpu.memory_space<vmem>>
    %dma_start3A_797 = arith.constant 0 : i32
    %dma_start3A_798 = tpu.memref_slice %arg6[%dma_start3A_791, %dma_start3A_792, %dma_start3A_797] : memref<3x2x1024xi32, #tpu.memory_space<vmem>> -> memref<1x1x1024xi32, #tpu.memory_space<vmem>>
    %dma_start3A_799 = tpu.memref_squeeze %dma_start3A_798 : memref<1x1x1024xi32, #tpu.memory_space<vmem>> -> memref<1024xi32, #tpu.memory_space<vmem>>
    %dma_start3A_800 = arith.constant 0 : i32
    %dma_start3A_801 = arith.constant 0 : i32
    %dma_start3A_802 = tpu.memref_slice %arg8[%dma_start3A_800, %dma_start3A_801] : memref<10016x32xf32, #tpu.memory_space<vmem_shared>> -> memref<10016x32xf32, #tpu.memory_space<vmem_shared>>
    tpu.enqueue_indirect_dma source(%dma_start3A_796 : memref<1024x32xf32, #tpu.memory_space<vmem>>) target(%dma_start3A_802 : memref<10016x32xf32, #tpu.memory_space<vmem_shared>>) offsets(%dma_start3A_799 : memref<1024xi32, #tpu.memory_space<vmem>>) semaphore(%arg13 : memref<!tpu.dma_semaphore, #tpu.memory_space<semaphore_mem>>) {add = true}
    %dma_wait3A_803 = arith.constant 1 : i32
    %dma_wait3A_804 = arith.constant 1 : i32
    %dma_wait3A_805 = arith.constant 1 : i32
    %dma_wait3A_806 = arith.constant 0 : i32
    %dma_wait3A_807 = arith.constant 0 : i32
    %dma_wait3A_808 = tpu.memref_slice %arg7[%dma_wait3A_803, %dma_wait3A_806, %dma_wait3A_807] : memref<2x1024x32xf32, #tpu.memory_space<vmem>> -> memref<1x1024x32xf32, #tpu.memory_space<vmem>>
    %dma_wait3A_809 = tpu.memref_squeeze %dma_wait3A_808 : memref<1x1024x32xf32, #tpu.memory_space<vmem>> -> memref<1024x32xf32, #tpu.memory_space<vmem>>
    %dma_wait3A_810 = arith.constant 0 : i32
    %dma_wait3A_811 = tpu.memref_slice %arg6[%dma_wait3A_804, %dma_wait3A_805, %dma_wait3A_810] : memref<3x2x1024xi32, #tpu.memory_space<vmem>> -> memref<1x1x1024xi32, #tpu.memory_space<vmem>>
    %dma_wait3A_812 = tpu.memref_squeeze %dma_wait3A_811 : memref<1x1x1024xi32, #tpu.memory_space<vmem>> -> memref<1024xi32, #tpu.memory_space<vmem>>
    %dma_wait3A_813 = arith.constant 0 : i32
    %dma_wait3A_814 = arith.constant 0 : i32
    %dma_wait3A_815 = tpu.memref_slice %arg8[%dma_wait3A_813, %dma_wait3A_814] : memref<10016x32xf32, #tpu.memory_space<vmem_shared>> -> memref<10016x32xf32, #tpu.memory_space<vmem_shared>>
    tpu.wait_indirect_dma semaphore(%arg14 : memref<!tpu.dma_semaphore, #tpu.memory_space<semaphore_mem>>) src(%dma_wait3A_809 : memref<1024x32xf32, #tpu.memory_space<vmem>>) dst(%dma_wait3A_815 : memref<10016x32xf32, #tpu.memory_space<vmem_shared>>)
    %dma_wait3A_816 = arith.constant 9 : i32
    %dma_wait3A_817 = arith.constant 0 : i32
    %dma_wait3A_818 = arith.constant 0 : i32
    %dma_wait3A_819 = arith.constant 0 : i32
    %dma_wait3A_820 = tpu.memref_slice %arg6[%dma_wait3A_817, %dma_wait3A_818, %dma_wait3A_819] : memref<3x2x1024xi32, #tpu.memory_space<vmem>> -> memref<1x2x1024xi32, #tpu.memory_space<vmem>>
    %dma_wait3A_821 = tpu.memref_squeeze %dma_wait3A_820 : memref<1x2x1024xi32, #tpu.memory_space<vmem>> -> memref<2x1024xi32, #tpu.memory_space<vmem>>
    %dma_wait3A_822 = arith.constant 0 : i32
    %dma_wait3A_823 = arith.constant 0 : i32
    %dma_wait3A_824 = tpu.memref_slice %arg3[%add3A, %dma_wait3A_816, %dma_wait3A_822, %dma_wait3A_823] : memref<32x10x2x1024xi32, #tpu.memory_space<hbm>> -> memref<1x1x2x1024xi32, #tpu.memory_space<hbm>>
    %dma_wait3A_825 = tpu.memref_squeeze %dma_wait3A_824 : memref<1x1x2x1024xi32, #tpu.memory_space<hbm>> -> memref<2x1024xi32, #tpu.memory_space<hbm>>
    %dma_wait3A_826 = arith.constant 0 : i32
    %dma_wait3A_827 = arith.constant 0 : i32
    %dma_wait3A_828 = tpu.memref_slice %arg6[%dma_wait3A_817, %dma_wait3A_826, %dma_wait3A_827] : memref<3x2x1024xi32, #tpu.memory_space<vmem>> -> memref<1x2x1024xi32, #tpu.memory_space<vmem>>
    %dma_wait3A_829 = tpu.memref_squeeze %dma_wait3A_828 : memref<1x2x1024xi32, #tpu.memory_space<vmem>> -> memref<2x1024xi32, #tpu.memory_space<vmem>>
    %dma_wait3A_830 = arith.constant 0 : i32
    %dma_wait3A_831 = arith.constant 0 : i32
    %dma_wait3A_832 = tpu.memref_slice %arg3[%add3A, %dma_wait3A_816, %dma_wait3A_830, %dma_wait3A_831] : memref<32x10x2x1024xi32, #tpu.memory_space<hbm>> -> memref<1x1x2x1024xi32, #tpu.memory_space<hbm>>
    %dma_wait3A_833 = tpu.memref_squeeze %dma_wait3A_832 : memref<1x1x2x1024xi32, #tpu.memory_space<hbm>> -> memref<2x1024xi32, #tpu.memory_space<hbm>>
    tpu.wait_dma2 semaphore(%arg11 : memref<!tpu.dma_semaphore, #tpu.memory_space<semaphore_mem>>) src(%dma_wait3A_833 : memref<2x1024xi32, #tpu.memory_space<hbm>>) dst(%dma_wait3A_829 : memref<2x1024xi32, #tpu.memory_space<vmem>>)
    %dma_start3A_834 = arith.constant 0 : i32
    %dma_start3A_835 = arith.constant 0 : i32
    %dma_start3A_836 = arith.constant 1 : i32
    %dma_start3A_837 = arith.constant 0 : i32
    %dma_start3A_838 = arith.constant 0 : i32
    %dma_start3A_839 = tpu.memref_slice %arg7[%dma_start3A_836, %dma_start3A_837, %dma_start3A_838] : memref<2x1024x32xf32, #tpu.memory_space<vmem>> -> memref<1x1024x32xf32, #tpu.memory_space<vmem>>
    %dma_start3A_840 = tpu.memref_squeeze %dma_start3A_839 : memref<1x1024x32xf32, #tpu.memory_space<vmem>> -> memref<1024x32xf32, #tpu.memory_space<vmem>>
    %dma_start3A_841 = arith.constant 0 : i32
    %dma_start3A_842 = tpu.memref_slice %arg6[%dma_start3A_834, %dma_start3A_835, %dma_start3A_841] : memref<3x2x1024xi32, #tpu.memory_space<vmem>> -> memref<1x1x1024xi32, #tpu.memory_space<vmem>>
    %dma_start3A_843 = tpu.memref_squeeze %dma_start3A_842 : memref<1x1x1024xi32, #tpu.memory_space<vmem>> -> memref<1024xi32, #tpu.memory_space<vmem>>
    %dma_start3A_844 = arith.constant 0 : i32
    %dma_start3A_845 = arith.constant 0 : i32
    %dma_start3A_846 = tpu.memref_slice %arg9[%dma_start3A_844, %dma_start3A_845] : memref<10000x32xf32, #tpu.memory_space<vmem_shared>> -> memref<10000x32xf32, #tpu.memory_space<vmem_shared>>
    tpu.enqueue_indirect_dma source(%dma_start3A_846 : memref<10000x32xf32, #tpu.memory_space<vmem_shared>>) target(%dma_start3A_840 : memref<1024x32xf32, #tpu.memory_space<vmem>>) offsets(%dma_start3A_843 : memref<1024xi32, #tpu.memory_space<vmem>>) semaphore(%arg10 : memref<!tpu.dma_semaphore, #tpu.memory_space<semaphore_mem>>)
    %dma_wait3A_847 = arith.constant 0 : i32
    %dma_wait3A_848 = arith.constant 0 : i32
    %dma_wait3A_849 = arith.constant 1 : i32
    %dma_wait3A_850 = arith.constant 0 : i32
    %dma_wait3A_851 = arith.constant 0 : i32
    %dma_wait3A_852 = tpu.memref_slice %arg7[%dma_wait3A_849, %dma_wait3A_850, %dma_wait3A_851] : memref<2x1024x32xf32, #tpu.memory_space<vmem>> -> memref<1x1024x32xf32, #tpu.memory_space<vmem>>
    %dma_wait3A_853 = tpu.memref_squeeze %dma_wait3A_852 : memref<1x1024x32xf32, #tpu.memory_space<vmem>> -> memref<1024x32xf32, #tpu.memory_space<vmem>>
    %dma_wait3A_854 = arith.constant 0 : i32
    %dma_wait3A_855 = tpu.memref_slice %arg6[%dma_wait3A_847, %dma_wait3A_848, %dma_wait3A_854] : memref<3x2x1024xi32, #tpu.memory_space<vmem>> -> memref<1x1x1024xi32, #tpu.memory_space<vmem>>
    %dma_wait3A_856 = tpu.memref_squeeze %dma_wait3A_855 : memref<1x1x1024xi32, #tpu.memory_space<vmem>> -> memref<1024xi32, #tpu.memory_space<vmem>>
    %dma_wait3A_857 = arith.constant 0 : i32
    %dma_wait3A_858 = arith.constant 0 : i32
    %dma_wait3A_859 = tpu.memref_slice %arg9[%dma_wait3A_857, %dma_wait3A_858] : memref<10000x32xf32, #tpu.memory_space<vmem_shared>> -> memref<10000x32xf32, #tpu.memory_space<vmem_shared>>
    tpu.wait_indirect_dma semaphore(%arg10 : memref<!tpu.dma_semaphore, #tpu.memory_space<semaphore_mem>>) src(%dma_wait3A_859 : memref<10000x32xf32, #tpu.memory_space<vmem_shared>>) dst(%dma_wait3A_853 : memref<1024x32xf32, #tpu.memory_space<vmem>>)
    %dma_start3A_860 = arith.constant 1 : i32
    %dma_start3A_861 = arith.constant 0 : i32
    %dma_start3A_862 = arith.constant 1 : i32
    %dma_start3A_863 = arith.constant 0 : i32
    %dma_start3A_864 = arith.constant 0 : i32
    %dma_start3A_865 = tpu.memref_slice %arg7[%dma_start3A_860, %dma_start3A_863, %dma_start3A_864] : memref<2x1024x32xf32, #tpu.memory_space<vmem>> -> memref<1x1024x32xf32, #tpu.memory_space<vmem>>
    %dma_start3A_866 = tpu.memref_squeeze %dma_start3A_865 : memref<1x1024x32xf32, #tpu.memory_space<vmem>> -> memref<1024x32xf32, #tpu.memory_space<vmem>>
    %dma_start3A_867 = arith.constant 0 : i32
    %dma_start3A_868 = tpu.memref_slice %arg6[%dma_start3A_861, %dma_start3A_862, %dma_start3A_867] : memref<3x2x1024xi32, #tpu.memory_space<vmem>> -> memref<1x1x1024xi32, #tpu.memory_space<vmem>>
    %dma_start3A_869 = tpu.memref_squeeze %dma_start3A_868 : memref<1x1x1024xi32, #tpu.memory_space<vmem>> -> memref<1024xi32, #tpu.memory_space<vmem>>
    %dma_start3A_870 = arith.constant 0 : i32
    %dma_start3A_871 = arith.constant 0 : i32
    %dma_start3A_872 = tpu.memref_slice %arg8[%dma_start3A_870, %dma_start3A_871] : memref<10016x32xf32, #tpu.memory_space<vmem_shared>> -> memref<10016x32xf32, #tpu.memory_space<vmem_shared>>
    tpu.enqueue_indirect_dma source(%dma_start3A_866 : memref<1024x32xf32, #tpu.memory_space<vmem>>) target(%dma_start3A_872 : memref<10016x32xf32, #tpu.memory_space<vmem_shared>>) offsets(%dma_start3A_869 : memref<1024xi32, #tpu.memory_space<vmem>>) semaphore(%arg14 : memref<!tpu.dma_semaphore, #tpu.memory_space<semaphore_mem>>) {add = true}
    %dma_wait3A_873 = arith.constant 0 : i32
    %dma_wait3A_874 = arith.constant 2 : i32
    %dma_wait3A_875 = arith.constant 1 : i32
    %dma_wait3A_876 = arith.constant 0 : i32
    %dma_wait3A_877 = arith.constant 0 : i32
    %dma_wait3A_878 = tpu.memref_slice %arg7[%dma_wait3A_873, %dma_wait3A_876, %dma_wait3A_877] : memref<2x1024x32xf32, #tpu.memory_space<vmem>> -> memref<1x1024x32xf32, #tpu.memory_space<vmem>>
    %dma_wait3A_879 = tpu.memref_squeeze %dma_wait3A_878 : memref<1x1024x32xf32, #tpu.memory_space<vmem>> -> memref<1024x32xf32, #tpu.memory_space<vmem>>
    %dma_wait3A_880 = arith.constant 0 : i32
    %dma_wait3A_881 = tpu.memref_slice %arg6[%dma_wait3A_874, %dma_wait3A_875, %dma_wait3A_880] : memref<3x2x1024xi32, #tpu.memory_space<vmem>> -> memref<1x1x1024xi32, #tpu.memory_space<vmem>>
    %dma_wait3A_882 = tpu.memref_squeeze %dma_wait3A_881 : memref<1x1x1024xi32, #tpu.memory_space<vmem>> -> memref<1024xi32, #tpu.memory_space<vmem>>
    %dma_wait3A_883 = arith.constant 0 : i32
    %dma_wait3A_884 = arith.constant 0 : i32
    %dma_wait3A_885 = tpu.memref_slice %arg8[%dma_wait3A_883, %dma_wait3A_884] : memref<10016x32xf32, #tpu.memory_space<vmem_shared>> -> memref<10016x32xf32, #tpu.memory_space<vmem_shared>>
    tpu.wait_indirect_dma semaphore(%arg13 : memref<!tpu.dma_semaphore, #tpu.memory_space<semaphore_mem>>) src(%dma_wait3A_879 : memref<1024x32xf32, #tpu.memory_space<vmem>>) dst(%dma_wait3A_885 : memref<10016x32xf32, #tpu.memory_space<vmem_shared>>)
    %dma_wait3A_886 = arith.constant 1 : i32
    %dma_wait3A_887 = arith.constant 0 : i32
    %dma_wait3A_888 = arith.constant 1 : i32
    %dma_wait3A_889 = arith.constant 0 : i32
    %dma_wait3A_890 = arith.constant 0 : i32
    %dma_wait3A_891 = tpu.memref_slice %arg7[%dma_wait3A_886, %dma_wait3A_889, %dma_wait3A_890] : memref<2x1024x32xf32, #tpu.memory_space<vmem>> -> memref<1x1024x32xf32, #tpu.memory_space<vmem>>
    %dma_wait3A_892 = tpu.memref_squeeze %dma_wait3A_891 : memref<1x1024x32xf32, #tpu.memory_space<vmem>> -> memref<1024x32xf32, #tpu.memory_space<vmem>>
    %dma_wait3A_893 = arith.constant 0 : i32
    %dma_wait3A_894 = tpu.memref_slice %arg6[%dma_wait3A_887, %dma_wait3A_888, %dma_wait3A_893] : memref<3x2x1024xi32, #tpu.memory_space<vmem>> -> memref<1x1x1024xi32, #tpu.memory_space<vmem>>
    %dma_wait3A_895 = tpu.memref_squeeze %dma_wait3A_894 : memref<1x1x1024xi32, #tpu.memory_space<vmem>> -> memref<1024xi32, #tpu.memory_space<vmem>>
    %dma_wait3A_896 = arith.constant 0 : i32
    %dma_wait3A_897 = arith.constant 0 : i32
    %dma_wait3A_898 = tpu.memref_slice %arg8[%dma_wait3A_896, %dma_wait3A_897] : memref<10016x32xf32, #tpu.memory_space<vmem_shared>> -> memref<10016x32xf32, #tpu.memory_space<vmem_shared>>
    tpu.wait_indirect_dma semaphore(%arg14 : memref<!tpu.dma_semaphore, #tpu.memory_space<semaphore_mem>>) src(%dma_wait3A_892 : memref<1024x32xf32, #tpu.memory_space<vmem>>) dst(%dma_wait3A_898 : memref<10016x32xf32, #tpu.memory_space<vmem_shared>>)
    %barrier3A_899 = arith.constant 0 : index
    tpu.barrier barrier_id(%barrier3A_899)
    "tpu.region"() ({
      %run_scoped3A = tpu.sem_alloc : memref<!tpu.dma_semaphore, #tpu.memory_space<semaphore_mem>>
      %dma_start3A_900 = arith.constant 0 : i32
      %dma_start3A_901 = tpu.memref_slice %arg5[%arg0, %mul3A_2, %dma_start3A_900] : memref<2x10016x32xf32, #tpu.memory_space<hbm>> -> memref<1x626x32xf32, #tpu.memory_space<hbm>>
      %dma_start3A_902 = tpu.memref_squeeze %dma_start3A_901 : memref<1x626x32xf32, #tpu.memory_space<hbm>> -> memref<626x32xf32, #tpu.memory_space<hbm>>
      %dma_start3A_903 = arith.constant 0 : i32
      %dma_start3A_904 = tpu.memref_slice %arg8[%mul3A_2, %dma_start3A_903] : memref<10016x32xf32, #tpu.memory_space<vmem_shared>> -> memref<626x32xf32, #tpu.memory_space<vmem_shared>>
      tpu.enqueue_dma source(%dma_start3A_904 : memref<626x32xf32, #tpu.memory_space<vmem_shared>>) target(%dma_start3A_902 : memref<626x32xf32, #tpu.memory_space<hbm>>) target_semaphore(%run_scoped3A : memref<!tpu.dma_semaphore, #tpu.memory_space<semaphore_mem>>)
      %dma_wait3A_905 = arith.constant 0 : i32
      %dma_wait3A_906 = tpu.memref_slice %arg5[%arg0, %mul3A_2, %dma_wait3A_905] : memref<2x10016x32xf32, #tpu.memory_space<hbm>> -> memref<1x626x32xf32, #tpu.memory_space<hbm>>
      %dma_wait3A_907 = tpu.memref_squeeze %dma_wait3A_906 : memref<1x626x32xf32, #tpu.memory_space<hbm>> -> memref<626x32xf32, #tpu.memory_space<hbm>>
      %dma_wait3A_908 = arith.constant 0 : i32
      %dma_wait3A_909 = tpu.memref_slice %arg8[%mul3A_2, %dma_wait3A_908] : memref<10016x32xf32, #tpu.memory_space<vmem_shared>> -> memref<626x32xf32, #tpu.memory_space<vmem_shared>>
      tpu.wait_dma2 semaphore(%run_scoped3A : memref<!tpu.dma_semaphore, #tpu.memory_space<semaphore_mem>>) src(%dma_wait3A_909 : memref<626x32xf32, #tpu.memory_space<vmem_shared>>) dst(%dma_wait3A_907 : memref<626x32xf32, #tpu.memory_space<hbm>>)
      tpu.yield
    }) : () -> ()
    return
  }
}

module attributes {stable_mosaic.version = 14 : i64} {
  func.func @_tc1_body(%arg0: memref<10000x128xf32, #tpu.memory_space<vmem>>, %arg1: memref<128x32xf32, #tpu.memory_space<vmem>>, %arg2: memref<2x10000x8xf32, #tpu.memory_space<vmem>>, %arg3: memref<10000x32xf32, #tpu.memory_space<vmem>>, %arg4: memref<10000x1xf32, #tpu.memory_space<vmem>>) attributes {dimension_semantics = [], scalar_prefetch = 0 : i64, scratch_operands = 0 : i64, tpu.core_type = #tpu.core_type<tc>} {
    %get3A = arith.constant 0 : index
    %get3A_0 = arith.constant 0 : index
    %get3A_1 = vector.load %arg0[%get3A, %get3A_0] : memref<10000x128xf32, #tpu.memory_space<vmem>>, vector<10000x128xf32>
    %get3A_2 = arith.constant 0 : index
    %get3A_3 = arith.constant 0 : index
    %get3A_4 = vector.load %arg1[%get3A_2, %get3A_3] : memref<128x32xf32, #tpu.memory_space<vmem>>, vector<128x32xf32>
    %dot_general3A = arith.constant dense<0.000000e+00> : vector<10000x32xf32>
    %dot_general3A_5 = tpu.matmul %get3A_1, %get3A_4, %dot_general3A {dimension_numbers = #tpu.dot_dimension_numbers<[1], [0], [0], [1], [0, 0, 1, 1], [], []>, transpose_lhs_hint = false} : vector<10000x128xf32>, vector<128x32xf32>, vector<10000x32xf32> -> vector<10000x32xf32>
    %get3A_6 = arith.constant 0 : index
    %get3A_7 = arith.constant 0 : index
    %get3A_8 = arith.constant 0 : index
    %get3A_9 = vector.load %arg2[%get3A_6, %get3A_7, %get3A_8] : memref<2x10000x8xf32, #tpu.memory_space<vmem>>, vector<2x10000x1xf32>
    %reduce_sum3A = arith.constant dense<0.000000e+00> : vector<10000x1xf32>
    %reduce_sum3A_10 = vector.multi_reduction <add>, %get3A_9, %reduce_sum3A [0] : vector<2x10000x1xf32> to vector<10000x1xf32>
    %add3A = arith.constant 1.000000e+00 : f32
    %add3A_11 = vector.broadcast %add3A : f32 to vector<10000x1xf32>
    %add3A_12 = arith.addf %reduce_sum3A_10, %add3A_11 : vector<10000x1xf32>
    %rsqrt3A = math.rsqrt %add3A_12 : vector<10000x1xf32>
    %mul3A = vector.broadcast %rsqrt3A : vector<10000x1xf32> to vector<10000x32xf32>
    %mul3A_13 = arith.mulf %dot_general3A_5, %mul3A : vector<10000x32xf32>
    %swap3A = arith.constant 0 : index
    %swap3A_14 = arith.constant 0 : index
    %swap3A_15 = vector.load %arg3[%swap3A, %swap3A_14] : memref<10000x32xf32, #tpu.memory_space<vmem>>, vector<10000x32xf32>
    tpu.vector_store %arg3[%swap3A, %swap3A_14], %mul3A_13 {strides = array<i32>} : memref<10000x32xf32, #tpu.memory_space<vmem>>, vector<10000x32xf32>,
    %swap3A_16 = arith.constant 0 : index
    %swap3A_17 = arith.constant 0 : index
    %swap3A_18 = vector.load %arg4[%swap3A_16, %swap3A_17] : memref<10000x1xf32, #tpu.memory_space<vmem>>, vector<10000x1xf32>
    tpu.vector_store %arg4[%swap3A_16, %swap3A_17], %rsqrt3A {strides = array<i32>} : memref<10000x1xf32, #tpu.memory_space<vmem>>, vector<10000x1xf32>,
    return
  }
}

module attributes {stable_mosaic.version = 14 : i64} {
  func.func @_tc2_body(%arg0: memref<2x10000x32xf32, #tpu.memory_space<vmem>>, %arg1: memref<10000x32xf32, #tpu.memory_space<vmem>>, %arg2: memref<10000x1xf32, #tpu.memory_space<vmem>>, %arg3: memref<1x32xf32, #tpu.memory_space<vmem>>, %arg4: memref<10000x32xf32, #tpu.memory_space<vmem>>) attributes {dimension_semantics = [], scalar_prefetch = 0 : i64, scratch_operands = 0 : i64, tpu.core_type = #tpu.core_type<tc>} {
    %get3A = arith.constant 0 : index
    %get3A_0 = arith.constant 0 : index
    %get3A_1 = arith.constant 0 : index
    %get3A_2 = vector.load %arg0[%get3A, %get3A_0, %get3A_1] : memref<2x10000x32xf32, #tpu.memory_space<vmem>>, vector<2x10000x32xf32>
    %reduce_sum3A = arith.constant dense<0.000000e+00> : vector<10000x32xf32>
    %reduce_sum3A_3 = vector.multi_reduction <add>, %get3A_2, %reduce_sum3A [0] : vector<2x10000x32xf32> to vector<10000x32xf32>
    %get3A_4 = arith.constant 0 : index
    %get3A_5 = arith.constant 0 : index
    %get3A_6 = vector.load %arg1[%get3A_4, %get3A_5] : memref<10000x32xf32, #tpu.memory_space<vmem>>, vector<10000x32xf32>
    %add3A = arith.addf %reduce_sum3A_3, %get3A_6 : vector<10000x32xf32>
    %get3A_7 = arith.constant 0 : index
    %get3A_8 = arith.constant 0 : index
    %get3A_9 = vector.load %arg2[%get3A_7, %get3A_8] : memref<10000x1xf32, #tpu.memory_space<vmem>>, vector<10000x1xf32>
    %mul3A = vector.broadcast %get3A_9 : vector<10000x1xf32> to vector<10000x32xf32>
    %mul3A_10 = arith.mulf %mul3A, %add3A : vector<10000x32xf32>
    %get3A_11 = arith.constant 0 : index
    %get3A_12 = arith.constant 0 : index
    %get3A_13 = vector.load %arg3[%get3A_11, %get3A_12] : memref<1x32xf32, #tpu.memory_space<vmem>>, vector<1x32xf32>
    %add3A_14 = vector.broadcast %get3A_13 : vector<1x32xf32> to vector<10000x32xf32>
    %add3A_15 = arith.addf %mul3A_10, %add3A_14 : vector<10000x32xf32>
    %max3A = arith.constant 0.000000e+00 : f32
    %max3A_16 = vector.broadcast %max3A : f32 to vector<10000x32xf32>
    %max3A_17 = arith.maximumf %add3A_15, %max3A_16 : vector<10000x32xf32>
    %get3A_18 = arith.constant 0 : index
    %get3A_19 = arith.constant 0 : index
    %get3A_20 = vector.load %arg2[%get3A_18, %get3A_19] : memref<10000x1xf32, #tpu.memory_space<vmem>>, vector<10000x1xf32>
    %mul3A_21 = vector.broadcast %get3A_20 : vector<10000x1xf32> to vector<10000x32xf32>
    %mul3A_22 = arith.mulf %max3A_17, %mul3A_21 : vector<10000x32xf32>
    %swap3A = arith.constant 0 : index
    %swap3A_23 = arith.constant 0 : index
    %swap3A_24 = vector.load %arg4[%swap3A, %swap3A_23] : memref<10000x32xf32, #tpu.memory_space<vmem>>, vector<10000x32xf32>
    tpu.vector_store %arg4[%swap3A, %swap3A_23], %mul3A_22 {strides = array<i32>} : memref<10000x32xf32, #tpu.memory_space<vmem>>, vector<10000x32xf32>,
    return
  }
}

module attributes {stable_mosaic.version = 14 : i64} {
  func.func @_tc3_body(%arg0: memref<2x10000x32xf32, #tpu.memory_space<vmem>>, %arg1: memref<10000x32xf32, #tpu.memory_space<vmem>>, %arg2: memref<10000x1xf32, #tpu.memory_space<vmem>>, %arg3: memref<32x40xf32, #tpu.memory_space<vmem>>, %arg4: memref<1x40xf32, #tpu.memory_space<vmem>>, %arg5: memref<10000x40xf32, #tpu.memory_space<vmem>>) attributes {dimension_semantics = [], scalar_prefetch = 0 : i64, scratch_operands = 0 : i64, tpu.core_type = #tpu.core_type<tc>} {
    %get3A = arith.constant 0 : index
    %get3A_0 = arith.constant 0 : index
    %get3A_1 = vector.load %arg2[%get3A, %get3A_0] : memref<10000x1xf32, #tpu.memory_space<vmem>>, vector<10000x1xf32>
    %get3A_2 = arith.constant 0 : index
    %get3A_3 = arith.constant 0 : index
    %get3A_4 = arith.constant 0 : index
    %get3A_5 = vector.load %arg0[%get3A_2, %get3A_3, %get3A_4] : memref<2x10000x32xf32, #tpu.memory_space<vmem>>, vector<2x10000x32xf32>
    %reduce_sum3A = arith.constant dense<0.000000e+00> : vector<10000x32xf32>
    %reduce_sum3A_6 = vector.multi_reduction <add>, %get3A_5, %reduce_sum3A [0] : vector<2x10000x32xf32> to vector<10000x32xf32>
    %get3A_7 = arith.constant 0 : index
    %get3A_8 = arith.constant 0 : index
    %get3A_9 = vector.load %arg1[%get3A_7, %get3A_8] : memref<10000x32xf32, #tpu.memory_space<vmem>>, vector<10000x32xf32>
    %add3A = arith.addf %reduce_sum3A_6, %get3A_9 : vector<10000x32xf32>
    %mul3A = vector.broadcast %get3A_1 : vector<10000x1xf32> to vector<10000x32xf32>
    %mul3A_10 = arith.mulf %mul3A, %add3A : vector<10000x32xf32>
    %get3A_11 = arith.constant 0 : index
    %get3A_12 = arith.constant 0 : index
    %get3A_13 = vector.load %arg3[%get3A_11, %get3A_12] : memref<32x40xf32, #tpu.memory_space<vmem>>, vector<32x40xf32>
    %dot_general3A = arith.constant dense<0.000000e+00> : vector<10000x40xf32>
    %dot_general3A_14 = tpu.matmul %mul3A_10, %get3A_13, %dot_general3A {dimension_numbers = #tpu.dot_dimension_numbers<[1], [0], [0], [1], [0, 0, 1, 1], [], []>, transpose_lhs_hint = false} : vector<10000x32xf32>, vector<32x40xf32>, vector<10000x40xf32> -> vector<10000x40xf32>
    %get3A_15 = arith.constant 0 : index
    %get3A_16 = arith.constant 0 : index
    %get3A_17 = vector.load %arg4[%get3A_15, %get3A_16] : memref<1x40xf32, #tpu.memory_space<vmem>>, vector<1x40xf32>
    %add3A_18 = vector.broadcast %get3A_17 : vector<1x40xf32> to vector<10000x40xf32>
    %add3A_19 = arith.addf %dot_general3A_14, %add3A_18 : vector<10000x40xf32>
    %reduce_max3A = arith.constant dense<0xFF800000> : vector<10000xf32>
    %reduce_max3A_20 = vector.multi_reduction <maximumf>, %add3A_19, %reduce_max3A [1] : vector<10000x40xf32> to vector<10000xf32>
    %broadcast_in_dim3A = vector.shape_cast %reduce_max3A_20 : vector<10000xf32> to vector<10000x1xf32>
    %sub3A = vector.broadcast %broadcast_in_dim3A : vector<10000x1xf32> to vector<10000x40xf32>
    %sub3A_21 = arith.subf %add3A_19, %sub3A : vector<10000x40xf32>
    %exp3A = math.exp %sub3A_21 : vector<10000x40xf32>
    %sub3A_22 = vector.broadcast %broadcast_in_dim3A : vector<10000x1xf32> to vector<10000x40xf32>
    %sub3A_23 = arith.subf %add3A_19, %sub3A_22 : vector<10000x40xf32>
    %reduce_sum3A_24 = arith.constant dense<0.000000e+00> : vector<10000xf32>
    %reduce_sum3A_25 = vector.multi_reduction <add>, %exp3A, %reduce_sum3A_24 [1] : vector<10000x40xf32> to vector<10000xf32>
    %broadcast_in_dim3A_26 = vector.shape_cast %reduce_sum3A_25 : vector<10000xf32> to vector<10000x1xf32>
    %log3A = math.log %broadcast_in_dim3A_26 : vector<10000x1xf32>
    %sub3A_27 = vector.broadcast %log3A : vector<10000x1xf32> to vector<10000x40xf32>
    %sub3A_28 = arith.subf %sub3A_23, %sub3A_27 : vector<10000x40xf32>
    %swap3A = arith.constant 0 : index
    %swap3A_29 = arith.constant 0 : index
    %swap3A_30 = vector.load %arg5[%swap3A, %swap3A_29] : memref<10000x40xf32, #tpu.memory_space<vmem>>, vector<10000x40xf32>
    tpu.vector_store %arg5[%swap3A, %swap3A_29], %sub3A_28 {strides = array<i32>} : memref<10000x40xf32, #tpu.memory_space<vmem>>, vector<10000x40xf32>,
    return
  }
}

</mosaic_0001>

<sc_bundles>
// kernel: kernel.11.cloned.1.call-start
scs
__scs_entry_jumppad:
0x0: {  	(pc) =	sbr.rel $0x88, $3  }
0x1: {  	(tag) =	ssettag $0x0;
	lr =	simm.s32 $0x1  }
0x2: {  	[smem:$0x3F9B] =	sst lr;
	_ =	strace $0xD0000000  }
0x3: {  	_ = 	snop  }
0x4: {  	_ = 	snop  }
0x5: {  	_ = 	snop  }
0x6: {  	_ = 	snop  }
0x7: {  	_ = 	snop  }
__scs_overlays_trampoline_lowered:
0x8: {  	[smem:$0x3FAA] =	sst s0  }
0x9: {  	[smem:$0x3FAB] =	sst s1  }
0xa: {  	[smem:$0x3FAC] =	sst s2  }
0xb: {  	[smem:$0x3FAD] =	sst s3  }
0xc: {  	[smem:$0x3FAE] =	sst s4  }
0xd: {  	[smem:$0x3FAF] =	sst s5  }
0xe: {  	[smem:$0x3FB0] =	sst s6  }
0xf: {  	[smem:$0x3FB1] =	sst s7  }
0x10: {  	[smem:$0x3FB2] =	sst s8  }
0x11: {  	[smem:$0x3FB3] =	sst s9;
	s0 =	simm.s32 @!p0 $0x0  }
0x12: {  	s1 =	sld [smem:$0x3F99];
	s0 =	simm.s32 @p0 $0x1  }
0x13: {  	[smem:$0x3FB4] =	sst s0;
	s0 =	simm.s32 @!p1 $0x0  }
0x14: {  	s2 =	sld [smem:$0x3F98];
	s0 =	simm.s32 @p1 $0x1  }
0x15: {  	[smem:$0x3FB5] =	sst s0;
	s0 =	simm.s32 @!p2 $0x0  }
0x16: {  	s3 =	sld [smem:$0x3FDB];
	s0 =	simm.s32 @p2 $0x1  }
0x17: {  	s4 =	simm.s32 $0x1BF5;
	[smem:$0x3FB7] =	sst s0  }
0x18: {  	s0 =	sld [smem:$0x3F9A];
	_ =	swait.ge [sflag:s4], $0x0  }
0x19: {  	s7 =	sld [smem:$0x3F9B]  }
0x1a: {  	s8 =	sadd.s32 $0xFFFFE003, lr  }
0x1b: {  	s9 =	sadd.s32 $0xFFFFFEF7, lr;
	s5 =	simm.s32 $0xFFFFFFFF;
	p2 =	slt.u32 s8, $0xFFFFF086  }
0x1c: {  	p1 =	slt.u32 s9, $0xF7A;
	s5 =	simm.s32 @!p2 $0x0  }
0x1d: {  	s5 =	simm.s32 @p1 $0x1;
	p0 =	seq.s32 s7, s2  }
0x1e: {  	s7 =	smul.u32 @!p0 $0xF7A, s2;
	p2 =	seq.s32 @!p0 s5, $0x0  }
0x1f: {  	s9 =	smul.u32 $0xF7A, s1;
	s8 =	simm.s32 @!p0 $0x1BF5;
	p2 =	por !p2, p0  }
0x20: {  	[sflag:s8] =	ssyncset.s32 @!p0 $0xFFFFF086;
	s6 =	sadd.s32 @!p0 s3, s7;
	s7 =	simm.s32 @!p0 $0x108  }
0x21: {  	s3 =	sadd.s32 s3, s9;
	s6 =	sadd.s32 @!p0 $0x88, s6;
	s7 =	simm.s32 @p2 $0x1082  }
0x22: {  	[simem:s7], [sflag:s8] =	dma.local @!p0 [hbm:s6], $0xF7A  }
0x23: {  	s9 =	sor.u32 $0xD0000000, s2;
	s6 =	simm.s32 $0x108;
	_ =	swait.ge @!p0 [sflag:s8], $0x0  }
0x24: {  	s3 =	sadd.s32 $0x88, s3;
	s6 =	simm.s32 @!p1 $0x1082;
	[sflag:s4] =	ssyncset.s32 $0xFFFFF086  }
0x25: {  	[simem:s6], [sflag:s4] =	dma.local [hbm:s3], $0xF7A  }
0x26: {  	[smem:$0x3F9B] =	sst s1;
	(tag) =	ssettag s2;
	_ =	strace s9  }
0x27: {  	s1 =	sld [smem:$0x3FAB]  }
0x28: {  	s2 =	sld [smem:$0x3FAC]  }
0x29: {  	s4 =	sld [smem:$0x3FAE]  }
0x2a: {  	p0 =	seq.s32 s5, $0x0;
	s5 =	sld [smem:$0x3FAF]  }
0x2b: {  	s6 =	sld [smem:$0x3FB0]  }
0x2c: {  	s7 =	sld [smem:$0x3FB1]  }
0x2d: {  	s3 =	simm.s32 $0x108;
	s8 =	sld [smem:$0x3FB2]  }
0x2e: {  	s3 =	simm.s32 @!p0 $0x1082;
	s9 =	sld [smem:$0x3FB3]  }
0x2f: {  	lr =	sadd.s32 s0, s3;
	s0 =	sld [smem:$0x3FAA]  }
0x30: {  	s3 =	sld [smem:$0x3FAD]  }
0x31: {  	[smem:$0x3FB6] =	sst s10  }
0x32: {  	s10 =	sld [smem:$0x3FB4];
	_ =	sdelay $0x3  }
0x33: {  	p0 =	seq.s32 s10, $0x1;
	s10 =	sld [smem:$0x3FB6];
	_ =	sdelay $0x3  }
0x34: {  	[smem:$0x3FB6] =	sst s10  }
0x35: {  	s10 =	sld [smem:$0x3FB5];
	_ =	sdelay $0x3  }
0x36: {  	p1 =	seq.s32 s10, $0x1;
	s10 =	sld [smem:$0x3FB6];
	_ =	sdelay $0x3  }
0x37: {  	[smem:$0x3FB6] =	sst s10  }
0x38: {  	s10 =	sld [smem:$0x3FB7]  }
0x39: {  	_ = 	snop;
	(pc) =	sbr.ind lr, $3  }
0x3a: {  	_ = 	snop  }
0x3b: {  	_ = 	snop  }
0x3c: {  	p2 =	seq.s32 s10, $0x1;
	s10 =	sld [smem:$0x3FB6]  }
0x3d: {  	_ =	shalt  }
0x3e: {  	_ =	shalt  }
0x3f: {  	_ =	shalt  }
0x40: {  	_ =	shalt  }
0x41: {  	_ =	shalt  }
0x42: {  	_ =	shalt  }
0x43: {  	_ =	shalt  }
0x44: {  	_ =	shalt  }
0x45: {  	_ =	shalt  }
0x46: {  	_ =	shalt  }
0x47: {  	_ =	shalt  }
0x48: {  	_ =	shalt  }
0x49: {  	_ =	shalt  }
0x4a: {  	_ =	shalt  }
0x4b: {  	_ =	shalt  }
0x4c: {  	_ =	shalt  }
0x4d: {  	_ =	shalt  }
0x4e: {  	_ =	shalt  }
0x4f: {  	_ =	shalt  }
0x50: {  	_ =	shalt  }
0x51: {  	_ =	shalt  }
0x52: {  	_ =	shalt  }
0x53: {  	_ =	shalt  }
0x54: {  	_ =	shalt  }
0x55: {  	_ =	shalt  }
0x56: {  	_ =	shalt  }
0x57: {  	_ =	shalt  }
0x58: {  	_ =	shalt  }
0x59: {  	_ =	shalt  }
0x5a: {  	_ =	shalt  }
0x5b: {  	_ =	shalt  }
0x5c: {  	_ =	shalt  }
0x5d: {  	_ =	shalt  }
0x5e: {  	_ =	shalt  }
0x5f: {  	_ =	shalt  }
0x60: {  	_ =	shalt  }
0x61: {  	_ =	shalt  }
0x62: {  	_ =	shalt  }
0x63: {  	_ =	shalt  }
0x64: {  	_ =	shalt  }
0x65: {  	_ =	shalt  }
0x66: {  	_ =	shalt  }
0x67: {  	_ =	shalt  }
0x68: {  	_ =	shalt  }
0x69: {  	_ =	shalt  }
0x6a: {  	_ =	shalt  }
0x6b: {  	_ =	shalt  }
0x6c: {  	_ =	shalt  }
0x6d: {  	_ =	shalt  }
0x6e: {  	_ =	shalt  }
0x6f: {  	_ =	shalt  }
0x70: {  	_ =	shalt  }
0x71: {  	_ =	shalt  }
0x72: {  	_ =	shalt  }
0x73: {  	_ =	shalt  }
0x74: {  	_ =	shalt  }
0x75: {  	_ =	shalt  }
0x76: {  	_ =	shalt  }
0x77: {  	_ =	shalt  }
0x78: {  	_ =	shalt  }
0x79: {  	_ =	shalt  }
0x7a: {  	_ =	shalt  }
0x7b: {  	_ =	shalt  }
0x7c: {  	_ =	shalt  }
0x7d: {  	_ =	shalt  }
0x7e: {  	_ =	shalt  }
0x7f: {  	_ =	shalt  }
0x80: {  	_ =	shalt  }
0x81: {  	_ =	shalt  }
0x82: {  	_ =	shalt  }
0x83: {  	_ =	shalt  }
0x84: {  	_ =	shalt  }
0x85: {  	_ =	shalt  }
0x86: {  	_ =	shalt  }
0x87: {  	_ =	shalt  }
.Lfunc_end0:
.L_simem_size_0:
called_computation.1_lowered:
.L_overlay_start_0:
0x88: {  	s2 =	sld [smem:$0x3FD9]  }
0x89: {  	s3 =	sld [smem:$0x3FFE];
	_ =	sdelay $0x1  }
0x8a: {  	s1 =	srdreg.scid  }
0x8b: {  	s0 =	sand.u32 $0x1, s1  }
0x8c: {  	s17 =	sshll.u32 s0, $0xA;
	s2 =	sadd.s32 s3, s2  }
0x8d: {  	s2 =	sadd.s32 s2, s17  }
0x8e: {  	[smem:$0x3FC2] =	sst s2  }
0x8f: {  	_ = 	snop  }
0x90: {  	s2 =	sld [smem:$0x3FD0];
	(tm) =	ssettm $0x1  }
0x91: {  	s18 =	sld [smem:$0x3FFB];
	_ =	sdelay $0x3  }
0x92: {  	_ =	strace s18  }
0x93: {  	s3 =	sld [smem:$0x3FFC];
	_ =	sdelay $0x3  }
0x94: {  	_ =	strace s3  }
0x95: {  	s3 =	sld [smem:$0x3FFD];
	_ =	sdelay $0x3  }
0x96: {  	_ =	strace s3  }
0x97: {  	_ =	strace $0x8FFFFFFF  }
0x98: {  	s19 =	sld [smem:$0x3FDB];
	_ =	sdelay $0x1  }
0x99: {  	s4 =	simm.s32 $_scs_section_size  }
0x9a: {  	s5 =	simm.s32 $_size__tile_overlayer_lowered;
	s6 =	simm.s32 $_tile_overlayer_lowered  }
0x9b: {  	s22 =	simm.s32 $0x1BFF;
	s21 =	sshll.u32 s6, $0x1;
	s3 =	sadd.s32 s4, s19  }
0x9c: {  	s7 =	simm.s32 $0x0;
	s20 =	sshll.u32 s5, $0x1;
	s5 =	sadd.s32 s21, s3  }
0x9d: {  	[timem:s7], [sflag:s22] =	dma.local [hbm:s5], s20  }
0x9e: {  	_ =	swait.ge [sflag:s22], s20  }
0x9f: {  	s4 =	ssub.s32 $0x0, s20;
	[sflag:s22] =	ssyncset.done $0x0  }
0xa0: {  	[sflag:s22] =	ssyncadd.s32 s4;
	_ =	sdelay $0x1  }
0xa1: {  	s23 =	simm.s32 $0x1B8B  }
0xa2: {  	_ =	swait.ge [sflag:s23], $0x1  }
0xa3: {  	[sflag:s23] =	ssyncset.done $0x0  }
0xa4: {  	s25 =	simm.s32 $0x1B8E;
	s24 =	sld [smem:$0x3FFE];
	[sflag:s23] =	ssyncadd.s32 $0xFFFFFFFF  }
0xa5: {  	s26 =	simm.s32 $execute0_lowered;
	[smem:$0x3FD2] =	sst s25  }
0xa6: {  	s5 =	sshll.u32 s26, $0x1;
	_ =	strace $0x80000049;
	[dreg:$0x1] =	wrdreg $0xFFFFFFFF  }
0xa7: {  	s28 =	simm.s32 $_size_execute0_lowered;
	s3 =	sadd.s32 s3, s5;
	[dreg:$0x0] =	wrdreg $0x0  }
0xa8: {  	s5 =	sshll.u32 s28, $0x1;
	[dreg:$0x2] =	wrdreg s3  }
0xa9: {  	[dreg:$0x3] =	wrdreg s5  }
0xaa: {  	[dreg:$0x4] =	wrdreg $0xC0  }
0xab: {  	_ =	task [dreg:s7], $0x5FFFF  }
0xac: {  	[dreg:$0x1] =	wrdreg $0xFFFFFFFF  }
0xad: {  	[dreg:$0x0] =	wrdreg $0x60  }
0xae: {  	[dreg:$0x2] =	wrdreg s2  }
0xaf: {  	[dreg:$0x3] =	wrdreg s24  }
0xb0: {  	[dreg:$0x4] =	wrdreg $0x118000  }
0xb1: {  	[dreg:$0x5] =	wrdreg $0x166400  }
0xb2: {  	[dreg:$0x6] =	wrdreg $0x9  }
0xb3: {  	_ =	task.clear_ibuf [dreg:s7], $0x7FFFF;
	_ =	strace $0x90000049  }
0xb4: {  	s29 =	simm.s32 $0x9;
	_ =	strace $0x8000004B  }
0xb5: {  	_ =	swait.ge [sflag:s29], $0x1  }
0xb6: {  	[sflag:s29] =	ssyncadd.s32 $0xFFFFFFFF  }
0xb7: {  	_ =	strace $0x9000004B  }
0xb8: {  	_ =	sfence  }
0xb9: {  	s30 =	sld [smem:$0x0];
	_ =	sdelay $0x2  }
0xba: {  	s31 =	sshll.u32 s1, $0xD;
	s1 =	sshrl.u32 s1, $0x2  }
0xbb: {  	s3 =	sand.u32 $0x4000, s31;
	s1 =	sadd.s32 s1, s30  }
0xbc: {  	s0 =	sor.u32 s3, s0;
	s1 =	sshll.u32 s1, $0x11  }
0xbd: {  	s0 =	sor.u32 s1, s0  }
0xbe: {  	s0 =	sadd.s32 $0x8F2B, s0  }
0xbf: {  	[sflag:s0] =	ssyncadd.remote.s32 $0x1  }
0xc0: {  	_ =	sfence.sel $0xFFFF  }
0xc1: {  	[dreg:$0x0] =	wrdreg $0xFFFFFFFF;
	(pc) =	sbr.abs _section_cstart, $3  }
0xc2: {  	[dreg:$0x1] =	wrdreg $0xFFFFFFFF  }
0xc3: {  	_ =	task.clear_ibuf [dreg:s7], $0x2FFFF;
	_ =	strace $0x9FFFFFFF  }
0xc4: {  	(tm) =	ssettm $0x7FFFFFFF  }
0xc5: {  	_ =	shalt  }
tec
execute0_lowered:
.L_overlay_start_1:
0x0: {  	(tag) =	ssettag $0x1  }
0x1: {  	s25 =	rddreg [dreg:$0x0]  }
0x2: {  	s0 =	srdreg.scid;
	s1 =	rddreg [dreg:$0x1]  }
0x3: {  	s31 =	stileid.u32;
	s2 =	rddreg [dreg:$0x2]  }
0x4: {  	s11 =	simm.s32 $0x2;
	s29 =	simm.s32 $0x3;
	s12 =	simm.s32 $0x1  }
0x5: {  	s0 =	sand.u32 $0x1, s0;
	s3 =	sshll.u32 s31, $0x1;
	s6 =	smul.u32 $0x4E40, s31  }
0x6: {  	p0 =	por $0x0, $0x0;
	s9 =	smul.u32 $0x4E20, s31;
	s4 =	sor.u32 s0, s3  }
0x7: {  	s3 =	rddreg [dreg:$0x3];
	s7 =	smul.u32 $0x4E400, s0;
	s0 =	ssub.s32 $0x2, s0  }
0x8: {  	s5 =	smul.u32 $0x5000, s4;
	s4 =	simm.s32 $0x0;
	s8 =	sshrl.u32 s6, $0x3  }
0x9: {  	s14 =	sshrl.u32 s9, $0x3;
	s16 =	sshrl.u32 s0, $0x1;
	s19 =	sadd.s32 s6, s2  }
0xa: {  	s22 =	sadd.s32 s9, s3;
	s9 =	simm.s32 $0x6;
	[smem:$0x7FF] =	sst s4  }
0xb: {  	s7 =	sadd.s32 s6, s7;
	s13 =	sadd.s32 s8, s1;
	s15 =	sadd.s32 s25, s14  }
0xc: {  	s0 =	ssub.s32 s0, s16;
	s30 =	sshrl.u32 s22, $0x3;
	s8 =	simm.s32 $0x400  }
0xd: {  	s16 =	simm.s32 $0x1800;
	s22 =	simm.s32 $0xC00;
	s14 =	simm.s32 $0x4  }
0xe: {  	_ =	strace $0x8000004A;
	s5 =	sshrl.u32 s5, $0x3;
	s7 =	sshrl.u32 s7, $0x3  }
0xf: {  	[dreg:$0x6] =	wrdreg s15;
	s0 =	smax.u32 s0, $0x1;
	s10 =	sadd.s32 s5, s1  }
0x10: {  	s1 =	sadd.s32 s7, s1;
	s5 =	sadd.s32 $0x15400, s13;
	s7 =	sshrl.u32 s19, $0x3  }
0x11: {  	p1 =	sne.s32 s0, $0x1;
	s19 =	simm.s32 $0x1400;
	s13 =	simm.s32 $0x5  }
0x12: {  	[dreg:$0x5] =	wrdreg s5;
	s17 =	sadd.s32 $0x1400, s10;
	s18 =	sadd.s32 $0x1500, s10  }
0x13: {  	s20 =	sadd.s32 $0x1600, s10;
	s5 =	sshll.u32 s31, $0x6;
	s21 =	sadd.s32 $0x1700, s10  }
0x14: {  	s26 =	sadd.s32 $0x1800, s10;
	s24 =	sadd.s32 $0x1900, s10;
	[dreg:$0x7] =	wrdreg s17  }
.Ltmp0:
0x15: {  	s23 =	sadd.s32 $0x1A00, s10;
	[dreg:$0x8] =	wrdreg s18;
	(pc) =	sbr.rel @!p1 .LBB2_5-.Ltmp0, $4  }
0x16: {  	s15 =	sadd.s32 $0x1D00, s10;
	s6 =	sadd.s32 $0x1F200, s1;
	[dreg:$0x9] =	wrdreg s20  }
0x17: {  	s1 =	sadd.s32 $0xFFFFFFFF, s0;
	s28 =	sor.u32 $0x1C03, s5;
	[dreg:$0xa] =	wrdreg s21  }
0x18: {  	s21 =	sadd.s32 $0x1B00, s10;
	s17 =	sadd.s32 $0x1C00, s10;
	s20 =	simm.s32 $0x800  }
0x19: {  	s10 =	simm.s32 $0x9800;
	s18 =	simm.s32 $0x1000;
	s0 =	rddreg [dreg:$0x5]  }
0x1a: {  	[spmem:s7], [sflag:s28] =	dma.local [hbm:s0], $0x9C8  }
0x1b: {  	s0 =	rddreg [dreg:$0x6]  }
0x1c: {  	[spmem:s30], [sflag:s28] =	dma.local [hbm:s0], $0x9C4  }
0x1d: {  	s0 =	rddreg [dreg:$0x7]  }
0x1e: {  	[tilespmem:s4], [sflag:$0x2] =	stream.linear.gather [hbm4b:s0+s4], $0x800, $0x38;
	[tilespmem:$0x1B460] =	vst v63  }
0x1f: {  	s31 =	rddreg [dreg:$0x8]  }
0x20: {  	[tilespmem:s20], [sflag:$0x2] =	stream.linear.gather [hbm4b:s31+s4], $0x800, $0x38;
	[tilespmem:$0x1B460] =	vst v63  }
0x21: {  	_ =	swait.ge [sflag:s11], $0x800  }
0x22: {  	[sflag:s11] =	ssyncset.done $0x0  }
0x23: {  	[sflag:s11] =	ssyncadd.s32 $0xFFFFF800  }
0x24: {  	[tilespmem:s16], [sflag:$0x1] =	stream.indirect.gather [hbm4b:s25+s8], $0x20, s4, s8, $0xb8;
	[tilespmem:$0x1B460] =	vst v63  }
0x25: {  	_ =	swait.ge [sflag:s11], $0x800  }
0x26: {  	[sflag:s11] =	ssyncset.done $0x0  }
0x27: {  	[sflag:s11] =	ssyncadd.s32 $0xFFFFF800  }
0x28: {  	[tilespmem:s10], [sflag:$0x1] =	stream.indirect.gather [hbm4b:s25+s8], $0x20, s20, s8, $0xb8;
	[tilespmem:$0x1B460] =	vst v63  }
0x29: {  	_ =	swait.ge [sflag:s29], $0x9C8  }
0x2a: {  	[sflag:s29] =	ssyncset.done $0x0  }
0x2b: {  	[sflag:s29] =	ssyncadd.s32 $0xFFFFF638  }
0x2c: {  	_ =	swait.ge [sflag:s29], $0x9C4  }
0x2d: {  	[sflag:s29] =	ssyncset.done $0x0  }
0x2e: {  	[sflag:s29] =	ssyncadd.s32 $0xFFFFF63C  }
0x2f: {  	[bflag:$0x0] =	sbarrier.arrive $0xFFFF  }
0x30: {  	_ =	swait.ge [sflag:s12], $0x8000  }
0x31: {  	[sflag:s12] =	ssyncset.done $0x0  }
0x32: {  	[sflag:s12] =	ssyncadd.s32 $0xFFFF8000  }
0x33: {  	[spmem:s2] =	stream.indirect.scatter.add.f32 [tilespmem:s16], [sflag:$0x4], $0x20, s8, s8, $0xb8;
	[tilespmem:$0x1B460] =	vst v63  }
0x34: {  	s0 =	rddreg [dreg:$0x9]  }
0x35: {  	[tilespmem:s18], [sflag:$0x2] =	stream.linear.gather [hbm4b:s0+s4], $0x800, $0x38;
	[tilespmem:$0x1B460] =	vst v63  }
0x36: {  	_ =	swait.ge [sflag:s12], $0x8000  }
0x37: {  	[sflag:s12] =	ssyncset.done $0x0  }
0x38: {  	[sflag:s12] =	ssyncadd.s32 $0xFFFF8000  }
0x39: {  	[spmem:s2] =	stream.indirect.scatter.add.f32 [tilespmem:s10], [sflag:$0x5], $0x20, s22, s8, $0xb8;
	[tilespmem:$0x1B460] =	vst v63  }
0x3a: {  	_ =	swait.ge [sflag:s14], $0x8000  }
0x3b: {  	[sflag:s14] =	ssyncset.done $0x0  }
0x3c: {  	[sflag:s14] =	ssyncadd.s32 $0xFFFF8000  }
0x3d: {  	_ =	swait.ge [sflag:s11], $0x800  }
0x3e: {  	[sflag:s11] =	ssyncset.done $0x0  }
0x3f: {  	[sflag:s11] =	ssyncadd.s32 $0xFFFFF800  }
0x40: {  	[tilespmem:s16], [sflag:$0x1] =	stream.indirect.gather [spmem:s3], $0x20, s18, s8, $0xb8;
	[tilespmem:$0x1B460] =	vst v63  }
0x41: {  	s0 =	rddreg [dreg:$0xa]  }
0x42: {  	[tilespmem:s4], [sflag:$0x2] =	stream.linear.gather [hbm4b:s0+s4], $0x800, $0x38;
	[tilespmem:$0x1B460] =	vst v63  }
0x43: {  	_ =	swait.ge [sflag:s12], $0x8000  }
0x44: {  	[sflag:s12] =	ssyncset.done $0x0  }
0x45: {  	[sflag:s12] =	ssyncadd.s32 $0xFFFF8000  }
0x46: {  	[spmem:s2] =	stream.indirect.scatter.add.f32 [tilespmem:s16], [sflag:$0x4], $0x20, s19, s8, $0xb8;
	[tilespmem:$0x1B460] =	vst v63  }
0x47: {  	_ =	swait.ge [sflag:s13], $0x8000  }
0x48: {  	[sflag:s13] =	ssyncset.done $0x0  }
0x49: {  	[sflag:s13] =	ssyncadd.s32 $0xFFFF8000  }
0x4a: {  	_ =	swait.ge [sflag:s11], $0x800  }
0x4b: {  	[sflag:s11] =	ssyncset.done $0x0  }
0x4c: {  	[sflag:s11] =	ssyncadd.s32 $0xFFFFF800  }
0x4d: {  	[tilespmem:s10], [sflag:$0x1] =	stream.indirect.gather [spmem:s3], $0x20, s4, s8, $0xb8;
	[tilespmem:$0x1B460] =	vst v63  }
0x4e: {  	_ = 	snop  }
0x4f: {  	[tilespmem:s20], [sflag:$0x2] =	stream.linear.gather [hbm4b:s26+s4], $0x800, $0x38;
	[tilespmem:$0x1B460] =	vst v63  }
0x50: {  	_ =	swait.ge [sflag:s12], $0x8000  }
0x51: {  	[sflag:s12] =	ssyncset.done $0x0  }
0x52: {  	[sflag:s12] =	ssyncadd.s32 $0xFFFF8000  }
0x53: {  	[spmem:s2] =	stream.indirect.scatter.add.f32 [tilespmem:s10], [sflag:$0x5], $0x20, s8, s8, $0xb8;
	[tilespmem:$0x1B460] =	vst v63  }
0x54: {  	_ =	swait.ge [sflag:s14], $0x8000  }
0x55: {  	[sflag:s14] =	ssyncset.done $0x0  }
0x56: {  	[sflag:s14] =	ssyncadd.s32 $0xFFFF8000  }
0x57: {  	_ =	swait.ge [sflag:s11], $0x800  }
0x58: {  	[sflag:s11] =	ssyncset.done $0x0  }
0x59: {  	[sflag:s11] =	ssyncadd.s32 $0xFFFFF800  }
0x5a: {  	[tilespmem:s16], [sflag:$0x1] =	stream.indirect.gather [spmem:s3], $0x20, s20, s8, $0xb8;
	[tilespmem:$0x1B460] =	vst v63  }
0x5b: {  	_ = 	snop  }
0x5c: {  	[tilespmem:s18], [sflag:$0x2] =	stream.linear.gather [hbm4b:s24+s4], $0x800, $0x38;
	[tilespmem:$0x1B460] =	vst v63  }
0x5d: {  	_ =	swait.ge [sflag:s12], $0x8000  }
0x5e: {  	[sflag:s12] =	ssyncset.done $0x0  }
0x5f: {  	[sflag:s12] =	ssyncadd.s32 $0xFFFF8000  }
0x60: {  	[spmem:s2] =	stream.indirect.scatter.add.f32 [tilespmem:s16], [sflag:$0x4], $0x20, s22, s8, $0xb8;
	[tilespmem:$0x1B460] =	vst v63  }
0x61: {  	_ =	swait.ge [sflag:s13], $0x8000  }
0x62: {  	[sflag:s13] =	ssyncset.done $0x0  }
0x63: {  	[sflag:s13] =	ssyncadd.s32 $0xFFFF8000  }
0x64: {  	_ =	swait.ge [sflag:s11], $0x800  }
0x65: {  	[sflag:s11] =	ssyncset.done $0x0  }
0x66: {  	[sflag:s11] =	ssyncadd.s32 $0xFFFFF800  }
0x67: {  	[tilespmem:s10], [sflag:$0x1] =	stream.indirect.gather [spmem:s3], $0x20, s18, s8, $0xb8;
	[tilespmem:$0x1B460] =	vst v63  }
0x68: {  	_ = 	snop  }
0x69: {  	[tilespmem:s4], [sflag:$0x2] =	stream.linear.gather [hbm4b:s23+s4], $0x800, $0x38;
	[tilespmem:$0x1B460] =	vst v63  }
0x6a: {  	_ =	swait.ge [sflag:s12], $0x8000  }
0x6b: {  	[sflag:s12] =	ssyncset.done $0x0  }
0x6c: {  	[sflag:s12] =	ssyncadd.s32 $0xFFFF8000  }
0x6d: {  	[spmem:s2] =	stream.indirect.scatter.add.f32 [tilespmem:s10], [sflag:$0x5], $0x20, s19, s8, $0xb8;
	[tilespmem:$0x1B460] =	vst v63  }
0x6e: {  	_ =	swait.ge [sflag:s14], $0x8000  }
0x6f: {  	[sflag:s14] =	ssyncset.done $0x0  }
0x70: {  	[sflag:s14] =	ssyncadd.s32 $0xFFFF8000  }
0x71: {  	_ =	swait.ge [sflag:s11], $0x800  }
0x72: {  	[sflag:s11] =	ssyncset.done $0x0  }
0x73: {  	[sflag:s11] =	ssyncadd.s32 $0xFFFFF800  }
0x74: {  	[tilespmem:s16], [sflag:$0x1] =	stream.indirect.gather [spmem:s3], $0x20, s4, s8, $0xb8;
	[tilespmem:$0x1B460] =	vst v63  }
0x75: {  	_ = 	snop  }
0x76: {  	[tilespmem:s20], [sflag:$0x2] =	stream.linear.gather [hbm4b:s21+s4], $0x800, $0x38;
	[tilespmem:$0x1B460] =	vst v63  }
0x77: {  	_ =	swait.ge [sflag:s12], $0x8000  }
0x78: {  	[sflag:s12] =	ssyncset.done $0x0  }
0x79: {  	[sflag:s12] =	ssyncadd.s32 $0xFFFF8000  }
0x7a: {  	[spmem:s2] =	stream.indirect.scatter.add.f32 [tilespmem:s16], [sflag:$0x4], $0x20, s8, s8, $0xb8;
	[tilespmem:$0x1B460] =	vst v63  }
0x7b: {  	_ =	swait.ge [sflag:s13], $0x8000  }
0x7c: {  	[sflag:s13] =	ssyncset.done $0x0  }
0x7d: {  	[sflag:s13] =	ssyncadd.s32 $0xFFFF8000  }
0x7e: {  	_ =	swait.ge [sflag:s11], $0x800  }
0x7f: {  	[sflag:s11] =	ssyncset.done $0x0  }
0x80: {  	[sflag:s11] =	ssyncadd.s32 $0xFFFFF800  }
0x81: {  	[tilespmem:s10], [sflag:$0x1] =	stream.indirect.gather [spmem:s3], $0x20, s20, s8, $0xb8;
	[tilespmem:$0x1B460] =	vst v63  }
0x82: {  	_ = 	snop  }
0x83: {  	[tilespmem:s18], [sflag:$0x2] =	stream.linear.gather [hbm4b:s17+s4], $0x800, $0x38;
	[tilespmem:$0x1B460] =	vst v63  }
0x84: {  	_ =	swait.ge [sflag:s12], $0x8000  }
0x85: {  	[sflag:s12] =	ssyncset.done $0x0  }
0x86: {  	[sflag:s12] =	ssyncadd.s32 $0xFFFF8000  }
0x87: {  	[spmem:s2] =	stream.indirect.scatter.add.f32 [tilespmem:s10], [sflag:$0x5], $0x20, s22, s8, $0xb8;
	[tilespmem:$0x1B460] =	vst v63  }
0x88: {  	_ =	swait.ge [sflag:s14], $0x8000  }
0x89: {  	[sflag:s14] =	ssyncset.done $0x0  }
0x8a: {  	[sflag:s14] =	ssyncadd.s32 $0xFFFF8000  }
0x8b: {  	_ =	swait.ge [sflag:s11], $0x800  }
0x8c: {  	[sflag:s11] =	ssyncset.done $0x0  }
0x8d: {  	[sflag:s11] =	ssyncadd.s32 $0xFFFFF800  }
0x8e: {  	[tilespmem:s16], [sflag:$0x1] =	stream.indirect.gather [spmem:s3], $0x20, s18, s8, $0xb8;
	[tilespmem:$0x1B460] =	vst v63  }
0x8f: {  	_ = 	snop  }
0x90: {  	[tilespmem:s4], [sflag:$0x2] =	stream.linear.gather [hbm4b:s15+s4], $0x800, $0x38;
	[tilespmem:$0x1B460] =	vst v63  }
0x91: {  	_ =	swait.ge [sflag:s12], $0x8000  }
0x92: {  	[sflag:s12] =	ssyncset.done $0x0  }
0x93: {  	[sflag:s12] =	ssyncadd.s32 $0xFFFF8000  }
0x94: {  	[spmem:s2] =	stream.indirect.scatter.add.f32 [tilespmem:s16], [sflag:$0x4], $0x20, s19, s8, $0xb8;
	[tilespmem:$0x1B460] =	vst v63  }
0x95: {  	_ =	swait.ge [sflag:s13], $0x8000  }
0x96: {  	[sflag:s13] =	ssyncset.done $0x0  }
0x97: {  	[sflag:s13] =	ssyncadd.s32 $0xFFFF8000  }
0x98: {  	_ =	swait.ge [sflag:s11], $0x800  }
0x99: {  	[sflag:s11] =	ssyncset.done $0x0  }
0x9a: {  	[sflag:s11] =	ssyncadd.s32 $0xFFFFF800  }
0x9b: {  	[tilespmem:s10], [sflag:$0x1] =	stream.indirect.gather [spmem:s3], $0x20, s4, s8, $0xb8;
	[tilespmem:$0x1B460] =	vst v63  }
0x9c: {  	_ =	swait.ge [sflag:s12], $0x8000  }
0x9d: {  	[sflag:s12] =	ssyncset.done $0x0  }
0x9e: {  	[sflag:s12] =	ssyncadd.s32 $0xFFFF8000  }
0x9f: {  	[spmem:s2] =	stream.indirect.scatter.add.f32 [tilespmem:s10], [sflag:$0x5], $0x20, s8, s8, $0xb8;
	[tilespmem:$0x1B460] =	vst v63  }
0xa0: {  	_ =	swait.ge [sflag:s14], $0x8000  }
0xa1: {  	[sflag:s14] =	ssyncset.done $0x0  }
0xa2: {  	[sflag:s14] =	ssyncadd.s32 $0xFFFF8000  }
0xa3: {  	_ =	swait.ge [sflag:s13], $0x8000  }
0xa4: {  	[sflag:s13] =	ssyncset.done $0x0  }
0xa5: {  	p1 =	sne.s32 s1, $0x1;
	[sflag:s13] =	ssyncadd.s32 $0xFFFF8000  }
.Ltmp1:
0xa6: {  	[bflag:$0x0] =	sbarrier.arrive $0xFFFF;
	(pc) =	sbr.rel @!p1 .LBB2_2-.Ltmp1, $4  }
0xa7: {  	s31 =	sor.u32 $0x1C06, s5;
	[dreg:$0xb] =	wrdreg s5  }
0xa8: {  	[hbm:s6], [sflag:s31] =	dma.local [spmem:s7], $0x9C8  }
0xa9: {  	s1 =	sadd.s32 $0xFFFFFFFF, s1;
	_ =	swait.ge [sflag:s9], $0x9C8  }
0xaa: {  	p0 =	por $0x1, $0x1;
	s0 =	rddreg [dreg:$0x5];
	[sflag:s9] =	ssyncset.done $0x0  }
.LBB2_3:
0xab: {  	[sflag:s9] =	ssyncadd.s32 $0xFFFFF638  }
0xac: {  	[spmem:s7], [sflag:s28] =	dma.local [hbm:s0], $0x9C8  }
0xad: {  	s0 =	rddreg [dreg:$0x6]  }
0xae: {  	[spmem:s30], [sflag:s28] =	dma.local [hbm:s0], $0x9C4  }
0xaf: {  	s0 =	rddreg [dreg:$0x7]  }
0xb0: {  	[tilespmem:s4], [sflag:$0x2] =	stream.linear.gather [hbm4b:s0+s4], $0x800, $0x38;
	[tilespmem:$0x1B460] =	vst v63  }
0xb1: {  	s5 =	rddreg [dreg:$0x8]  }
0xb2: {  	[tilespmem:s20], [sflag:$0x2] =	stream.linear.gather [hbm4b:s5+s4], $0x800, $0x38;
	[tilespmem:$0x1B460] =	vst v63  }
0xb3: {  	_ =	swait.ge [sflag:s11], $0x800  }
0xb4: {  	[sflag:s11] =	ssyncset.done $0x0  }
0xb5: {  	[sflag:s11] =	ssyncadd.s32 $0xFFFFF800  }
0xb6: {  	[tilespmem:s16], [sflag:$0x1] =	stream.indirect.gather [hbm4b:s25+s8], $0x20, s4, s8, $0xb8;
	[tilespmem:$0x1B460] =	vst v63  }
0xb7: {  	_ =	swait.ge [sflag:s11], $0x800  }
0xb8: {  	[sflag:s11] =	ssyncset.done $0x0  }
0xb9: {  	[sflag:s11] =	ssyncadd.s32 $0xFFFFF800  }
0xba: {  	[tilespmem:s10], [sflag:$0x1] =	stream.indirect.gather [hbm4b:s25+s8], $0x20, s20, s8, $0xb8;
	[tilespmem:$0x1B460] =	vst v63  }
0xbb: {  	_ =	swait.ge [sflag:s29], $0x9C8  }
0xbc: {  	[sflag:s29] =	ssyncset.done $0x0  }
0xbd: {  	[sflag:s29] =	ssyncadd.s32 $0xFFFFF638  }
0xbe: {  	_ =	swait.ge [sflag:s29], $0x9C4  }
0xbf: {  	[sflag:s29] =	ssyncset.done $0x0  }
0xc0: {  	[sflag:s29] =	ssyncadd.s32 $0xFFFFF63C  }
0xc1: {  	[bflag:$0x0] =	sbarrier.arrive $0xFFFF  }
0xc2: {  	_ =	swait.ge [sflag:s12], $0x8000  }
0xc3: {  	[sflag:s12] =	ssyncset.done $0x0  }
0xc4: {  	[sflag:s12] =	ssyncadd.s32 $0xFFFF8000  }
0xc5: {  	[spmem:s2] =	stream.indirect.scatter.add.f32 [tilespmem:s16], [sflag:$0x4], $0x20, s8, s8, $0xb8;
	[tilespmem:$0x1B460] =	vst v63  }
0xc6: {  	s5 =	rddreg [dreg:$0x9]  }
0xc7: {  	[tilespmem:s18], [sflag:$0x2] =	stream.linear.gather [hbm4b:s5+s4], $0x800, $0x38;
	[tilespmem:$0x1B460] =	vst v63  }
0xc8: {  	_ =	swait.ge [sflag:s12], $0x8000  }
0xc9: {  	[sflag:s12] =	ssyncset.done $0x0  }
0xca: {  	[sflag:s12] =	ssyncadd.s32 $0xFFFF8000  }
0xcb: {  	[spmem:s2] =	stream.indirect.scatter.add.f32 [tilespmem:s10], [sflag:$0x5], $0x20, s22, s8, $0xb8;
	[tilespmem:$0x1B460] =	vst v63  }
0xcc: {  	_ =	swait.ge [sflag:s14], $0x8000  }
0xcd: {  	[sflag:s14] =	ssyncset.done $0x0  }
0xce: {  	[sflag:s14] =	ssyncadd.s32 $0xFFFF8000  }
0xcf: {  	_ =	swait.ge [sflag:s11], $0x800  }
0xd0: {  	[sflag:s11] =	ssyncset.done $0x0  }
0xd1: {  	[sflag:s11] =	ssyncadd.s32 $0xFFFFF800  }
0xd2: {  	[tilespmem:s16], [sflag:$0x1] =	stream.indirect.gather [spmem:s3], $0x20, s18, s8, $0xb8;
	[tilespmem:$0x1B460] =	vst v63  }
0xd3: {  	s5 =	rddreg [dreg:$0xa]  }
0xd4: {  	[tilespmem:s4], [sflag:$0x2] =	stream.linear.gather [hbm4b:s5+s4], $0x800, $0x38;
	[tilespmem:$0x1B460] =	vst v63  }
0xd5: {  	_ =	swait.ge [sflag:s12], $0x8000  }
0xd6: {  	[sflag:s12] =	ssyncset.done $0x0  }
0xd7: {  	[sflag:s12] =	ssyncadd.s32 $0xFFFF8000  }
0xd8: {  	[spmem:s2] =	stream.indirect.scatter.add.f32 [tilespmem:s16], [sflag:$0x4], $0x20, s19, s8, $0xb8;
	[tilespmem:$0x1B460] =	vst v63  }
0xd9: {  	_ =	swait.ge [sflag:s13], $0x8000  }
0xda: {  	[sflag:s13] =	ssyncset.done $0x0  }
0xdb: {  	[sflag:s13] =	ssyncadd.s32 $0xFFFF8000  }
0xdc: {  	_ =	swait.ge [sflag:s11], $0x800  }
0xdd: {  	[sflag:s11] =	ssyncset.done $0x0  }
0xde: {  	[sflag:s11] =	ssyncadd.s32 $0xFFFFF800  }
0xdf: {  	[tilespmem:s10], [sflag:$0x1] =	stream.indirect.gather [spmem:s3], $0x20, s4, s8, $0xb8;
	[tilespmem:$0x1B460] =	vst v63  }
0xe0: {  	_ = 	snop  }
0xe1: {  	[tilespmem:s20], [sflag:$0x2] =	stream.linear.gather [hbm4b:s26+s4], $0x800, $0x38;
	[tilespmem:$0x1B460] =	vst v63  }
0xe2: {  	_ =	swait.ge [sflag:s12], $0x8000  }
0xe3: {  	[sflag:s12] =	ssyncset.done $0x0  }
0xe4: {  	[sflag:s12] =	ssyncadd.s32 $0xFFFF8000  }
0xe5: {  	[spmem:s2] =	stream.indirect.scatter.add.f32 [tilespmem:s10], [sflag:$0x5], $0x20, s8, s8, $0xb8;
	[tilespmem:$0x1B460] =	vst v63  }
0xe6: {  	_ =	swait.ge [sflag:s14], $0x8000  }
0xe7: {  	[sflag:s14] =	ssyncset.done $0x0  }
0xe8: {  	[sflag:s14] =	ssyncadd.s32 $0xFFFF8000  }
0xe9: {  	_ =	swait.ge [sflag:s11], $0x800  }
0xea: {  	[sflag:s11] =	ssyncset.done $0x0  }
0xeb: {  	[sflag:s11] =	ssyncadd.s32 $0xFFFFF800  }
0xec: {  	[tilespmem:s16], [sflag:$0x1] =	stream.indirect.gather [spmem:s3], $0x20, s20, s8, $0xb8;
	[tilespmem:$0x1B460] =	vst v63  }
0xed: {  	_ = 	snop  }
0xee: {  	[tilespmem:s18], [sflag:$0x2] =	stream.linear.gather [hbm4b:s24+s4], $0x800, $0x38;
	[tilespmem:$0x1B460] =	vst v63  }
0xef: {  	_ =	swait.ge [sflag:s12], $0x8000  }
0xf0: {  	[sflag:s12] =	ssyncset.done $0x0  }
0xf1: {  	[sflag:s12] =	ssyncadd.s32 $0xFFFF8000  }
0xf2: {  	[spmem:s2] =	stream.indirect.scatter.add.f32 [tilespmem:s16], [sflag:$0x4], $0x20, s22, s8, $0xb8;
	[tilespmem:$0x1B460] =	vst v63  }
0xf3: {  	_ =	swait.ge [sflag:s13], $0x8000  }
0xf4: {  	[sflag:s13] =	ssyncset.done $0x0  }
0xf5: {  	[sflag:s13] =	ssyncadd.s32 $0xFFFF8000  }
0xf6: {  	_ =	swait.ge [sflag:s11], $0x800  }
0xf7: {  	[sflag:s11] =	ssyncset.done $0x0  }
0xf8: {  	[sflag:s11] =	ssyncadd.s32 $0xFFFFF800  }
0xf9: {  	[tilespmem:s10], [sflag:$0x1] =	stream.indirect.gather [spmem:s3], $0x20, s18, s8, $0xb8;
	[tilespmem:$0x1B460] =	vst v63  }
0xfa: {  	_ = 	snop  }
0xfb: {  	[tilespmem:s4], [sflag:$0x2] =	stream.linear.gather [hbm4b:s23+s4], $0x800, $0x38;
	[tilespmem:$0x1B460] =	vst v63  }
0xfc: {  	_ =	swait.ge [sflag:s12], $0x8000  }
0xfd: {  	[sflag:s12] =	ssyncset.done $0x0  }
0xfe: {  	[sflag:s12] =	ssyncadd.s32 $0xFFFF8000  }
0xff: {  	[spmem:s2] =	stream.indirect.scatter.add.f32 [tilespmem:s10], [sflag:$0x5], $0x20, s19, s8, $0xb8;
	[tilespmem:$0x1B460] =	vst v63  }
0x100: {  	_ =	swait.ge [sflag:s14], $0x8000  }
0x101: {  	[sflag:s14] =	ssyncset.done $0x0  }
0x102: {  	[sflag:s14] =	ssyncadd.s32 $0xFFFF8000  }
0x103: {  	_ =	swait.ge [sflag:s11], $0x800  }
0x104: {  	[sflag:s11] =	ssyncset.done $0x0  }
0x105: {  	[sflag:s11] =	ssyncadd.s32 $0xFFFFF800  }
0x106: {  	[tilespmem:s16], [sflag:$0x1] =	stream.indirect.gather [spmem:s3], $0x20, s4, s8, $0xb8;
	[tilespmem:$0x1B460] =	vst v63  }
0x107: {  	_ = 	snop  }
0x108: {  	[tilespmem:s20], [sflag:$0x2] =	stream.linear.gather [hbm4b:s21+s4], $0x800, $0x38;
	[tilespmem:$0x1B460] =	vst v63  }
0x109: {  	_ =	swait.ge [sflag:s12], $0x8000  }
0x10a: {  	[sflag:s12] =	ssyncset.done $0x0  }
0x10b: {  	[sflag:s12] =	ssyncadd.s32 $0xFFFF8000  }
0x10c: {  	[spmem:s2] =	stream.indirect.scatter.add.f32 [tilespmem:s16], [sflag:$0x4], $0x20, s8, s8, $0xb8;
	[tilespmem:$0x1B460] =	vst v63  }
0x10d: {  	_ =	swait.ge [sflag:s13], $0x8000  }
0x10e: {  	[sflag:s13] =	ssyncset.done $0x0  }
0x10f: {  	[sflag:s13] =	ssyncadd.s32 $0xFFFF8000  }
0x110: {  	_ =	swait.ge [sflag:s11], $0x800  }
0x111: {  	[sflag:s11] =	ssyncset.done $0x0  }
0x112: {  	[sflag:s11] =	ssyncadd.s32 $0xFFFFF800  }
0x113: {  	[tilespmem:s10], [sflag:$0x1] =	stream.indirect.gather [spmem:s3], $0x20, s20, s8, $0xb8;
	[tilespmem:$0x1B460] =	vst v63  }
0x114: {  	_ = 	snop  }
0x115: {  	[tilespmem:s18], [sflag:$0x2] =	stream.linear.gather [hbm4b:s17+s4], $0x800, $0x38;
	[tilespmem:$0x1B460] =	vst v63  }
0x116: {  	_ =	swait.ge [sflag:s12], $0x8000  }
0x117: {  	[sflag:s12] =	ssyncset.done $0x0  }
0x118: {  	[sflag:s12] =	ssyncadd.s32 $0xFFFF8000  }
0x119: {  	[spmem:s2] =	stream.indirect.scatter.add.f32 [tilespmem:s10], [sflag:$0x5], $0x20, s22, s8, $0xb8;
	[tilespmem:$0x1B460] =	vst v63  }
0x11a: {  	_ =	swait.ge [sflag:s14], $0x8000  }
0x11b: {  	[sflag:s14] =	ssyncset.done $0x0  }
0x11c: {  	[sflag:s14] =	ssyncadd.s32 $0xFFFF8000  }
0x11d: {  	_ =	swait.ge [sflag:s11], $0x800  }
0x11e: {  	[sflag:s11] =	ssyncset.done $0x0  }
0x11f: {  	[sflag:s11] =	ssyncadd.s32 $0xFFFFF800  }
0x120: {  	[tilespmem:s16], [sflag:$0x1] =	stream.indirect.gather [spmem:s3], $0x20, s18, s8, $0xb8;
	[tilespmem:$0x1B460] =	vst v63  }
0x121: {  	_ = 	snop  }
0x122: {  	[tilespmem:s4], [sflag:$0x2] =	stream.linear.gather [hbm4b:s15+s4], $0x800, $0x38;
	[tilespmem:$0x1B460] =	vst v63  }
0x123: {  	_ =	swait.ge [sflag:s12], $0x8000  }
0x124: {  	[sflag:s12] =	ssyncset.done $0x0  }
0x125: {  	[sflag:s12] =	ssyncadd.s32 $0xFFFF8000  }
0x126: {  	[spmem:s2] =	stream.indirect.scatter.add.f32 [tilespmem:s16], [sflag:$0x4], $0x20, s19, s8, $0xb8;
	[tilespmem:$0x1B460] =	vst v63  }
0x127: {  	_ =	swait.ge [sflag:s13], $0x8000  }
0x128: {  	[sflag:s13] =	ssyncset.done $0x0  }
0x129: {  	[sflag:s13] =	ssyncadd.s32 $0xFFFF8000  }
0x12a: {  	_ =	swait.ge [sflag:s11], $0x800  }
0x12b: {  	[sflag:s11] =	ssyncset.done $0x0  }
0x12c: {  	[sflag:s11] =	ssyncadd.s32 $0xFFFFF800  }
0x12d: {  	[tilespmem:s10], [sflag:$0x1] =	stream.indirect.gather [spmem:s3], $0x20, s4, s8, $0xb8;
	[tilespmem:$0x1B460] =	vst v63  }
0x12e: {  	_ =	swait.ge [sflag:s12], $0x8000  }
0x12f: {  	[sflag:s12] =	ssyncset.done $0x0  }
0x130: {  	[sflag:s12] =	ssyncadd.s32 $0xFFFF8000  }
0x131: {  	[spmem:s2] =	stream.indirect.scatter.add.f32 [tilespmem:s10], [sflag:$0x5], $0x20, s8, s8, $0xb8;
	[tilespmem:$0x1B460] =	vst v63  }
0x132: {  	_ =	swait.ge [sflag:s14], $0x8000  }
0x133: {  	[sflag:s14] =	ssyncset.done $0x0  }
0x134: {  	[sflag:s14] =	ssyncadd.s32 $0xFFFF8000  }
0x135: {  	_ =	swait.ge [sflag:s13], $0x8000  }
0x136: {  	p1 =	sne.s32 s1, $0x1;
	[sflag:s13] =	ssyncset.done $0x0  }
.Ltmp2:
0x137: {  	[sflag:s13] =	ssyncadd.s32 $0xFFFF8000;
	(pc) =	sbr.rel @p1 .LBB2_3-.Ltmp2, $4  }
0x138: {  	[bflag:$0x0] =	sbarrier.arrive $0xFFFF  }
0x139: {  	[hbm:s6], [sflag:s31] =	dma.local [spmem:s7], $0x9C8  }
0x13a: {  	_ =	swait.ge [sflag:s9], $0x9C8  }
0x13b: {  	s1 =	sadd.s32 $0xFFFFFFFF, s1;
	s0 =	rddreg [dreg:$0x5];
	[sflag:s9] =	ssyncset.done $0x0  }
0x13c: {  	s31 =	stileid.u32;
	s5 =	rddreg [dreg:$0xb]  }
.LBB2_5:
0x13d: {  	[sflag:s9] =	ssyncadd.s32 @p0 $0xFFFFF638  }
0x13e: {  	[spmem:s7], [sflag:s28] =	dma.local [hbm:s0], $0x9C8  }
0x13f: {  	s0 =	rddreg [dreg:$0x6]  }
0x140: {  	[spmem:s30], [sflag:s28] =	dma.local [hbm:s0], $0x9C4  }
0x141: {  	s0 =	rddreg [dreg:$0x7]  }
0x142: {  	[tilespmem:s4], [sflag:$0x2] =	stream.linear.gather [hbm4b:s0+s4], $0x800, $0x38;
	[tilespmem:$0x1B460] =	vst v63  }
0x143: {  	s1 =	rddreg [dreg:$0x8]  }
0x144: {  	[tilespmem:s20], [sflag:$0x2] =	stream.linear.gather [hbm4b:s1+s4], $0x800, $0x38;
	[tilespmem:$0x1B460] =	vst v63  }
0x145: {  	_ =	swait.ge [sflag:s11], $0x800  }
0x146: {  	[sflag:s11] =	ssyncset.done $0x0  }
0x147: {  	[sflag:s11] =	ssyncadd.s32 $0xFFFFF800  }
0x148: {  	[tilespmem:s16], [sflag:$0x1] =	stream.indirect.gather [hbm4b:s25+s8], $0x20, s4, s8, $0xb8;
	[tilespmem:$0x1B460] =	vst v63  }
0x149: {  	_ =	swait.ge [sflag:s11], $0x800  }
0x14a: {  	[sflag:s11] =	ssyncset.done $0x0  }
0x14b: {  	[sflag:s11] =	ssyncadd.s32 $0xFFFFF800  }
0x14c: {  	[tilespmem:s10], [sflag:$0x1] =	stream.indirect.gather [hbm4b:s25+s8], $0x20, s20, s8, $0xb8;
	[tilespmem:$0x1B460] =	vst v63  }
0x14d: {  	_ =	swait.ge [sflag:s29], $0x9C8  }
0x14e: {  	[sflag:s29] =	ssyncset.done $0x0  }
0x14f: {  	[sflag:s29] =	ssyncadd.s32 $0xFFFFF638  }
0x150: {  	_ =	swait.ge [sflag:s29], $0x9C4  }
0x151: {  	[sflag:s29] =	ssyncset.done $0x0  }
0x152: {  	[sflag:s29] =	ssyncadd.s32 $0xFFFFF63C  }
0x153: {  	[bflag:$0x0] =	sbarrier.arrive $0xFFFF  }
0x154: {  	_ =	swait.ge [sflag:s12], $0x8000  }
0x155: {  	[sflag:s12] =	ssyncset.done $0x0  }
0x156: {  	[sflag:s12] =	ssyncadd.s32 $0xFFFF8000  }
0x157: {  	[spmem:s2] =	stream.indirect.scatter.add.f32 [tilespmem:s16], [sflag:$0x4], $0x20, s8, s8, $0xb8;
	[tilespmem:$0x1B460] =	vst v63  }
0x158: {  	s28 =	rddreg [dreg:$0x9]  }
0x159: {  	[tilespmem:s18], [sflag:$0x2] =	stream.linear.gather [hbm4b:s28+s4], $0x800, $0x38;
	[tilespmem:$0x1B460] =	vst v63  }
0x15a: {  	_ =	swait.ge [sflag:s12], $0x8000  }
0x15b: {  	[sflag:s12] =	ssyncset.done $0x0  }
0x15c: {  	[sflag:s12] =	ssyncadd.s32 $0xFFFF8000  }
0x15d: {  	[spmem:s2] =	stream.indirect.scatter.add.f32 [tilespmem:s10], [sflag:$0x5], $0x20, s22, s8, $0xb8;
	[tilespmem:$0x1B460] =	vst v63  }
0x15e: {  	_ =	swait.ge [sflag:s14], $0x8000  }
0x15f: {  	[sflag:s14] =	ssyncset.done $0x0  }
0x160: {  	[sflag:s14] =	ssyncadd.s32 $0xFFFF8000  }
0x161: {  	_ =	swait.ge [sflag:s11], $0x800  }
0x162: {  	[sflag:s11] =	ssyncset.done $0x0  }
0x163: {  	[sflag:s11] =	ssyncadd.s32 $0xFFFFF800  }
0x164: {  	[tilespmem:s16], [sflag:$0x1] =	stream.indirect.gather [spmem:s3], $0x20, s18, s8, $0xb8;
	[tilespmem:$0x1B460] =	vst v63  }
0x165: {  	s29 =	rddreg [dreg:$0xa]  }
0x166: {  	[tilespmem:s4], [sflag:$0x2] =	stream.linear.gather [hbm4b:s29+s4], $0x800, $0x38;
	[tilespmem:$0x1B460] =	vst v63  }
0x167: {  	_ =	swait.ge [sflag:s12], $0x8000  }
0x168: {  	[sflag:s12] =	ssyncset.done $0x0  }
0x169: {  	[sflag:s12] =	ssyncadd.s32 $0xFFFF8000  }
0x16a: {  	[spmem:s2] =	stream.indirect.scatter.add.f32 [tilespmem:s16], [sflag:$0x4], $0x20, s19, s8, $0xb8;
	[tilespmem:$0x1B460] =	vst v63  }
0x16b: {  	_ =	swait.ge [sflag:s13], $0x8000  }
0x16c: {  	[sflag:s13] =	ssyncset.done $0x0  }
0x16d: {  	[sflag:s13] =	ssyncadd.s32 $0xFFFF8000  }
0x16e: {  	_ =	swait.ge [sflag:s11], $0x800  }
0x16f: {  	[sflag:s11] =	ssyncset.done $0x0  }
0x170: {  	[sflag:s11] =	ssyncadd.s32 $0xFFFFF800  }
0x171: {  	[tilespmem:s10], [sflag:$0x1] =	stream.indirect.gather [spmem:s3], $0x20, s4, s8, $0xb8;
	[tilespmem:$0x1B460] =	vst v63  }
0x172: {  	_ = 	snop  }
0x173: {  	[tilespmem:s20], [sflag:$0x2] =	stream.linear.gather [hbm4b:s26+s4], $0x800, $0x38;
	[tilespmem:$0x1B460] =	vst v63  }
0x174: {  	_ =	swait.ge [sflag:s12], $0x8000  }
0x175: {  	[sflag:s12] =	ssyncset.done $0x0  }
0x176: {  	[sflag:s12] =	ssyncadd.s32 $0xFFFF8000  }
0x177: {  	[spmem:s2] =	stream.indirect.scatter.add.f32 [tilespmem:s10], [sflag:$0x5], $0x20, s8, s8, $0xb8;
	[tilespmem:$0x1B460] =	vst v63  }
0x178: {  	_ =	swait.ge [sflag:s14], $0x8000  }
0x179: {  	[sflag:s14] =	ssyncset.done $0x0  }
0x17a: {  	[sflag:s14] =	ssyncadd.s32 $0xFFFF8000  }
0x17b: {  	_ =	swait.ge [sflag:s11], $0x800  }
0x17c: {  	[sflag:s11] =	ssyncset.done $0x0  }
0x17d: {  	[sflag:s11] =	ssyncadd.s32 $0xFFFFF800  }
0x17e: {  	[tilespmem:s16], [sflag:$0x1] =	stream.indirect.gather [spmem:s3], $0x20, s20, s8, $0xb8;
	[tilespmem:$0x1B460] =	vst v63  }
0x17f: {  	_ = 	snop  }
0x180: {  	[tilespmem:s18], [sflag:$0x2] =	stream.linear.gather [hbm4b:s24+s4], $0x800, $0x38;
	[tilespmem:$0x1B460] =	vst v63  }
0x181: {  	_ =	swait.ge [sflag:s12], $0x8000  }
0x182: {  	[sflag:s12] =	ssyncset.done $0x0  }
0x183: {  	[sflag:s12] =	ssyncadd.s32 $0xFFFF8000  }
0x184: {  	[spmem:s2] =	stream.indirect.scatter.add.f32 [tilespmem:s16], [sflag:$0x4], $0x20, s22, s8, $0xb8;
	[tilespmem:$0x1B460] =	vst v63  }
0x185: {  	_ =	swait.ge [sflag:s13], $0x8000  }
0x186: {  	[sflag:s13] =	ssyncset.done $0x0  }
0x187: {  	[sflag:s13] =	ssyncadd.s32 $0xFFFF8000  }
0x188: {  	_ =	swait.ge [sflag:s11], $0x800  }
0x189: {  	[sflag:s11] =	ssyncset.done $0x0  }
0x18a: {  	[sflag:s11] =	ssyncadd.s32 $0xFFFFF800  }
0x18b: {  	[tilespmem:s10], [sflag:$0x1] =	stream.indirect.gather [spmem:s3], $0x20, s18, s8, $0xb8;
	[tilespmem:$0x1B460] =	vst v63  }
0x18c: {  	_ = 	snop  }
0x18d: {  	[tilespmem:s4], [sflag:$0x2] =	stream.linear.gather [hbm4b:s23+s4], $0x800, $0x38;
	[tilespmem:$0x1B460] =	vst v63  }
0x18e: {  	_ =	swait.ge [sflag:s12], $0x8000  }
0x18f: {  	[sflag:s12] =	ssyncset.done $0x0  }
0x190: {  	[sflag:s12] =	ssyncadd.s32 $0xFFFF8000  }
0x191: {  	[spmem:s2] =	stream.indirect.scatter.add.f32 [tilespmem:s10], [sflag:$0x5], $0x20, s19, s8, $0xb8;
	[tilespmem:$0x1B460] =	vst v63  }
0x192: {  	_ =	swait.ge [sflag:s14], $0x8000  }
0x193: {  	[sflag:s14] =	ssyncset.done $0x0  }
0x194: {  	[sflag:s14] =	ssyncadd.s32 $0xFFFF8000  }
0x195: {  	_ =	swait.ge [sflag:s11], $0x800  }
0x196: {  	[sflag:s11] =	ssyncset.done $0x0  }
0x197: {  	[sflag:s11] =	ssyncadd.s32 $0xFFFFF800  }
0x198: {  	[tilespmem:s16], [sflag:$0x1] =	stream.indirect.gather [spmem:s3], $0x20, s4, s8, $0xb8;
	[tilespmem:$0x1B460] =	vst v63  }
0x199: {  	_ = 	snop  }
0x19a: {  	[tilespmem:s20], [sflag:$0x2] =	stream.linear.gather [hbm4b:s21+s4], $0x800, $0x38;
	[tilespmem:$0x1B460] =	vst v63  }
0x19b: {  	_ =	swait.ge [sflag:s12], $0x8000  }
0x19c: {  	[sflag:s12] =	ssyncset.done $0x0  }
0x19d: {  	[sflag:s12] =	ssyncadd.s32 $0xFFFF8000  }
0x19e: {  	[spmem:s2] =	stream.indirect.scatter.add.f32 [tilespmem:s16], [sflag:$0x4], $0x20, s8, s8, $0xb8;
	[tilespmem:$0x1B460] =	vst v63  }
0x19f: {  	_ =	swait.ge [sflag:s13], $0x8000  }
0x1a0: {  	[sflag:s13] =	ssyncset.done $0x0  }
0x1a1: {  	[sflag:s13] =	ssyncadd.s32 $0xFFFF8000  }
0x1a2: {  	_ =	swait.ge [sflag:s11], $0x800  }
0x1a3: {  	[sflag:s11] =	ssyncset.done $0x0  }
0x1a4: {  	[sflag:s11] =	ssyncadd.s32 $0xFFFFF800  }
0x1a5: {  	[tilespmem:s10], [sflag:$0x1] =	stream.indirect.gather [spmem:s3], $0x20, s20, s8, $0xb8;
	[tilespmem:$0x1B460] =	vst v63  }
0x1a6: {  	_ = 	snop  }
0x1a7: {  	[tilespmem:s18], [sflag:$0x2] =	stream.linear.gather [hbm4b:s17+s4], $0x800, $0x38;
	[tilespmem:$0x1B460] =	vst v63  }
0x1a8: {  	_ =	swait.ge [sflag:s12], $0x8000  }
0x1a9: {  	[sflag:s12] =	ssyncset.done $0x0  }
0x1aa: {  	[sflag:s12] =	ssyncadd.s32 $0xFFFF8000  }
0x1ab: {  	[spmem:s2] =	stream.indirect.scatter.add.f32 [tilespmem:s10], [sflag:$0x5], $0x20, s22, s8, $0xb8;
	[tilespmem:$0x1B460] =	vst v63  }
0x1ac: {  	_ =	swait.ge [sflag:s14], $0x8000  }
0x1ad: {  	[sflag:s14] =	ssyncset.done $0x0  }
0x1ae: {  	[sflag:s14] =	ssyncadd.s32 $0xFFFF8000  }
0x1af: {  	_ =	swait.ge [sflag:s11], $0x800  }
0x1b0: {  	[sflag:s11] =	ssyncset.done $0x0  }
0x1b1: {  	[sflag:s11] =	ssyncadd.s32 $0xFFFFF800  }
0x1b2: {  	[tilespmem:s16], [sflag:$0x1] =	stream.indirect.gather [spmem:s3], $0x20, s18, s8, $0xb8;
	[tilespmem:$0x1B460] =	vst v63  }
0x1b3: {  	_ = 	snop  }
0x1b4: {  	[tilespmem:s4], [sflag:$0x2] =	stream.linear.gather [hbm4b:s15+s4], $0x800, $0x38;
	[tilespmem:$0x1B460] =	vst v63  }
0x1b5: {  	_ =	swait.ge [sflag:s12], $0x8000  }
0x1b6: {  	[sflag:s12] =	ssyncset.done $0x0  }
0x1b7: {  	[sflag:s12] =	ssyncadd.s32 $0xFFFF8000  }
0x1b8: {  	[spmem:s2] =	stream.indirect.scatter.add.f32 [tilespmem:s16], [sflag:$0x4], $0x20, s19, s8, $0xb8;
	[tilespmem:$0x1B460] =	vst v63  }
0x1b9: {  	_ =	swait.ge [sflag:s13], $0x8000  }
0x1ba: {  	[sflag:s13] =	ssyncset.done $0x0  }
0x1bb: {  	[sflag:s13] =	ssyncadd.s32 $0xFFFF8000  }
0x1bc: {  	_ =	swait.ge [sflag:s11], $0x800  }
0x1bd: {  	[sflag:s11] =	ssyncset.done $0x0  }
0x1be: {  	[sflag:s11] =	ssyncadd.s32 $0xFFFFF800  }
0x1bf: {  	[tilespmem:s10], [sflag:$0x1] =	stream.indirect.gather [spmem:s3], $0x20, s4, s8, $0xb8;
	[tilespmem:$0x1B460] =	vst v63  }
0x1c0: {  	_ =	swait.ge [sflag:s12], $0x8000  }
0x1c1: {  	[sflag:s12] =	ssyncset.done $0x0  }
0x1c2: {  	[sflag:s12] =	ssyncadd.s32 $0xFFFF8000  }
0x1c3: {  	[spmem:s2] =	stream.indirect.scatter.add.f32 [tilespmem:s10], [sflag:$0x5], $0x20, s8, s8, $0xb8;
	[tilespmem:$0x1B460] =	vst v63  }
0x1c4: {  	_ =	swait.ge [sflag:s14], $0x8000  }
0x1c5: {  	[sflag:s14] =	ssyncset.done $0x0  }
0x1c6: {  	[sflag:s14] =	ssyncadd.s32 $0xFFFF8000  }
0x1c7: {  	_ =	swait.ge [sflag:s13], $0x8000  }
0x1c8: {  	[sflag:s13] =	ssyncset.done $0x0  }
0x1c9: {  	[sflag:s13] =	ssyncadd.s32 $0xFFFF8000  }
0x1ca: {  	s30 =	sor.u32 $0x1C06, s5;
	[bflag:$0x0] =	sbarrier.arrive $0xFFFF  }
0x1cb: {  	[hbm:s6], [sflag:s30] =	dma.local [spmem:s7], $0x9C8  }
0x1cc: {  	_ =	swait.ge [sflag:s9], $0x9C8  }
0x1cd: {  	[sflag:s9] =	ssyncset.done $0x0  }
0x1ce: {  	[sflag:s9] =	ssyncadd.s32 $0xFFFFF638  }
0x1cf: {  	_ =	sfence.sel $0x180000  }
0x1d0: {  	[bflag:$0x0] =	sbarrier.arrive $0xFFFF  }
0x1d1: {  	_ =	strace $0x9000004A  }
0x1d2: {  	[bflag:$0x2] =	sbarrier.arrive $0xFFFF  }
0x1d3: {  	p0 =	sne.s32 s31, $0x0;
	s0 =	rddreg [dreg:$0x4]  }
0x1d4: {  	s0 =	sadd.s32 @!p0 $0x100000, s0  }
0x1d5: {  	[sflag:s0] =	ssyncadd.tile.s32 @!p0 $0x1;
	_ =	shalt  }
.LBB2_2:
.Ltmp3:
0x1d6: {  	(pc) =	sbr.rel .LBB2_5-.Ltmp3, $2  }
0x1d7: {  	_ =	sdelay $0x2  }
0x1d8: {  	s31 =	stileid.u32;
	s5 =	rddreg [dreg:$0xb]  }
.Lfunc_end2:
_tile_overlayer_lowered:
.L_overlay_start_2:
0x1d9: {  	(tag) =	ssettag $0x2  }
0x1da: {  	s0 =	rddreg [dreg:$0x0];
	s2 =	stileid.u32  }
0x1db: {  	s1 =	rddreg [dreg:$0x1];
	p0 =	sne.s32 s2, $0x0  }
0x1dc: {  	s3 =	rddreg [dreg:$0x2];
	[bflag:$0x3] =	sbarrier.arrive $0xFFFF;
	s2 =	simm.s32 @!p0 $0x1C06  }
0x1dd: {  	[timem:s3], [sflag:s2] =	dma.local @!p0 [hbm:s0], s1  }
0x1de: {  	s0 =	simm.s32 @!p0 $0x6  }
0x1df: {  	_ =	swait.ge @!p0 [sflag:s0], s1  }
0x1e0: {  	s1 =	ssub.s32 @!p0 $0x0, s1;
	[sflag:s0] =	ssyncset.done @!p0 $0x0  }
0x1e1: {  	[sflag:s0] =	ssyncadd.s32 @!p0 s1  }
0x1e2: {  	[bflag:$0x3] =	sbarrier.arrive $0xFFFF  }
0x1e3: {  	_ =	shalt  }

// kernel: kernel.14.cloned.1.call-start
scs
__scs_entry_jumppad:
0x0: {  	(pc) =	sbr.rel $0x88, $3  }
0x1: {  	(tag) =	ssettag $0x0;
	lr =	simm.s32 $0x1  }
0x2: {  	[smem:$0x3F9B] =	sst lr;
	_ =	strace $0xD0000000  }
0x3: {  	_ = 	snop  }
0x4: {  	_ = 	snop  }
0x5: {  	_ = 	snop  }
0x6: {  	_ = 	snop  }
0x7: {  	_ = 	snop  }
__scs_overlays_trampoline_lowered:
0x8: {  	[smem:$0x3FAA] =	sst s0  }
0x9: {  	[smem:$0x3FAB] =	sst s1  }
0xa: {  	[smem:$0x3FAC] =	sst s2  }
0xb: {  	[smem:$0x3FAD] =	sst s3  }
0xc: {  	[smem:$0x3FAE] =	sst s4  }
0xd: {  	[smem:$0x3FAF] =	sst s5  }
0xe: {  	[smem:$0x3FB0] =	sst s6  }
0xf: {  	[smem:$0x3FB1] =	sst s7  }
0x10: {  	[smem:$0x3FB2] =	sst s8  }
0x11: {  	[smem:$0x3FB3] =	sst s9;
	s0 =	simm.s32 @!p0 $0x0  }
0x12: {  	s1 =	sld [smem:$0x3F99];
	s0 =	simm.s32 @p0 $0x1  }
0x13: {  	[smem:$0x3FB4] =	sst s0;
	s0 =	simm.s32 @!p1 $0x0  }
0x14: {  	s2 =	sld [smem:$0x3F98];
	s0 =	simm.s32 @p1 $0x1  }
0x15: {  	[smem:$0x3FB5] =	sst s0;
	s0 =	simm.s32 @!p2 $0x0  }
0x16: {  	s3 =	sld [smem:$0x3FDB];
	s0 =	simm.s32 @p2 $0x1  }
0x17: {  	s4 =	simm.s32 $0x1BF5;
	[smem:$0x3FB7] =	sst s0  }
0x18: {  	s0 =	sld [smem:$0x3F9A];
	_ =	swait.ge [sflag:s4], $0x0  }
0x19: {  	s7 =	sld [smem:$0x3F9B]  }
0x1a: {  	s8 =	sadd.s32 $0xFFFFE003, lr  }
0x1b: {  	s9 =	sadd.s32 $0xFFFFFEF7, lr;
	s5 =	simm.s32 $0xFFFFFFFF;
	p2 =	slt.u32 s8, $0xFFFFF086  }
0x1c: {  	p1 =	slt.u32 s9, $0xF7A;
	s5 =	simm.s32 @!p2 $0x0  }
0x1d: {  	s5 =	simm.s32 @p1 $0x1;
	p0 =	seq.s32 s7, s2  }
0x1e: {  	s7 =	smul.u32 @!p0 $0xF7A, s2;
	p2 =	seq.s32 @!p0 s5, $0x0  }
0x1f: {  	s9 =	smul.u32 $0xF7A, s1;
	s8 =	simm.s32 @!p0 $0x1BF5;
	p2 =	por !p2, p0  }
0x20: {  	[sflag:s8] =	ssyncset.s32 @!p0 $0xFFFFF086;
	s6 =	sadd.s32 @!p0 s3, s7;
	s7 =	simm.s32 @!p0 $0x108  }
0x21: {  	s3 =	sadd.s32 s3, s9;
	s6 =	sadd.s32 @!p0 $0x88, s6;
	s7 =	simm.s32 @p2 $0x1082  }
0x22: {  	[simem:s7], [sflag:s8] =	dma.local @!p0 [hbm:s6], $0xF7A  }
0x23: {  	s9 =	sor.u32 $0xD0000000, s2;
	s6 =	simm.s32 $0x108;
	_ =	swait.ge @!p0 [sflag:s8], $0x0  }
0x24: {  	s3 =	sadd.s32 $0x88, s3;
	s6 =	simm.s32 @!p1 $0x1082;
	[sflag:s4] =	ssyncset.s32 $0xFFFFF086  }
0x25: {  	[simem:s6], [sflag:s4] =	dma.local [hbm:s3], $0xF7A  }
0x26: {  	[smem:$0x3F9B] =	sst s1;
	(tag) =	ssettag s2;
	_ =	strace s9  }
0x27: {  	s1 =	sld [smem:$0x3FAB]  }
0x28: {  	s2 =	sld [smem:$0x3FAC]  }
0x29: {  	s4 =	sld [smem:$0x3FAE]  }
0x2a: {  	p0 =	seq.s32 s5, $0x0;
	s5 =	sld [smem:$0x3FAF]  }
0x2b: {  	s6 =	sld [smem:$0x3FB0]  }
0x2c: {  	s7 =	sld [smem:$0x3FB1]  }
0x2d: {  	s3 =	simm.s32 $0x108;
	s8 =	sld [smem:$0x3FB2]  }
0x2e: {  	s3 =	simm.s32 @!p0 $0x1082;
	s9 =	sld [smem:$0x3FB3]  }
0x2f: {  	lr =	sadd.s32 s0, s3;
	s0 =	sld [smem:$0x3FAA]  }
0x30: {  	s3 =	sld [smem:$0x3FAD]  }
0x31: {  	[smem:$0x3FB6] =	sst s10  }
0x32: {  	s10 =	sld [smem:$0x3FB4];
	_ =	sdelay $0x3  }
0x33: {  	p0 =	seq.s32 s10, $0x1;
	s10 =	sld [smem:$0x3FB6];
	_ =	sdelay $0x3  }
0x34: {  	[smem:$0x3FB6] =	sst s10  }
0x35: {  	s10 =	sld [smem:$0x3FB5];
	_ =	sdelay $0x3  }
0x36: {  	p1 =	seq.s32 s10, $0x1;
	s10 =	sld [smem:$0x3FB6];
	_ =	sdelay $0x3  }
0x37: {  	[smem:$0x3FB6] =	sst s10  }
0x38: {  	s10 =	sld [smem:$0x3FB7]  }
0x39: {  	_ = 	snop;
	(pc) =	sbr.ind lr, $3  }
0x3a: {  	_ = 	snop  }
0x3b: {  	_ = 	snop  }
0x3c: {  	p2 =	seq.s32 s10, $0x1;
	s10 =	sld [smem:$0x3FB6]  }
0x3d: {  	_ =	shalt  }
0x3e: {  	_ =	shalt  }
0x3f: {  	_ =	shalt  }
0x40: {  	_ =	shalt  }
0x41: {  	_ =	shalt  }
0x42: {  	_ =	shalt  }
0x43: {  	_ =	shalt  }
0x44: {  	_ =	shalt  }
0x45: {  	_ =	shalt  }
0x46: {  	_ =	shalt  }
0x47: {  	_ =	shalt  }
0x48: {  	_ =	shalt  }
0x49: {  	_ =	shalt  }
0x4a: {  	_ =	shalt  }
0x4b: {  	_ =	shalt  }
0x4c: {  	_ =	shalt  }
0x4d: {  	_ =	shalt  }
0x4e: {  	_ =	shalt  }
0x4f: {  	_ =	shalt  }
0x50: {  	_ =	shalt  }
0x51: {  	_ =	shalt  }
0x52: {  	_ =	shalt  }
0x53: {  	_ =	shalt  }
0x54: {  	_ =	shalt  }
0x55: {  	_ =	shalt  }
0x56: {  	_ =	shalt  }
0x57: {  	_ =	shalt  }
0x58: {  	_ =	shalt  }
0x59: {  	_ =	shalt  }
0x5a: {  	_ =	shalt  }
0x5b: {  	_ =	shalt  }
0x5c: {  	_ =	shalt  }
0x5d: {  	_ =	shalt  }
0x5e: {  	_ =	shalt  }
0x5f: {  	_ =	shalt  }
0x60: {  	_ =	shalt  }
0x61: {  	_ =	shalt  }
0x62: {  	_ =	shalt  }
0x63: {  	_ =	shalt  }
0x64: {  	_ =	shalt  }
0x65: {  	_ =	shalt  }
0x66: {  	_ =	shalt  }
0x67: {  	_ =	shalt  }
0x68: {  	_ =	shalt  }
0x69: {  	_ =	shalt  }
0x6a: {  	_ =	shalt  }
0x6b: {  	_ =	shalt  }
0x6c: {  	_ =	shalt  }
0x6d: {  	_ =	shalt  }
0x6e: {  	_ =	shalt  }
0x6f: {  	_ =	shalt  }
0x70: {  	_ =	shalt  }
0x71: {  	_ =	shalt  }
0x72: {  	_ =	shalt  }
0x73: {  	_ =	shalt  }
0x74: {  	_ =	shalt  }
0x75: {  	_ =	shalt  }
0x76: {  	_ =	shalt  }
0x77: {  	_ =	shalt  }
0x78: {  	_ =	shalt  }
0x79: {  	_ =	shalt  }
0x7a: {  	_ =	shalt  }
0x7b: {  	_ =	shalt  }
0x7c: {  	_ =	shalt  }
0x7d: {  	_ =	shalt  }
0x7e: {  	_ =	shalt  }
0x7f: {  	_ =	shalt  }
0x80: {  	_ =	shalt  }
0x81: {  	_ =	shalt  }
0x82: {  	_ =	shalt  }
0x83: {  	_ =	shalt  }
0x84: {  	_ =	shalt  }
0x85: {  	_ =	shalt  }
0x86: {  	_ =	shalt  }
0x87: {  	_ =	shalt  }
.Lfunc_end0:
.L_simem_size_0:
called_computation.2_lowered:
.L_overlay_start_0:
0x88: {  	s2 =	sld [smem:$0x3FD9]  }
0x89: {  	s3 =	sld [smem:$0x3FFE];
	_ =	sdelay $0x1  }
0x8a: {  	s1 =	srdreg.scid  }
0x8b: {  	s0 =	sand.u32 $0x1, s1  }
0x8c: {  	s17 =	sshll.u32 s0, $0xA;
	s2 =	sadd.s32 s3, s2  }
0x8d: {  	s2 =	sadd.s32 s2, s17  }
0x8e: {  	[smem:$0x3FC2] =	sst s2  }
0x8f: {  	_ = 	snop  }
0x90: {  	s2 =	sld [smem:$0x3FD0];
	(tm) =	ssettm $0x1  }
0x91: {  	s18 =	sld [smem:$0x3FFB];
	_ =	sdelay $0x3  }
0x92: {  	_ =	strace s18  }
0x93: {  	s3 =	sld [smem:$0x3FFC];
	_ =	sdelay $0x3  }
0x94: {  	_ =	strace s3  }
0x95: {  	s3 =	sld [smem:$0x3FFD];
	_ =	sdelay $0x3  }
0x96: {  	_ =	strace s3  }
0x97: {  	_ =	strace $0x8FFFFFFF  }
0x98: {  	s19 =	sld [smem:$0x3FDB];
	_ =	sdelay $0x1  }
0x99: {  	s4 =	simm.s32 $_scs_section_size  }
0x9a: {  	s5 =	simm.s32 $_size__tile_overlayer_lowered;
	s6 =	simm.s32 $_tile_overlayer_lowered  }
0x9b: {  	s22 =	simm.s32 $0x1BFF;
	s21 =	sshll.u32 s6, $0x1;
	s3 =	sadd.s32 s4, s19  }
0x9c: {  	s7 =	simm.s32 $0x0;
	s20 =	sshll.u32 s5, $0x1;
	s5 =	sadd.s32 s21, s3  }
0x9d: {  	[timem:s7], [sflag:s22] =	dma.local [hbm:s5], s20  }
0x9e: {  	_ =	swait.ge [sflag:s22], s20  }
0x9f: {  	s4 =	ssub.s32 $0x0, s20;
	[sflag:s22] =	ssyncset.done $0x0  }
0xa0: {  	[sflag:s22] =	ssyncadd.s32 s4;
	_ =	sdelay $0x1  }
0xa1: {  	s23 =	simm.s32 $0x1B8B  }
0xa2: {  	_ =	swait.ge [sflag:s23], $0x1  }
0xa3: {  	[sflag:s23] =	ssyncset.done $0x0  }
0xa4: {  	s25 =	simm.s32 $0x1B8E;
	s24 =	sld [smem:$0x3FFE];
	[sflag:s23] =	ssyncadd.s32 $0xFFFFFFFF  }
0xa5: {  	s26 =	simm.s32 $execute0_lowered;
	[smem:$0x3FD2] =	sst s25  }
0xa6: {  	s5 =	sshll.u32 s26, $0x1;
	_ =	strace $0x8000004C;
	[dreg:$0x1] =	wrdreg $0xFFFFFFFF  }
0xa7: {  	s28 =	simm.s32 $_size_execute0_lowered;
	s3 =	sadd.s32 s3, s5;
	[dreg:$0x0] =	wrdreg $0x0  }
0xa8: {  	s5 =	sshll.u32 s28, $0x1;
	[dreg:$0x2] =	wrdreg s3  }
0xa9: {  	[dreg:$0x3] =	wrdreg s5  }
0xaa: {  	[dreg:$0x4] =	wrdreg $0xC0  }
0xab: {  	_ =	task [dreg:s7], $0x5FFFF  }
0xac: {  	[dreg:$0x1] =	wrdreg $0xFFFFFFFF  }
0xad: {  	[dreg:$0x0] =	wrdreg $0x60  }
0xae: {  	[dreg:$0x2] =	wrdreg s2  }
0xaf: {  	[dreg:$0x3] =	wrdreg s24  }
0xb0: {  	[dreg:$0x4] =	wrdreg $0x118000  }
0xb1: {  	[dreg:$0x5] =	wrdreg $0x166400  }
0xb2: {  	[dreg:$0x6] =	wrdreg $0x9  }
0xb3: {  	_ =	task.clear_ibuf [dreg:s7], $0x7FFFF;
	_ =	strace $0x9000004C  }
0xb4: {  	s29 =	simm.s32 $0x9;
	_ =	strace $0x8000004E  }
0xb5: {  	_ =	swait.ge [sflag:s29], $0x1  }
0xb6: {  	[sflag:s29] =	ssyncadd.s32 $0xFFFFFFFF  }
0xb7: {  	_ =	strace $0x9000004E  }
0xb8: {  	_ =	sfence  }
0xb9: {  	s30 =	sld [smem:$0x0];
	_ =	sdelay $0x2  }
0xba: {  	s31 =	sshll.u32 s1, $0xD;
	s1 =	sshrl.u32 s1, $0x2  }
0xbb: {  	s3 =	sand.u32 $0x4000, s31;
	s1 =	sadd.s32 s1, s30  }
0xbc: {  	s0 =	sor.u32 s3, s0;
	s1 =	sshll.u32 s1, $0x11  }
0xbd: {  	s0 =	sor.u32 s1, s0  }
0xbe: {  	s0 =	sadd.s32 $0x8F2B, s0  }
0xbf: {  	[sflag:s0] =	ssyncadd.remote.s32 $0x1  }
0xc0: {  	_ =	sfence.sel $0xFFFF  }
0xc1: {  	[dreg:$0x0] =	wrdreg $0xFFFFFFFF;
	(pc) =	sbr.abs _section_cstart, $3  }
0xc2: {  	[dreg:$0x1] =	wrdreg $0xFFFFFFFF  }
0xc3: {  	_ =	task.clear_ibuf [dreg:s7], $0x2FFFF;
	_ =	strace $0x9FFFFFFF  }
0xc4: {  	(tm) =	ssettm $0x7FFFFFFF  }
0xc5: {  	_ =	shalt  }
tec
execute0_lowered:
.L_overlay_start_1:
0x0: {  	(tag) =	ssettag $0x1  }
0x1: {  	s25 =	rddreg [dreg:$0x0]  }
0x2: {  	s0 =	srdreg.scid;
	s1 =	rddreg [dreg:$0x1]  }
0x3: {  	s31 =	stileid.u32;
	s2 =	rddreg [dreg:$0x2]  }
0x4: {  	s11 =	simm.s32 $0x2;
	s29 =	simm.s32 $0x3;
	s12 =	simm.s32 $0x1  }
0x5: {  	s0 =	sand.u32 $0x1, s0;
	s3 =	sshll.u32 s31, $0x1;
	s6 =	smul.u32 $0x4E40, s31  }
0x6: {  	p0 =	por $0x0, $0x0;
	s9 =	smul.u32 $0x4E20, s31;
	s4 =	sor.u32 s0, s3  }
0x7: {  	s3 =	rddreg [dreg:$0x3];
	s7 =	smul.u32 $0x4E400, s0;
	s0 =	ssub.s32 $0x2, s0  }
0x8: {  	s5 =	smul.u32 $0x5000, s4;
	s4 =	simm.s32 $0x0;
	s8 =	sshrl.u32 s6, $0x3  }
0x9: {  	s14 =	sshrl.u32 s9, $0x3;
	s16 =	sshrl.u32 s0, $0x1;
	s19 =	sadd.s32 s6, s2  }
0xa: {  	s22 =	sadd.s32 s9, s3;
	s9 =	simm.s32 $0x6;
	[smem:$0x7FF] =	sst s4  }
0xb: {  	s7 =	sadd.s32 s6, s7;
	s13 =	sadd.s32 s8, s1;
	s15 =	sadd.s32 s25, s14  }
0xc: {  	s0 =	ssub.s32 s0, s16;
	s30 =	sshrl.u32 s22, $0x3;
	s8 =	simm.s32 $0x400  }
0xd: {  	s16 =	simm.s32 $0x1800;
	s22 =	simm.s32 $0xC00;
	s14 =	simm.s32 $0x4  }
0xe: {  	_ =	strace $0x8000004D;
	s5 =	sshrl.u32 s5, $0x3;
	s7 =	sshrl.u32 s7, $0x3  }
0xf: {  	[dreg:$0x6] =	wrdreg s15;
	s0 =	smax.u32 s0, $0x1;
	s10 =	sadd.s32 s5, s1  }
0x10: {  	s1 =	sadd.s32 s7, s1;
	s5 =	sadd.s32 $0x15400, s13;
	s7 =	sshrl.u32 s19, $0x3  }
0x11: {  	p1 =	sne.s32 s0, $0x1;
	s19 =	simm.s32 $0x1400;
	s13 =	simm.s32 $0x5  }
0x12: {  	[dreg:$0x5] =	wrdreg s5;
	s17 =	sadd.s32 $0x1400, s10;
	s18 =	sadd.s32 $0x1500, s10  }
0x13: {  	s20 =	sadd.s32 $0x1600, s10;
	s5 =	sshll.u32 s31, $0x6;
	s21 =	sadd.s32 $0x1700, s10  }
0x14: {  	s26 =	sadd.s32 $0x1800, s10;
	s24 =	sadd.s32 $0x1900, s10;
	[dreg:$0x7] =	wrdreg s17  }
.Ltmp0:
0x15: {  	s23 =	sadd.s32 $0x1A00, s10;
	[dreg:$0x8] =	wrdreg s18;
	(pc) =	sbr.rel @!p1 .LBB2_5-.Ltmp0, $4  }
0x16: {  	s15 =	sadd.s32 $0x1D00, s10;
	s6 =	sadd.s32 $0x1F200, s1;
	[dreg:$0x9] =	wrdreg s20  }
0x17: {  	s1 =	sadd.s32 $0xFFFFFFFF, s0;
	s28 =	sor.u32 $0x1C03, s5;
	[dreg:$0xa] =	wrdreg s21  }
0x18: {  	s21 =	sadd.s32 $0x1B00, s10;
	s17 =	sadd.s32 $0x1C00, s10;
	s20 =	simm.s32 $0x800  }
0x19: {  	s10 =	simm.s32 $0x9800;
	s18 =	simm.s32 $0x1000;
	s0 =	rddreg [dreg:$0x5]  }
0x1a: {  	[spmem:s7], [sflag:s28] =	dma.local [hbm:s0], $0x9C8  }
0x1b: {  	s0 =	rddreg [dreg:$0x6]  }
0x1c: {  	[spmem:s30], [sflag:s28] =	dma.local [hbm:s0], $0x9C4  }
0x1d: {  	s0 =	rddreg [dreg:$0x7]  }
0x1e: {  	[tilespmem:s4], [sflag:$0x2] =	stream.linear.gather [hbm4b:s0+s4], $0x800, $0x38;
	[tilespmem:$0x1B460] =	vst v63  }
0x1f: {  	s31 =	rddreg [dreg:$0x8]  }
0x20: {  	[tilespmem:s20], [sflag:$0x2] =	stream.linear.gather [hbm4b:s31+s4], $0x800, $0x38;
	[tilespmem:$0x1B460] =	vst v63  }
0x21: {  	_ =	swait.ge [sflag:s11], $0x800  }
0x22: {  	[sflag:s11] =	ssyncset.done $0x0  }
0x23: {  	[sflag:s11] =	ssyncadd.s32 $0xFFFFF800  }
0x24: {  	[tilespmem:s16], [sflag:$0x1] =	stream.indirect.gather [hbm4b:s25+s8], $0x20, s4, s8, $0xb8;
	[tilespmem:$0x1B460] =	vst v63  }
0x25: {  	_ =	swait.ge [sflag:s11], $0x800  }
0x26: {  	[sflag:s11] =	ssyncset.done $0x0  }
0x27: {  	[sflag:s11] =	ssyncadd.s32 $0xFFFFF800  }
0x28: {  	[tilespmem:s10], [sflag:$0x1] =	stream.indirect.gather [hbm4b:s25+s8], $0x20, s20, s8, $0xb8;
	[tilespmem:$0x1B460] =	vst v63  }
0x29: {  	_ =	swait.ge [sflag:s29], $0x9C8  }
0x2a: {  	[sflag:s29] =	ssyncset.done $0x0  }
0x2b: {  	[sflag:s29] =	ssyncadd.s32 $0xFFFFF638  }
0x2c: {  	_ =	swait.ge [sflag:s29], $0x9C4  }
0x2d: {  	[sflag:s29] =	ssyncset.done $0x0  }
0x2e: {  	[sflag:s29] =	ssyncadd.s32 $0xFFFFF63C  }
0x2f: {  	[bflag:$0x0] =	sbarrier.arrive $0xFFFF  }
0x30: {  	_ =	swait.ge [sflag:s12], $0x8000  }
0x31: {  	[sflag:s12] =	ssyncset.done $0x0  }
0x32: {  	[sflag:s12] =	ssyncadd.s32 $0xFFFF8000  }
0x33: {  	[spmem:s2] =	stream.indirect.scatter.add.f32 [tilespmem:s16], [sflag:$0x4], $0x20, s8, s8, $0xb8;
	[tilespmem:$0x1B460] =	vst v63  }
0x34: {  	s0 =	rddreg [dreg:$0x9]  }
0x35: {  	[tilespmem:s18], [sflag:$0x2] =	stream.linear.gather [hbm4b:s0+s4], $0x800, $0x38;
	[tilespmem:$0x1B460] =	vst v63  }
0x36: {  	_ =	swait.ge [sflag:s12], $0x8000  }
0x37: {  	[sflag:s12] =	ssyncset.done $0x0  }
0x38: {  	[sflag:s12] =	ssyncadd.s32 $0xFFFF8000  }
0x39: {  	[spmem:s2] =	stream.indirect.scatter.add.f32 [tilespmem:s10], [sflag:$0x5], $0x20, s22, s8, $0xb8;
	[tilespmem:$0x1B460] =	vst v63  }
0x3a: {  	_ =	swait.ge [sflag:s14], $0x8000  }
0x3b: {  	[sflag:s14] =	ssyncset.done $0x0  }
0x3c: {  	[sflag:s14] =	ssyncadd.s32 $0xFFFF8000  }
0x3d: {  	_ =	swait.ge [sflag:s11], $0x800  }
0x3e: {  	[sflag:s11] =	ssyncset.done $0x0  }
0x3f: {  	[sflag:s11] =	ssyncadd.s32 $0xFFFFF800  }
0x40: {  	[tilespmem:s16], [sflag:$0x1] =	stream.indirect.gather [spmem:s3], $0x20, s18, s8, $0xb8;
	[tilespmem:$0x1B460] =	vst v63  }
0x41: {  	s0 =	rddreg [dreg:$0xa]  }
0x42: {  	[tilespmem:s4], [sflag:$0x2] =	stream.linear.gather [hbm4b:s0+s4], $0x800, $0x38;
	[tilespmem:$0x1B460] =	vst v63  }
0x43: {  	_ =	swait.ge [sflag:s12], $0x8000  }
0x44: {  	[sflag:s12] =	ssyncset.done $0x0  }
0x45: {  	[sflag:s12] =	ssyncadd.s32 $0xFFFF8000  }
0x46: {  	[spmem:s2] =	stream.indirect.scatter.add.f32 [tilespmem:s16], [sflag:$0x4], $0x20, s19, s8, $0xb8;
	[tilespmem:$0x1B460] =	vst v63  }
0x47: {  	_ =	swait.ge [sflag:s13], $0x8000  }
0x48: {  	[sflag:s13] =	ssyncset.done $0x0  }
0x49: {  	[sflag:s13] =	ssyncadd.s32 $0xFFFF8000  }
0x4a: {  	_ =	swait.ge [sflag:s11], $0x800  }
0x4b: {  	[sflag:s11] =	ssyncset.done $0x0  }
0x4c: {  	[sflag:s11] =	ssyncadd.s32 $0xFFFFF800  }
0x4d: {  	[tilespmem:s10], [sflag:$0x1] =	stream.indirect.gather [spmem:s3], $0x20, s4, s8, $0xb8;
	[tilespmem:$0x1B460] =	vst v63  }
0x4e: {  	_ = 	snop  }
0x4f: {  	[tilespmem:s20], [sflag:$0x2] =	stream.linear.gather [hbm4b:s26+s4], $0x800, $0x38;
	[tilespmem:$0x1B460] =	vst v63  }
0x50: {  	_ =	swait.ge [sflag:s12], $0x8000  }
0x51: {  	[sflag:s12] =	ssyncset.done $0x0  }
0x52: {  	[sflag:s12] =	ssyncadd.s32 $0xFFFF8000  }
0x53: {  	[spmem:s2] =	stream.indirect.scatter.add.f32 [tilespmem:s10], [sflag:$0x5], $0x20, s8, s8, $0xb8;
	[tilespmem:$0x1B460] =	vst v63  }
0x54: {  	_ =	swait.ge [sflag:s14], $0x8000  }
0x55: {  	[sflag:s14] =	ssyncset.done $0x0  }
0x56: {  	[sflag:s14] =	ssyncadd.s32 $0xFFFF8000  }
0x57: {  	_ =	swait.ge [sflag:s11], $0x800  }
0x58: {  	[sflag:s11] =	ssyncset.done $0x0  }
0x59: {  	[sflag:s11] =	ssyncadd.s32 $0xFFFFF800  }
0x5a: {  	[tilespmem:s16], [sflag:$0x1] =	stream.indirect.gather [spmem:s3], $0x20, s20, s8, $0xb8;
	[tilespmem:$0x1B460] =	vst v63  }
0x5b: {  	_ = 	snop  }
0x5c: {  	[tilespmem:s18], [sflag:$0x2] =	stream.linear.gather [hbm4b:s24+s4], $0x800, $0x38;
	[tilespmem:$0x1B460] =	vst v63  }
0x5d: {  	_ =	swait.ge [sflag:s12], $0x8000  }
0x5e: {  	[sflag:s12] =	ssyncset.done $0x0  }
0x5f: {  	[sflag:s12] =	ssyncadd.s32 $0xFFFF8000  }
0x60: {  	[spmem:s2] =	stream.indirect.scatter.add.f32 [tilespmem:s16], [sflag:$0x4], $0x20, s22, s8, $0xb8;
	[tilespmem:$0x1B460] =	vst v63  }
0x61: {  	_ =	swait.ge [sflag:s13], $0x8000  }
0x62: {  	[sflag:s13] =	ssyncset.done $0x0  }
0x63: {  	[sflag:s13] =	ssyncadd.s32 $0xFFFF8000  }
0x64: {  	_ =	swait.ge [sflag:s11], $0x800  }
0x65: {  	[sflag:s11] =	ssyncset.done $0x0  }
0x66: {  	[sflag:s11] =	ssyncadd.s32 $0xFFFFF800  }
0x67: {  	[tilespmem:s10], [sflag:$0x1] =	stream.indirect.gather [spmem:s3], $0x20, s18, s8, $0xb8;
	[tilespmem:$0x1B460] =	vst v63  }
0x68: {  	_ = 	snop  }
0x69: {  	[tilespmem:s4], [sflag:$0x2] =	stream.linear.gather [hbm4b:s23+s4], $0x800, $0x38;
	[tilespmem:$0x1B460] =	vst v63  }
0x6a: {  	_ =	swait.ge [sflag:s12], $0x8000  }
0x6b: {  	[sflag:s12] =	ssyncset.done $0x0  }
0x6c: {  	[sflag:s12] =	ssyncadd.s32 $0xFFFF8000  }
0x6d: {  	[spmem:s2] =	stream.indirect.scatter.add.f32 [tilespmem:s10], [sflag:$0x5], $0x20, s19, s8, $0xb8;
	[tilespmem:$0x1B460] =	vst v63  }
0x6e: {  	_ =	swait.ge [sflag:s14], $0x8000  }
0x6f: {  	[sflag:s14] =	ssyncset.done $0x0  }
0x70: {  	[sflag:s14] =	ssyncadd.s32 $0xFFFF8000  }
0x71: {  	_ =	swait.ge [sflag:s11], $0x800  }
0x72: {  	[sflag:s11] =	ssyncset.done $0x0  }
0x73: {  	[sflag:s11] =	ssyncadd.s32 $0xFFFFF800  }
0x74: {  	[tilespmem:s16], [sflag:$0x1] =	stream.indirect.gather [spmem:s3], $0x20, s4, s8, $0xb8;
	[tilespmem:$0x1B460] =	vst v63  }
0x75: {  	_ = 	snop  }
0x76: {  	[tilespmem:s20], [sflag:$0x2] =	stream.linear.gather [hbm4b:s21+s4], $0x800, $0x38;
	[tilespmem:$0x1B460] =	vst v63  }
0x77: {  	_ =	swait.ge [sflag:s12], $0x8000  }
0x78: {  	[sflag:s12] =	ssyncset.done $0x0  }
0x79: {  	[sflag:s12] =	ssyncadd.s32 $0xFFFF8000  }
0x7a: {  	[spmem:s2] =	stream.indirect.scatter.add.f32 [tilespmem:s16], [sflag:$0x4], $0x20, s8, s8, $0xb8;
	[tilespmem:$0x1B460] =	vst v63  }
0x7b: {  	_ =	swait.ge [sflag:s13], $0x8000  }
0x7c: {  	[sflag:s13] =	ssyncset.done $0x0  }
0x7d: {  	[sflag:s13] =	ssyncadd.s32 $0xFFFF8000  }
0x7e: {  	_ =	swait.ge [sflag:s11], $0x800  }
0x7f: {  	[sflag:s11] =	ssyncset.done $0x0  }
0x80: {  	[sflag:s11] =	ssyncadd.s32 $0xFFFFF800  }
0x81: {  	[tilespmem:s10], [sflag:$0x1] =	stream.indirect.gather [spmem:s3], $0x20, s20, s8, $0xb8;
	[tilespmem:$0x1B460] =	vst v63  }
0x82: {  	_ = 	snop  }
0x83: {  	[tilespmem:s18], [sflag:$0x2] =	stream.linear.gather [hbm4b:s17+s4], $0x800, $0x38;
	[tilespmem:$0x1B460] =	vst v63  }
0x84: {  	_ =	swait.ge [sflag:s12], $0x8000  }
0x85: {  	[sflag:s12] =	ssyncset.done $0x0  }
0x86: {  	[sflag:s12] =	ssyncadd.s32 $0xFFFF8000  }
0x87: {  	[spmem:s2] =	stream.indirect.scatter.add.f32 [tilespmem:s10], [sflag:$0x5], $0x20, s22, s8, $0xb8;
	[tilespmem:$0x1B460] =	vst v63  }
0x88: {  	_ =	swait.ge [sflag:s14], $0x8000  }
0x89: {  	[sflag:s14] =	ssyncset.done $0x0  }
0x8a: {  	[sflag:s14] =	ssyncadd.s32 $0xFFFF8000  }
0x8b: {  	_ =	swait.ge [sflag:s11], $0x800  }
0x8c: {  	[sflag:s11] =	ssyncset.done $0x0  }
0x8d: {  	[sflag:s11] =	ssyncadd.s32 $0xFFFFF800  }
0x8e: {  	[tilespmem:s16], [sflag:$0x1] =	stream.indirect.gather [spmem:s3], $0x20, s18, s8, $0xb8;
	[tilespmem:$0x1B460] =	vst v63  }
0x8f: {  	_ = 	snop  }
0x90: {  	[tilespmem:s4], [sflag:$0x2] =	stream.linear.gather [hbm4b:s15+s4], $0x800, $0x38;
	[tilespmem:$0x1B460] =	vst v63  }
0x91: {  	_ =	swait.ge [sflag:s12], $0x8000  }
0x92: {  	[sflag:s12] =	ssyncset.done $0x0  }
0x93: {  	[sflag:s12] =	ssyncadd.s32 $0xFFFF8000  }
0x94: {  	[spmem:s2] =	stream.indirect.scatter.add.f32 [tilespmem:s16], [sflag:$0x4], $0x20, s19, s8, $0xb8;
	[tilespmem:$0x1B460] =	vst v63  }
0x95: {  	_ =	swait.ge [sflag:s13], $0x8000  }
0x96: {  	[sflag:s13] =	ssyncset.done $0x0  }
0x97: {  	[sflag:s13] =	ssyncadd.s32 $0xFFFF8000  }
0x98: {  	_ =	swait.ge [sflag:s11], $0x800  }
0x99: {  	[sflag:s11] =	ssyncset.done $0x0  }
0x9a: {  	[sflag:s11] =	ssyncadd.s32 $0xFFFFF800  }
0x9b: {  	[tilespmem:s10], [sflag:$0x1] =	stream.indirect.gather [spmem:s3], $0x20, s4, s8, $0xb8;
	[tilespmem:$0x1B460] =	vst v63  }
0x9c: {  	_ =	swait.ge [sflag:s12], $0x8000  }
0x9d: {  	[sflag:s12] =	ssyncset.done $0x0  }
0x9e: {  	[sflag:s12] =	ssyncadd.s32 $0xFFFF8000  }
0x9f: {  	[spmem:s2] =	stream.indirect.scatter.add.f32 [tilespmem:s10], [sflag:$0x5], $0x20, s8, s8, $0xb8;
	[tilespmem:$0x1B460] =	vst v63  }
0xa0: {  	_ =	swait.ge [sflag:s14], $0x8000  }
0xa1: {  	[sflag:s14] =	ssyncset.done $0x0  }
0xa2: {  	[sflag:s14] =	ssyncadd.s32 $0xFFFF8000  }
0xa3: {  	_ =	swait.ge [sflag:s13], $0x8000  }
0xa4: {  	[sflag:s13] =	ssyncset.done $0x0  }
0xa5: {  	p1 =	sne.s32 s1, $0x1;
	[sflag:s13] =	ssyncadd.s32 $0xFFFF8000  }
.Ltmp1:
0xa6: {  	[bflag:$0x0] =	sbarrier.arrive $0xFFFF;
	(pc) =	sbr.rel @!p1 .LBB2_2-.Ltmp1, $4  }
0xa7: {  	s31 =	sor.u32 $0x1C06, s5;
	[dreg:$0xb] =	wrdreg s5  }
0xa8: {  	[hbm:s6], [sflag:s31] =	dma.local [spmem:s7], $0x9C8  }
0xa9: {  	s1 =	sadd.s32 $0xFFFFFFFF, s1;
	_ =	swait.ge [sflag:s9], $0x9C8  }
0xaa: {  	p0 =	por $0x1, $0x1;
	s0 =	rddreg [dreg:$0x5];
	[sflag:s9] =	ssyncset.done $0x0  }
.LBB2_3:
0xab: {  	[sflag:s9] =	ssyncadd.s32 $0xFFFFF638  }
0xac: {  	[spmem:s7], [sflag:s28] =	dma.local [hbm:s0], $0x9C8  }
0xad: {  	s0 =	rddreg [dreg:$0x6]  }
0xae: {  	[spmem:s30], [sflag:s28] =	dma.local [hbm:s0], $0x9C4  }
0xaf: {  	s0 =	rddreg [dreg:$0x7]  }
0xb0: {  	[tilespmem:s4], [sflag:$0x2] =	stream.linear.gather [hbm4b:s0+s4], $0x800, $0x38;
	[tilespmem:$0x1B460] =	vst v63  }
0xb1: {  	s5 =	rddreg [dreg:$0x8]  }
0xb2: {  	[tilespmem:s20], [sflag:$0x2] =	stream.linear.gather [hbm4b:s5+s4], $0x800, $0x38;
	[tilespmem:$0x1B460] =	vst v63  }
0xb3: {  	_ =	swait.ge [sflag:s11], $0x800  }
0xb4: {  	[sflag:s11] =	ssyncset.done $0x0  }
0xb5: {  	[sflag:s11] =	ssyncadd.s32 $0xFFFFF800  }
0xb6: {  	[tilespmem:s16], [sflag:$0x1] =	stream.indirect.gather [hbm4b:s25+s8], $0x20, s4, s8, $0xb8;
	[tilespmem:$0x1B460] =	vst v63  }
0xb7: {  	_ =	swait.ge [sflag:s11], $0x800  }
0xb8: {  	[sflag:s11] =	ssyncset.done $0x0  }
0xb9: {  	[sflag:s11] =	ssyncadd.s32 $0xFFFFF800  }
0xba: {  	[tilespmem:s10], [sflag:$0x1] =	stream.indirect.gather [hbm4b:s25+s8], $0x20, s20, s8, $0xb8;
	[tilespmem:$0x1B460] =	vst v63  }
0xbb: {  	_ =	swait.ge [sflag:s29], $0x9C8  }
0xbc: {  	[sflag:s29] =	ssyncset.done $0x0  }
0xbd: {  	[sflag:s29] =	ssyncadd.s32 $0xFFFFF638  }
0xbe: {  	_ =	swait.ge [sflag:s29], $0x9C4  }
0xbf: {  	[sflag:s29] =	ssyncset.done $0x0  }
0xc0: {  	[sflag:s29] =	ssyncadd.s32 $0xFFFFF63C  }
0xc1: {  	[bflag:$0x0] =	sbarrier.arrive $0xFFFF  }
0xc2: {  	_ =	swait.ge [sflag:s12], $0x8000  }
0xc3: {  	[sflag:s12] =	ssyncset.done $0x0  }
0xc4: {  	[sflag:s12] =	ssyncadd.s32 $0xFFFF8000  }
0xc5: {  	[spmem:s2] =	stream.indirect.scatter.add.f32 [tilespmem:s16], [sflag:$0x4], $0x20, s8, s8, $0xb8;
	[tilespmem:$0x1B460] =	vst v63  }
0xc6: {  	s5 =	rddreg [dreg:$0x9]  }
0xc7: {  	[tilespmem:s18], [sflag:$0x2] =	stream.linear.gather [hbm4b:s5+s4], $0x800, $0x38;
	[tilespmem:$0x1B460] =	vst v63  }
0xc8: {  	_ =	swait.ge [sflag:s12], $0x8000  }
0xc9: {  	[sflag:s12] =	ssyncset.done $0x0  }
0xca: {  	[sflag:s12] =	ssyncadd.s32 $0xFFFF8000  }
0xcb: {  	[spmem:s2] =	stream.indirect.scatter.add.f32 [tilespmem:s10], [sflag:$0x5], $0x20, s22, s8, $0xb8;
	[tilespmem:$0x1B460] =	vst v63  }
0xcc: {  	_ =	swait.ge [sflag:s14], $0x8000  }
0xcd: {  	[sflag:s14] =	ssyncset.done $0x0  }
0xce: {  	[sflag:s14] =	ssyncadd.s32 $0xFFFF8000  }
0xcf: {  	_ =	swait.ge [sflag:s11], $0x800  }
0xd0: {  	[sflag:s11] =	ssyncset.done $0x0  }
0xd1: {  	[sflag:s11] =	ssyncadd.s32 $0xFFFFF800  }
0xd2: {  	[tilespmem:s16], [sflag:$0x1] =	stream.indirect.gather [spmem:s3], $0x20, s18, s8, $0xb8;
	[tilespmem:$0x1B460] =	vst v63  }
0xd3: {  	s5 =	rddreg [dreg:$0xa]  }
0xd4: {  	[tilespmem:s4], [sflag:$0x2] =	stream.linear.gather [hbm4b:s5+s4], $0x800, $0x38;
	[tilespmem:$0x1B460] =	vst v63  }
0xd5: {  	_ =	swait.ge [sflag:s12], $0x8000  }
0xd6: {  	[sflag:s12] =	ssyncset.done $0x0  }
0xd7: {  	[sflag:s12] =	ssyncadd.s32 $0xFFFF8000  }
0xd8: {  	[spmem:s2] =	stream.indirect.scatter.add.f32 [tilespmem:s16], [sflag:$0x4], $0x20, s19, s8, $0xb8;
	[tilespmem:$0x1B460] =	vst v63  }
0xd9: {  	_ =	swait.ge [sflag:s13], $0x8000  }
0xda: {  	[sflag:s13] =	ssyncset.done $0x0  }
0xdb: {  	[sflag:s13] =	ssyncadd.s32 $0xFFFF8000  }
0xdc: {  	_ =	swait.ge [sflag:s11], $0x800  }
0xdd: {  	[sflag:s11] =	ssyncset.done $0x0  }
0xde: {  	[sflag:s11] =	ssyncadd.s32 $0xFFFFF800  }
0xdf: {  	[tilespmem:s10], [sflag:$0x1] =	stream.indirect.gather [spmem:s3], $0x20, s4, s8, $0xb8;
	[tilespmem:$0x1B460] =	vst v63  }
0xe0: {  	_ = 	snop  }
0xe1: {  	[tilespmem:s20], [sflag:$0x2] =	stream.linear.gather [hbm4b:s26+s4], $0x800, $0x38;
	[tilespmem:$0x1B460] =	vst v63  }
0xe2: {  	_ =	swait.ge [sflag:s12], $0x8000  }
0xe3: {  	[sflag:s12] =	ssyncset.done $0x0  }
0xe4: {  	[sflag:s12] =	ssyncadd.s32 $0xFFFF8000  }
0xe5: {  	[spmem:s2] =	stream.indirect.scatter.add.f32 [tilespmem:s10], [sflag:$0x5], $0x20, s8, s8, $0xb8;
	[tilespmem:$0x1B460] =	vst v63  }
0xe6: {  	_ =	swait.ge [sflag:s14], $0x8000  }
0xe7: {  	[sflag:s14] =	ssyncset.done $0x0  }
0xe8: {  	[sflag:s14] =	ssyncadd.s32 $0xFFFF8000  }
0xe9: {  	_ =	swait.ge [sflag:s11], $0x800  }
0xea: {  	[sflag:s11] =	ssyncset.done $0x0  }
0xeb: {  	[sflag:s11] =	ssyncadd.s32 $0xFFFFF800  }
0xec: {  	[tilespmem:s16], [sflag:$0x1] =	stream.indirect.gather [spmem:s3], $0x20, s20, s8, $0xb8;
	[tilespmem:$0x1B460] =	vst v63  }
0xed: {  	_ = 	snop  }
0xee: {  	[tilespmem:s18], [sflag:$0x2] =	stream.linear.gather [hbm4b:s24+s4], $0x800, $0x38;
	[tilespmem:$0x1B460] =	vst v63  }
0xef: {  	_ =	swait.ge [sflag:s12], $0x8000  }
0xf0: {  	[sflag:s12] =	ssyncset.done $0x0  }
0xf1: {  	[sflag:s12] =	ssyncadd.s32 $0xFFFF8000  }
0xf2: {  	[spmem:s2] =	stream.indirect.scatter.add.f32 [tilespmem:s16], [sflag:$0x4], $0x20, s22, s8, $0xb8;
	[tilespmem:$0x1B460] =	vst v63  }
0xf3: {  	_ =	swait.ge [sflag:s13], $0x8000  }
0xf4: {  	[sflag:s13] =	ssyncset.done $0x0  }
0xf5: {  	[sflag:s13] =	ssyncadd.s32 $0xFFFF8000  }
0xf6: {  	_ =	swait.ge [sflag:s11], $0x800  }
0xf7: {  	[sflag:s11] =	ssyncset.done $0x0  }
0xf8: {  	[sflag:s11] =	ssyncadd.s32 $0xFFFFF800  }
0xf9: {  	[tilespmem:s10], [sflag:$0x1] =	stream.indirect.gather [spmem:s3], $0x20, s18, s8, $0xb8;
	[tilespmem:$0x1B460] =	vst v63  }
0xfa: {  	_ = 	snop  }
0xfb: {  	[tilespmem:s4], [sflag:$0x2] =	stream.linear.gather [hbm4b:s23+s4], $0x800, $0x38;
	[tilespmem:$0x1B460] =	vst v63  }
0xfc: {  	_ =	swait.ge [sflag:s12], $0x8000  }
0xfd: {  	[sflag:s12] =	ssyncset.done $0x0  }
0xfe: {  	[sflag:s12] =	ssyncadd.s32 $0xFFFF8000  }
0xff: {  	[spmem:s2] =	stream.indirect.scatter.add.f32 [tilespmem:s10], [sflag:$0x5], $0x20, s19, s8, $0xb8;
	[tilespmem:$0x1B460] =	vst v63  }
0x100: {  	_ =	swait.ge [sflag:s14], $0x8000  }
0x101: {  	[sflag:s14] =	ssyncset.done $0x0  }
0x102: {  	[sflag:s14] =	ssyncadd.s32 $0xFFFF8000  }
0x103: {  	_ =	swait.ge [sflag:s11], $0x800  }
0x104: {  	[sflag:s11] =	ssyncset.done $0x0  }
0x105: {  	[sflag:s11] =	ssyncadd.s32 $0xFFFFF800  }
0x106: {  	[tilespmem:s16], [sflag:$0x1] =	stream.indirect.gather [spmem:s3], $0x20, s4, s8, $0xb8;
	[tilespmem:$0x1B460] =	vst v63  }
0x107: {  	_ = 	snop  }
0x108: {  	[tilespmem:s20], [sflag:$0x2] =	stream.linear.gather [hbm4b:s21+s4], $0x800, $0x38;
	[tilespmem:$0x1B460] =	vst v63  }
0x109: {  	_ =	swait.ge [sflag:s12], $0x8000  }
0x10a: {  	[sflag:s12] =	ssyncset.done $0x0  }
0x10b: {  	[sflag:s12] =	ssyncadd.s32 $0xFFFF8000  }
0x10c: {  	[spmem:s2] =	stream.indirect.scatter.add.f32 [tilespmem:s16], [sflag:$0x4], $0x20, s8, s8, $0xb8;
	[tilespmem:$0x1B460] =	vst v63  }
0x10d: {  	_ =	swait.ge [sflag:s13], $0x8000  }
0x10e: {  	[sflag:s13] =	ssyncset.done $0x0  }
0x10f: {  	[sflag:s13] =	ssyncadd.s32 $0xFFFF8000  }
0x110: {  	_ =	swait.ge [sflag:s11], $0x800  }
0x111: {  	[sflag:s11] =	ssyncset.done $0x0  }
0x112: {  	[sflag:s11] =	ssyncadd.s32 $0xFFFFF800  }
0x113: {  	[tilespmem:s10], [sflag:$0x1] =	stream.indirect.gather [spmem:s3], $0x20, s20, s8, $0xb8;
	[tilespmem:$0x1B460] =	vst v63  }
0x114: {  	_ = 	snop  }
0x115: {  	[tilespmem:s18], [sflag:$0x2] =	stream.linear.gather [hbm4b:s17+s4], $0x800, $0x38;
	[tilespmem:$0x1B460] =	vst v63  }
0x116: {  	_ =	swait.ge [sflag:s12], $0x8000  }
0x117: {  	[sflag:s12] =	ssyncset.done $0x0  }
0x118: {  	[sflag:s12] =	ssyncadd.s32 $0xFFFF8000  }
0x119: {  	[spmem:s2] =	stream.indirect.scatter.add.f32 [tilespmem:s10], [sflag:$0x5], $0x20, s22, s8, $0xb8;
	[tilespmem:$0x1B460] =	vst v63  }
0x11a: {  	_ =	swait.ge [sflag:s14], $0x8000  }
0x11b: {  	[sflag:s14] =	ssyncset.done $0x0  }
0x11c: {  	[sflag:s14] =	ssyncadd.s32 $0xFFFF8000  }
0x11d: {  	_ =	swait.ge [sflag:s11], $0x800  }
0x11e: {  	[sflag:s11] =	ssyncset.done $0x0  }
0x11f: {  	[sflag:s11] =	ssyncadd.s32 $0xFFFFF800  }
0x120: {  	[tilespmem:s16], [sflag:$0x1] =	stream.indirect.gather [spmem:s3], $0x20, s18, s8, $0xb8;
	[tilespmem:$0x1B460] =	vst v63  }
0x121: {  	_ = 	snop  }
0x122: {  	[tilespmem:s4], [sflag:$0x2] =	stream.linear.gather [hbm4b:s15+s4], $0x800, $0x38;
	[tilespmem:$0x1B460] =	vst v63  }
0x123: {  	_ =	swait.ge [sflag:s12], $0x8000  }
0x124: {  	[sflag:s12] =	ssyncset.done $0x0  }
0x125: {  	[sflag:s12] =	ssyncadd.s32 $0xFFFF8000  }
0x126: {  	[spmem:s2] =	stream.indirect.scatter.add.f32 [tilespmem:s16], [sflag:$0x4], $0x20, s19, s8, $0xb8;
	[tilespmem:$0x1B460] =	vst v63  }
0x127: {  	_ =	swait.ge [sflag:s13], $0x8000  }
0x128: {  	[sflag:s13] =	ssyncset.done $0x0  }
0x129: {  	[sflag:s13] =	ssyncadd.s32 $0xFFFF8000  }
0x12a: {  	_ =	swait.ge [sflag:s11], $0x800  }
0x12b: {  	[sflag:s11] =	ssyncset.done $0x0  }
0x12c: {  	[sflag:s11] =	ssyncadd.s32 $0xFFFFF800  }
0x12d: {  	[tilespmem:s10], [sflag:$0x1] =	stream.indirect.gather [spmem:s3], $0x20, s4, s8, $0xb8;
	[tilespmem:$0x1B460] =	vst v63  }
0x12e: {  	_ =	swait.ge [sflag:s12], $0x8000  }
0x12f: {  	[sflag:s12] =	ssyncset.done $0x0  }
0x130: {  	[sflag:s12] =	ssyncadd.s32 $0xFFFF8000  }
0x131: {  	[spmem:s2] =	stream.indirect.scatter.add.f32 [tilespmem:s10], [sflag:$0x5], $0x20, s8, s8, $0xb8;
	[tilespmem:$0x1B460] =	vst v63  }
0x132: {  	_ =	swait.ge [sflag:s14], $0x8000  }
0x133: {  	[sflag:s14] =	ssyncset.done $0x0  }
0x134: {  	[sflag:s14] =	ssyncadd.s32 $0xFFFF8000  }
0x135: {  	_ =	swait.ge [sflag:s13], $0x8000  }
0x136: {  	p1 =	sne.s32 s1, $0x1;
	[sflag:s13] =	ssyncset.done $0x0  }
.Ltmp2:
0x137: {  	[sflag:s13] =	ssyncadd.s32 $0xFFFF8000;
	(pc) =	sbr.rel @p1 .LBB2_3-.Ltmp2, $4  }
0x138: {  	[bflag:$0x0] =	sbarrier.arrive $0xFFFF  }
0x139: {  	[hbm:s6], [sflag:s31] =	dma.local [spmem:s7], $0x9C8  }
0x13a: {  	_ =	swait.ge [sflag:s9], $0x9C8  }
0x13b: {  	s1 =	sadd.s32 $0xFFFFFFFF, s1;
	s0 =	rddreg [dreg:$0x5];
	[sflag:s9] =	ssyncset.done $0x0  }
0x13c: {  	s31 =	stileid.u32;
	s5 =	rddreg [dreg:$0xb]  }
.LBB2_5:
0x13d: {  	[sflag:s9] =	ssyncadd.s32 @p0 $0xFFFFF638  }
0x13e: {  	[spmem:s7], [sflag:s28] =	dma.local [hbm:s0], $0x9C8  }
0x13f: {  	s0 =	rddreg [dreg:$0x6]  }
0x140: {  	[spmem:s30], [sflag:s28] =	dma.local [hbm:s0], $0x9C4  }
0x141: {  	s0 =	rddreg [dreg:$0x7]  }
0x142: {  	[tilespmem:s4], [sflag:$0x2] =	stream.linear.gather [hbm4b:s0+s4], $0x800, $0x38;
	[tilespmem:$0x1B460] =	vst v63  }
0x143: {  	s1 =	rddreg [dreg:$0x8]  }
0x144: {  	[tilespmem:s20], [sflag:$0x2] =	stream.linear.gather [hbm4b:s1+s4], $0x800, $0x38;
	[tilespmem:$0x1B460] =	vst v63  }
0x145: {  	_ =	swait.ge [sflag:s11], $0x800  }
0x146: {  	[sflag:s11] =	ssyncset.done $0x0  }
0x147: {  	[sflag:s11] =	ssyncadd.s32 $0xFFFFF800  }
0x148: {  	[tilespmem:s16], [sflag:$0x1] =	stream.indirect.gather [hbm4b:s25+s8], $0x20, s4, s8, $0xb8;
	[tilespmem:$0x1B460] =	vst v63  }
0x149: {  	_ =	swait.ge [sflag:s11], $0x800  }
0x14a: {  	[sflag:s11] =	ssyncset.done $0x0  }
0x14b: {  	[sflag:s11] =	ssyncadd.s32 $0xFFFFF800  }
0x14c: {  	[tilespmem:s10], [sflag:$0x1] =	stream.indirect.gather [hbm4b:s25+s8], $0x20, s20, s8, $0xb8;
	[tilespmem:$0x1B460] =	vst v63  }
0x14d: {  	_ =	swait.ge [sflag:s29], $0x9C8  }
0x14e: {  	[sflag:s29] =	ssyncset.done $0x0  }
0x14f: {  	[sflag:s29] =	ssyncadd.s32 $0xFFFFF638  }
0x150: {  	_ =	swait.ge [sflag:s29], $0x9C4  }
0x151: {  	[sflag:s29] =	ssyncset.done $0x0  }
0x152: {  	[sflag:s29] =	ssyncadd.s32 $0xFFFFF63C  }
0x153: {  	[bflag:$0x0] =	sbarrier.arrive $0xFFFF  }
0x154: {  	_ =	swait.ge [sflag:s12], $0x8000  }
0x155: {  	[sflag:s12] =	ssyncset.done $0x0  }
0x156: {  	[sflag:s12] =	ssyncadd.s32 $0xFFFF8000  }
0x157: {  	[spmem:s2] =	stream.indirect.scatter.add.f32 [tilespmem:s16], [sflag:$0x4], $0x20, s8, s8, $0xb8;
	[tilespmem:$0x1B460] =	vst v63  }
0x158: {  	s28 =	rddreg [dreg:$0x9]  }
0x159: {  	[tilespmem:s18], [sflag:$0x2] =	stream.linear.gather [hbm4b:s28+s4], $0x800, $0x38;
	[tilespmem:$0x1B460] =	vst v63  }
0x15a: {  	_ =	swait.ge [sflag:s12], $0x8000  }
0x15b: {  	[sflag:s12] =	ssyncset.done $0x0  }
0x15c: {  	[sflag:s12] =	ssyncadd.s32 $0xFFFF8000  }
0x15d: {  	[spmem:s2] =	stream.indirect.scatter.add.f32 [tilespmem:s10], [sflag:$0x5], $0x20, s22, s8, $0xb8;
	[tilespmem:$0x1B460] =	vst v63  }
0x15e: {  	_ =	swait.ge [sflag:s14], $0x8000  }
0x15f: {  	[sflag:s14] =	ssyncset.done $0x0  }
0x160: {  	[sflag:s14] =	ssyncadd.s32 $0xFFFF8000  }
0x161: {  	_ =	swait.ge [sflag:s11], $0x800  }
0x162: {  	[sflag:s11] =	ssyncset.done $0x0  }
0x163: {  	[sflag:s11] =	ssyncadd.s32 $0xFFFFF800  }
0x164: {  	[tilespmem:s16], [sflag:$0x1] =	stream.indirect.gather [spmem:s3], $0x20, s18, s8, $0xb8;
	[tilespmem:$0x1B460] =	vst v63  }
0x165: {  	s29 =	rddreg [dreg:$0xa]  }
0x166: {  	[tilespmem:s4], [sflag:$0x2] =	stream.linear.gather [hbm4b:s29+s4], $0x800, $0x38;
	[tilespmem:$0x1B460] =	vst v63  }
0x167: {  	_ =	swait.ge [sflag:s12], $0x8000  }
0x168: {  	[sflag:s12] =	ssyncset.done $0x0  }
0x169: {  	[sflag:s12] =	ssyncadd.s32 $0xFFFF8000  }
0x16a: {  	[spmem:s2] =	stream.indirect.scatter.add.f32 [tilespmem:s16], [sflag:$0x4], $0x20, s19, s8, $0xb8;
	[tilespmem:$0x1B460] =	vst v63  }
0x16b: {  	_ =	swait.ge [sflag:s13], $0x8000  }
0x16c: {  	[sflag:s13] =	ssyncset.done $0x0  }
0x16d: {  	[sflag:s13] =	ssyncadd.s32 $0xFFFF8000  }
0x16e: {  	_ =	swait.ge [sflag:s11], $0x800  }
0x16f: {  	[sflag:s11] =	ssyncset.done $0x0  }
0x170: {  	[sflag:s11] =	ssyncadd.s32 $0xFFFFF800  }
0x171: {  	[tilespmem:s10], [sflag:$0x1] =	stream.indirect.gather [spmem:s3], $0x20, s4, s8, $0xb8;
	[tilespmem:$0x1B460] =	vst v63  }
0x172: {  	_ = 	snop  }
0x173: {  	[tilespmem:s20], [sflag:$0x2] =	stream.linear.gather [hbm4b:s26+s4], $0x800, $0x38;
	[tilespmem:$0x1B460] =	vst v63  }
0x174: {  	_ =	swait.ge [sflag:s12], $0x8000  }
0x175: {  	[sflag:s12] =	ssyncset.done $0x0  }
0x176: {  	[sflag:s12] =	ssyncadd.s32 $0xFFFF8000  }
0x177: {  	[spmem:s2] =	stream.indirect.scatter.add.f32 [tilespmem:s10], [sflag:$0x5], $0x20, s8, s8, $0xb8;
	[tilespmem:$0x1B460] =	vst v63  }
0x178: {  	_ =	swait.ge [sflag:s14], $0x8000  }
0x179: {  	[sflag:s14] =	ssyncset.done $0x0  }
0x17a: {  	[sflag:s14] =	ssyncadd.s32 $0xFFFF8000  }
0x17b: {  	_ =	swait.ge [sflag:s11], $0x800  }
0x17c: {  	[sflag:s11] =	ssyncset.done $0x0  }
0x17d: {  	[sflag:s11] =	ssyncadd.s32 $0xFFFFF800  }
0x17e: {  	[tilespmem:s16], [sflag:$0x1] =	stream.indirect.gather [spmem:s3], $0x20, s20, s8, $0xb8;
	[tilespmem:$0x1B460] =	vst v63  }
0x17f: {  	_ = 	snop  }
0x180: {  	[tilespmem:s18], [sflag:$0x2] =	stream.linear.gather [hbm4b:s24+s4], $0x800, $0x38;
	[tilespmem:$0x1B460] =	vst v63  }
0x181: {  	_ =	swait.ge [sflag:s12], $0x8000  }
0x182: {  	[sflag:s12] =	ssyncset.done $0x0  }
0x183: {  	[sflag:s12] =	ssyncadd.s32 $0xFFFF8000  }
0x184: {  	[spmem:s2] =	stream.indirect.scatter.add.f32 [tilespmem:s16], [sflag:$0x4], $0x20, s22, s8, $0xb8;
	[tilespmem:$0x1B460] =	vst v63  }
0x185: {  	_ =	swait.ge [sflag:s13], $0x8000  }
0x186: {  	[sflag:s13] =	ssyncset.done $0x0  }
0x187: {  	[sflag:s13] =	ssyncadd.s32 $0xFFFF8000  }
0x188: {  	_ =	swait.ge [sflag:s11], $0x800  }
0x189: {  	[sflag:s11] =	ssyncset.done $0x0  }
0x18a: {  	[sflag:s11] =	ssyncadd.s32 $0xFFFFF800  }
0x18b: {  	[tilespmem:s10], [sflag:$0x1] =	stream.indirect.gather [spmem:s3], $0x20, s18, s8, $0xb8;
	[tilespmem:$0x1B460] =	vst v63  }
0x18c: {  	_ = 	snop  }
0x18d: {  	[tilespmem:s4], [sflag:$0x2] =	stream.linear.gather [hbm4b:s23+s4], $0x800, $0x38;
	[tilespmem:$0x1B460] =	vst v63  }
0x18e: {  	_ =	swait.ge [sflag:s12], $0x8000  }
0x18f: {  	[sflag:s12] =	ssyncset.done $0x0  }
0x190: {  	[sflag:s12] =	ssyncadd.s32 $0xFFFF8000  }
0x191: {  	[spmem:s2] =	stream.indirect.scatter.add.f32 [tilespmem:s10], [sflag:$0x5], $0x20, s19, s8, $0xb8;
	[tilespmem:$0x1B460] =	vst v63  }
0x192: {  	_ =	swait.ge [sflag:s14], $0x8000  }
0x193: {  	[sflag:s14] =	ssyncset.done $0x0  }
0x194: {  	[sflag:s14] =	ssyncadd.s32 $0xFFFF8000  }
0x195: {  	_ =	swait.ge [sflag:s11], $0x800  }
0x196: {  	[sflag:s11] =	ssyncset.done $0x0  }
0x197: {  	[sflag:s11] =	ssyncadd.s32 $0xFFFFF800  }
0x198: {  	[tilespmem:s16], [sflag:$0x1] =	stream.indirect.gather [spmem:s3], $0x20, s4, s8, $0xb8;
	[tilespmem:$0x1B460] =	vst v63  }
0x199: {  	_ = 	snop  }
0x19a: {  	[tilespmem:s20], [sflag:$0x2] =	stream.linear.gather [hbm4b:s21+s4], $0x800, $0x38;
	[tilespmem:$0x1B460] =	vst v63  }
0x19b: {  	_ =	swait.ge [sflag:s12], $0x8000  }
0x19c: {  	[sflag:s12] =	ssyncset.done $0x0  }
0x19d: {  	[sflag:s12] =	ssyncadd.s32 $0xFFFF8000  }
0x19e: {  	[spmem:s2] =	stream.indirect.scatter.add.f32 [tilespmem:s16], [sflag:$0x4], $0x20, s8, s8, $0xb8;
	[tilespmem:$0x1B460] =	vst v63  }
0x19f: {  	_ =	swait.ge [sflag:s13], $0x8000  }
0x1a0: {  	[sflag:s13] =	ssyncset.done $0x0  }
0x1a1: {  	[sflag:s13] =	ssyncadd.s32 $0xFFFF8000  }
0x1a2: {  	_ =	swait.ge [sflag:s11], $0x800  }
0x1a3: {  	[sflag:s11] =	ssyncset.done $0x0  }
0x1a4: {  	[sflag:s11] =	ssyncadd.s32 $0xFFFFF800  }
0x1a5: {  	[tilespmem:s10], [sflag:$0x1] =	stream.indirect.gather [spmem:s3], $0x20, s20, s8, $0xb8;
	[tilespmem:$0x1B460] =	vst v63  }
0x1a6: {  	_ = 	snop  }
0x1a7: {  	[tilespmem:s18], [sflag:$0x2] =	stream.linear.gather [hbm4b:s17+s4], $0x800, $0x38;
	[tilespmem:$0x1B460] =	vst v63  }
0x1a8: {  	_ =	swait.ge [sflag:s12], $0x8000  }
0x1a9: {  	[sflag:s12] =	ssyncset.done $0x0  }
0x1aa: {  	[sflag:s12] =	ssyncadd.s32 $0xFFFF8000  }
0x1ab: {  	[spmem:s2] =	stream.indirect.scatter.add.f32 [tilespmem:s10], [sflag:$0x5], $0x20, s22, s8, $0xb8;
	[tilespmem:$0x1B460] =	vst v63  }
0x1ac: {  	_ =	swait.ge [sflag:s14], $0x8000  }
0x1ad: {  	[sflag:s14] =	ssyncset.done $0x0  }
0x1ae: {  	[sflag:s14] =	ssyncadd.s32 $0xFFFF8000  }
0x1af: {  	_ =	swait.ge [sflag:s11], $0x800  }
0x1b0: {  	[sflag:s11] =	ssyncset.done $0x0  }
0x1b1: {  	[sflag:s11] =	ssyncadd.s32 $0xFFFFF800  }
0x1b2: {  	[tilespmem:s16], [sflag:$0x1] =	stream.indirect.gather [spmem:s3], $0x20, s18, s8, $0xb8;
	[tilespmem:$0x1B460] =	vst v63  }
0x1b3: {  	_ = 	snop  }
0x1b4: {  	[tilespmem:s4], [sflag:$0x2] =	stream.linear.gather [hbm4b:s15+s4], $0x800, $0x38;
	[tilespmem:$0x1B460] =	vst v63  }
0x1b5: {  	_ =	swait.ge [sflag:s12], $0x8000  }
0x1b6: {  	[sflag:s12] =	ssyncset.done $0x0  }
0x1b7: {  	[sflag:s12] =	ssyncadd.s32 $0xFFFF8000  }
0x1b8: {  	[spmem:s2] =	stream.indirect.scatter.add.f32 [tilespmem:s16], [sflag:$0x4], $0x20, s19, s8, $0xb8;
	[tilespmem:$0x1B460] =	vst v63  }
0x1b9: {  	_ =	swait.ge [sflag:s13], $0x8000  }
0x1ba: {  	[sflag:s13] =	ssyncset.done $0x0  }
0x1bb: {  	[sflag:s13] =	ssyncadd.s32 $0xFFFF8000  }
0x1bc: {  	_ =	swait.ge [sflag:s11], $0x800  }
0x1bd: {  	[sflag:s11] =	ssyncset.done $0x0  }
0x1be: {  	[sflag:s11] =	ssyncadd.s32 $0xFFFFF800  }
0x1bf: {  	[tilespmem:s10], [sflag:$0x1] =	stream.indirect.gather [spmem:s3], $0x20, s4, s8, $0xb8;
	[tilespmem:$0x1B460] =	vst v63  }
0x1c0: {  	_ =	swait.ge [sflag:s12], $0x8000  }
0x1c1: {  	[sflag:s12] =	ssyncset.done $0x0  }
0x1c2: {  	[sflag:s12] =	ssyncadd.s32 $0xFFFF8000  }
0x1c3: {  	[spmem:s2] =	stream.indirect.scatter.add.f32 [tilespmem:s10], [sflag:$0x5], $0x20, s8, s8, $0xb8;
	[tilespmem:$0x1B460] =	vst v63  }
0x1c4: {  	_ =	swait.ge [sflag:s14], $0x8000  }
0x1c5: {  	[sflag:s14] =	ssyncset.done $0x0  }
0x1c6: {  	[sflag:s14] =	ssyncadd.s32 $0xFFFF8000  }
0x1c7: {  	_ =	swait.ge [sflag:s13], $0x8000  }
0x1c8: {  	[sflag:s13] =	ssyncset.done $0x0  }
0x1c9: {  	[sflag:s13] =	ssyncadd.s32 $0xFFFF8000  }
0x1ca: {  	s30 =	sor.u32 $0x1C06, s5;
	[bflag:$0x0] =	sbarrier.arrive $0xFFFF  }
0x1cb: {  	[hbm:s6], [sflag:s30] =	dma.local [spmem:s7], $0x9C8  }
0x1cc: {  	_ =	swait.ge [sflag:s9], $0x9C8  }
0x1cd: {  	[sflag:s9] =	ssyncset.done $0x0  }
0x1ce: {  	[sflag:s9] =	ssyncadd.s32 $0xFFFFF638  }
0x1cf: {  	_ =	sfence.sel $0x180000  }
0x1d0: {  	[bflag:$0x0] =	sbarrier.arrive $0xFFFF  }
0x1d1: {  	_ =	strace $0x9000004D  }
0x1d2: {  	[bflag:$0x2] =	sbarrier.arrive $0xFFFF  }
0x1d3: {  	p0 =	sne.s32 s31, $0x0;
	s0 =	rddreg [dreg:$0x4]  }
0x1d4: {  	s0 =	sadd.s32 @!p0 $0x100000, s0  }
0x1d5: {  	[sflag:s0] =	ssyncadd.tile.s32 @!p0 $0x1;
	_ =	shalt  }
.LBB2_2:
.Ltmp3:
0x1d6: {  	(pc) =	sbr.rel .LBB2_5-.Ltmp3, $2  }
0x1d7: {  	_ =	sdelay $0x2  }
0x1d8: {  	s31 =	stileid.u32;
	s5 =	rddreg [dreg:$0xb]  }
.Lfunc_end2:
_tile_overlayer_lowered:
.L_overlay_start_2:
0x1d9: {  	(tag) =	ssettag $0x2  }
0x1da: {  	s0 =	rddreg [dreg:$0x0];
	s2 =	stileid.u32  }
0x1db: {  	s1 =	rddreg [dreg:$0x1];
	p0 =	sne.s32 s2, $0x0  }
0x1dc: {  	s3 =	rddreg [dreg:$0x2];
	[bflag:$0x3] =	sbarrier.arrive $0xFFFF;
	s2 =	simm.s32 @!p0 $0x1C06  }
0x1dd: {  	[timem:s3], [sflag:s2] =	dma.local @!p0 [hbm:s0], s1  }
0x1de: {  	s0 =	simm.s32 @!p0 $0x6  }
0x1df: {  	_ =	swait.ge @!p0 [sflag:s0], s1  }
0x1e0: {  	s1 =	ssub.s32 @!p0 $0x0, s1;
	[sflag:s0] =	ssyncset.done @!p0 $0x0  }
0x1e1: {  	[sflag:s0] =	ssyncadd.s32 @!p0 s1  }
0x1e2: {  	[bflag:$0x3] =	sbarrier.arrive $0xFFFF  }
0x1e3: {  	_ =	shalt  }

// kernel: kernel.8.cloned.1.call-start
scs
__scs_entry_jumppad:
0x0: {  	(pc) =	sbr.rel $0x88, $3  }
0x1: {  	(tag) =	ssettag $0x0;
	lr =	simm.s32 $0x1  }
0x2: {  	[smem:$0x3F9B] =	sst lr;
	_ =	strace $0xD0000000  }
0x3: {  	_ = 	snop  }
0x4: {  	_ = 	snop  }
0x5: {  	_ = 	snop  }
0x6: {  	_ = 	snop  }
0x7: {  	_ = 	snop  }
__scs_overlays_trampoline_lowered:
0x8: {  	[smem:$0x3FAA] =	sst s0  }
0x9: {  	[smem:$0x3FAB] =	sst s1  }
0xa: {  	[smem:$0x3FAC] =	sst s2  }
0xb: {  	[smem:$0x3FAD] =	sst s3  }
0xc: {  	[smem:$0x3FAE] =	sst s4  }
0xd: {  	[smem:$0x3FAF] =	sst s5  }
0xe: {  	[smem:$0x3FB0] =	sst s6  }
0xf: {  	[smem:$0x3FB1] =	sst s7  }
0x10: {  	[smem:$0x3FB2] =	sst s8  }
0x11: {  	[smem:$0x3FB3] =	sst s9;
	s0 =	simm.s32 @!p0 $0x0  }
0x12: {  	s1 =	sld [smem:$0x3F99];
	s0 =	simm.s32 @p0 $0x1  }
0x13: {  	[smem:$0x3FB4] =	sst s0;
	s0 =	simm.s32 @!p1 $0x0  }
0x14: {  	s2 =	sld [smem:$0x3F98];
	s0 =	simm.s32 @p1 $0x1  }
0x15: {  	[smem:$0x3FB5] =	sst s0;
	s0 =	simm.s32 @!p2 $0x0  }
0x16: {  	s3 =	sld [smem:$0x3FDB];
	s0 =	simm.s32 @p2 $0x1  }
0x17: {  	s4 =	simm.s32 $0x1BF5;
	[smem:$0x3FB7] =	sst s0  }
0x18: {  	s0 =	sld [smem:$0x3F9A];
	_ =	swait.ge [sflag:s4], $0x0  }
0x19: {  	s7 =	sld [smem:$0x3F9B]  }
0x1a: {  	s8 =	sadd.s32 $0xFFFFE003, lr  }
0x1b: {  	s9 =	sadd.s32 $0xFFFFFEF7, lr;
	s5 =	simm.s32 $0xFFFFFFFF;
	p2 =	slt.u32 s8, $0xFFFFF086  }
0x1c: {  	p1 =	slt.u32 s9, $0xF7A;
	s5 =	simm.s32 @!p2 $0x0  }
0x1d: {  	s5 =	simm.s32 @p1 $0x1;
	p0 =	seq.s32 s7, s2  }
0x1e: {  	s7 =	smul.u32 @!p0 $0xF7A, s2;
	p2 =	seq.s32 @!p0 s5, $0x0  }
0x1f: {  	s9 =	smul.u32 $0xF7A, s1;
	s8 =	simm.s32 @!p0 $0x1BF5;
	p2 =	por !p2, p0  }
0x20: {  	[sflag:s8] =	ssyncset.s32 @!p0 $0xFFFFF086;
	s6 =	sadd.s32 @!p0 s3, s7;
	s7 =	simm.s32 @!p0 $0x108  }
0x21: {  	s3 =	sadd.s32 s3, s9;
	s6 =	sadd.s32 @!p0 $0x88, s6;
	s7 =	simm.s32 @p2 $0x1082  }
0x22: {  	[simem:s7], [sflag:s8] =	dma.local @!p0 [hbm:s6], $0xF7A  }
0x23: {  	s9 =	sor.u32 $0xD0000000, s2;
	s6 =	simm.s32 $0x108;
	_ =	swait.ge @!p0 [sflag:s8], $0x0  }
0x24: {  	s3 =	sadd.s32 $0x88, s3;
	s6 =	simm.s32 @!p1 $0x1082;
	[sflag:s4] =	ssyncset.s32 $0xFFFFF086  }
0x25: {  	[simem:s6], [sflag:s4] =	dma.local [hbm:s3], $0xF7A  }
0x26: {  	[smem:$0x3F9B] =	sst s1;
	(tag) =	ssettag s2;
	_ =	strace s9  }
0x27: {  	s1 =	sld [smem:$0x3FAB]  }
0x28: {  	s2 =	sld [smem:$0x3FAC]  }
0x29: {  	s4 =	sld [smem:$0x3FAE]  }
0x2a: {  	p0 =	seq.s32 s5, $0x0;
	s5 =	sld [smem:$0x3FAF]  }
0x2b: {  	s6 =	sld [smem:$0x3FB0]  }
0x2c: {  	s7 =	sld [smem:$0x3FB1]  }
0x2d: {  	s3 =	simm.s32 $0x108;
	s8 =	sld [smem:$0x3FB2]  }
0x2e: {  	s3 =	simm.s32 @!p0 $0x1082;
	s9 =	sld [smem:$0x3FB3]  }
0x2f: {  	lr =	sadd.s32 s0, s3;
	s0 =	sld [smem:$0x3FAA]  }
0x30: {  	s3 =	sld [smem:$0x3FAD]  }
0x31: {  	[smem:$0x3FB6] =	sst s10  }
0x32: {  	s10 =	sld [smem:$0x3FB4];
	_ =	sdelay $0x3  }
0x33: {  	p0 =	seq.s32 s10, $0x1;
	s10 =	sld [smem:$0x3FB6];
	_ =	sdelay $0x3  }
0x34: {  	[smem:$0x3FB6] =	sst s10  }
0x35: {  	s10 =	sld [smem:$0x3FB5];
	_ =	sdelay $0x3  }
0x36: {  	p1 =	seq.s32 s10, $0x1;
	s10 =	sld [smem:$0x3FB6];
	_ =	sdelay $0x3  }
0x37: {  	[smem:$0x3FB6] =	sst s10  }
0x38: {  	s10 =	sld [smem:$0x3FB7]  }
0x39: {  	_ = 	snop;
	(pc) =	sbr.ind lr, $3  }
0x3a: {  	_ = 	snop  }
0x3b: {  	_ = 	snop  }
0x3c: {  	p2 =	seq.s32 s10, $0x1;
	s10 =	sld [smem:$0x3FB6]  }
0x3d: {  	_ =	shalt  }
0x3e: {  	_ =	shalt  }
0x3f: {  	_ =	shalt  }
0x40: {  	_ =	shalt  }
0x41: {  	_ =	shalt  }
0x42: {  	_ =	shalt  }
0x43: {  	_ =	shalt  }
0x44: {  	_ =	shalt  }
0x45: {  	_ =	shalt  }
0x46: {  	_ =	shalt  }
0x47: {  	_ =	shalt  }
0x48: {  	_ =	shalt  }
0x49: {  	_ =	shalt  }
0x4a: {  	_ =	shalt  }
0x4b: {  	_ =	shalt  }
0x4c: {  	_ =	shalt  }
0x4d: {  	_ =	shalt  }
0x4e: {  	_ =	shalt  }
0x4f: {  	_ =	shalt  }
0x50: {  	_ =	shalt  }
0x51: {  	_ =	shalt  }
0x52: {  	_ =	shalt  }
0x53: {  	_ =	shalt  }
0x54: {  	_ =	shalt  }
0x55: {  	_ =	shalt  }
0x56: {  	_ =	shalt  }
0x57: {  	_ =	shalt  }
0x58: {  	_ =	shalt  }
0x59: {  	_ =	shalt  }
0x5a: {  	_ =	shalt  }
0x5b: {  	_ =	shalt  }
0x5c: {  	_ =	shalt  }
0x5d: {  	_ =	shalt  }
0x5e: {  	_ =	shalt  }
0x5f: {  	_ =	shalt  }
0x60: {  	_ =	shalt  }
0x61: {  	_ =	shalt  }
0x62: {  	_ =	shalt  }
0x63: {  	_ =	shalt  }
0x64: {  	_ =	shalt  }
0x65: {  	_ =	shalt  }
0x66: {  	_ =	shalt  }
0x67: {  	_ =	shalt  }
0x68: {  	_ =	shalt  }
0x69: {  	_ =	shalt  }
0x6a: {  	_ =	shalt  }
0x6b: {  	_ =	shalt  }
0x6c: {  	_ =	shalt  }
0x6d: {  	_ =	shalt  }
0x6e: {  	_ =	shalt  }
0x6f: {  	_ =	shalt  }
0x70: {  	_ =	shalt  }
0x71: {  	_ =	shalt  }
0x72: {  	_ =	shalt  }
0x73: {  	_ =	shalt  }
0x74: {  	_ =	shalt  }
0x75: {  	_ =	shalt  }
0x76: {  	_ =	shalt  }
0x77: {  	_ =	shalt  }
0x78: {  	_ =	shalt  }
0x79: {  	_ =	shalt  }
0x7a: {  	_ =	shalt  }
0x7b: {  	_ =	shalt  }
0x7c: {  	_ =	shalt  }
0x7d: {  	_ =	shalt  }
0x7e: {  	_ =	shalt  }
0x7f: {  	_ =	shalt  }
0x80: {  	_ =	shalt  }
0x81: {  	_ =	shalt  }
0x82: {  	_ =	shalt  }
0x83: {  	_ =	shalt  }
0x84: {  	_ =	shalt  }
0x85: {  	_ =	shalt  }
0x86: {  	_ =	shalt  }
0x87: {  	_ =	shalt  }
.Lfunc_end0:
.L_simem_size_0:
called_computation_lowered:
.L_overlay_start_0:
0x88: {  	s2 =	sld [smem:$0x3FD9]  }
0x89: {  	s3 =	sld [smem:$0x3FFE];
	_ =	sdelay $0x1  }
0x8a: {  	s1 =	srdreg.scid  }
0x8b: {  	s0 =	sand.u32 $0x1, s1  }
0x8c: {  	s17 =	sshll.u32 s0, $0xA;
	s2 =	sadd.s32 s3, s2  }
0x8d: {  	s2 =	sadd.s32 s2, s17  }
0x8e: {  	[smem:$0x3FC2] =	sst s2  }
0x8f: {  	_ = 	snop  }
0x90: {  	s2 =	sld [smem:$0x3FD0];
	(tm) =	ssettm $0x1  }
0x91: {  	s18 =	sld [smem:$0x3FFB];
	_ =	sdelay $0x3  }
0x92: {  	_ =	strace s18  }
0x93: {  	s3 =	sld [smem:$0x3FFC];
	_ =	sdelay $0x3  }
0x94: {  	_ =	strace s3  }
0x95: {  	s3 =	sld [smem:$0x3FFD];
	_ =	sdelay $0x3  }
0x96: {  	_ =	strace s3  }
0x97: {  	_ =	strace $0x8FFFFFFF  }
0x98: {  	s19 =	sld [smem:$0x3FDB];
	_ =	sdelay $0x1  }
0x99: {  	s4 =	simm.s32 $_scs_section_size  }
0x9a: {  	s5 =	simm.s32 $_size__tile_overlayer_lowered;
	s6 =	simm.s32 $_tile_overlayer_lowered  }
0x9b: {  	s22 =	simm.s32 $0x1BFF;
	s21 =	sshll.u32 s6, $0x1;
	s3 =	sadd.s32 s4, s19  }
0x9c: {  	s7 =	simm.s32 $0x0;
	s20 =	sshll.u32 s5, $0x1;
	s5 =	sadd.s32 s21, s3  }
0x9d: {  	[timem:s7], [sflag:s22] =	dma.local [hbm:s5], s20  }
0x9e: {  	_ =	swait.ge [sflag:s22], s20  }
0x9f: {  	s4 =	ssub.s32 $0x0, s20;
	[sflag:s22] =	ssyncset.done $0x0  }
0xa0: {  	[sflag:s22] =	ssyncadd.s32 s4;
	_ =	sdelay $0x1  }
0xa1: {  	s23 =	simm.s32 $0x1B8B  }
0xa2: {  	_ =	swait.ge [sflag:s23], $0x1  }
0xa3: {  	[sflag:s23] =	ssyncset.done $0x0  }
0xa4: {  	s25 =	simm.s32 $0x1B8E;
	s24 =	sld [smem:$0x3FFE];
	[sflag:s23] =	ssyncadd.s32 $0xFFFFFFFF  }
0xa5: {  	s26 =	simm.s32 $execute0_lowered;
	[smem:$0x3FD2] =	sst s25  }
0xa6: {  	s5 =	sshll.u32 s26, $0x1;
	_ =	strace $0x80000046;
	[dreg:$0x1] =	wrdreg $0xFFFFFFFF  }
0xa7: {  	s28 =	simm.s32 $_size_execute0_lowered;
	s3 =	sadd.s32 s3, s5;
	[dreg:$0x0] =	wrdreg $0x0  }
0xa8: {  	s5 =	sshll.u32 s28, $0x1;
	[dreg:$0x2] =	wrdreg s3  }
0xa9: {  	[dreg:$0x3] =	wrdreg s5  }
0xaa: {  	[dreg:$0x4] =	wrdreg $0xC0  }
0xab: {  	_ =	task [dreg:s7], $0x5FFFF  }
0xac: {  	[dreg:$0x1] =	wrdreg $0xFFFFFFFF  }
0xad: {  	[dreg:$0x0] =	wrdreg $0x60  }
0xae: {  	[dreg:$0x2] =	wrdreg s24  }
0xaf: {  	[dreg:$0x3] =	wrdreg s2  }
0xb0: {  	[dreg:$0x4] =	wrdreg $0x2C000  }
0xb1: {  	[dreg:$0x5] =	wrdreg $0x9  }
0xb2: {  	_ =	task.clear_ibuf [dreg:s7], $0x6FFFF;
	_ =	strace $0x90000046  }
0xb3: {  	s29 =	simm.s32 $0x9;
	_ =	strace $0x80000048  }
0xb4: {  	_ =	swait.ge [sflag:s29], $0x1  }
0xb5: {  	[sflag:s29] =	ssyncadd.s32 $0xFFFFFFFF  }
0xb6: {  	_ =	strace $0x90000048  }
0xb7: {  	_ =	sfence  }
0xb8: {  	s30 =	sld [smem:$0x0];
	_ =	sdelay $0x2  }
0xb9: {  	s31 =	sshll.u32 s1, $0xD;
	s1 =	sshrl.u32 s1, $0x2  }
0xba: {  	s3 =	sand.u32 $0x4000, s31;
	s1 =	sadd.s32 s1, s30  }
0xbb: {  	s0 =	sor.u32 s3, s0;
	s1 =	sshll.u32 s1, $0x11  }
0xbc: {  	s0 =	sor.u32 s1, s0  }
0xbd: {  	s0 =	sadd.s32 $0x8F2B, s0  }
0xbe: {  	[sflag:s0] =	ssyncadd.remote.s32 $0x1  }
0xbf: {  	_ =	sfence.sel $0xFFFF  }
0xc0: {  	[dreg:$0x0] =	wrdreg $0xFFFFFFFF;
	(pc) =	sbr.abs _section_cstart, $3  }
0xc1: {  	[dreg:$0x1] =	wrdreg $0xFFFFFFFF  }
0xc2: {  	_ =	task.clear_ibuf [dreg:s7], $0x2FFFF;
	_ =	strace $0x9FFFFFFF  }
0xc3: {  	(tm) =	ssettm $0x7FFFFFFF  }
tec
execute0_lowered:
.L_overlay_start_1:
0x0: {  	(tag) =	ssettag $0x1  }
0x1: {  	s10 =	rddreg [dreg:$0x0]  }
0x2: {  	s25 =	rddreg [dreg:$0x1]  }
0x3: {  	s2 =	rddreg [dreg:$0x2]  }
0x4: {  	s0 =	rddreg [dreg:$0x3];
	s3 =	simm.s32 $0x0;
	s4 =	srdreg.scid  }
0x5: {  	s1 =	stileid.u32;
	s9 =	simm.s32 $0xC00;
	s8 =	simm.s32 $0x4  }
0x6: {  	s26 =	sand.u32 $0x1, s4;
	s30 =	sshll.u32 s1, $0x1;
	s29 =	smul.u32 $0x1390, s1  }
0x7: {  	[smem:$0x7FF] =	sst s3;
	s28 =	sshll.u32 s1, $0x6;
	s4 =	sor.u32 s26, s30  }
0x8: {  	_ =	strace $0x80000047;
	s6 =	sor.u32 $0x1C02, s28;
	s5 =	sshrl.u32 s29, $0x3  }
0x9: {  	s11 =	smul.u32 $0x5000, s4;
	s7 =	sadd.s32 s29, s2;
	s5 =	sadd.s32 s5, s10  }
0xa: {  	s4 =	sadd.s32 $0x1000, s10;
	s7 =	sshrl.u32 s7, $0x3;
	s5 =	sadd.s32 $0x15400, s5  }
0xb: {  	[spmem:s7], [sflag:s6] =	dma.local [hbm:s5], $0x272  }
0xc: {  	[tilespmem:s9], [sflag:$0x4] =	stream.linear.gather [hbm4b:s4+s3], $0x2000, $0x38;
	[tilespmem:$0x3F90] =	vst v63  }
0xd: {  	s11 =	sshrl.u32 s11, $0x3;
	_ =	swait.ge [sflag:s8], $0x2000  }
0xe: {  	s24 =	sadd.s32 s11, s10;
	[sflag:s8] =	ssyncset.done $0x0  }
0xf: {  	s11 =	simm.s32 $0x2;
	s10 =	sadd.s32 $0x1480, s24;
	[sflag:s8] =	ssyncadd.s32 $0xFFFFE000  }
0x10: {  	[tilespmem:s3], [sflag:$0x1] =	stream.linear.gather [hbm4b:s10+s3], $0x400, $0x38;
	[tilespmem:$0x3F90] =	vst v63  }
0x11: {  	_ =	swait.ge [sflag:s11], $0x272  }
0x12: {  	[sflag:s11] =	ssyncset.done $0x0  }
0x13: {  	[sflag:s11] =	ssyncadd.s32 $0xFFFFFD8E  }
0x14: {  	s12 =	simm.s32 $0x1;
	[bflag:$0x0] =	sbarrier.arrive $0xFFFF  }
0x15: {  	_ =	swait.ge [sflag:s12], $0x400  }
0x16: {  	[sflag:s12] =	ssyncset.done $0x0  }
0x17: {  	s14 =	simm.s32 $0x400;
	s13 =	sadd.s32 $0x1580, s24;
	[sflag:s12] =	ssyncadd.s32 $0xFFFFFC00  }
0x18: {  	[tilespmem:s14], [sflag:$0x1] =	stream.linear.gather [hbm4b:s13+s3], $0x400, $0x38;
	[tilespmem:$0x3F90] =	vst v63  }
0x19: {  	_ = 	snop  }
0x1a: {  	[spmem:s2] =	stream.indirect.scatter.add.f32 [tilespmem:s9], [sflag:$0x2], $0x8, s3, s14, $0xb8;
	[tilespmem:$0x3F90] =	vst v63  }
0x1b: {  	_ =	swait.ge [sflag:s12], $0x400  }
0x1c: {  	[sflag:s12] =	ssyncset.done $0x0  }
0x1d: {  	s16 =	simm.s32 $0x800;
	s15 =	sadd.s32 $0x1680, s24;
	[sflag:s12] =	ssyncadd.s32 $0xFFFFFC00  }
0x1e: {  	[tilespmem:s16], [sflag:$0x1] =	stream.linear.gather [hbm4b:s15+s3], $0x400, $0x38;
	[tilespmem:$0x3F90] =	vst v63  }
0x1f: {  	_ = 	snop  }
0x20: {  	[spmem:s2] =	stream.indirect.scatter.add.f32 [tilespmem:s9], [sflag:$0x3], $0x8, s14, s14, $0xb8;
	[tilespmem:$0x3F90] =	vst v63  }
0x21: {  	_ =	swait.ge [sflag:s11], $0x2000  }
0x22: {  	[sflag:s11] =	ssyncset.done $0x0  }
0x23: {  	[sflag:s11] =	ssyncadd.s32 $0xFFFFE000  }
0x24: {  	_ =	swait.ge [sflag:s12], $0x400  }
0x25: {  	[sflag:s12] =	ssyncset.done $0x0  }
0x26: {  	s17 =	sadd.s32 $0x1780, s24;
	[sflag:s12] =	ssyncadd.s32 $0xFFFFFC00  }
0x27: {  	[tilespmem:s3], [sflag:$0x1] =	stream.linear.gather [hbm4b:s17+s3], $0x400, $0x38;
	[tilespmem:$0x3F90] =	vst v63  }
0x28: {  	s18 =	simm.s32 $0x3  }
0x29: {  	[spmem:s2] =	stream.indirect.scatter.add.f32 [tilespmem:s9], [sflag:$0x2], $0x8, s16, s14, $0xb8;
	[tilespmem:$0x3F90] =	vst v63  }
0x2a: {  	_ =	swait.ge [sflag:s18], $0x2000  }
0x2b: {  	[sflag:s18] =	ssyncset.done $0x0  }
0x2c: {  	[sflag:s18] =	ssyncadd.s32 $0xFFFFE000  }
0x2d: {  	_ =	swait.ge [sflag:s12], $0x400  }
0x2e: {  	[sflag:s12] =	ssyncset.done $0x0  }
0x2f: {  	s19 =	sadd.s32 $0x1880, s24;
	[sflag:s12] =	ssyncadd.s32 $0xFFFFFC00  }
0x30: {  	[tilespmem:s14], [sflag:$0x1] =	stream.linear.gather [hbm4b:s19+s3], $0x400, $0x38;
	[tilespmem:$0x3F90] =	vst v63  }
0x31: {  	_ = 	snop  }
0x32: {  	[spmem:s2] =	stream.indirect.scatter.add.f32 [tilespmem:s9], [sflag:$0x3], $0x8, s3, s14, $0xb8;
	[tilespmem:$0x3F90] =	vst v63  }
0x33: {  	_ =	swait.ge [sflag:s11], $0x2000  }
0x34: {  	[sflag:s11] =	ssyncset.done $0x0  }
0x35: {  	[sflag:s11] =	ssyncadd.s32 $0xFFFFE000  }
0x36: {  	_ =	swait.ge [sflag:s12], $0x400  }
0x37: {  	[sflag:s12] =	ssyncset.done $0x0  }
0x38: {  	s20 =	sadd.s32 $0x1980, s24;
	[sflag:s12] =	ssyncadd.s32 $0xFFFFFC00  }
0x39: {  	[tilespmem:s16], [sflag:$0x1] =	stream.linear.gather [hbm4b:s20+s3], $0x400, $0x38;
	[tilespmem:$0x3F90] =	vst v63  }
0x3a: {  	_ = 	snop  }
0x3b: {  	[spmem:s2] =	stream.indirect.scatter.add.f32 [tilespmem:s9], [sflag:$0x2], $0x8, s14, s14, $0xb8;
	[tilespmem:$0x3F90] =	vst v63  }
0x3c: {  	_ =	swait.ge [sflag:s18], $0x2000  }
0x3d: {  	[sflag:s18] =	ssyncset.done $0x0  }
0x3e: {  	[sflag:s18] =	ssyncadd.s32 $0xFFFFE000  }
0x3f: {  	_ =	swait.ge [sflag:s12], $0x400  }
0x40: {  	[sflag:s12] =	ssyncset.done $0x0  }
0x41: {  	s21 =	sadd.s32 $0x1A80, s24;
	[sflag:s12] =	ssyncadd.s32 $0xFFFFFC00  }
0x42: {  	[tilespmem:s3], [sflag:$0x1] =	stream.linear.gather [hbm4b:s21+s3], $0x400, $0x38;
	[tilespmem:$0x3F90] =	vst v63  }
0x43: {  	_ = 	snop  }
0x44: {  	[spmem:s2] =	stream.indirect.scatter.add.f32 [tilespmem:s9], [sflag:$0x3], $0x8, s16, s14, $0xb8;
	[tilespmem:$0x3F90] =	vst v63  }
0x45: {  	_ =	swait.ge [sflag:s11], $0x2000  }
0x46: {  	[sflag:s11] =	ssyncset.done $0x0  }
0x47: {  	[sflag:s11] =	ssyncadd.s32 $0xFFFFE000  }
0x48: {  	_ =	swait.ge [sflag:s12], $0x400  }
0x49: {  	[sflag:s12] =	ssyncset.done $0x0  }
0x4a: {  	s22 =	sadd.s32 $0x1B80, s24;
	[sflag:s12] =	ssyncadd.s32 $0xFFFFFC00  }
0x4b: {  	[tilespmem:s14], [sflag:$0x1] =	stream.linear.gather [hbm4b:s22+s3], $0x400, $0x38;
	[tilespmem:$0x3F90] =	vst v63  }
0x4c: {  	_ = 	snop  }
0x4d: {  	[spmem:s2] =	stream.indirect.scatter.add.f32 [tilespmem:s9], [sflag:$0x2], $0x8, s3, s14, $0xb8;
	[tilespmem:$0x3F90] =	vst v63  }
0x4e: {  	_ =	swait.ge [sflag:s18], $0x2000  }
0x4f: {  	[sflag:s18] =	ssyncset.done $0x0  }
0x50: {  	[sflag:s18] =	ssyncadd.s32 $0xFFFFE000  }
0x51: {  	_ =	swait.ge [sflag:s12], $0x400  }
0x52: {  	[sflag:s12] =	ssyncset.done $0x0  }
0x53: {  	s23 =	sadd.s32 $0x1C80, s24;
	[sflag:s12] =	ssyncadd.s32 $0xFFFFFC00  }
0x54: {  	[tilespmem:s16], [sflag:$0x1] =	stream.linear.gather [hbm4b:s23+s3], $0x400, $0x38;
	[tilespmem:$0x3F90] =	vst v63  }
0x55: {  	_ = 	snop  }
0x56: {  	[spmem:s2] =	stream.indirect.scatter.add.f32 [tilespmem:s9], [sflag:$0x3], $0x8, s14, s14, $0xb8;
	[tilespmem:$0x3F90] =	vst v63  }
0x57: {  	_ =	swait.ge [sflag:s11], $0x2000  }
0x58: {  	[sflag:s11] =	ssyncset.done $0x0  }
0x59: {  	[sflag:s11] =	ssyncadd.s32 $0xFFFFE000  }
0x5a: {  	_ =	swait.ge [sflag:s12], $0x400  }
0x5b: {  	[sflag:s12] =	ssyncset.done $0x0  }
0x5c: {  	s24 =	sadd.s32 $0x1D80, s24;
	[sflag:s12] =	ssyncadd.s32 $0xFFFFFC00  }
0x5d: {  	[tilespmem:s3], [sflag:$0x1] =	stream.linear.gather [hbm4b:s24+s3], $0x400, $0x38;
	[tilespmem:$0x3F90] =	vst v63  }
0x5e: {  	_ = 	snop  }
0x5f: {  	[spmem:s2] =	stream.indirect.scatter.add.f32 [tilespmem:s9], [sflag:$0x2], $0x8, s16, s14, $0xb8;
	[tilespmem:$0x3F90] =	vst v63  }
0x60: {  	_ =	swait.ge [sflag:s18], $0x2000  }
0x61: {  	[sflag:s18] =	ssyncset.done $0x0  }
0x62: {  	[sflag:s18] =	ssyncadd.s32 $0xFFFFE000  }
0x63: {  	_ =	swait.ge [sflag:s12], $0x400  }
0x64: {  	[sflag:s12] =	ssyncset.done $0x0  }
0x65: {  	[sflag:s12] =	ssyncadd.s32 $0xFFFFFC00  }
0x66: {  	[spmem:s2] =	stream.indirect.scatter.add.f32 [tilespmem:s9], [sflag:$0x3], $0x8, s3, s14, $0xb8;
	[tilespmem:$0x3F90] =	vst v63  }
0x67: {  	s30 =	smul.u32 $0x13900, s26;
	s26 =	ssub.s32 $0x2, s26;
	_ =	swait.ge [sflag:s11], $0x2000  }
0x68: {  	s31 =	sshrl.u32 s26, $0x1;
	[sflag:s11] =	ssyncset.done $0x0  }
0x69: {  	s26 =	ssub.s32 s26, s31;
	[sflag:s11] =	ssyncadd.s32 $0xFFFFE000  }
0x6a: {  	s31 =	smax.u32 s26, $0x1;
	_ =	swait.ge [sflag:s18], $0x2000  }
0x6b: {  	s29 =	sadd.s32 s29, s30;
	p0 =	sne.s32 s31, $0x1;
	[sflag:s18] =	ssyncset.done $0x0  }
.Ltmp0:
0x6c: {  	s29 =	sshrl.u32 s29, $0x3;
	[sflag:s18] =	ssyncadd.s32 $0xFFFFE000;
	(pc) =	sbr.rel @!p0 .LBB2_2-.Ltmp0, $4  }
0x6d: {  	s26 =	sor.u32 $0x1C04, s28;
	s25 =	sadd.s32 s25, s29;
	[bflag:$0x0] =	sbarrier.arrive $0xFFFF  }
0x6e: {  	[hbm:s25], [sflag:s26] =	dma.local [spmem:s7], $0x272  }
0x6f: {  	_ =	swait.ge [sflag:s8], $0x272  }
0x70: {  	s28 =	sadd.s32 $0xFFFFFFFF, s31;
	[sflag:s8] =	ssyncset.done $0x0  }
.LBB2_1:
0x71: {  	p0 =	sne.s32 s28, $0x1;
	s28 =	sadd.s32 $0xFFFFFFFF, s28;
	[sflag:s8] =	ssyncadd.s32 $0xFFFFFD8E  }
0x72: {  	[spmem:s7], [sflag:s6] =	dma.local [hbm:s5], $0x272  }
0x73: {  	[tilespmem:s9], [sflag:$0x4] =	stream.linear.gather [hbm4b:s4+s3], $0x2000, $0x38;
	[tilespmem:$0x3F90] =	vst v63  }
0x74: {  	_ =	swait.ge [sflag:s8], $0x2000  }
0x75: {  	[sflag:s8] =	ssyncset.done $0x0  }
0x76: {  	[sflag:s8] =	ssyncadd.s32 $0xFFFFE000  }
0x77: {  	[tilespmem:s3], [sflag:$0x1] =	stream.linear.gather [hbm4b:s10+s3], $0x400, $0x38;
	[tilespmem:$0x3F90] =	vst v63  }
0x78: {  	_ =	swait.ge [sflag:s11], $0x272  }
0x79: {  	[sflag:s11] =	ssyncset.done $0x0  }
0x7a: {  	[sflag:s11] =	ssyncadd.s32 $0xFFFFFD8E  }
0x7b: {  	[bflag:$0x0] =	sbarrier.arrive $0xFFFF  }
0x7c: {  	_ =	swait.ge [sflag:s12], $0x400  }
0x7d: {  	[sflag:s12] =	ssyncset.done $0x0  }
0x7e: {  	[sflag:s12] =	ssyncadd.s32 $0xFFFFFC00  }
0x7f: {  	[tilespmem:s14], [sflag:$0x1] =	stream.linear.gather [hbm4b:s13+s3], $0x400, $0x38;
	[tilespmem:$0x3F90] =	vst v63  }
0x80: {  	_ = 	snop  }
0x81: {  	[spmem:s2] =	stream.indirect.scatter.add.f32 [tilespmem:s9], [sflag:$0x2], $0x8, s3, s14, $0xb8;
	[tilespmem:$0x3F90] =	vst v63  }
0x82: {  	_ =	swait.ge [sflag:s12], $0x400  }
0x83: {  	[sflag:s12] =	ssyncset.done $0x0  }
0x84: {  	[sflag:s12] =	ssyncadd.s32 $0xFFFFFC00  }
0x85: {  	[tilespmem:s16], [sflag:$0x1] =	stream.linear.gather [hbm4b:s15+s3], $0x400, $0x38;
	[tilespmem:$0x3F90] =	vst v63  }
0x86: {  	_ = 	snop  }
0x87: {  	[spmem:s2] =	stream.indirect.scatter.add.f32 [tilespmem:s9], [sflag:$0x3], $0x8, s14, s14, $0xb8;
	[tilespmem:$0x3F90] =	vst v63  }
0x88: {  	_ =	swait.ge [sflag:s11], $0x2000  }
0x89: {  	[sflag:s11] =	ssyncset.done $0x0  }
0x8a: {  	[sflag:s11] =	ssyncadd.s32 $0xFFFFE000  }
0x8b: {  	_ =	swait.ge [sflag:s12], $0x400  }
0x8c: {  	[sflag:s12] =	ssyncset.done $0x0  }
0x8d: {  	[sflag:s12] =	ssyncadd.s32 $0xFFFFFC00  }
0x8e: {  	[tilespmem:s3], [sflag:$0x1] =	stream.linear.gather [hbm4b:s17+s3], $0x400, $0x38;
	[tilespmem:$0x3F90] =	vst v63  }
0x8f: {  	_ = 	snop  }
0x90: {  	[spmem:s2] =	stream.indirect.scatter.add.f32 [tilespmem:s9], [sflag:$0x2], $0x8, s16, s14, $0xb8;
	[tilespmem:$0x3F90] =	vst v63  }
0x91: {  	_ =	swait.ge [sflag:s18], $0x2000  }
0x92: {  	[sflag:s18] =	ssyncset.done $0x0  }
0x93: {  	[sflag:s18] =	ssyncadd.s32 $0xFFFFE000  }
0x94: {  	_ =	swait.ge [sflag:s12], $0x400  }
0x95: {  	[sflag:s12] =	ssyncset.done $0x0  }
0x96: {  	[sflag:s12] =	ssyncadd.s32 $0xFFFFFC00  }
0x97: {  	[tilespmem:s14], [sflag:$0x1] =	stream.linear.gather [hbm4b:s19+s3], $0x400, $0x38;
	[tilespmem:$0x3F90] =	vst v63  }
0x98: {  	_ = 	snop  }
0x99: {  	[spmem:s2] =	stream.indirect.scatter.add.f32 [tilespmem:s9], [sflag:$0x3], $0x8, s3, s14, $0xb8;
	[tilespmem:$0x3F90] =	vst v63  }
0x9a: {  	_ =	swait.ge [sflag:s11], $0x2000  }
0x9b: {  	[sflag:s11] =	ssyncset.done $0x0  }
0x9c: {  	[sflag:s11] =	ssyncadd.s32 $0xFFFFE000  }
0x9d: {  	_ =	swait.ge [sflag:s12], $0x400  }
0x9e: {  	[sflag:s12] =	ssyncset.done $0x0  }
0x9f: {  	[sflag:s12] =	ssyncadd.s32 $0xFFFFFC00  }
0xa0: {  	[tilespmem:s16], [sflag:$0x1] =	stream.linear.gather [hbm4b:s20+s3], $0x400, $0x38;
	[tilespmem:$0x3F90] =	vst v63  }
0xa1: {  	_ = 	snop  }
0xa2: {  	[spmem:s2] =	stream.indirect.scatter.add.f32 [tilespmem:s9], [sflag:$0x2], $0x8, s14, s14, $0xb8;
	[tilespmem:$0x3F90] =	vst v63  }
0xa3: {  	_ =	swait.ge [sflag:s18], $0x2000  }
0xa4: {  	[sflag:s18] =	ssyncset.done $0x0  }
0xa5: {  	[sflag:s18] =	ssyncadd.s32 $0xFFFFE000  }
0xa6: {  	_ =	swait.ge [sflag:s12], $0x400  }
0xa7: {  	[sflag:s12] =	ssyncset.done $0x0  }
0xa8: {  	[sflag:s12] =	ssyncadd.s32 $0xFFFFFC00  }
0xa9: {  	[tilespmem:s3], [sflag:$0x1] =	stream.linear.gather [hbm4b:s21+s3], $0x400, $0x38;
	[tilespmem:$0x3F90] =	vst v63  }
0xaa: {  	_ = 	snop  }
0xab: {  	[spmem:s2] =	stream.indirect.scatter.add.f32 [tilespmem:s9], [sflag:$0x3], $0x8, s16, s14, $0xb8;
	[tilespmem:$0x3F90] =	vst v63  }
0xac: {  	_ =	swait.ge [sflag:s11], $0x2000  }
0xad: {  	[sflag:s11] =	ssyncset.done $0x0  }
0xae: {  	[sflag:s11] =	ssyncadd.s32 $0xFFFFE000  }
0xaf: {  	_ =	swait.ge [sflag:s12], $0x400  }
0xb0: {  	[sflag:s12] =	ssyncset.done $0x0  }
0xb1: {  	[sflag:s12] =	ssyncadd.s32 $0xFFFFFC00  }
0xb2: {  	[tilespmem:s14], [sflag:$0x1] =	stream.linear.gather [hbm4b:s22+s3], $0x400, $0x38;
	[tilespmem:$0x3F90] =	vst v63  }
0xb3: {  	_ = 	snop  }
0xb4: {  	[spmem:s2] =	stream.indirect.scatter.add.f32 [tilespmem:s9], [sflag:$0x2], $0x8, s3, s14, $0xb8;
	[tilespmem:$0x3F90] =	vst v63  }
0xb5: {  	_ =	swait.ge [sflag:s18], $0x2000  }
0xb6: {  	[sflag:s18] =	ssyncset.done $0x0  }
0xb7: {  	[sflag:s18] =	ssyncadd.s32 $0xFFFFE000  }
0xb8: {  	_ =	swait.ge [sflag:s12], $0x400  }
0xb9: {  	[sflag:s12] =	ssyncset.done $0x0  }
0xba: {  	[sflag:s12] =	ssyncadd.s32 $0xFFFFFC00  }
0xbb: {  	[tilespmem:s16], [sflag:$0x1] =	stream.linear.gather [hbm4b:s23+s3], $0x400, $0x38;
	[tilespmem:$0x3F90] =	vst v63  }
0xbc: {  	_ = 	snop  }
0xbd: {  	[spmem:s2] =	stream.indirect.scatter.add.f32 [tilespmem:s9], [sflag:$0x3], $0x8, s14, s14, $0xb8;
	[tilespmem:$0x3F90] =	vst v63  }
0xbe: {  	_ =	swait.ge [sflag:s11], $0x2000  }
0xbf: {  	[sflag:s11] =	ssyncset.done $0x0  }
0xc0: {  	[sflag:s11] =	ssyncadd.s32 $0xFFFFE000  }
0xc1: {  	_ =	swait.ge [sflag:s12], $0x400  }
0xc2: {  	[sflag:s12] =	ssyncset.done $0x0  }
0xc3: {  	[sflag:s12] =	ssyncadd.s32 $0xFFFFFC00  }
0xc4: {  	[tilespmem:s3], [sflag:$0x1] =	stream.linear.gather [hbm4b:s24+s3], $0x400, $0x38;
	[tilespmem:$0x3F90] =	vst v63  }
0xc5: {  	_ = 	snop  }
0xc6: {  	[spmem:s2] =	stream.indirect.scatter.add.f32 [tilespmem:s9], [sflag:$0x2], $0x8, s16, s14, $0xb8;
	[tilespmem:$0x3F90] =	vst v63  }
0xc7: {  	_ =	swait.ge [sflag:s18], $0x2000  }
0xc8: {  	[sflag:s18] =	ssyncset.done $0x0  }
0xc9: {  	[sflag:s18] =	ssyncadd.s32 $0xFFFFE000  }
0xca: {  	_ =	swait.ge [sflag:s12], $0x400  }
0xcb: {  	[sflag:s12] =	ssyncset.done $0x0  }
0xcc: {  	[sflag:s12] =	ssyncadd.s32 $0xFFFFFC00  }
0xcd: {  	[spmem:s2] =	stream.indirect.scatter.add.f32 [tilespmem:s9], [sflag:$0x3], $0x8, s3, s14, $0xb8;
	[tilespmem:$0x3F90] =	vst v63  }
0xce: {  	_ =	swait.ge [sflag:s11], $0x2000  }
0xcf: {  	[sflag:s11] =	ssyncset.done $0x0  }
0xd0: {  	[sflag:s11] =	ssyncadd.s32 $0xFFFFE000  }
0xd1: {  	_ =	swait.ge [sflag:s18], $0x2000  }
0xd2: {  	[sflag:s18] =	ssyncset.done $0x0  }
.Ltmp1:
0xd3: {  	[sflag:s18] =	ssyncadd.s32 $0xFFFFE000;
	(pc) =	sbr.rel @p0 .LBB2_1-.Ltmp1, $4  }
0xd4: {  	[bflag:$0x0] =	sbarrier.arrive $0xFFFF  }
0xd5: {  	[hbm:s25], [sflag:s26] =	dma.local [spmem:s7], $0x272  }
0xd6: {  	_ =	swait.ge [sflag:s8], $0x272  }
0xd7: {  	[sflag:s8] =	ssyncset.done $0x0  }
.LBB2_2:
0xd8: {  	[sflag:s8] =	ssyncadd.s32 $0xFFFFFD8E  }
0xd9: {  	_ =	sfence.sel $0x180000  }
0xda: {  	[bflag:$0x0] =	sbarrier.arrive $0xFFFF  }
0xdb: {  	p0 =	sne.s32 s1, $0x0;
	_ =	strace $0x90000047  }
0xdc: {  	s0 =	sadd.s32 @!p0 $0x100000, s0;
	[bflag:$0x2] =	sbarrier.arrive $0xFFFF  }
0xdd: {  	[sflag:s0] =	ssyncadd.tile.s32 @!p0 $0x1;
	_ =	shalt  }
.Lfunc_end2:
_tile_overlayer_lowered:
.L_overlay_start_2:
0xde: {  	(tag) =	ssettag $0x2  }
0xdf: {  	s0 =	rddreg [dreg:$0x0];
	s2 =	stileid.u32  }
0xe0: {  	s1 =	rddreg [dreg:$0x1];
	p0 =	sne.s32 s2, $0x0  }
0xe1: {  	s3 =	rddreg [dreg:$0x2];
	[bflag:$0x3] =	sbarrier.arrive $0xFFFF;
	s2 =	simm.s32 @!p0 $0x1C04  }
0xe2: {  	[timem:s3], [sflag:s2] =	dma.local @!p0 [hbm:s0], s1  }
0xe3: {  	s0 =	simm.s32 @!p0 $0x4  }
0xe4: {  	_ =	swait.ge @!p0 [sflag:s0], s1  }
0xe5: {  	s1 =	ssub.s32 @!p0 $0x0, s1;
	[sflag:s0] =	ssyncset.done @!p0 $0x0  }
0xe6: {  	[sflag:s0] =	ssyncadd.s32 @!p0 s1  }
0xe7: {  	[bflag:$0x3] =	sbarrier.arrive $0xFFFF  }
0xe8: {  	_ =	shalt  }

</sc_bundles>
